<compile_context>
chip_gen: v7x
topology: tpu7x:2x2x1
jax: 0.10.2.dev20260603
libtpu: 0.0.44.dev20260713+nightly
codegen_flags: <defaults>
</compile_context>

<pallas_src>
import functools

import jax
import jax.numpy as jnp
from jax import lax
from jax.experimental import pallas as pl
from jax.experimental.pallas import tpu as pltpu
from jax.experimental.pallas import tpu_sc as plsc

_L = 16
_BC = 4096


def _sc_gather_tv(output, target, batch):
  info = plsc.get_sparse_core_info()
  nw = info.num_cores * info.num_subcores
  bpw = batch // nw

  @functools.partial(
      pl.kernel,
      out_type=jax.ShapeDtypeStruct((batch,), jnp.float32),
      mesh=plsc.VectorSubcoreMesh(core_axis_name="c", subcore_axis_name="s"),
      compiler_params=pltpu.CompilerParams(needs_layout_passes=False),
      scratch_types=[
          pltpu.VMEM((bpw,), jnp.int32),
          pltpu.VMEM((bpw * 8, 128), jnp.float32),
          pltpu.VMEM((bpw,), jnp.float32),
          pltpu.SemaphoreType.DMA,
      ],
  )
  def gather_k(out_hbm, tgt_hbm, tv_hbm, tgt_v, tiles_v, tv_v, sem):
    wid = lax.axis_index("s") * info.num_cores + lax.axis_index("c")
    base = wid * bpw
    pltpu.sync_copy(tgt_hbm.at[pl.ds(base, bpw)], tgt_v)
    t_groups = [tgt_v[pl.ds(g * _L, _L)] for g in range(bpw // _L)]
    copies = []
    for j in range(bpw):
      t = t_groups[j // _L][j % _L]
      col = pl.multiple_of((t >> 7) << 7, 128)
      row = pl.multiple_of(base + 8 * (j // 8), 8)
      copies.append(
          pltpu.make_async_copy(
              out_hbm.at[pl.ds(row, 8), pl.ds(col, 128)],
              tiles_v.at[pl.ds(j * 8, 8)],
              sem,
          )
      )
    for c in copies:
      c.start()
    for c in copies:
      c.wait()
    for g in range(bpw // _L):
      j_vec = g * _L + lax.iota(jnp.int32, _L)
      t_vec = tgt_v[pl.ds(g * _L, _L)]
      row_idx = j_vec * 8 + (j_vec & 7)
      col_idx = t_vec & 127
      tv_v[pl.ds(g * _L, _L)] = plsc.load_gather(tiles_v, [row_idx, col_idx])
    pltpu.sync_copy(tv_v, tv_hbm.at[pl.ds(base, bpw)])

  return gather_k(output, target)


_BR = 32


def _tc_count(output, tvlo2d, tvhi2d, tgt2d, topk):
  batch, n = output.shape
  inv_b = 1.0 / batch
  nfull = (n // _BC) * _BC
  rem = n - nfull
  rem128 = (rem // 128) * 128
  tail = rem - rem128

  ns = 1

  def body(*refs):
    tgt_r = refs[0:ns]
    lo_r = refs[ns:2 * ns]
    hi_r = refs[2 * ns:3 * ns]
    x_r = refs[3 * ns:4 * ns]
    rank_r = refs[4 * ns:5 * ns]

    def one(tgt_ref, tvlo_ref, tvhi_ref, x_ref, rank_ref):
      tgt = tgt_ref[...]
      lo = tvlo_ref[...]
      hi = tvhi_ref[...]
      s = jnp.zeros((_BR, 128), jnp.float32)

      def count(c0, w):
        iota = lax.broadcasted_iota(jnp.int32, (_BR, w), 1)
        thr = jnp.where(iota < tgt - c0, lo, hi)
        c = jnp.where(x_ref[:, c0:c0 + w] >= thr, 1.0, 0.0)
        r = c[:, 0:128]
        for i in range(1, w // 128):
          r = r + c[:, i * 128:(i + 1) * 128]
        return r

      for g in range(n // _BC):
        s = s + count(g * _BC, _BC)
      if rem128:
        s = s + count(nfull, rem128)
      if tail:
        ct = count(nfull + rem128, tail)
        s = s + jnp.concatenate(
            [ct, jnp.zeros((_BR, 128 - tail), jnp.float32)], axis=1
        )
      rank_ref[...] = s

    for k in range(ns):
      one(tgt_r[k], lo_r[k], hi_r[k], x_r[k], rank_r[k])

  def mk_map(k):
    return lambda i: (ns * i + k, 0)

  ranks = pl.pallas_call(
      body,
      grid=(batch // (_BR * ns),),
      in_specs=(
          [pl.BlockSpec((_BR, 1), mk_map(k)) for k in range(ns)]
          + [pl.BlockSpec((_BR, 1), mk_map(k)) for k in range(ns)]
          + [pl.BlockSpec((_BR, 1), mk_map(k)) for k in range(ns)]
          + [pl.BlockSpec((_BR, n), mk_map(k)) for k in range(ns)]
      ),
      out_specs=[
          pl.BlockSpec((_BR, 128), lambda i: (i, 0)) for _ in range(ns)
      ],
      out_shape=[
          jax.ShapeDtypeStruct((batch // ns, 128), jnp.float32)
          for _ in range(ns)
      ],
      compiler_params=pltpu.CompilerParams(
          dimension_semantics=("parallel",)
      ),
  )(*([tgt2d] * ns + [tvlo2d] * ns + [tvhi2d] * ns + [output] * ns))
  rank = jnp.concatenate(ranks, axis=0)

  def fin_body(rank_ref, out_ref):
    r = jnp.sum(rank_ref[...], axis=1, keepdims=True)
    parts = [
        (jnp.sum(jnp.where(r < float(k), 1.0, 0.0)) * inv_b).reshape(1, 1)
        for k in topk
    ]
    out_ref[...] = jnp.concatenate(parts, axis=1)

  return pl.pallas_call(
      fin_body,
      out_shape=jax.ShapeDtypeStruct((1, len(topk)), jnp.float32),
  )(rank)


def kernel(output, target):
  batch, n = output.shape
  tgt = target.astype(jnp.int32)
  tv = _sc_gather_tv(output, tgt, batch)
  u = lax.bitcast_convert_type(tv, jnp.int32)
  hi = jnp.where(u >= 0, u + 1, u - 1)
  hi = jnp.where(u == jnp.int32(-2147483648), jnp.int32(1), hi)
  tv_hi = lax.bitcast_convert_type(hi, jnp.float32)
  res = _tc_count(
      output,
      tv.reshape(batch, 1),
      tv_hi.reshape(batch, 1),
      tgt.reshape(batch, 1),
      (1, 5),
  )
  return res.reshape(2)

# --- scband reference (transcript-rebuilt; emitter-appended) ---
"""Pipeline reference for scband-accuracy-many-86990267613592 (READ-ONLY COPY).

The authoritative reference and input builder live on the scoring server;
editing this copy changes nothing except your own understanding.
"""

import jax, jax.numpy as jnp
import numpy as np

TOPK = (1, 5)

def setup_inputs(seed: int = 0) -> dict:
    key = jax.random.key(seed)
    k1, k2 = jax.random.split(key)
    output = jax.random.normal(k1, (1024, 100000), dtype=jnp.float32)
    target = jax.random.randint(k2, (1024,), 0, 100000, dtype=jnp.int64 if jax.config.jax_enable_x64 else jnp.int32)
    return {"output": output, "target": target}

def reference(output, target):
    # If output.shape == target.shape, take argmax of target (not the case here,
    # but kept for faithfulness)
    if output.shape == target.shape:
        target = jnp.argmax(target, axis=-1)
    maxk = max(TOPK)
    batch_size = target.shape[0]
    _, pred = jax.lax.top_k(output, maxk)  # [B, maxk], sorted descending
    pred = pred.T  # [maxk, B]
    correct = pred == jnp.reshape(target, (1, -1))  # [maxk, B] broadcast
    res = []
    for k in TOPK:
        correct_k = correct[:k].reshape(-1).astype(jnp.float32).sum()
        res.append(correct_k * (1.0 / batch_size))
    return jnp.stack(res)

if __name__ == "__main__":
    import jax
    _d = setup_inputs()
    print(jax.jit(kernel)(*tuple(_d.values())))

</pallas_src>

<mosaic_0001>
#map = affine_map<(d0, d1) -> (0, 0)>
#map1 = affine_map<(d0, d1) -> (0)>
module attributes {stable_mosaic.version = 14 : i64} {
  func.func @gather_k(%arg0: i32, %arg1: i32, %arg2: memref<1024x100000xf32, #tpu.memory_space<hbm>>, %arg3: memref<1024xi32, #tpu.memory_space<hbm>>, %arg4: memref<1024xf32, #tpu.memory_space<hbm>>, %arg5: memref<32xi32, #tpu.memory_space<vmem>>, %arg6: memref<256x128xf32, #tpu.memory_space<vmem>>, %arg7: memref<32xf32, #tpu.memory_space<vmem>>, %arg8: memref<!tpu.dma_semaphore, #tpu.memory_space<semaphore_mem>>) attributes {dimension_semantics = [#tpu.dimension_semantics<core_parallel>, #tpu.dimension_semantics<subcore_parallel>], iteration_bounds = array<i64: 2, 16>, scalar_prefetch = 0 : i64, scratch_operands = 4 : i64, tpu.core_type = #tpu.core_type<sc_vector_subcore>, window_params = [{transform_indices = #map}, {transform_indices = #map1}, {transform_indices = #map1}]} {
    %mul3A = arith.constant 2 : i32
    %mul3A_0 = arith.muli %arg1, %mul3A : i32
    %add3A = arith.addi %mul3A_0, %arg0 : i32
    %mul3A_1 = arith.constant 32 : i32
    %mul3A_2 = arith.muli %add3A, %mul3A_1 : i32
    "tpu.region"() ({
      %run_scoped3A = tpu.sem_alloc : memref<!tpu.dma_semaphore, #tpu.memory_space<semaphore_mem>>
      %dma_start3A_865 = tpu.memref_slice %arg3[%mul3A_2] : memref<1024xi32, #tpu.memory_space<hbm>> -> memref<32xi32, #tpu.memory_space<hbm>>
      %dma_start3A_866 = tpu.memref_slice %arg3[%mul3A_2] : memref<1024xi32, #tpu.memory_space<hbm>> -> memref<32xi32, #tpu.memory_space<hbm>>
      tpu.enqueue_dma source(%dma_start3A_866 : memref<32xi32, #tpu.memory_space<hbm>>) target(%arg5 : memref<32xi32, #tpu.memory_space<vmem>>) target_semaphore(%run_scoped3A : memref<!tpu.dma_semaphore, #tpu.memory_space<semaphore_mem>>)
      %dma_wait3A_867 = tpu.memref_slice %arg3[%mul3A_2] : memref<1024xi32, #tpu.memory_space<hbm>> -> memref<32xi32, #tpu.memory_space<hbm>>
      %dma_wait3A_868 = tpu.memref_slice %arg3[%mul3A_2] : memref<1024xi32, #tpu.memory_space<hbm>> -> memref<32xi32, #tpu.memory_space<hbm>>
      tpu.wait_dma2 semaphore(%run_scoped3A : memref<!tpu.dma_semaphore, #tpu.memory_space<semaphore_mem>>) src(%dma_wait3A_868 : memref<32xi32, #tpu.memory_space<hbm>>) dst(%arg5 : memref<32xi32, #tpu.memory_space<vmem>>)
      tpu.yield
    }) : () -> ()
    %get3A = arith.constant 0 : index
    %get3A_3 = tpu.vector_load %arg5[%get3A] {strides = array<i32>} : memref<32xi32, #tpu.memory_space<vmem>>, vector<16xi32>,
    %get3A_4 = arith.constant 16 : index
    %get3A_5 = tpu.vector_load %arg5[%get3A_4] {strides = array<i32>} : memref<32xi32, #tpu.memory_space<vmem>>, vector<16xi32>,
    %slice3A = vector.extract_strided_slice %get3A_3 {offsets = [0], sizes = [1], strides = [1]} : vector<16xi32> to vector<1xi32>
    %squeeze3A = vector.extract %slice3A[0] : i32 from vector<1xi32>
    %shift_right_arithmetic3A = arith.constant 7 : i32
    %shift_right_arithmetic3A_6 = arith.shrsi %squeeze3A, %shift_right_arithmetic3A : i32
    %shift_left3A = arith.constant 7 : i32
    %shift_left3A_7 = arith.shli %shift_right_arithmetic3A_6, %shift_left3A : i32
    %multiple_of3A = tpu.assume_multiple %shift_left3A_7, 128 : i32
    %add3A_8 = arith.constant 0 : i32
    %add3A_9 = arith.addi %mul3A_2, %add3A_8 : i32
    %multiple_of3A_10 = tpu.assume_multiple %add3A_9, 8 : i32
    %slice3A_11 = vector.extract_strided_slice %get3A_3 {offsets = [1], sizes = [1], strides = [1]} : vector<16xi32> to vector<1xi32>
    %squeeze3A_12 = vector.extract %slice3A_11[0] : i32 from vector<1xi32>
    %shift_right_arithmetic3A_13 = arith.constant 7 : i32
    %shift_right_arithmetic3A_14 = arith.shrsi %squeeze3A_12, %shift_right_arithmetic3A_13 : i32
    %shift_left3A_15 = arith.constant 7 : i32
    %shift_left3A_16 = arith.shli %shift_right_arithmetic3A_14, %shift_left3A_15 : i32
    %multiple_of3A_17 = tpu.assume_multiple %shift_left3A_16, 128 : i32
    %add3A_18 = arith.constant 0 : i32
    %add3A_19 = arith.addi %mul3A_2, %add3A_18 : i32
    %multiple_of3A_20 = tpu.assume_multiple %add3A_19, 8 : i32
    %slice3A_21 = vector.extract_strided_slice %get3A_3 {offsets = [2], sizes = [1], strides = [1]} : vector<16xi32> to vector<1xi32>
    %squeeze3A_22 = vector.extract %slice3A_21[0] : i32 from vector<1xi32>
    %shift_right_arithmetic3A_23 = arith.constant 7 : i32
    %shift_right_arithmetic3A_24 = arith.shrsi %squeeze3A_22, %shift_right_arithmetic3A_23 : i32
    %shift_left3A_25 = arith.constant 7 : i32
    %shift_left3A_26 = arith.shli %shift_right_arithmetic3A_24, %shift_left3A_25 : i32
    %multiple_of3A_27 = tpu.assume_multiple %shift_left3A_26, 128 : i32
    %add3A_28 = arith.constant 0 : i32
    %add3A_29 = arith.addi %mul3A_2, %add3A_28 : i32
    %multiple_of3A_30 = tpu.assume_multiple %add3A_29, 8 : i32
    %slice3A_31 = vector.extract_strided_slice %get3A_3 {offsets = [3], sizes = [1], strides = [1]} : vector<16xi32> to vector<1xi32>
    %squeeze3A_32 = vector.extract %slice3A_31[0] : i32 from vector<1xi32>
    %shift_right_arithmetic3A_33 = arith.constant 7 : i32
    %shift_right_arithmetic3A_34 = arith.shrsi %squeeze3A_32, %shift_right_arithmetic3A_33 : i32
    %shift_left3A_35 = arith.constant 7 : i32
    %shift_left3A_36 = arith.shli %shift_right_arithmetic3A_34, %shift_left3A_35 : i32
    %multiple_of3A_37 = tpu.assume_multiple %shift_left3A_36, 128 : i32
    %add3A_38 = arith.constant 0 : i32
    %add3A_39 = arith.addi %mul3A_2, %add3A_38 : i32
    %multiple_of3A_40 = tpu.assume_multiple %add3A_39, 8 : i32
    %slice3A_41 = vector.extract_strided_slice %get3A_3 {offsets = [4], sizes = [1], strides = [1]} : vector<16xi32> to vector<1xi32>
    %squeeze3A_42 = vector.extract %slice3A_41[0] : i32 from vector<1xi32>
    %shift_right_arithmetic3A_43 = arith.constant 7 : i32
    %shift_right_arithmetic3A_44 = arith.shrsi %squeeze3A_42, %shift_right_arithmetic3A_43 : i32
    %shift_left3A_45 = arith.constant 7 : i32
    %shift_left3A_46 = arith.shli %shift_right_arithmetic3A_44, %shift_left3A_45 : i32
    %multiple_of3A_47 = tpu.assume_multiple %shift_left3A_46, 128 : i32
    %add3A_48 = arith.constant 0 : i32
    %add3A_49 = arith.addi %mul3A_2, %add3A_48 : i32
    %multiple_of3A_50 = tpu.assume_multiple %add3A_49, 8 : i32
    %slice3A_51 = vector.extract_strided_slice %get3A_3 {offsets = [5], sizes = [1], strides = [1]} : vector<16xi32> to vector<1xi32>
    %squeeze3A_52 = vector.extract %slice3A_51[0] : i32 from vector<1xi32>
    %shift_right_arithmetic3A_53 = arith.constant 7 : i32
    %shift_right_arithmetic3A_54 = arith.shrsi %squeeze3A_52, %shift_right_arithmetic3A_53 : i32
    %shift_left3A_55 = arith.constant 7 : i32
    %shift_left3A_56 = arith.shli %shift_right_arithmetic3A_54, %shift_left3A_55 : i32
    %multiple_of3A_57 = tpu.assume_multiple %shift_left3A_56, 128 : i32
    %add3A_58 = arith.constant 0 : i32
    %add3A_59 = arith.addi %mul3A_2, %add3A_58 : i32
    %multiple_of3A_60 = tpu.assume_multiple %add3A_59, 8 : i32
    %slice3A_61 = vector.extract_strided_slice %get3A_3 {offsets = [6], sizes = [1], strides = [1]} : vector<16xi32> to vector<1xi32>
    %squeeze3A_62 = vector.extract %slice3A_61[0] : i32 from vector<1xi32>
    %shift_right_arithmetic3A_63 = arith.constant 7 : i32
    %shift_right_arithmetic3A_64 = arith.shrsi %squeeze3A_62, %shift_right_arithmetic3A_63 : i32
    %shift_left3A_65 = arith.constant 7 : i32
    %shift_left3A_66 = arith.shli %shift_right_arithmetic3A_64, %shift_left3A_65 : i32
    %multiple_of3A_67 = tpu.assume_multiple %shift_left3A_66, 128 : i32
    %add3A_68 = arith.constant 0 : i32
    %add3A_69 = arith.addi %mul3A_2, %add3A_68 : i32
    %multiple_of3A_70 = tpu.assume_multiple %add3A_69, 8 : i32
    %slice3A_71 = vector.extract_strided_slice %get3A_3 {offsets = [7], sizes = [1], strides = [1]} : vector<16xi32> to vector<1xi32>
    %squeeze3A_72 = vector.extract %slice3A_71[0] : i32 from vector<1xi32>
    %shift_right_arithmetic3A_73 = arith.constant 7 : i32
    %shift_right_arithmetic3A_74 = arith.shrsi %squeeze3A_72, %shift_right_arithmetic3A_73 : i32
    %shift_left3A_75 = arith.constant 7 : i32
    %shift_left3A_76 = arith.shli %shift_right_arithmetic3A_74, %shift_left3A_75 : i32
    %multiple_of3A_77 = tpu.assume_multiple %shift_left3A_76, 128 : i32
    %add3A_78 = arith.constant 0 : i32
    %add3A_79 = arith.addi %mul3A_2, %add3A_78 : i32
    %multiple_of3A_80 = tpu.assume_multiple %add3A_79, 8 : i32
    %slice3A_81 = vector.extract_strided_slice %get3A_3 {offsets = [8], sizes = [1], strides = [1]} : vector<16xi32> to vector<1xi32>
    %squeeze3A_82 = vector.extract %slice3A_81[0] : i32 from vector<1xi32>
    %shift_right_arithmetic3A_83 = arith.constant 7 : i32
    %shift_right_arithmetic3A_84 = arith.shrsi %squeeze3A_82, %shift_right_arithmetic3A_83 : i32
    %shift_left3A_85 = arith.constant 7 : i32
    %shift_left3A_86 = arith.shli %shift_right_arithmetic3A_84, %shift_left3A_85 : i32
    %multiple_of3A_87 = tpu.assume_multiple %shift_left3A_86, 128 : i32
    %add3A_88 = arith.constant 8 : i32
    %add3A_89 = arith.addi %mul3A_2, %add3A_88 : i32
    %multiple_of3A_90 = tpu.assume_multiple %add3A_89, 8 : i32
    %slice3A_91 = vector.extract_strided_slice %get3A_3 {offsets = [9], sizes = [1], strides = [1]} : vector<16xi32> to vector<1xi32>
    %squeeze3A_92 = vector.extract %slice3A_91[0] : i32 from vector<1xi32>
    %shift_right_arithmetic3A_93 = arith.constant 7 : i32
    %shift_right_arithmetic3A_94 = arith.shrsi %squeeze3A_92, %shift_right_arithmetic3A_93 : i32
    %shift_left3A_95 = arith.constant 7 : i32
    %shift_left3A_96 = arith.shli %shift_right_arithmetic3A_94, %shift_left3A_95 : i32
    %multiple_of3A_97 = tpu.assume_multiple %shift_left3A_96, 128 : i32
    %add3A_98 = arith.constant 8 : i32
    %add3A_99 = arith.addi %mul3A_2, %add3A_98 : i32
    %multiple_of3A_100 = tpu.assume_multiple %add3A_99, 8 : i32
    %slice3A_101 = vector.extract_strided_slice %get3A_3 {offsets = [10], sizes = [1], strides = [1]} : vector<16xi32> to vector<1xi32>
    %squeeze3A_102 = vector.extract %slice3A_101[0] : i32 from vector<1xi32>
    %shift_right_arithmetic3A_103 = arith.constant 7 : i32
    %shift_right_arithmetic3A_104 = arith.shrsi %squeeze3A_102, %shift_right_arithmetic3A_103 : i32
    %shift_left3A_105 = arith.constant 7 : i32
    %shift_left3A_106 = arith.shli %shift_right_arithmetic3A_104, %shift_left3A_105 : i32
    %multiple_of3A_107 = tpu.assume_multiple %shift_left3A_106, 128 : i32
    %add3A_108 = arith.constant 8 : i32
    %add3A_109 = arith.addi %mul3A_2, %add3A_108 : i32
    %multiple_of3A_110 = tpu.assume_multiple %add3A_109, 8 : i32
    %slice3A_111 = vector.extract_strided_slice %get3A_3 {offsets = [11], sizes = [1], strides = [1]} : vector<16xi32> to vector<1xi32>
    %squeeze3A_112 = vector.extract %slice3A_111[0] : i32 from vector<1xi32>
    %shift_right_arithmetic3A_113 = arith.constant 7 : i32
    %shift_right_arithmetic3A_114 = arith.shrsi %squeeze3A_112, %shift_right_arithmetic3A_113 : i32
    %shift_left3A_115 = arith.constant 7 : i32
    %shift_left3A_116 = arith.shli %shift_right_arithmetic3A_114, %shift_left3A_115 : i32
    %multiple_of3A_117 = tpu.assume_multiple %shift_left3A_116, 128 : i32
    %add3A_118 = arith.constant 8 : i32
    %add3A_119 = arith.addi %mul3A_2, %add3A_118 : i32
    %multiple_of3A_120 = tpu.assume_multiple %add3A_119, 8 : i32
    %slice3A_121 = vector.extract_strided_slice %get3A_3 {offsets = [12], sizes = [1], strides = [1]} : vector<16xi32> to vector<1xi32>
    %squeeze3A_122 = vector.extract %slice3A_121[0] : i32 from vector<1xi32>
    %shift_right_arithmetic3A_123 = arith.constant 7 : i32
    %shift_right_arithmetic3A_124 = arith.shrsi %squeeze3A_122, %shift_right_arithmetic3A_123 : i32
    %shift_left3A_125 = arith.constant 7 : i32
    %shift_left3A_126 = arith.shli %shift_right_arithmetic3A_124, %shift_left3A_125 : i32
    %multiple_of3A_127 = tpu.assume_multiple %shift_left3A_126, 128 : i32
    %add3A_128 = arith.constant 8 : i32
    %add3A_129 = arith.addi %mul3A_2, %add3A_128 : i32
    %multiple_of3A_130 = tpu.assume_multiple %add3A_129, 8 : i32
    %slice3A_131 = vector.extract_strided_slice %get3A_3 {offsets = [13], sizes = [1], strides = [1]} : vector<16xi32> to vector<1xi32>
    %squeeze3A_132 = vector.extract %slice3A_131[0] : i32 from vector<1xi32>
    %shift_right_arithmetic3A_133 = arith.constant 7 : i32
    %shift_right_arithmetic3A_134 = arith.shrsi %squeeze3A_132, %shift_right_arithmetic3A_133 : i32
    %shift_left3A_135 = arith.constant 7 : i32
    %shift_left3A_136 = arith.shli %shift_right_arithmetic3A_134, %shift_left3A_135 : i32
    %multiple_of3A_137 = tpu.assume_multiple %shift_left3A_136, 128 : i32
    %add3A_138 = arith.constant 8 : i32
    %add3A_139 = arith.addi %mul3A_2, %add3A_138 : i32
    %multiple_of3A_140 = tpu.assume_multiple %add3A_139, 8 : i32
    %slice3A_141 = vector.extract_strided_slice %get3A_3 {offsets = [14], sizes = [1], strides = [1]} : vector<16xi32> to vector<1xi32>
    %squeeze3A_142 = vector.extract %slice3A_141[0] : i32 from vector<1xi32>
    %shift_right_arithmetic3A_143 = arith.constant 7 : i32
    %shift_right_arithmetic3A_144 = arith.shrsi %squeeze3A_142, %shift_right_arithmetic3A_143 : i32
    %shift_left3A_145 = arith.constant 7 : i32
    %shift_left3A_146 = arith.shli %shift_right_arithmetic3A_144, %shift_left3A_145 : i32
    %multiple_of3A_147 = tpu.assume_multiple %shift_left3A_146, 128 : i32
    %add3A_148 = arith.constant 8 : i32
    %add3A_149 = arith.addi %mul3A_2, %add3A_148 : i32
    %multiple_of3A_150 = tpu.assume_multiple %add3A_149, 8 : i32
    %slice3A_151 = vector.extract_strided_slice %get3A_3 {offsets = [15], sizes = [1], strides = [1]} : vector<16xi32> to vector<1xi32>
    %squeeze3A_152 = vector.extract %slice3A_151[0] : i32 from vector<1xi32>
    %shift_right_arithmetic3A_153 = arith.constant 7 : i32
    %shift_right_arithmetic3A_154 = arith.shrsi %squeeze3A_152, %shift_right_arithmetic3A_153 : i32
    %shift_left3A_155 = arith.constant 7 : i32
    %shift_left3A_156 = arith.shli %shift_right_arithmetic3A_154, %shift_left3A_155 : i32
    %multiple_of3A_157 = tpu.assume_multiple %shift_left3A_156, 128 : i32
    %add3A_158 = arith.constant 8 : i32
    %add3A_159 = arith.addi %mul3A_2, %add3A_158 : i32
    %multiple_of3A_160 = tpu.assume_multiple %add3A_159, 8 : i32
    %slice3A_161 = vector.extract_strided_slice %get3A_5 {offsets = [0], sizes = [1], strides = [1]} : vector<16xi32> to vector<1xi32>
    %squeeze3A_162 = vector.extract %slice3A_161[0] : i32 from vector<1xi32>
    %shift_right_arithmetic3A_163 = arith.constant 7 : i32
    %shift_right_arithmetic3A_164 = arith.shrsi %squeeze3A_162, %shift_right_arithmetic3A_163 : i32
    %shift_left3A_165 = arith.constant 7 : i32
    %shift_left3A_166 = arith.shli %shift_right_arithmetic3A_164, %shift_left3A_165 : i32
    %multiple_of3A_167 = tpu.assume_multiple %shift_left3A_166, 128 : i32
    %add3A_168 = arith.constant 16 : i32
    %add3A_169 = arith.addi %mul3A_2, %add3A_168 : i32
    %multiple_of3A_170 = tpu.assume_multiple %add3A_169, 8 : i32
    %slice3A_171 = vector.extract_strided_slice %get3A_5 {offsets = [1], sizes = [1], strides = [1]} : vector<16xi32> to vector<1xi32>
    %squeeze3A_172 = vector.extract %slice3A_171[0] : i32 from vector<1xi32>
    %shift_right_arithmetic3A_173 = arith.constant 7 : i32
    %shift_right_arithmetic3A_174 = arith.shrsi %squeeze3A_172, %shift_right_arithmetic3A_173 : i32
    %shift_left3A_175 = arith.constant 7 : i32
    %shift_left3A_176 = arith.shli %shift_right_arithmetic3A_174, %shift_left3A_175 : i32
    %multiple_of3A_177 = tpu.assume_multiple %shift_left3A_176, 128 : i32
    %add3A_178 = arith.constant 16 : i32
    %add3A_179 = arith.addi %mul3A_2, %add3A_178 : i32
    %multiple_of3A_180 = tpu.assume_multiple %add3A_179, 8 : i32
    %slice3A_181 = vector.extract_strided_slice %get3A_5 {offsets = [2], sizes = [1], strides = [1]} : vector<16xi32> to vector<1xi32>
    %squeeze3A_182 = vector.extract %slice3A_181[0] : i32 from vector<1xi32>
    %shift_right_arithmetic3A_183 = arith.constant 7 : i32
    %shift_right_arithmetic3A_184 = arith.shrsi %squeeze3A_182, %shift_right_arithmetic3A_183 : i32
    %shift_left3A_185 = arith.constant 7 : i32
    %shift_left3A_186 = arith.shli %shift_right_arithmetic3A_184, %shift_left3A_185 : i32
    %multiple_of3A_187 = tpu.assume_multiple %shift_left3A_186, 128 : i32
    %add3A_188 = arith.constant 16 : i32
    %add3A_189 = arith.addi %mul3A_2, %add3A_188 : i32
    %multiple_of3A_190 = tpu.assume_multiple %add3A_189, 8 : i32
    %slice3A_191 = vector.extract_strided_slice %get3A_5 {offsets = [3], sizes = [1], strides = [1]} : vector<16xi32> to vector<1xi32>
    %squeeze3A_192 = vector.extract %slice3A_191[0] : i32 from vector<1xi32>
    %shift_right_arithmetic3A_193 = arith.constant 7 : i32
    %shift_right_arithmetic3A_194 = arith.shrsi %squeeze3A_192, %shift_right_arithmetic3A_193 : i32
    %shift_left3A_195 = arith.constant 7 : i32
    %shift_left3A_196 = arith.shli %shift_right_arithmetic3A_194, %shift_left3A_195 : i32
    %multiple_of3A_197 = tpu.assume_multiple %shift_left3A_196, 128 : i32
    %add3A_198 = arith.constant 16 : i32
    %add3A_199 = arith.addi %mul3A_2, %add3A_198 : i32
    %multiple_of3A_200 = tpu.assume_multiple %add3A_199, 8 : i32
    %slice3A_201 = vector.extract_strided_slice %get3A_5 {offsets = [4], sizes = [1], strides = [1]} : vector<16xi32> to vector<1xi32>
    %squeeze3A_202 = vector.extract %slice3A_201[0] : i32 from vector<1xi32>
    %shift_right_arithmetic3A_203 = arith.constant 7 : i32
    %shift_right_arithmetic3A_204 = arith.shrsi %squeeze3A_202, %shift_right_arithmetic3A_203 : i32
    %shift_left3A_205 = arith.constant 7 : i32
    %shift_left3A_206 = arith.shli %shift_right_arithmetic3A_204, %shift_left3A_205 : i32
    %multiple_of3A_207 = tpu.assume_multiple %shift_left3A_206, 128 : i32
    %add3A_208 = arith.constant 16 : i32
    %add3A_209 = arith.addi %mul3A_2, %add3A_208 : i32
    %multiple_of3A_210 = tpu.assume_multiple %add3A_209, 8 : i32
    %slice3A_211 = vector.extract_strided_slice %get3A_5 {offsets = [5], sizes = [1], strides = [1]} : vector<16xi32> to vector<1xi32>
    %squeeze3A_212 = vector.extract %slice3A_211[0] : i32 from vector<1xi32>
    %shift_right_arithmetic3A_213 = arith.constant 7 : i32
    %shift_right_arithmetic3A_214 = arith.shrsi %squeeze3A_212, %shift_right_arithmetic3A_213 : i32
    %shift_left3A_215 = arith.constant 7 : i32
    %shift_left3A_216 = arith.shli %shift_right_arithmetic3A_214, %shift_left3A_215 : i32
    %multiple_of3A_217 = tpu.assume_multiple %shift_left3A_216, 128 : i32
    %add3A_218 = arith.constant 16 : i32
    %add3A_219 = arith.addi %mul3A_2, %add3A_218 : i32
    %multiple_of3A_220 = tpu.assume_multiple %add3A_219, 8 : i32
    %slice3A_221 = vector.extract_strided_slice %get3A_5 {offsets = [6], sizes = [1], strides = [1]} : vector<16xi32> to vector<1xi32>
    %squeeze3A_222 = vector.extract %slice3A_221[0] : i32 from vector<1xi32>
    %shift_right_arithmetic3A_223 = arith.constant 7 : i32
    %shift_right_arithmetic3A_224 = arith.shrsi %squeeze3A_222, %shift_right_arithmetic3A_223 : i32
    %shift_left3A_225 = arith.constant 7 : i32
    %shift_left3A_226 = arith.shli %shift_right_arithmetic3A_224, %shift_left3A_225 : i32
    %multiple_of3A_227 = tpu.assume_multiple %shift_left3A_226, 128 : i32
    %add3A_228 = arith.constant 16 : i32
    %add3A_229 = arith.addi %mul3A_2, %add3A_228 : i32
    %multiple_of3A_230 = tpu.assume_multiple %add3A_229, 8 : i32
    %slice3A_231 = vector.extract_strided_slice %get3A_5 {offsets = [7], sizes = [1], strides = [1]} : vector<16xi32> to vector<1xi32>
    %squeeze3A_232 = vector.extract %slice3A_231[0] : i32 from vector<1xi32>
    %shift_right_arithmetic3A_233 = arith.constant 7 : i32
    %shift_right_arithmetic3A_234 = arith.shrsi %squeeze3A_232, %shift_right_arithmetic3A_233 : i32
    %shift_left3A_235 = arith.constant 7 : i32
    %shift_left3A_236 = arith.shli %shift_right_arithmetic3A_234, %shift_left3A_235 : i32
    %multiple_of3A_237 = tpu.assume_multiple %shift_left3A_236, 128 : i32
    %add3A_238 = arith.constant 16 : i32
    %add3A_239 = arith.addi %mul3A_2, %add3A_238 : i32
    %multiple_of3A_240 = tpu.assume_multiple %add3A_239, 8 : i32
    %slice3A_241 = vector.extract_strided_slice %get3A_5 {offsets = [8], sizes = [1], strides = [1]} : vector<16xi32> to vector<1xi32>
    %squeeze3A_242 = vector.extract %slice3A_241[0] : i32 from vector<1xi32>
    %shift_right_arithmetic3A_243 = arith.constant 7 : i32
    %shift_right_arithmetic3A_244 = arith.shrsi %squeeze3A_242, %shift_right_arithmetic3A_243 : i32
    %shift_left3A_245 = arith.constant 7 : i32
    %shift_left3A_246 = arith.shli %shift_right_arithmetic3A_244, %shift_left3A_245 : i32
    %multiple_of3A_247 = tpu.assume_multiple %shift_left3A_246, 128 : i32
    %add3A_248 = arith.constant 24 : i32
    %add3A_249 = arith.addi %mul3A_2, %add3A_248 : i32
    %multiple_of3A_250 = tpu.assume_multiple %add3A_249, 8 : i32
    %slice3A_251 = vector.extract_strided_slice %get3A_5 {offsets = [9], sizes = [1], strides = [1]} : vector<16xi32> to vector<1xi32>
    %squeeze3A_252 = vector.extract %slice3A_251[0] : i32 from vector<1xi32>
    %shift_right_arithmetic3A_253 = arith.constant 7 : i32
    %shift_right_arithmetic3A_254 = arith.shrsi %squeeze3A_252, %shift_right_arithmetic3A_253 : i32
    %shift_left3A_255 = arith.constant 7 : i32
    %shift_left3A_256 = arith.shli %shift_right_arithmetic3A_254, %shift_left3A_255 : i32
    %multiple_of3A_257 = tpu.assume_multiple %shift_left3A_256, 128 : i32
    %add3A_258 = arith.constant 24 : i32
    %add3A_259 = arith.addi %mul3A_2, %add3A_258 : i32
    %multiple_of3A_260 = tpu.assume_multiple %add3A_259, 8 : i32
    %slice3A_261 = vector.extract_strided_slice %get3A_5 {offsets = [10], sizes = [1], strides = [1]} : vector<16xi32> to vector<1xi32>
    %squeeze3A_262 = vector.extract %slice3A_261[0] : i32 from vector<1xi32>
    %shift_right_arithmetic3A_263 = arith.constant 7 : i32
    %shift_right_arithmetic3A_264 = arith.shrsi %squeeze3A_262, %shift_right_arithmetic3A_263 : i32
    %shift_left3A_265 = arith.constant 7 : i32
    %shift_left3A_266 = arith.shli %shift_right_arithmetic3A_264, %shift_left3A_265 : i32
    %multiple_of3A_267 = tpu.assume_multiple %shift_left3A_266, 128 : i32
    %add3A_268 = arith.constant 24 : i32
    %add3A_269 = arith.addi %mul3A_2, %add3A_268 : i32
    %multiple_of3A_270 = tpu.assume_multiple %add3A_269, 8 : i32
    %slice3A_271 = vector.extract_strided_slice %get3A_5 {offsets = [11], sizes = [1], strides = [1]} : vector<16xi32> to vector<1xi32>
    %squeeze3A_272 = vector.extract %slice3A_271[0] : i32 from vector<1xi32>
    %shift_right_arithmetic3A_273 = arith.constant 7 : i32
    %shift_right_arithmetic3A_274 = arith.shrsi %squeeze3A_272, %shift_right_arithmetic3A_273 : i32
    %shift_left3A_275 = arith.constant 7 : i32
    %shift_left3A_276 = arith.shli %shift_right_arithmetic3A_274, %shift_left3A_275 : i32
    %multiple_of3A_277 = tpu.assume_multiple %shift_left3A_276, 128 : i32
    %add3A_278 = arith.constant 24 : i32
    %add3A_279 = arith.addi %mul3A_2, %add3A_278 : i32
    %multiple_of3A_280 = tpu.assume_multiple %add3A_279, 8 : i32
    %slice3A_281 = vector.extract_strided_slice %get3A_5 {offsets = [12], sizes = [1], strides = [1]} : vector<16xi32> to vector<1xi32>
    %squeeze3A_282 = vector.extract %slice3A_281[0] : i32 from vector<1xi32>
    %shift_right_arithmetic3A_283 = arith.constant 7 : i32
    %shift_right_arithmetic3A_284 = arith.shrsi %squeeze3A_282, %shift_right_arithmetic3A_283 : i32
    %shift_left3A_285 = arith.constant 7 : i32
    %shift_left3A_286 = arith.shli %shift_right_arithmetic3A_284, %shift_left3A_285 : i32
    %multiple_of3A_287 = tpu.assume_multiple %shift_left3A_286, 128 : i32
    %add3A_288 = arith.constant 24 : i32
    %add3A_289 = arith.addi %mul3A_2, %add3A_288 : i32
    %multiple_of3A_290 = tpu.assume_multiple %add3A_289, 8 : i32
    %slice3A_291 = vector.extract_strided_slice %get3A_5 {offsets = [13], sizes = [1], strides = [1]} : vector<16xi32> to vector<1xi32>
    %squeeze3A_292 = vector.extract %slice3A_291[0] : i32 from vector<1xi32>
    %shift_right_arithmetic3A_293 = arith.constant 7 : i32
    %shift_right_arithmetic3A_294 = arith.shrsi %squeeze3A_292, %shift_right_arithmetic3A_293 : i32
    %shift_left3A_295 = arith.constant 7 : i32
    %shift_left3A_296 = arith.shli %shift_right_arithmetic3A_294, %shift_left3A_295 : i32
    %multiple_of3A_297 = tpu.assume_multiple %shift_left3A_296, 128 : i32
    %add3A_298 = arith.constant 24 : i32
    %add3A_299 = arith.addi %mul3A_2, %add3A_298 : i32
    %multiple_of3A_300 = tpu.assume_multiple %add3A_299, 8 : i32
    %slice3A_301 = vector.extract_strided_slice %get3A_5 {offsets = [14], sizes = [1], strides = [1]} : vector<16xi32> to vector<1xi32>
    %squeeze3A_302 = vector.extract %slice3A_301[0] : i32 from vector<1xi32>
    %shift_right_arithmetic3A_303 = arith.constant 7 : i32
    %shift_right_arithmetic3A_304 = arith.shrsi %squeeze3A_302, %shift_right_arithmetic3A_303 : i32
    %shift_left3A_305 = arith.constant 7 : i32
    %shift_left3A_306 = arith.shli %shift_right_arithmetic3A_304, %shift_left3A_305 : i32
    %multiple_of3A_307 = tpu.assume_multiple %shift_left3A_306, 128 : i32
    %add3A_308 = arith.constant 24 : i32
    %add3A_309 = arith.addi %mul3A_2, %add3A_308 : i32
    %multiple_of3A_310 = tpu.assume_multiple %add3A_309, 8 : i32
    %slice3A_311 = vector.extract_strided_slice %get3A_5 {offsets = [15], sizes = [1], strides = [1]} : vector<16xi32> to vector<1xi32>
    %squeeze3A_312 = vector.extract %slice3A_311[0] : i32 from vector<1xi32>
    %shift_right_arithmetic3A_313 = arith.constant 7 : i32
    %shift_right_arithmetic3A_314 = arith.shrsi %squeeze3A_312, %shift_right_arithmetic3A_313 : i32
    %shift_left3A_315 = arith.constant 7 : i32
    %shift_left3A_316 = arith.shli %shift_right_arithmetic3A_314, %shift_left3A_315 : i32
    %multiple_of3A_317 = tpu.assume_multiple %shift_left3A_316, 128 : i32
    %add3A_318 = arith.constant 24 : i32
    %add3A_319 = arith.addi %mul3A_2, %add3A_318 : i32
    %multiple_of3A_320 = tpu.assume_multiple %add3A_319, 8 : i32
    %dma_start3A = arith.constant 0 : i32
    %dma_start3A_321 = arith.constant 0 : i32
    %dma_start3A_322 = tpu.memref_slice %arg6[%dma_start3A, %dma_start3A_321] : memref<256x128xf32, #tpu.memory_space<vmem>> -> memref<8x128xf32, #tpu.memory_space<vmem>>
    %dma_start3A_323 = tpu.memref_slice %arg2[%multiple_of3A_10, %multiple_of3A] : memref<1024x100000xf32, #tpu.memory_space<hbm>> -> memref<8x128xf32, #tpu.memory_space<hbm>>
    %dma_start3A_324 = arith.constant 0 : i32
    %dma_start3A_325 = arith.constant 0 : i32
    %dma_start3A_326 = tpu.memref_slice %arg6[%dma_start3A_324, %dma_start3A_325] : memref<256x128xf32, #tpu.memory_space<vmem>> -> memref<8x128xf32, #tpu.memory_space<vmem>>
    %dma_start3A_327 = tpu.memref_slice %arg2[%multiple_of3A_10, %multiple_of3A] : memref<1024x100000xf32, #tpu.memory_space<hbm>> -> memref<8x128xf32, #tpu.memory_space<hbm>>
    tpu.enqueue_dma source(%dma_start3A_327 : memref<8x128xf32, #tpu.memory_space<hbm>>) target(%dma_start3A_326 : memref<8x128xf32, #tpu.memory_space<vmem>>) target_semaphore(%arg8 : memref<!tpu.dma_semaphore, #tpu.memory_space<semaphore_mem>>)
    %dma_start3A_328 = arith.constant 8 : i32
    %dma_start3A_329 = arith.constant 0 : i32
    %dma_start3A_330 = tpu.memref_slice %arg6[%dma_start3A_328, %dma_start3A_329] : memref<256x128xf32, #tpu.memory_space<vmem>> -> memref<8x128xf32, #tpu.memory_space<vmem>>
    %dma_start3A_331 = tpu.memref_slice %arg2[%multiple_of3A_20, %multiple_of3A_17] : memref<1024x100000xf32, #tpu.memory_space<hbm>> -> memref<8x128xf32, #tpu.memory_space<hbm>>
    %dma_start3A_332 = arith.constant 8 : i32
    %dma_start3A_333 = arith.constant 0 : i32
    %dma_start3A_334 = tpu.memref_slice %arg6[%dma_start3A_332, %dma_start3A_333] : memref<256x128xf32, #tpu.memory_space<vmem>> -> memref<8x128xf32, #tpu.memory_space<vmem>>
    %dma_start3A_335 = tpu.memref_slice %arg2[%multiple_of3A_20, %multiple_of3A_17] : memref<1024x100000xf32, #tpu.memory_space<hbm>> -> memref<8x128xf32, #tpu.memory_space<hbm>>
    tpu.enqueue_dma source(%dma_start3A_335 : memref<8x128xf32, #tpu.memory_space<hbm>>) target(%dma_start3A_334 : memref<8x128xf32, #tpu.memory_space<vmem>>) target_semaphore(%arg8 : memref<!tpu.dma_semaphore, #tpu.memory_space<semaphore_mem>>)
    %dma_start3A_336 = arith.constant 16 : i32
    %dma_start3A_337 = arith.constant 0 : i32
    %dma_start3A_338 = tpu.memref_slice %arg6[%dma_start3A_336, %dma_start3A_337] : memref<256x128xf32, #tpu.memory_space<vmem>> -> memref<8x128xf32, #tpu.memory_space<vmem>>
    %dma_start3A_339 = tpu.memref_slice %arg2[%multiple_of3A_30, %multiple_of3A_27] : memref<1024x100000xf32, #tpu.memory_space<hbm>> -> memref<8x128xf32, #tpu.memory_space<hbm>>
    %dma_start3A_340 = arith.constant 16 : i32
    %dma_start3A_341 = arith.constant 0 : i32
    %dma_start3A_342 = tpu.memref_slice %arg6[%dma_start3A_340, %dma_start3A_341] : memref<256x128xf32, #tpu.memory_space<vmem>> -> memref<8x128xf32, #tpu.memory_space<vmem>>
    %dma_start3A_343 = tpu.memref_slice %arg2[%multiple_of3A_30, %multiple_of3A_27] : memref<1024x100000xf32, #tpu.memory_space<hbm>> -> memref<8x128xf32, #tpu.memory_space<hbm>>
    tpu.enqueue_dma source(%dma_start3A_343 : memref<8x128xf32, #tpu.memory_space<hbm>>) target(%dma_start3A_342 : memref<8x128xf32, #tpu.memory_space<vmem>>) target_semaphore(%arg8 : memref<!tpu.dma_semaphore, #tpu.memory_space<semaphore_mem>>)
    %dma_start3A_344 = arith.constant 24 : i32
    %dma_start3A_345 = arith.constant 0 : i32
    %dma_start3A_346 = tpu.memref_slice %arg6[%dma_start3A_344, %dma_start3A_345] : memref<256x128xf32, #tpu.memory_space<vmem>> -> memref<8x128xf32, #tpu.memory_space<vmem>>
    %dma_start3A_347 = tpu.memref_slice %arg2[%multiple_of3A_40, %multiple_of3A_37] : memref<1024x100000xf32, #tpu.memory_space<hbm>> -> memref<8x128xf32, #tpu.memory_space<hbm>>
    %dma_start3A_348 = arith.constant 24 : i32
    %dma_start3A_349 = arith.constant 0 : i32
    %dma_start3A_350 = tpu.memref_slice %arg6[%dma_start3A_348, %dma_start3A_349] : memref<256x128xf32, #tpu.memory_space<vmem>> -> memref<8x128xf32, #tpu.memory_space<vmem>>
    %dma_start3A_351 = tpu.memref_slice %arg2[%multiple_of3A_40, %multiple_of3A_37] : memref<1024x100000xf32, #tpu.memory_space<hbm>> -> memref<8x128xf32, #tpu.memory_space<hbm>>
    tpu.enqueue_dma source(%dma_start3A_351 : memref<8x128xf32, #tpu.memory_space<hbm>>) target(%dma_start3A_350 : memref<8x128xf32, #tpu.memory_space<vmem>>) target_semaphore(%arg8 : memref<!tpu.dma_semaphore, #tpu.memory_space<semaphore_mem>>)
    %dma_start3A_352 = arith.constant 32 : i32
    %dma_start3A_353 = arith.constant 0 : i32
    %dma_start3A_354 = tpu.memref_slice %arg6[%dma_start3A_352, %dma_start3A_353] : memref<256x128xf32, #tpu.memory_space<vmem>> -> memref<8x128xf32, #tpu.memory_space<vmem>>
    %dma_start3A_355 = tpu.memref_slice %arg2[%multiple_of3A_50, %multiple_of3A_47] : memref<1024x100000xf32, #tpu.memory_space<hbm>> -> memref<8x128xf32, #tpu.memory_space<hbm>>
    %dma_start3A_356 = arith.constant 32 : i32
    %dma_start3A_357 = arith.constant 0 : i32
    %dma_start3A_358 = tpu.memref_slice %arg6[%dma_start3A_356, %dma_start3A_357] : memref<256x128xf32, #tpu.memory_space<vmem>> -> memref<8x128xf32, #tpu.memory_space<vmem>>
    %dma_start3A_359 = tpu.memref_slice %arg2[%multiple_of3A_50, %multiple_of3A_47] : memref<1024x100000xf32, #tpu.memory_space<hbm>> -> memref<8x128xf32, #tpu.memory_space<hbm>>
    tpu.enqueue_dma source(%dma_start3A_359 : memref<8x128xf32, #tpu.memory_space<hbm>>) target(%dma_start3A_358 : memref<8x128xf32, #tpu.memory_space<vmem>>) target_semaphore(%arg8 : memref<!tpu.dma_semaphore, #tpu.memory_space<semaphore_mem>>)
    %dma_start3A_360 = arith.constant 40 : i32
    %dma_start3A_361 = arith.constant 0 : i32
    %dma_start3A_362 = tpu.memref_slice %arg6[%dma_start3A_360, %dma_start3A_361] : memref<256x128xf32, #tpu.memory_space<vmem>> -> memref<8x128xf32, #tpu.memory_space<vmem>>
    %dma_start3A_363 = tpu.memref_slice %arg2[%multiple_of3A_60, %multiple_of3A_57] : memref<1024x100000xf32, #tpu.memory_space<hbm>> -> memref<8x128xf32, #tpu.memory_space<hbm>>
    %dma_start3A_364 = arith.constant 40 : i32
    %dma_start3A_365 = arith.constant 0 : i32
    %dma_start3A_366 = tpu.memref_slice %arg6[%dma_start3A_364, %dma_start3A_365] : memref<256x128xf32, #tpu.memory_space<vmem>> -> memref<8x128xf32, #tpu.memory_space<vmem>>
    %dma_start3A_367 = tpu.memref_slice %arg2[%multiple_of3A_60, %multiple_of3A_57] : memref<1024x100000xf32, #tpu.memory_space<hbm>> -> memref<8x128xf32, #tpu.memory_space<hbm>>
    tpu.enqueue_dma source(%dma_start3A_367 : memref<8x128xf32, #tpu.memory_space<hbm>>) target(%dma_start3A_366 : memref<8x128xf32, #tpu.memory_space<vmem>>) target_semaphore(%arg8 : memref<!tpu.dma_semaphore, #tpu.memory_space<semaphore_mem>>)
    %dma_start3A_368 = arith.constant 48 : i32
    %dma_start3A_369 = arith.constant 0 : i32
    %dma_start3A_370 = tpu.memref_slice %arg6[%dma_start3A_368, %dma_start3A_369] : memref<256x128xf32, #tpu.memory_space<vmem>> -> memref<8x128xf32, #tpu.memory_space<vmem>>
    %dma_start3A_371 = tpu.memref_slice %arg2[%multiple_of3A_70, %multiple_of3A_67] : memref<1024x100000xf32, #tpu.memory_space<hbm>> -> memref<8x128xf32, #tpu.memory_space<hbm>>
    %dma_start3A_372 = arith.constant 48 : i32
    %dma_start3A_373 = arith.constant 0 : i32
    %dma_start3A_374 = tpu.memref_slice %arg6[%dma_start3A_372, %dma_start3A_373] : memref<256x128xf32, #tpu.memory_space<vmem>> -> memref<8x128xf32, #tpu.memory_space<vmem>>
    %dma_start3A_375 = tpu.memref_slice %arg2[%multiple_of3A_70, %multiple_of3A_67] : memref<1024x100000xf32, #tpu.memory_space<hbm>> -> memref<8x128xf32, #tpu.memory_space<hbm>>
    tpu.enqueue_dma source(%dma_start3A_375 : memref<8x128xf32, #tpu.memory_space<hbm>>) target(%dma_start3A_374 : memref<8x128xf32, #tpu.memory_space<vmem>>) target_semaphore(%arg8 : memref<!tpu.dma_semaphore, #tpu.memory_space<semaphore_mem>>)
    %dma_start3A_376 = arith.constant 56 : i32
    %dma_start3A_377 = arith.constant 0 : i32
    %dma_start3A_378 = tpu.memref_slice %arg6[%dma_start3A_376, %dma_start3A_377] : memref<256x128xf32, #tpu.memory_space<vmem>> -> memref<8x128xf32, #tpu.memory_space<vmem>>
    %dma_start3A_379 = tpu.memref_slice %arg2[%multiple_of3A_80, %multiple_of3A_77] : memref<1024x100000xf32, #tpu.memory_space<hbm>> -> memref<8x128xf32, #tpu.memory_space<hbm>>
    %dma_start3A_380 = arith.constant 56 : i32
    %dma_start3A_381 = arith.constant 0 : i32
    %dma_start3A_382 = tpu.memref_slice %arg6[%dma_start3A_380, %dma_start3A_381] : memref<256x128xf32, #tpu.memory_space<vmem>> -> memref<8x128xf32, #tpu.memory_space<vmem>>
    %dma_start3A_383 = tpu.memref_slice %arg2[%multiple_of3A_80, %multiple_of3A_77] : memref<1024x100000xf32, #tpu.memory_space<hbm>> -> memref<8x128xf32, #tpu.memory_space<hbm>>
    tpu.enqueue_dma source(%dma_start3A_383 : memref<8x128xf32, #tpu.memory_space<hbm>>) target(%dma_start3A_382 : memref<8x128xf32, #tpu.memory_space<vmem>>) target_semaphore(%arg8 : memref<!tpu.dma_semaphore, #tpu.memory_space<semaphore_mem>>)
    %dma_start3A_384 = arith.constant 64 : i32
    %dma_start3A_385 = arith.constant 0 : i32
    %dma_start3A_386 = tpu.memref_slice %arg6[%dma_start3A_384, %dma_start3A_385] : memref<256x128xf32, #tpu.memory_space<vmem>> -> memref<8x128xf32, #tpu.memory_space<vmem>>
    %dma_start3A_387 = tpu.memref_slice %arg2[%multiple_of3A_90, %multiple_of3A_87] : memref<1024x100000xf32, #tpu.memory_space<hbm>> -> memref<8x128xf32, #tpu.memory_space<hbm>>
    %dma_start3A_388 = arith.constant 64 : i32
    %dma_start3A_389 = arith.constant 0 : i32
    %dma_start3A_390 = tpu.memref_slice %arg6[%dma_start3A_388, %dma_start3A_389] : memref<256x128xf32, #tpu.memory_space<vmem>> -> memref<8x128xf32, #tpu.memory_space<vmem>>
    %dma_start3A_391 = tpu.memref_slice %arg2[%multiple_of3A_90, %multiple_of3A_87] : memref<1024x100000xf32, #tpu.memory_space<hbm>> -> memref<8x128xf32, #tpu.memory_space<hbm>>
    tpu.enqueue_dma source(%dma_start3A_391 : memref<8x128xf32, #tpu.memory_space<hbm>>) target(%dma_start3A_390 : memref<8x128xf32, #tpu.memory_space<vmem>>) target_semaphore(%arg8 : memref<!tpu.dma_semaphore, #tpu.memory_space<semaphore_mem>>)
    %dma_start3A_392 = arith.constant 72 : i32
    %dma_start3A_393 = arith.constant 0 : i32
    %dma_start3A_394 = tpu.memref_slice %arg6[%dma_start3A_392, %dma_start3A_393] : memref<256x128xf32, #tpu.memory_space<vmem>> -> memref<8x128xf32, #tpu.memory_space<vmem>>
    %dma_start3A_395 = tpu.memref_slice %arg2[%multiple_of3A_100, %multiple_of3A_97] : memref<1024x100000xf32, #tpu.memory_space<hbm>> -> memref<8x128xf32, #tpu.memory_space<hbm>>
    %dma_start3A_396 = arith.constant 72 : i32
    %dma_start3A_397 = arith.constant 0 : i32
    %dma_start3A_398 = tpu.memref_slice %arg6[%dma_start3A_396, %dma_start3A_397] : memref<256x128xf32, #tpu.memory_space<vmem>> -> memref<8x128xf32, #tpu.memory_space<vmem>>
    %dma_start3A_399 = tpu.memref_slice %arg2[%multiple_of3A_100, %multiple_of3A_97] : memref<1024x100000xf32, #tpu.memory_space<hbm>> -> memref<8x128xf32, #tpu.memory_space<hbm>>
    tpu.enqueue_dma source(%dma_start3A_399 : memref<8x128xf32, #tpu.memory_space<hbm>>) target(%dma_start3A_398 : memref<8x128xf32, #tpu.memory_space<vmem>>) target_semaphore(%arg8 : memref<!tpu.dma_semaphore, #tpu.memory_space<semaphore_mem>>)
    %dma_start3A_400 = arith.constant 80 : i32
    %dma_start3A_401 = arith.constant 0 : i32
    %dma_start3A_402 = tpu.memref_slice %arg6[%dma_start3A_400, %dma_start3A_401] : memref<256x128xf32, #tpu.memory_space<vmem>> -> memref<8x128xf32, #tpu.memory_space<vmem>>
    %dma_start3A_403 = tpu.memref_slice %arg2[%multiple_of3A_110, %multiple_of3A_107] : memref<1024x100000xf32, #tpu.memory_space<hbm>> -> memref<8x128xf32, #tpu.memory_space<hbm>>
    %dma_start3A_404 = arith.constant 80 : i32
    %dma_start3A_405 = arith.constant 0 : i32
    %dma_start3A_406 = tpu.memref_slice %arg6[%dma_start3A_404, %dma_start3A_405] : memref<256x128xf32, #tpu.memory_space<vmem>> -> memref<8x128xf32, #tpu.memory_space<vmem>>
    %dma_start3A_407 = tpu.memref_slice %arg2[%multiple_of3A_110, %multiple_of3A_107] : memref<1024x100000xf32, #tpu.memory_space<hbm>> -> memref<8x128xf32, #tpu.memory_space<hbm>>
    tpu.enqueue_dma source(%dma_start3A_407 : memref<8x128xf32, #tpu.memory_space<hbm>>) target(%dma_start3A_406 : memref<8x128xf32, #tpu.memory_space<vmem>>) target_semaphore(%arg8 : memref<!tpu.dma_semaphore, #tpu.memory_space<semaphore_mem>>)
    %dma_start3A_408 = arith.constant 88 : i32
    %dma_start3A_409 = arith.constant 0 : i32
    %dma_start3A_410 = tpu.memref_slice %arg6[%dma_start3A_408, %dma_start3A_409] : memref<256x128xf32, #tpu.memory_space<vmem>> -> memref<8x128xf32, #tpu.memory_space<vmem>>
    %dma_start3A_411 = tpu.memref_slice %arg2[%multiple_of3A_120, %multiple_of3A_117] : memref<1024x100000xf32, #tpu.memory_space<hbm>> -> memref<8x128xf32, #tpu.memory_space<hbm>>
    %dma_start3A_412 = arith.constant 88 : i32
    %dma_start3A_413 = arith.constant 0 : i32
    %dma_start3A_414 = tpu.memref_slice %arg6[%dma_start3A_412, %dma_start3A_413] : memref<256x128xf32, #tpu.memory_space<vmem>> -> memref<8x128xf32, #tpu.memory_space<vmem>>
    %dma_start3A_415 = tpu.memref_slice %arg2[%multiple_of3A_120, %multiple_of3A_117] : memref<1024x100000xf32, #tpu.memory_space<hbm>> -> memref<8x128xf32, #tpu.memory_space<hbm>>
    tpu.enqueue_dma source(%dma_start3A_415 : memref<8x128xf32, #tpu.memory_space<hbm>>) target(%dma_start3A_414 : memref<8x128xf32, #tpu.memory_space<vmem>>) target_semaphore(%arg8 : memref<!tpu.dma_semaphore, #tpu.memory_space<semaphore_mem>>)
    %dma_start3A_416 = arith.constant 96 : i32
    %dma_start3A_417 = arith.constant 0 : i32
    %dma_start3A_418 = tpu.memref_slice %arg6[%dma_start3A_416, %dma_start3A_417] : memref<256x128xf32, #tpu.memory_space<vmem>> -> memref<8x128xf32, #tpu.memory_space<vmem>>
    %dma_start3A_419 = tpu.memref_slice %arg2[%multiple_of3A_130, %multiple_of3A_127] : memref<1024x100000xf32, #tpu.memory_space<hbm>> -> memref<8x128xf32, #tpu.memory_space<hbm>>
    %dma_start3A_420 = arith.constant 96 : i32
    %dma_start3A_421 = arith.constant 0 : i32
    %dma_start3A_422 = tpu.memref_slice %arg6[%dma_start3A_420, %dma_start3A_421] : memref<256x128xf32, #tpu.memory_space<vmem>> -> memref<8x128xf32, #tpu.memory_space<vmem>>
    %dma_start3A_423 = tpu.memref_slice %arg2[%multiple_of3A_130, %multiple_of3A_127] : memref<1024x100000xf32, #tpu.memory_space<hbm>> -> memref<8x128xf32, #tpu.memory_space<hbm>>
    tpu.enqueue_dma source(%dma_start3A_423 : memref<8x128xf32, #tpu.memory_space<hbm>>) target(%dma_start3A_422 : memref<8x128xf32, #tpu.memory_space<vmem>>) target_semaphore(%arg8 : memref<!tpu.dma_semaphore, #tpu.memory_space<semaphore_mem>>)
    %dma_start3A_424 = arith.constant 104 : i32
    %dma_start3A_425 = arith.constant 0 : i32
    %dma_start3A_426 = tpu.memref_slice %arg6[%dma_start3A_424, %dma_start3A_425] : memref<256x128xf32, #tpu.memory_space<vmem>> -> memref<8x128xf32, #tpu.memory_space<vmem>>
    %dma_start3A_427 = tpu.memref_slice %arg2[%multiple_of3A_140, %multiple_of3A_137] : memref<1024x100000xf32, #tpu.memory_space<hbm>> -> memref<8x128xf32, #tpu.memory_space<hbm>>
    %dma_start3A_428 = arith.constant 104 : i32
    %dma_start3A_429 = arith.constant 0 : i32
    %dma_start3A_430 = tpu.memref_slice %arg6[%dma_start3A_428, %dma_start3A_429] : memref<256x128xf32, #tpu.memory_space<vmem>> -> memref<8x128xf32, #tpu.memory_space<vmem>>
    %dma_start3A_431 = tpu.memref_slice %arg2[%multiple_of3A_140, %multiple_of3A_137] : memref<1024x100000xf32, #tpu.memory_space<hbm>> -> memref<8x128xf32, #tpu.memory_space<hbm>>
    tpu.enqueue_dma source(%dma_start3A_431 : memref<8x128xf32, #tpu.memory_space<hbm>>) target(%dma_start3A_430 : memref<8x128xf32, #tpu.memory_space<vmem>>) target_semaphore(%arg8 : memref<!tpu.dma_semaphore, #tpu.memory_space<semaphore_mem>>)
    %dma_start3A_432 = arith.constant 112 : i32
    %dma_start3A_433 = arith.constant 0 : i32
    %dma_start3A_434 = tpu.memref_slice %arg6[%dma_start3A_432, %dma_start3A_433] : memref<256x128xf32, #tpu.memory_space<vmem>> -> memref<8x128xf32, #tpu.memory_space<vmem>>
    %dma_start3A_435 = tpu.memref_slice %arg2[%multiple_of3A_150, %multiple_of3A_147] : memref<1024x100000xf32, #tpu.memory_space<hbm>> -> memref<8x128xf32, #tpu.memory_space<hbm>>
    %dma_start3A_436 = arith.constant 112 : i32
    %dma_start3A_437 = arith.constant 0 : i32
    %dma_start3A_438 = tpu.memref_slice %arg6[%dma_start3A_436, %dma_start3A_437] : memref<256x128xf32, #tpu.memory_space<vmem>> -> memref<8x128xf32, #tpu.memory_space<vmem>>
    %dma_start3A_439 = tpu.memref_slice %arg2[%multiple_of3A_150, %multiple_of3A_147] : memref<1024x100000xf32, #tpu.memory_space<hbm>> -> memref<8x128xf32, #tpu.memory_space<hbm>>
    tpu.enqueue_dma source(%dma_start3A_439 : memref<8x128xf32, #tpu.memory_space<hbm>>) target(%dma_start3A_438 : memref<8x128xf32, #tpu.memory_space<vmem>>) target_semaphore(%arg8 : memref<!tpu.dma_semaphore, #tpu.memory_space<semaphore_mem>>)
    %dma_start3A_440 = arith.constant 120 : i32
    %dma_start3A_441 = arith.constant 0 : i32
    %dma_start3A_442 = tpu.memref_slice %arg6[%dma_start3A_440, %dma_start3A_441] : memref<256x128xf32, #tpu.memory_space<vmem>> -> memref<8x128xf32, #tpu.memory_space<vmem>>
    %dma_start3A_443 = tpu.memref_slice %arg2[%multiple_of3A_160, %multiple_of3A_157] : memref<1024x100000xf32, #tpu.memory_space<hbm>> -> memref<8x128xf32, #tpu.memory_space<hbm>>
    %dma_start3A_444 = arith.constant 120 : i32
    %dma_start3A_445 = arith.constant 0 : i32
    %dma_start3A_446 = tpu.memref_slice %arg6[%dma_start3A_444, %dma_start3A_445] : memref<256x128xf32, #tpu.memory_space<vmem>> -> memref<8x128xf32, #tpu.memory_space<vmem>>
    %dma_start3A_447 = tpu.memref_slice %arg2[%multiple_of3A_160, %multiple_of3A_157] : memref<1024x100000xf32, #tpu.memory_space<hbm>> -> memref<8x128xf32, #tpu.memory_space<hbm>>
    tpu.enqueue_dma source(%dma_start3A_447 : memref<8x128xf32, #tpu.memory_space<hbm>>) target(%dma_start3A_446 : memref<8x128xf32, #tpu.memory_space<vmem>>) target_semaphore(%arg8 : memref<!tpu.dma_semaphore, #tpu.memory_space<semaphore_mem>>)
    %dma_start3A_448 = arith.constant 128 : i32
    %dma_start3A_449 = arith.constant 0 : i32
    %dma_start3A_450 = tpu.memref_slice %arg6[%dma_start3A_448, %dma_start3A_449] : memref<256x128xf32, #tpu.memory_space<vmem>> -> memref<8x128xf32, #tpu.memory_space<vmem>>
    %dma_start3A_451 = tpu.memref_slice %arg2[%multiple_of3A_170, %multiple_of3A_167] : memref<1024x100000xf32, #tpu.memory_space<hbm>> -> memref<8x128xf32, #tpu.memory_space<hbm>>
    %dma_start3A_452 = arith.constant 128 : i32
    %dma_start3A_453 = arith.constant 0 : i32
    %dma_start3A_454 = tpu.memref_slice %arg6[%dma_start3A_452, %dma_start3A_453] : memref<256x128xf32, #tpu.memory_space<vmem>> -> memref<8x128xf32, #tpu.memory_space<vmem>>
    %dma_start3A_455 = tpu.memref_slice %arg2[%multiple_of3A_170, %multiple_of3A_167] : memref<1024x100000xf32, #tpu.memory_space<hbm>> -> memref<8x128xf32, #tpu.memory_space<hbm>>
    tpu.enqueue_dma source(%dma_start3A_455 : memref<8x128xf32, #tpu.memory_space<hbm>>) target(%dma_start3A_454 : memref<8x128xf32, #tpu.memory_space<vmem>>) target_semaphore(%arg8 : memref<!tpu.dma_semaphore, #tpu.memory_space<semaphore_mem>>)
    %dma_start3A_456 = arith.constant 136 : i32
    %dma_start3A_457 = arith.constant 0 : i32
    %dma_start3A_458 = tpu.memref_slice %arg6[%dma_start3A_456, %dma_start3A_457] : memref<256x128xf32, #tpu.memory_space<vmem>> -> memref<8x128xf32, #tpu.memory_space<vmem>>
    %dma_start3A_459 = tpu.memref_slice %arg2[%multiple_of3A_180, %multiple_of3A_177] : memref<1024x100000xf32, #tpu.memory_space<hbm>> -> memref<8x128xf32, #tpu.memory_space<hbm>>
    %dma_start3A_460 = arith.constant 136 : i32
    %dma_start3A_461 = arith.constant 0 : i32
    %dma_start3A_462 = tpu.memref_slice %arg6[%dma_start3A_460, %dma_start3A_461] : memref<256x128xf32, #tpu.memory_space<vmem>> -> memref<8x128xf32, #tpu.memory_space<vmem>>
    %dma_start3A_463 = tpu.memref_slice %arg2[%multiple_of3A_180, %multiple_of3A_177] : memref<1024x100000xf32, #tpu.memory_space<hbm>> -> memref<8x128xf32, #tpu.memory_space<hbm>>
    tpu.enqueue_dma source(%dma_start3A_463 : memref<8x128xf32, #tpu.memory_space<hbm>>) target(%dma_start3A_462 : memref<8x128xf32, #tpu.memory_space<vmem>>) target_semaphore(%arg8 : memref<!tpu.dma_semaphore, #tpu.memory_space<semaphore_mem>>)
    %dma_start3A_464 = arith.constant 144 : i32
    %dma_start3A_465 = arith.constant 0 : i32
    %dma_start3A_466 = tpu.memref_slice %arg6[%dma_start3A_464, %dma_start3A_465] : memref<256x128xf32, #tpu.memory_space<vmem>> -> memref<8x128xf32, #tpu.memory_space<vmem>>
    %dma_start3A_467 = tpu.memref_slice %arg2[%multiple_of3A_190, %multiple_of3A_187] : memref<1024x100000xf32, #tpu.memory_space<hbm>> -> memref<8x128xf32, #tpu.memory_space<hbm>>
    %dma_start3A_468 = arith.constant 144 : i32
    %dma_start3A_469 = arith.constant 0 : i32
    %dma_start3A_470 = tpu.memref_slice %arg6[%dma_start3A_468, %dma_start3A_469] : memref<256x128xf32, #tpu.memory_space<vmem>> -> memref<8x128xf32, #tpu.memory_space<vmem>>
    %dma_start3A_471 = tpu.memref_slice %arg2[%multiple_of3A_190, %multiple_of3A_187] : memref<1024x100000xf32, #tpu.memory_space<hbm>> -> memref<8x128xf32, #tpu.memory_space<hbm>>
    tpu.enqueue_dma source(%dma_start3A_471 : memref<8x128xf32, #tpu.memory_space<hbm>>) target(%dma_start3A_470 : memref<8x128xf32, #tpu.memory_space<vmem>>) target_semaphore(%arg8 : memref<!tpu.dma_semaphore, #tpu.memory_space<semaphore_mem>>)
    %dma_start3A_472 = arith.constant 152 : i32
    %dma_start3A_473 = arith.constant 0 : i32
    %dma_start3A_474 = tpu.memref_slice %arg6[%dma_start3A_472, %dma_start3A_473] : memref<256x128xf32, #tpu.memory_space<vmem>> -> memref<8x128xf32, #tpu.memory_space<vmem>>
    %dma_start3A_475 = tpu.memref_slice %arg2[%multiple_of3A_200, %multiple_of3A_197] : memref<1024x100000xf32, #tpu.memory_space<hbm>> -> memref<8x128xf32, #tpu.memory_space<hbm>>
    %dma_start3A_476 = arith.constant 152 : i32
    %dma_start3A_477 = arith.constant 0 : i32
    %dma_start3A_478 = tpu.memref_slice %arg6[%dma_start3A_476, %dma_start3A_477] : memref<256x128xf32, #tpu.memory_space<vmem>> -> memref<8x128xf32, #tpu.memory_space<vmem>>
    %dma_start3A_479 = tpu.memref_slice %arg2[%multiple_of3A_200, %multiple_of3A_197] : memref<1024x100000xf32, #tpu.memory_space<hbm>> -> memref<8x128xf32, #tpu.memory_space<hbm>>
    tpu.enqueue_dma source(%dma_start3A_479 : memref<8x128xf32, #tpu.memory_space<hbm>>) target(%dma_start3A_478 : memref<8x128xf32, #tpu.memory_space<vmem>>) target_semaphore(%arg8 : memref<!tpu.dma_semaphore, #tpu.memory_space<semaphore_mem>>)
    %dma_start3A_480 = arith.constant 160 : i32
    %dma_start3A_481 = arith.constant 0 : i32
    %dma_start3A_482 = tpu.memref_slice %arg6[%dma_start3A_480, %dma_start3A_481] : memref<256x128xf32, #tpu.memory_space<vmem>> -> memref<8x128xf32, #tpu.memory_space<vmem>>
    %dma_start3A_483 = tpu.memref_slice %arg2[%multiple_of3A_210, %multiple_of3A_207] : memref<1024x100000xf32, #tpu.memory_space<hbm>> -> memref<8x128xf32, #tpu.memory_space<hbm>>
    %dma_start3A_484 = arith.constant 160 : i32
    %dma_start3A_485 = arith.constant 0 : i32
    %dma_start3A_486 = tpu.memref_slice %arg6[%dma_start3A_484, %dma_start3A_485] : memref<256x128xf32, #tpu.memory_space<vmem>> -> memref<8x128xf32, #tpu.memory_space<vmem>>
    %dma_start3A_487 = tpu.memref_slice %arg2[%multiple_of3A_210, %multiple_of3A_207] : memref<1024x100000xf32, #tpu.memory_space<hbm>> -> memref<8x128xf32, #tpu.memory_space<hbm>>
    tpu.enqueue_dma source(%dma_start3A_487 : memref<8x128xf32, #tpu.memory_space<hbm>>) target(%dma_start3A_486 : memref<8x128xf32, #tpu.memory_space<vmem>>) target_semaphore(%arg8 : memref<!tpu.dma_semaphore, #tpu.memory_space<semaphore_mem>>)
    %dma_start3A_488 = arith.constant 168 : i32
    %dma_start3A_489 = arith.constant 0 : i32
    %dma_start3A_490 = tpu.memref_slice %arg6[%dma_start3A_488, %dma_start3A_489] : memref<256x128xf32, #tpu.memory_space<vmem>> -> memref<8x128xf32, #tpu.memory_space<vmem>>
    %dma_start3A_491 = tpu.memref_slice %arg2[%multiple_of3A_220, %multiple_of3A_217] : memref<1024x100000xf32, #tpu.memory_space<hbm>> -> memref<8x128xf32, #tpu.memory_space<hbm>>
    %dma_start3A_492 = arith.constant 168 : i32
    %dma_start3A_493 = arith.constant 0 : i32
    %dma_start3A_494 = tpu.memref_slice %arg6[%dma_start3A_492, %dma_start3A_493] : memref<256x128xf32, #tpu.memory_space<vmem>> -> memref<8x128xf32, #tpu.memory_space<vmem>>
    %dma_start3A_495 = tpu.memref_slice %arg2[%multiple_of3A_220, %multiple_of3A_217] : memref<1024x100000xf32, #tpu.memory_space<hbm>> -> memref<8x128xf32, #tpu.memory_space<hbm>>
    tpu.enqueue_dma source(%dma_start3A_495 : memref<8x128xf32, #tpu.memory_space<hbm>>) target(%dma_start3A_494 : memref<8x128xf32, #tpu.memory_space<vmem>>) target_semaphore(%arg8 : memref<!tpu.dma_semaphore, #tpu.memory_space<semaphore_mem>>)
    %dma_start3A_496 = arith.constant 176 : i32
    %dma_start3A_497 = arith.constant 0 : i32
    %dma_start3A_498 = tpu.memref_slice %arg6[%dma_start3A_496, %dma_start3A_497] : memref<256x128xf32, #tpu.memory_space<vmem>> -> memref<8x128xf32, #tpu.memory_space<vmem>>
    %dma_start3A_499 = tpu.memref_slice %arg2[%multiple_of3A_230, %multiple_of3A_227] : memref<1024x100000xf32, #tpu.memory_space<hbm>> -> memref<8x128xf32, #tpu.memory_space<hbm>>
    %dma_start3A_500 = arith.constant 176 : i32
    %dma_start3A_501 = arith.constant 0 : i32
    %dma_start3A_502 = tpu.memref_slice %arg6[%dma_start3A_500, %dma_start3A_501] : memref<256x128xf32, #tpu.memory_space<vmem>> -> memref<8x128xf32, #tpu.memory_space<vmem>>
    %dma_start3A_503 = tpu.memref_slice %arg2[%multiple_of3A_230, %multiple_of3A_227] : memref<1024x100000xf32, #tpu.memory_space<hbm>> -> memref<8x128xf32, #tpu.memory_space<hbm>>
    tpu.enqueue_dma source(%dma_start3A_503 : memref<8x128xf32, #tpu.memory_space<hbm>>) target(%dma_start3A_502 : memref<8x128xf32, #tpu.memory_space<vmem>>) target_semaphore(%arg8 : memref<!tpu.dma_semaphore, #tpu.memory_space<semaphore_mem>>)
    %dma_start3A_504 = arith.constant 184 : i32
    %dma_start3A_505 = arith.constant 0 : i32
    %dma_start3A_506 = tpu.memref_slice %arg6[%dma_start3A_504, %dma_start3A_505] : memref<256x128xf32, #tpu.memory_space<vmem>> -> memref<8x128xf32, #tpu.memory_space<vmem>>
    %dma_start3A_507 = tpu.memref_slice %arg2[%multiple_of3A_240, %multiple_of3A_237] : memref<1024x100000xf32, #tpu.memory_space<hbm>> -> memref<8x128xf32, #tpu.memory_space<hbm>>
    %dma_start3A_508 = arith.constant 184 : i32
    %dma_start3A_509 = arith.constant 0 : i32
    %dma_start3A_510 = tpu.memref_slice %arg6[%dma_start3A_508, %dma_start3A_509] : memref<256x128xf32, #tpu.memory_space<vmem>> -> memref<8x128xf32, #tpu.memory_space<vmem>>
    %dma_start3A_511 = tpu.memref_slice %arg2[%multiple_of3A_240, %multiple_of3A_237] : memref<1024x100000xf32, #tpu.memory_space<hbm>> -> memref<8x128xf32, #tpu.memory_space<hbm>>
    tpu.enqueue_dma source(%dma_start3A_511 : memref<8x128xf32, #tpu.memory_space<hbm>>) target(%dma_start3A_510 : memref<8x128xf32, #tpu.memory_space<vmem>>) target_semaphore(%arg8 : memref<!tpu.dma_semaphore, #tpu.memory_space<semaphore_mem>>)
    %dma_start3A_512 = arith.constant 192 : i32
    %dma_start3A_513 = arith.constant 0 : i32
    %dma_start3A_514 = tpu.memref_slice %arg6[%dma_start3A_512, %dma_start3A_513] : memref<256x128xf32, #tpu.memory_space<vmem>> -> memref<8x128xf32, #tpu.memory_space<vmem>>
    %dma_start3A_515 = tpu.memref_slice %arg2[%multiple_of3A_250, %multiple_of3A_247] : memref<1024x100000xf32, #tpu.memory_space<hbm>> -> memref<8x128xf32, #tpu.memory_space<hbm>>
    %dma_start3A_516 = arith.constant 192 : i32
    %dma_start3A_517 = arith.constant 0 : i32
    %dma_start3A_518 = tpu.memref_slice %arg6[%dma_start3A_516, %dma_start3A_517] : memref<256x128xf32, #tpu.memory_space<vmem>> -> memref<8x128xf32, #tpu.memory_space<vmem>>
    %dma_start3A_519 = tpu.memref_slice %arg2[%multiple_of3A_250, %multiple_of3A_247] : memref<1024x100000xf32, #tpu.memory_space<hbm>> -> memref<8x128xf32, #tpu.memory_space<hbm>>
    tpu.enqueue_dma source(%dma_start3A_519 : memref<8x128xf32, #tpu.memory_space<hbm>>) target(%dma_start3A_518 : memref<8x128xf32, #tpu.memory_space<vmem>>) target_semaphore(%arg8 : memref<!tpu.dma_semaphore, #tpu.memory_space<semaphore_mem>>)
    %dma_start3A_520 = arith.constant 200 : i32
    %dma_start3A_521 = arith.constant 0 : i32
    %dma_start3A_522 = tpu.memref_slice %arg6[%dma_start3A_520, %dma_start3A_521] : memref<256x128xf32, #tpu.memory_space<vmem>> -> memref<8x128xf32, #tpu.memory_space<vmem>>
    %dma_start3A_523 = tpu.memref_slice %arg2[%multiple_of3A_260, %multiple_of3A_257] : memref<1024x100000xf32, #tpu.memory_space<hbm>> -> memref<8x128xf32, #tpu.memory_space<hbm>>
    %dma_start3A_524 = arith.constant 200 : i32
    %dma_start3A_525 = arith.constant 0 : i32
    %dma_start3A_526 = tpu.memref_slice %arg6[%dma_start3A_524, %dma_start3A_525] : memref<256x128xf32, #tpu.memory_space<vmem>> -> memref<8x128xf32, #tpu.memory_space<vmem>>
    %dma_start3A_527 = tpu.memref_slice %arg2[%multiple_of3A_260, %multiple_of3A_257] : memref<1024x100000xf32, #tpu.memory_space<hbm>> -> memref<8x128xf32, #tpu.memory_space<hbm>>
    tpu.enqueue_dma source(%dma_start3A_527 : memref<8x128xf32, #tpu.memory_space<hbm>>) target(%dma_start3A_526 : memref<8x128xf32, #tpu.memory_space<vmem>>) target_semaphore(%arg8 : memref<!tpu.dma_semaphore, #tpu.memory_space<semaphore_mem>>)
    %dma_start3A_528 = arith.constant 208 : i32
    %dma_start3A_529 = arith.constant 0 : i32
    %dma_start3A_530 = tpu.memref_slice %arg6[%dma_start3A_528, %dma_start3A_529] : memref<256x128xf32, #tpu.memory_space<vmem>> -> memref<8x128xf32, #tpu.memory_space<vmem>>
    %dma_start3A_531 = tpu.memref_slice %arg2[%multiple_of3A_270, %multiple_of3A_267] : memref<1024x100000xf32, #tpu.memory_space<hbm>> -> memref<8x128xf32, #tpu.memory_space<hbm>>
    %dma_start3A_532 = arith.constant 208 : i32
    %dma_start3A_533 = arith.constant 0 : i32
    %dma_start3A_534 = tpu.memref_slice %arg6[%dma_start3A_532, %dma_start3A_533] : memref<256x128xf32, #tpu.memory_space<vmem>> -> memref<8x128xf32, #tpu.memory_space<vmem>>
    %dma_start3A_535 = tpu.memref_slice %arg2[%multiple_of3A_270, %multiple_of3A_267] : memref<1024x100000xf32, #tpu.memory_space<hbm>> -> memref<8x128xf32, #tpu.memory_space<hbm>>
    tpu.enqueue_dma source(%dma_start3A_535 : memref<8x128xf32, #tpu.memory_space<hbm>>) target(%dma_start3A_534 : memref<8x128xf32, #tpu.memory_space<vmem>>) target_semaphore(%arg8 : memref<!tpu.dma_semaphore, #tpu.memory_space<semaphore_mem>>)
    %dma_start3A_536 = arith.constant 216 : i32
    %dma_start3A_537 = arith.constant 0 : i32
    %dma_start3A_538 = tpu.memref_slice %arg6[%dma_start3A_536, %dma_start3A_537] : memref<256x128xf32, #tpu.memory_space<vmem>> -> memref<8x128xf32, #tpu.memory_space<vmem>>
    %dma_start3A_539 = tpu.memref_slice %arg2[%multiple_of3A_280, %multiple_of3A_277] : memref<1024x100000xf32, #tpu.memory_space<hbm>> -> memref<8x128xf32, #tpu.memory_space<hbm>>
    %dma_start3A_540 = arith.constant 216 : i32
    %dma_start3A_541 = arith.constant 0 : i32
    %dma_start3A_542 = tpu.memref_slice %arg6[%dma_start3A_540, %dma_start3A_541] : memref<256x128xf32, #tpu.memory_space<vmem>> -> memref<8x128xf32, #tpu.memory_space<vmem>>
    %dma_start3A_543 = tpu.memref_slice %arg2[%multiple_of3A_280, %multiple_of3A_277] : memref<1024x100000xf32, #tpu.memory_space<hbm>> -> memref<8x128xf32, #tpu.memory_space<hbm>>
    tpu.enqueue_dma source(%dma_start3A_543 : memref<8x128xf32, #tpu.memory_space<hbm>>) target(%dma_start3A_542 : memref<8x128xf32, #tpu.memory_space<vmem>>) target_semaphore(%arg8 : memref<!tpu.dma_semaphore, #tpu.memory_space<semaphore_mem>>)
    %dma_start3A_544 = arith.constant 224 : i32
    %dma_start3A_545 = arith.constant 0 : i32
    %dma_start3A_546 = tpu.memref_slice %arg6[%dma_start3A_544, %dma_start3A_545] : memref<256x128xf32, #tpu.memory_space<vmem>> -> memref<8x128xf32, #tpu.memory_space<vmem>>
    %dma_start3A_547 = tpu.memref_slice %arg2[%multiple_of3A_290, %multiple_of3A_287] : memref<1024x100000xf32, #tpu.memory_space<hbm>> -> memref<8x128xf32, #tpu.memory_space<hbm>>
    %dma_start3A_548 = arith.constant 224 : i32
    %dma_start3A_549 = arith.constant 0 : i32
    %dma_start3A_550 = tpu.memref_slice %arg6[%dma_start3A_548, %dma_start3A_549] : memref<256x128xf32, #tpu.memory_space<vmem>> -> memref<8x128xf32, #tpu.memory_space<vmem>>
    %dma_start3A_551 = tpu.memref_slice %arg2[%multiple_of3A_290, %multiple_of3A_287] : memref<1024x100000xf32, #tpu.memory_space<hbm>> -> memref<8x128xf32, #tpu.memory_space<hbm>>
    tpu.enqueue_dma source(%dma_start3A_551 : memref<8x128xf32, #tpu.memory_space<hbm>>) target(%dma_start3A_550 : memref<8x128xf32, #tpu.memory_space<vmem>>) target_semaphore(%arg8 : memref<!tpu.dma_semaphore, #tpu.memory_space<semaphore_mem>>)
    %dma_start3A_552 = arith.constant 232 : i32
    %dma_start3A_553 = arith.constant 0 : i32
    %dma_start3A_554 = tpu.memref_slice %arg6[%dma_start3A_552, %dma_start3A_553] : memref<256x128xf32, #tpu.memory_space<vmem>> -> memref<8x128xf32, #tpu.memory_space<vmem>>
    %dma_start3A_555 = tpu.memref_slice %arg2[%multiple_of3A_300, %multiple_of3A_297] : memref<1024x100000xf32, #tpu.memory_space<hbm>> -> memref<8x128xf32, #tpu.memory_space<hbm>>
    %dma_start3A_556 = arith.constant 232 : i32
    %dma_start3A_557 = arith.constant 0 : i32
    %dma_start3A_558 = tpu.memref_slice %arg6[%dma_start3A_556, %dma_start3A_557] : memref<256x128xf32, #tpu.memory_space<vmem>> -> memref<8x128xf32, #tpu.memory_space<vmem>>
    %dma_start3A_559 = tpu.memref_slice %arg2[%multiple_of3A_300, %multiple_of3A_297] : memref<1024x100000xf32, #tpu.memory_space<hbm>> -> memref<8x128xf32, #tpu.memory_space<hbm>>
    tpu.enqueue_dma source(%dma_start3A_559 : memref<8x128xf32, #tpu.memory_space<hbm>>) target(%dma_start3A_558 : memref<8x128xf32, #tpu.memory_space<vmem>>) target_semaphore(%arg8 : memref<!tpu.dma_semaphore, #tpu.memory_space<semaphore_mem>>)
    %dma_start3A_560 = arith.constant 240 : i32
    %dma_start3A_561 = arith.constant 0 : i32
    %dma_start3A_562 = tpu.memref_slice %arg6[%dma_start3A_560, %dma_start3A_561] : memref<256x128xf32, #tpu.memory_space<vmem>> -> memref<8x128xf32, #tpu.memory_space<vmem>>
    %dma_start3A_563 = tpu.memref_slice %arg2[%multiple_of3A_310, %multiple_of3A_307] : memref<1024x100000xf32, #tpu.memory_space<hbm>> -> memref<8x128xf32, #tpu.memory_space<hbm>>
    %dma_start3A_564 = arith.constant 240 : i32
    %dma_start3A_565 = arith.constant 0 : i32
    %dma_start3A_566 = tpu.memref_slice %arg6[%dma_start3A_564, %dma_start3A_565] : memref<256x128xf32, #tpu.memory_space<vmem>> -> memref<8x128xf32, #tpu.memory_space<vmem>>
    %dma_start3A_567 = tpu.memref_slice %arg2[%multiple_of3A_310, %multiple_of3A_307] : memref<1024x100000xf32, #tpu.memory_space<hbm>> -> memref<8x128xf32, #tpu.memory_space<hbm>>
    tpu.enqueue_dma source(%dma_start3A_567 : memref<8x128xf32, #tpu.memory_space<hbm>>) target(%dma_start3A_566 : memref<8x128xf32, #tpu.memory_space<vmem>>) target_semaphore(%arg8 : memref<!tpu.dma_semaphore, #tpu.memory_space<semaphore_mem>>)
    %dma_start3A_568 = arith.constant 248 : i32
    %dma_start3A_569 = arith.constant 0 : i32
    %dma_start3A_570 = tpu.memref_slice %arg6[%dma_start3A_568, %dma_start3A_569] : memref<256x128xf32, #tpu.memory_space<vmem>> -> memref<8x128xf32, #tpu.memory_space<vmem>>
    %dma_start3A_571 = tpu.memref_slice %arg2[%multiple_of3A_320, %multiple_of3A_317] : memref<1024x100000xf32, #tpu.memory_space<hbm>> -> memref<8x128xf32, #tpu.memory_space<hbm>>
    %dma_start3A_572 = arith.constant 248 : i32
    %dma_start3A_573 = arith.constant 0 : i32
    %dma_start3A_574 = tpu.memref_slice %arg6[%dma_start3A_572, %dma_start3A_573] : memref<256x128xf32, #tpu.memory_space<vmem>> -> memref<8x128xf32, #tpu.memory_space<vmem>>
    %dma_start3A_575 = tpu.memref_slice %arg2[%multiple_of3A_320, %multiple_of3A_317] : memref<1024x100000xf32, #tpu.memory_space<hbm>> -> memref<8x128xf32, #tpu.memory_space<hbm>>
    tpu.enqueue_dma source(%dma_start3A_575 : memref<8x128xf32, #tpu.memory_space<hbm>>) target(%dma_start3A_574 : memref<8x128xf32, #tpu.memory_space<vmem>>) target_semaphore(%arg8 : memref<!tpu.dma_semaphore, #tpu.memory_space<semaphore_mem>>)
    %dma_wait3A = arith.constant 0 : i32
    %dma_wait3A_576 = arith.constant 0 : i32
    %dma_wait3A_577 = tpu.memref_slice %arg6[%dma_wait3A, %dma_wait3A_576] : memref<256x128xf32, #tpu.memory_space<vmem>> -> memref<8x128xf32, #tpu.memory_space<vmem>>
    %dma_wait3A_578 = tpu.memref_slice %arg2[%multiple_of3A_10, %multiple_of3A] : memref<1024x100000xf32, #tpu.memory_space<hbm>> -> memref<8x128xf32, #tpu.memory_space<hbm>>
    %dma_wait3A_579 = arith.constant 0 : i32
    %dma_wait3A_580 = arith.constant 0 : i32
    %dma_wait3A_581 = tpu.memref_slice %arg6[%dma_wait3A_579, %dma_wait3A_580] : memref<256x128xf32, #tpu.memory_space<vmem>> -> memref<8x128xf32, #tpu.memory_space<vmem>>
    %dma_wait3A_582 = tpu.memref_slice %arg2[%multiple_of3A_10, %multiple_of3A] : memref<1024x100000xf32, #tpu.memory_space<hbm>> -> memref<8x128xf32, #tpu.memory_space<hbm>>
    tpu.wait_dma2 semaphore(%arg8 : memref<!tpu.dma_semaphore, #tpu.memory_space<semaphore_mem>>) src(%dma_wait3A_582 : memref<8x128xf32, #tpu.memory_space<hbm>>) dst(%dma_wait3A_581 : memref<8x128xf32, #tpu.memory_space<vmem>>)
    %dma_wait3A_583 = arith.constant 8 : i32
    %dma_wait3A_584 = arith.constant 0 : i32
    %dma_wait3A_585 = tpu.memref_slice %arg6[%dma_wait3A_583, %dma_wait3A_584] : memref<256x128xf32, #tpu.memory_space<vmem>> -> memref<8x128xf32, #tpu.memory_space<vmem>>
    %dma_wait3A_586 = tpu.memref_slice %arg2[%multiple_of3A_20, %multiple_of3A_17] : memref<1024x100000xf32, #tpu.memory_space<hbm>> -> memref<8x128xf32, #tpu.memory_space<hbm>>
    %dma_wait3A_587 = arith.constant 8 : i32
    %dma_wait3A_588 = arith.constant 0 : i32
    %dma_wait3A_589 = tpu.memref_slice %arg6[%dma_wait3A_587, %dma_wait3A_588] : memref<256x128xf32, #tpu.memory_space<vmem>> -> memref<8x128xf32, #tpu.memory_space<vmem>>
    %dma_wait3A_590 = tpu.memref_slice %arg2[%multiple_of3A_20, %multiple_of3A_17] : memref<1024x100000xf32, #tpu.memory_space<hbm>> -> memref<8x128xf32, #tpu.memory_space<hbm>>
    tpu.wait_dma2 semaphore(%arg8 : memref<!tpu.dma_semaphore, #tpu.memory_space<semaphore_mem>>) src(%dma_wait3A_590 : memref<8x128xf32, #tpu.memory_space<hbm>>) dst(%dma_wait3A_589 : memref<8x128xf32, #tpu.memory_space<vmem>>)
    %dma_wait3A_591 = arith.constant 16 : i32
    %dma_wait3A_592 = arith.constant 0 : i32
    %dma_wait3A_593 = tpu.memref_slice %arg6[%dma_wait3A_591, %dma_wait3A_592] : memref<256x128xf32, #tpu.memory_space<vmem>> -> memref<8x128xf32, #tpu.memory_space<vmem>>
    %dma_wait3A_594 = tpu.memref_slice %arg2[%multiple_of3A_30, %multiple_of3A_27] : memref<1024x100000xf32, #tpu.memory_space<hbm>> -> memref<8x128xf32, #tpu.memory_space<hbm>>
    %dma_wait3A_595 = arith.constant 16 : i32
    %dma_wait3A_596 = arith.constant 0 : i32
    %dma_wait3A_597 = tpu.memref_slice %arg6[%dma_wait3A_595, %dma_wait3A_596] : memref<256x128xf32, #tpu.memory_space<vmem>> -> memref<8x128xf32, #tpu.memory_space<vmem>>
    %dma_wait3A_598 = tpu.memref_slice %arg2[%multiple_of3A_30, %multiple_of3A_27] : memref<1024x100000xf32, #tpu.memory_space<hbm>> -> memref<8x128xf32, #tpu.memory_space<hbm>>
    tpu.wait_dma2 semaphore(%arg8 : memref<!tpu.dma_semaphore, #tpu.memory_space<semaphore_mem>>) src(%dma_wait3A_598 : memref<8x128xf32, #tpu.memory_space<hbm>>) dst(%dma_wait3A_597 : memref<8x128xf32, #tpu.memory_space<vmem>>)
    %dma_wait3A_599 = arith.constant 24 : i32
    %dma_wait3A_600 = arith.constant 0 : i32
    %dma_wait3A_601 = tpu.memref_slice %arg6[%dma_wait3A_599, %dma_wait3A_600] : memref<256x128xf32, #tpu.memory_space<vmem>> -> memref<8x128xf32, #tpu.memory_space<vmem>>
    %dma_wait3A_602 = tpu.memref_slice %arg2[%multiple_of3A_40, %multiple_of3A_37] : memref<1024x100000xf32, #tpu.memory_space<hbm>> -> memref<8x128xf32, #tpu.memory_space<hbm>>
    %dma_wait3A_603 = arith.constant 24 : i32
    %dma_wait3A_604 = arith.constant 0 : i32
    %dma_wait3A_605 = tpu.memref_slice %arg6[%dma_wait3A_603, %dma_wait3A_604] : memref<256x128xf32, #tpu.memory_space<vmem>> -> memref<8x128xf32, #tpu.memory_space<vmem>>
    %dma_wait3A_606 = tpu.memref_slice %arg2[%multiple_of3A_40, %multiple_of3A_37] : memref<1024x100000xf32, #tpu.memory_space<hbm>> -> memref<8x128xf32, #tpu.memory_space<hbm>>
    tpu.wait_dma2 semaphore(%arg8 : memref<!tpu.dma_semaphore, #tpu.memory_space<semaphore_mem>>) src(%dma_wait3A_606 : memref<8x128xf32, #tpu.memory_space<hbm>>) dst(%dma_wait3A_605 : memref<8x128xf32, #tpu.memory_space<vmem>>)
    %dma_wait3A_607 = arith.constant 32 : i32
    %dma_wait3A_608 = arith.constant 0 : i32
    %dma_wait3A_609 = tpu.memref_slice %arg6[%dma_wait3A_607, %dma_wait3A_608] : memref<256x128xf32, #tpu.memory_space<vmem>> -> memref<8x128xf32, #tpu.memory_space<vmem>>
    %dma_wait3A_610 = tpu.memref_slice %arg2[%multiple_of3A_50, %multiple_of3A_47] : memref<1024x100000xf32, #tpu.memory_space<hbm>> -> memref<8x128xf32, #tpu.memory_space<hbm>>
    %dma_wait3A_611 = arith.constant 32 : i32
    %dma_wait3A_612 = arith.constant 0 : i32
    %dma_wait3A_613 = tpu.memref_slice %arg6[%dma_wait3A_611, %dma_wait3A_612] : memref<256x128xf32, #tpu.memory_space<vmem>> -> memref<8x128xf32, #tpu.memory_space<vmem>>
    %dma_wait3A_614 = tpu.memref_slice %arg2[%multiple_of3A_50, %multiple_of3A_47] : memref<1024x100000xf32, #tpu.memory_space<hbm>> -> memref<8x128xf32, #tpu.memory_space<hbm>>
    tpu.wait_dma2 semaphore(%arg8 : memref<!tpu.dma_semaphore, #tpu.memory_space<semaphore_mem>>) src(%dma_wait3A_614 : memref<8x128xf32, #tpu.memory_space<hbm>>) dst(%dma_wait3A_613 : memref<8x128xf32, #tpu.memory_space<vmem>>)
    %dma_wait3A_615 = arith.constant 40 : i32
    %dma_wait3A_616 = arith.constant 0 : i32
    %dma_wait3A_617 = tpu.memref_slice %arg6[%dma_wait3A_615, %dma_wait3A_616] : memref<256x128xf32, #tpu.memory_space<vmem>> -> memref<8x128xf32, #tpu.memory_space<vmem>>
    %dma_wait3A_618 = tpu.memref_slice %arg2[%multiple_of3A_60, %multiple_of3A_57] : memref<1024x100000xf32, #tpu.memory_space<hbm>> -> memref<8x128xf32, #tpu.memory_space<hbm>>
    %dma_wait3A_619 = arith.constant 40 : i32
    %dma_wait3A_620 = arith.constant 0 : i32
    %dma_wait3A_621 = tpu.memref_slice %arg6[%dma_wait3A_619, %dma_wait3A_620] : memref<256x128xf32, #tpu.memory_space<vmem>> -> memref<8x128xf32, #tpu.memory_space<vmem>>
    %dma_wait3A_622 = tpu.memref_slice %arg2[%multiple_of3A_60, %multiple_of3A_57] : memref<1024x100000xf32, #tpu.memory_space<hbm>> -> memref<8x128xf32, #tpu.memory_space<hbm>>
    tpu.wait_dma2 semaphore(%arg8 : memref<!tpu.dma_semaphore, #tpu.memory_space<semaphore_mem>>) src(%dma_wait3A_622 : memref<8x128xf32, #tpu.memory_space<hbm>>) dst(%dma_wait3A_621 : memref<8x128xf32, #tpu.memory_space<vmem>>)
    %dma_wait3A_623 = arith.constant 48 : i32
    %dma_wait3A_624 = arith.constant 0 : i32
    %dma_wait3A_625 = tpu.memref_slice %arg6[%dma_wait3A_623, %dma_wait3A_624] : memref<256x128xf32, #tpu.memory_space<vmem>> -> memref<8x128xf32, #tpu.memory_space<vmem>>
    %dma_wait3A_626 = tpu.memref_slice %arg2[%multiple_of3A_70, %multiple_of3A_67] : memref<1024x100000xf32, #tpu.memory_space<hbm>> -> memref<8x128xf32, #tpu.memory_space<hbm>>
    %dma_wait3A_627 = arith.constant 48 : i32
    %dma_wait3A_628 = arith.constant 0 : i32
    %dma_wait3A_629 = tpu.memref_slice %arg6[%dma_wait3A_627, %dma_wait3A_628] : memref<256x128xf32, #tpu.memory_space<vmem>> -> memref<8x128xf32, #tpu.memory_space<vmem>>
    %dma_wait3A_630 = tpu.memref_slice %arg2[%multiple_of3A_70, %multiple_of3A_67] : memref<1024x100000xf32, #tpu.memory_space<hbm>> -> memref<8x128xf32, #tpu.memory_space<hbm>>
    tpu.wait_dma2 semaphore(%arg8 : memref<!tpu.dma_semaphore, #tpu.memory_space<semaphore_mem>>) src(%dma_wait3A_630 : memref<8x128xf32, #tpu.memory_space<hbm>>) dst(%dma_wait3A_629 : memref<8x128xf32, #tpu.memory_space<vmem>>)
    %dma_wait3A_631 = arith.constant 56 : i32
    %dma_wait3A_632 = arith.constant 0 : i32
    %dma_wait3A_633 = tpu.memref_slice %arg6[%dma_wait3A_631, %dma_wait3A_632] : memref<256x128xf32, #tpu.memory_space<vmem>> -> memref<8x128xf32, #tpu.memory_space<vmem>>
    %dma_wait3A_634 = tpu.memref_slice %arg2[%multiple_of3A_80, %multiple_of3A_77] : memref<1024x100000xf32, #tpu.memory_space<hbm>> -> memref<8x128xf32, #tpu.memory_space<hbm>>
    %dma_wait3A_635 = arith.constant 56 : i32
    %dma_wait3A_636 = arith.constant 0 : i32
    %dma_wait3A_637 = tpu.memref_slice %arg6[%dma_wait3A_635, %dma_wait3A_636] : memref<256x128xf32, #tpu.memory_space<vmem>> -> memref<8x128xf32, #tpu.memory_space<vmem>>
    %dma_wait3A_638 = tpu.memref_slice %arg2[%multiple_of3A_80, %multiple_of3A_77] : memref<1024x100000xf32, #tpu.memory_space<hbm>> -> memref<8x128xf32, #tpu.memory_space<hbm>>
    tpu.wait_dma2 semaphore(%arg8 : memref<!tpu.dma_semaphore, #tpu.memory_space<semaphore_mem>>) src(%dma_wait3A_638 : memref<8x128xf32, #tpu.memory_space<hbm>>) dst(%dma_wait3A_637 : memref<8x128xf32, #tpu.memory_space<vmem>>)
    %dma_wait3A_639 = arith.constant 64 : i32
    %dma_wait3A_640 = arith.constant 0 : i32
    %dma_wait3A_641 = tpu.memref_slice %arg6[%dma_wait3A_639, %dma_wait3A_640] : memref<256x128xf32, #tpu.memory_space<vmem>> -> memref<8x128xf32, #tpu.memory_space<vmem>>
    %dma_wait3A_642 = tpu.memref_slice %arg2[%multiple_of3A_90, %multiple_of3A_87] : memref<1024x100000xf32, #tpu.memory_space<hbm>> -> memref<8x128xf32, #tpu.memory_space<hbm>>
    %dma_wait3A_643 = arith.constant 64 : i32
    %dma_wait3A_644 = arith.constant 0 : i32
    %dma_wait3A_645 = tpu.memref_slice %arg6[%dma_wait3A_643, %dma_wait3A_644] : memref<256x128xf32, #tpu.memory_space<vmem>> -> memref<8x128xf32, #tpu.memory_space<vmem>>
    %dma_wait3A_646 = tpu.memref_slice %arg2[%multiple_of3A_90, %multiple_of3A_87] : memref<1024x100000xf32, #tpu.memory_space<hbm>> -> memref<8x128xf32, #tpu.memory_space<hbm>>
    tpu.wait_dma2 semaphore(%arg8 : memref<!tpu.dma_semaphore, #tpu.memory_space<semaphore_mem>>) src(%dma_wait3A_646 : memref<8x128xf32, #tpu.memory_space<hbm>>) dst(%dma_wait3A_645 : memref<8x128xf32, #tpu.memory_space<vmem>>)
    %dma_wait3A_647 = arith.constant 72 : i32
    %dma_wait3A_648 = arith.constant 0 : i32
    %dma_wait3A_649 = tpu.memref_slice %arg6[%dma_wait3A_647, %dma_wait3A_648] : memref<256x128xf32, #tpu.memory_space<vmem>> -> memref<8x128xf32, #tpu.memory_space<vmem>>
    %dma_wait3A_650 = tpu.memref_slice %arg2[%multiple_of3A_100, %multiple_of3A_97] : memref<1024x100000xf32, #tpu.memory_space<hbm>> -> memref<8x128xf32, #tpu.memory_space<hbm>>
    %dma_wait3A_651 = arith.constant 72 : i32
    %dma_wait3A_652 = arith.constant 0 : i32
    %dma_wait3A_653 = tpu.memref_slice %arg6[%dma_wait3A_651, %dma_wait3A_652] : memref<256x128xf32, #tpu.memory_space<vmem>> -> memref<8x128xf32, #tpu.memory_space<vmem>>
    %dma_wait3A_654 = tpu.memref_slice %arg2[%multiple_of3A_100, %multiple_of3A_97] : memref<1024x100000xf32, #tpu.memory_space<hbm>> -> memref<8x128xf32, #tpu.memory_space<hbm>>
    tpu.wait_dma2 semaphore(%arg8 : memref<!tpu.dma_semaphore, #tpu.memory_space<semaphore_mem>>) src(%dma_wait3A_654 : memref<8x128xf32, #tpu.memory_space<hbm>>) dst(%dma_wait3A_653 : memref<8x128xf32, #tpu.memory_space<vmem>>)
    %dma_wait3A_655 = arith.constant 80 : i32
    %dma_wait3A_656 = arith.constant 0 : i32
    %dma_wait3A_657 = tpu.memref_slice %arg6[%dma_wait3A_655, %dma_wait3A_656] : memref<256x128xf32, #tpu.memory_space<vmem>> -> memref<8x128xf32, #tpu.memory_space<vmem>>
    %dma_wait3A_658 = tpu.memref_slice %arg2[%multiple_of3A_110, %multiple_of3A_107] : memref<1024x100000xf32, #tpu.memory_space<hbm>> -> memref<8x128xf32, #tpu.memory_space<hbm>>
    %dma_wait3A_659 = arith.constant 80 : i32
    %dma_wait3A_660 = arith.constant 0 : i32
    %dma_wait3A_661 = tpu.memref_slice %arg6[%dma_wait3A_659, %dma_wait3A_660] : memref<256x128xf32, #tpu.memory_space<vmem>> -> memref<8x128xf32, #tpu.memory_space<vmem>>
    %dma_wait3A_662 = tpu.memref_slice %arg2[%multiple_of3A_110, %multiple_of3A_107] : memref<1024x100000xf32, #tpu.memory_space<hbm>> -> memref<8x128xf32, #tpu.memory_space<hbm>>
    tpu.wait_dma2 semaphore(%arg8 : memref<!tpu.dma_semaphore, #tpu.memory_space<semaphore_mem>>) src(%dma_wait3A_662 : memref<8x128xf32, #tpu.memory_space<hbm>>) dst(%dma_wait3A_661 : memref<8x128xf32, #tpu.memory_space<vmem>>)
    %dma_wait3A_663 = arith.constant 88 : i32
    %dma_wait3A_664 = arith.constant 0 : i32
    %dma_wait3A_665 = tpu.memref_slice %arg6[%dma_wait3A_663, %dma_wait3A_664] : memref<256x128xf32, #tpu.memory_space<vmem>> -> memref<8x128xf32, #tpu.memory_space<vmem>>
    %dma_wait3A_666 = tpu.memref_slice %arg2[%multiple_of3A_120, %multiple_of3A_117] : memref<1024x100000xf32, #tpu.memory_space<hbm>> -> memref<8x128xf32, #tpu.memory_space<hbm>>
    %dma_wait3A_667 = arith.constant 88 : i32
    %dma_wait3A_668 = arith.constant 0 : i32
    %dma_wait3A_669 = tpu.memref_slice %arg6[%dma_wait3A_667, %dma_wait3A_668] : memref<256x128xf32, #tpu.memory_space<vmem>> -> memref<8x128xf32, #tpu.memory_space<vmem>>
    %dma_wait3A_670 = tpu.memref_slice %arg2[%multiple_of3A_120, %multiple_of3A_117] : memref<1024x100000xf32, #tpu.memory_space<hbm>> -> memref<8x128xf32, #tpu.memory_space<hbm>>
    tpu.wait_dma2 semaphore(%arg8 : memref<!tpu.dma_semaphore, #tpu.memory_space<semaphore_mem>>) src(%dma_wait3A_670 : memref<8x128xf32, #tpu.memory_space<hbm>>) dst(%dma_wait3A_669 : memref<8x128xf32, #tpu.memory_space<vmem>>)
    %dma_wait3A_671 = arith.constant 96 : i32
    %dma_wait3A_672 = arith.constant 0 : i32
    %dma_wait3A_673 = tpu.memref_slice %arg6[%dma_wait3A_671, %dma_wait3A_672] : memref<256x128xf32, #tpu.memory_space<vmem>> -> memref<8x128xf32, #tpu.memory_space<vmem>>
    %dma_wait3A_674 = tpu.memref_slice %arg2[%multiple_of3A_130, %multiple_of3A_127] : memref<1024x100000xf32, #tpu.memory_space<hbm>> -> memref<8x128xf32, #tpu.memory_space<hbm>>
    %dma_wait3A_675 = arith.constant 96 : i32
    %dma_wait3A_676 = arith.constant 0 : i32
    %dma_wait3A_677 = tpu.memref_slice %arg6[%dma_wait3A_675, %dma_wait3A_676] : memref<256x128xf32, #tpu.memory_space<vmem>> -> memref<8x128xf32, #tpu.memory_space<vmem>>
    %dma_wait3A_678 = tpu.memref_slice %arg2[%multiple_of3A_130, %multiple_of3A_127] : memref<1024x100000xf32, #tpu.memory_space<hbm>> -> memref<8x128xf32, #tpu.memory_space<hbm>>
    tpu.wait_dma2 semaphore(%arg8 : memref<!tpu.dma_semaphore, #tpu.memory_space<semaphore_mem>>) src(%dma_wait3A_678 : memref<8x128xf32, #tpu.memory_space<hbm>>) dst(%dma_wait3A_677 : memref<8x128xf32, #tpu.memory_space<vmem>>)
    %dma_wait3A_679 = arith.constant 104 : i32
    %dma_wait3A_680 = arith.constant 0 : i32
    %dma_wait3A_681 = tpu.memref_slice %arg6[%dma_wait3A_679, %dma_wait3A_680] : memref<256x128xf32, #tpu.memory_space<vmem>> -> memref<8x128xf32, #tpu.memory_space<vmem>>
    %dma_wait3A_682 = tpu.memref_slice %arg2[%multiple_of3A_140, %multiple_of3A_137] : memref<1024x100000xf32, #tpu.memory_space<hbm>> -> memref<8x128xf32, #tpu.memory_space<hbm>>
    %dma_wait3A_683 = arith.constant 104 : i32
    %dma_wait3A_684 = arith.constant 0 : i32
    %dma_wait3A_685 = tpu.memref_slice %arg6[%dma_wait3A_683, %dma_wait3A_684] : memref<256x128xf32, #tpu.memory_space<vmem>> -> memref<8x128xf32, #tpu.memory_space<vmem>>
    %dma_wait3A_686 = tpu.memref_slice %arg2[%multiple_of3A_140, %multiple_of3A_137] : memref<1024x100000xf32, #tpu.memory_space<hbm>> -> memref<8x128xf32, #tpu.memory_space<hbm>>
    tpu.wait_dma2 semaphore(%arg8 : memref<!tpu.dma_semaphore, #tpu.memory_space<semaphore_mem>>) src(%dma_wait3A_686 : memref<8x128xf32, #tpu.memory_space<hbm>>) dst(%dma_wait3A_685 : memref<8x128xf32, #tpu.memory_space<vmem>>)
    %dma_wait3A_687 = arith.constant 112 : i32
    %dma_wait3A_688 = arith.constant 0 : i32
    %dma_wait3A_689 = tpu.memref_slice %arg6[%dma_wait3A_687, %dma_wait3A_688] : memref<256x128xf32, #tpu.memory_space<vmem>> -> memref<8x128xf32, #tpu.memory_space<vmem>>
    %dma_wait3A_690 = tpu.memref_slice %arg2[%multiple_of3A_150, %multiple_of3A_147] : memref<1024x100000xf32, #tpu.memory_space<hbm>> -> memref<8x128xf32, #tpu.memory_space<hbm>>
    %dma_wait3A_691 = arith.constant 112 : i32
    %dma_wait3A_692 = arith.constant 0 : i32
    %dma_wait3A_693 = tpu.memref_slice %arg6[%dma_wait3A_691, %dma_wait3A_692] : memref<256x128xf32, #tpu.memory_space<vmem>> -> memref<8x128xf32, #tpu.memory_space<vmem>>
    %dma_wait3A_694 = tpu.memref_slice %arg2[%multiple_of3A_150, %multiple_of3A_147] : memref<1024x100000xf32, #tpu.memory_space<hbm>> -> memref<8x128xf32, #tpu.memory_space<hbm>>
    tpu.wait_dma2 semaphore(%arg8 : memref<!tpu.dma_semaphore, #tpu.memory_space<semaphore_mem>>) src(%dma_wait3A_694 : memref<8x128xf32, #tpu.memory_space<hbm>>) dst(%dma_wait3A_693 : memref<8x128xf32, #tpu.memory_space<vmem>>)
    %dma_wait3A_695 = arith.constant 120 : i32
    %dma_wait3A_696 = arith.constant 0 : i32
    %dma_wait3A_697 = tpu.memref_slice %arg6[%dma_wait3A_695, %dma_wait3A_696] : memref<256x128xf32, #tpu.memory_space<vmem>> -> memref<8x128xf32, #tpu.memory_space<vmem>>
    %dma_wait3A_698 = tpu.memref_slice %arg2[%multiple_of3A_160, %multiple_of3A_157] : memref<1024x100000xf32, #tpu.memory_space<hbm>> -> memref<8x128xf32, #tpu.memory_space<hbm>>
    %dma_wait3A_699 = arith.constant 120 : i32
    %dma_wait3A_700 = arith.constant 0 : i32
    %dma_wait3A_701 = tpu.memref_slice %arg6[%dma_wait3A_699, %dma_wait3A_700] : memref<256x128xf32, #tpu.memory_space<vmem>> -> memref<8x128xf32, #tpu.memory_space<vmem>>
    %dma_wait3A_702 = tpu.memref_slice %arg2[%multiple_of3A_160, %multiple_of3A_157] : memref<1024x100000xf32, #tpu.memory_space<hbm>> -> memref<8x128xf32, #tpu.memory_space<hbm>>
    tpu.wait_dma2 semaphore(%arg8 : memref<!tpu.dma_semaphore, #tpu.memory_space<semaphore_mem>>) src(%dma_wait3A_702 : memref<8x128xf32, #tpu.memory_space<hbm>>) dst(%dma_wait3A_701 : memref<8x128xf32, #tpu.memory_space<vmem>>)
    %dma_wait3A_703 = arith.constant 128 : i32
    %dma_wait3A_704 = arith.constant 0 : i32
    %dma_wait3A_705 = tpu.memref_slice %arg6[%dma_wait3A_703, %dma_wait3A_704] : memref<256x128xf32, #tpu.memory_space<vmem>> -> memref<8x128xf32, #tpu.memory_space<vmem>>
    %dma_wait3A_706 = tpu.memref_slice %arg2[%multiple_of3A_170, %multiple_of3A_167] : memref<1024x100000xf32, #tpu.memory_space<hbm>> -> memref<8x128xf32, #tpu.memory_space<hbm>>
    %dma_wait3A_707 = arith.constant 128 : i32
    %dma_wait3A_708 = arith.constant 0 : i32
    %dma_wait3A_709 = tpu.memref_slice %arg6[%dma_wait3A_707, %dma_wait3A_708] : memref<256x128xf32, #tpu.memory_space<vmem>> -> memref<8x128xf32, #tpu.memory_space<vmem>>
    %dma_wait3A_710 = tpu.memref_slice %arg2[%multiple_of3A_170, %multiple_of3A_167] : memref<1024x100000xf32, #tpu.memory_space<hbm>> -> memref<8x128xf32, #tpu.memory_space<hbm>>
    tpu.wait_dma2 semaphore(%arg8 : memref<!tpu.dma_semaphore, #tpu.memory_space<semaphore_mem>>) src(%dma_wait3A_710 : memref<8x128xf32, #tpu.memory_space<hbm>>) dst(%dma_wait3A_709 : memref<8x128xf32, #tpu.memory_space<vmem>>)
    %dma_wait3A_711 = arith.constant 136 : i32
    %dma_wait3A_712 = arith.constant 0 : i32
    %dma_wait3A_713 = tpu.memref_slice %arg6[%dma_wait3A_711, %dma_wait3A_712] : memref<256x128xf32, #tpu.memory_space<vmem>> -> memref<8x128xf32, #tpu.memory_space<vmem>>
    %dma_wait3A_714 = tpu.memref_slice %arg2[%multiple_of3A_180, %multiple_of3A_177] : memref<1024x100000xf32, #tpu.memory_space<hbm>> -> memref<8x128xf32, #tpu.memory_space<hbm>>
    %dma_wait3A_715 = arith.constant 136 : i32
    %dma_wait3A_716 = arith.constant 0 : i32
    %dma_wait3A_717 = tpu.memref_slice %arg6[%dma_wait3A_715, %dma_wait3A_716] : memref<256x128xf32, #tpu.memory_space<vmem>> -> memref<8x128xf32, #tpu.memory_space<vmem>>
    %dma_wait3A_718 = tpu.memref_slice %arg2[%multiple_of3A_180, %multiple_of3A_177] : memref<1024x100000xf32, #tpu.memory_space<hbm>> -> memref<8x128xf32, #tpu.memory_space<hbm>>
    tpu.wait_dma2 semaphore(%arg8 : memref<!tpu.dma_semaphore, #tpu.memory_space<semaphore_mem>>) src(%dma_wait3A_718 : memref<8x128xf32, #tpu.memory_space<hbm>>) dst(%dma_wait3A_717 : memref<8x128xf32, #tpu.memory_space<vmem>>)
    %dma_wait3A_719 = arith.constant 144 : i32
    %dma_wait3A_720 = arith.constant 0 : i32
    %dma_wait3A_721 = tpu.memref_slice %arg6[%dma_wait3A_719, %dma_wait3A_720] : memref<256x128xf32, #tpu.memory_space<vmem>> -> memref<8x128xf32, #tpu.memory_space<vmem>>
    %dma_wait3A_722 = tpu.memref_slice %arg2[%multiple_of3A_190, %multiple_of3A_187] : memref<1024x100000xf32, #tpu.memory_space<hbm>> -> memref<8x128xf32, #tpu.memory_space<hbm>>
    %dma_wait3A_723 = arith.constant 144 : i32
    %dma_wait3A_724 = arith.constant 0 : i32
    %dma_wait3A_725 = tpu.memref_slice %arg6[%dma_wait3A_723, %dma_wait3A_724] : memref<256x128xf32, #tpu.memory_space<vmem>> -> memref<8x128xf32, #tpu.memory_space<vmem>>
    %dma_wait3A_726 = tpu.memref_slice %arg2[%multiple_of3A_190, %multiple_of3A_187] : memref<1024x100000xf32, #tpu.memory_space<hbm>> -> memref<8x128xf32, #tpu.memory_space<hbm>>
    tpu.wait_dma2 semaphore(%arg8 : memref<!tpu.dma_semaphore, #tpu.memory_space<semaphore_mem>>) src(%dma_wait3A_726 : memref<8x128xf32, #tpu.memory_space<hbm>>) dst(%dma_wait3A_725 : memref<8x128xf32, #tpu.memory_space<vmem>>)
    %dma_wait3A_727 = arith.constant 152 : i32
    %dma_wait3A_728 = arith.constant 0 : i32
    %dma_wait3A_729 = tpu.memref_slice %arg6[%dma_wait3A_727, %dma_wait3A_728] : memref<256x128xf32, #tpu.memory_space<vmem>> -> memref<8x128xf32, #tpu.memory_space<vmem>>
    %dma_wait3A_730 = tpu.memref_slice %arg2[%multiple_of3A_200, %multiple_of3A_197] : memref<1024x100000xf32, #tpu.memory_space<hbm>> -> memref<8x128xf32, #tpu.memory_space<hbm>>
    %dma_wait3A_731 = arith.constant 152 : i32
    %dma_wait3A_732 = arith.constant 0 : i32
    %dma_wait3A_733 = tpu.memref_slice %arg6[%dma_wait3A_731, %dma_wait3A_732] : memref<256x128xf32, #tpu.memory_space<vmem>> -> memref<8x128xf32, #tpu.memory_space<vmem>>
    %dma_wait3A_734 = tpu.memref_slice %arg2[%multiple_of3A_200, %multiple_of3A_197] : memref<1024x100000xf32, #tpu.memory_space<hbm>> -> memref<8x128xf32, #tpu.memory_space<hbm>>
    tpu.wait_dma2 semaphore(%arg8 : memref<!tpu.dma_semaphore, #tpu.memory_space<semaphore_mem>>) src(%dma_wait3A_734 : memref<8x128xf32, #tpu.memory_space<hbm>>) dst(%dma_wait3A_733 : memref<8x128xf32, #tpu.memory_space<vmem>>)
    %dma_wait3A_735 = arith.constant 160 : i32
    %dma_wait3A_736 = arith.constant 0 : i32
    %dma_wait3A_737 = tpu.memref_slice %arg6[%dma_wait3A_735, %dma_wait3A_736] : memref<256x128xf32, #tpu.memory_space<vmem>> -> memref<8x128xf32, #tpu.memory_space<vmem>>
    %dma_wait3A_738 = tpu.memref_slice %arg2[%multiple_of3A_210, %multiple_of3A_207] : memref<1024x100000xf32, #tpu.memory_space<hbm>> -> memref<8x128xf32, #tpu.memory_space<hbm>>
    %dma_wait3A_739 = arith.constant 160 : i32
    %dma_wait3A_740 = arith.constant 0 : i32
    %dma_wait3A_741 = tpu.memref_slice %arg6[%dma_wait3A_739, %dma_wait3A_740] : memref<256x128xf32, #tpu.memory_space<vmem>> -> memref<8x128xf32, #tpu.memory_space<vmem>>
    %dma_wait3A_742 = tpu.memref_slice %arg2[%multiple_of3A_210, %multiple_of3A_207] : memref<1024x100000xf32, #tpu.memory_space<hbm>> -> memref<8x128xf32, #tpu.memory_space<hbm>>
    tpu.wait_dma2 semaphore(%arg8 : memref<!tpu.dma_semaphore, #tpu.memory_space<semaphore_mem>>) src(%dma_wait3A_742 : memref<8x128xf32, #tpu.memory_space<hbm>>) dst(%dma_wait3A_741 : memref<8x128xf32, #tpu.memory_space<vmem>>)
    %dma_wait3A_743 = arith.constant 168 : i32
    %dma_wait3A_744 = arith.constant 0 : i32
    %dma_wait3A_745 = tpu.memref_slice %arg6[%dma_wait3A_743, %dma_wait3A_744] : memref<256x128xf32, #tpu.memory_space<vmem>> -> memref<8x128xf32, #tpu.memory_space<vmem>>
    %dma_wait3A_746 = tpu.memref_slice %arg2[%multiple_of3A_220, %multiple_of3A_217] : memref<1024x100000xf32, #tpu.memory_space<hbm>> -> memref<8x128xf32, #tpu.memory_space<hbm>>
    %dma_wait3A_747 = arith.constant 168 : i32
    %dma_wait3A_748 = arith.constant 0 : i32
    %dma_wait3A_749 = tpu.memref_slice %arg6[%dma_wait3A_747, %dma_wait3A_748] : memref<256x128xf32, #tpu.memory_space<vmem>> -> memref<8x128xf32, #tpu.memory_space<vmem>>
    %dma_wait3A_750 = tpu.memref_slice %arg2[%multiple_of3A_220, %multiple_of3A_217] : memref<1024x100000xf32, #tpu.memory_space<hbm>> -> memref<8x128xf32, #tpu.memory_space<hbm>>
    tpu.wait_dma2 semaphore(%arg8 : memref<!tpu.dma_semaphore, #tpu.memory_space<semaphore_mem>>) src(%dma_wait3A_750 : memref<8x128xf32, #tpu.memory_space<hbm>>) dst(%dma_wait3A_749 : memref<8x128xf32, #tpu.memory_space<vmem>>)
    %dma_wait3A_751 = arith.constant 176 : i32
    %dma_wait3A_752 = arith.constant 0 : i32
    %dma_wait3A_753 = tpu.memref_slice %arg6[%dma_wait3A_751, %dma_wait3A_752] : memref<256x128xf32, #tpu.memory_space<vmem>> -> memref<8x128xf32, #tpu.memory_space<vmem>>
    %dma_wait3A_754 = tpu.memref_slice %arg2[%multiple_of3A_230, %multiple_of3A_227] : memref<1024x100000xf32, #tpu.memory_space<hbm>> -> memref<8x128xf32, #tpu.memory_space<hbm>>
    %dma_wait3A_755 = arith.constant 176 : i32
    %dma_wait3A_756 = arith.constant 0 : i32
    %dma_wait3A_757 = tpu.memref_slice %arg6[%dma_wait3A_755, %dma_wait3A_756] : memref<256x128xf32, #tpu.memory_space<vmem>> -> memref<8x128xf32, #tpu.memory_space<vmem>>
    %dma_wait3A_758 = tpu.memref_slice %arg2[%multiple_of3A_230, %multiple_of3A_227] : memref<1024x100000xf32, #tpu.memory_space<hbm>> -> memref<8x128xf32, #tpu.memory_space<hbm>>
    tpu.wait_dma2 semaphore(%arg8 : memref<!tpu.dma_semaphore, #tpu.memory_space<semaphore_mem>>) src(%dma_wait3A_758 : memref<8x128xf32, #tpu.memory_space<hbm>>) dst(%dma_wait3A_757 : memref<8x128xf32, #tpu.memory_space<vmem>>)
    %dma_wait3A_759 = arith.constant 184 : i32
    %dma_wait3A_760 = arith.constant 0 : i32
    %dma_wait3A_761 = tpu.memref_slice %arg6[%dma_wait3A_759, %dma_wait3A_760] : memref<256x128xf32, #tpu.memory_space<vmem>> -> memref<8x128xf32, #tpu.memory_space<vmem>>
    %dma_wait3A_762 = tpu.memref_slice %arg2[%multiple_of3A_240, %multiple_of3A_237] : memref<1024x100000xf32, #tpu.memory_space<hbm>> -> memref<8x128xf32, #tpu.memory_space<hbm>>
    %dma_wait3A_763 = arith.constant 184 : i32
    %dma_wait3A_764 = arith.constant 0 : i32
    %dma_wait3A_765 = tpu.memref_slice %arg6[%dma_wait3A_763, %dma_wait3A_764] : memref<256x128xf32, #tpu.memory_space<vmem>> -> memref<8x128xf32, #tpu.memory_space<vmem>>
    %dma_wait3A_766 = tpu.memref_slice %arg2[%multiple_of3A_240, %multiple_of3A_237] : memref<1024x100000xf32, #tpu.memory_space<hbm>> -> memref<8x128xf32, #tpu.memory_space<hbm>>
    tpu.wait_dma2 semaphore(%arg8 : memref<!tpu.dma_semaphore, #tpu.memory_space<semaphore_mem>>) src(%dma_wait3A_766 : memref<8x128xf32, #tpu.memory_space<hbm>>) dst(%dma_wait3A_765 : memref<8x128xf32, #tpu.memory_space<vmem>>)
    %dma_wait3A_767 = arith.constant 192 : i32
    %dma_wait3A_768 = arith.constant 0 : i32
    %dma_wait3A_769 = tpu.memref_slice %arg6[%dma_wait3A_767, %dma_wait3A_768] : memref<256x128xf32, #tpu.memory_space<vmem>> -> memref<8x128xf32, #tpu.memory_space<vmem>>
    %dma_wait3A_770 = tpu.memref_slice %arg2[%multiple_of3A_250, %multiple_of3A_247] : memref<1024x100000xf32, #tpu.memory_space<hbm>> -> memref<8x128xf32, #tpu.memory_space<hbm>>
    %dma_wait3A_771 = arith.constant 192 : i32
    %dma_wait3A_772 = arith.constant 0 : i32
    %dma_wait3A_773 = tpu.memref_slice %arg6[%dma_wait3A_771, %dma_wait3A_772] : memref<256x128xf32, #tpu.memory_space<vmem>> -> memref<8x128xf32, #tpu.memory_space<vmem>>
    %dma_wait3A_774 = tpu.memref_slice %arg2[%multiple_of3A_250, %multiple_of3A_247] : memref<1024x100000xf32, #tpu.memory_space<hbm>> -> memref<8x128xf32, #tpu.memory_space<hbm>>
    tpu.wait_dma2 semaphore(%arg8 : memref<!tpu.dma_semaphore, #tpu.memory_space<semaphore_mem>>) src(%dma_wait3A_774 : memref<8x128xf32, #tpu.memory_space<hbm>>) dst(%dma_wait3A_773 : memref<8x128xf32, #tpu.memory_space<vmem>>)
    %dma_wait3A_775 = arith.constant 200 : i32
    %dma_wait3A_776 = arith.constant 0 : i32
    %dma_wait3A_777 = tpu.memref_slice %arg6[%dma_wait3A_775, %dma_wait3A_776] : memref<256x128xf32, #tpu.memory_space<vmem>> -> memref<8x128xf32, #tpu.memory_space<vmem>>
    %dma_wait3A_778 = tpu.memref_slice %arg2[%multiple_of3A_260, %multiple_of3A_257] : memref<1024x100000xf32, #tpu.memory_space<hbm>> -> memref<8x128xf32, #tpu.memory_space<hbm>>
    %dma_wait3A_779 = arith.constant 200 : i32
    %dma_wait3A_780 = arith.constant 0 : i32
    %dma_wait3A_781 = tpu.memref_slice %arg6[%dma_wait3A_779, %dma_wait3A_780] : memref<256x128xf32, #tpu.memory_space<vmem>> -> memref<8x128xf32, #tpu.memory_space<vmem>>
    %dma_wait3A_782 = tpu.memref_slice %arg2[%multiple_of3A_260, %multiple_of3A_257] : memref<1024x100000xf32, #tpu.memory_space<hbm>> -> memref<8x128xf32, #tpu.memory_space<hbm>>
    tpu.wait_dma2 semaphore(%arg8 : memref<!tpu.dma_semaphore, #tpu.memory_space<semaphore_mem>>) src(%dma_wait3A_782 : memref<8x128xf32, #tpu.memory_space<hbm>>) dst(%dma_wait3A_781 : memref<8x128xf32, #tpu.memory_space<vmem>>)
    %dma_wait3A_783 = arith.constant 208 : i32
    %dma_wait3A_784 = arith.constant 0 : i32
    %dma_wait3A_785 = tpu.memref_slice %arg6[%dma_wait3A_783, %dma_wait3A_784] : memref<256x128xf32, #tpu.memory_space<vmem>> -> memref<8x128xf32, #tpu.memory_space<vmem>>
    %dma_wait3A_786 = tpu.memref_slice %arg2[%multiple_of3A_270, %multiple_of3A_267] : memref<1024x100000xf32, #tpu.memory_space<hbm>> -> memref<8x128xf32, #tpu.memory_space<hbm>>
    %dma_wait3A_787 = arith.constant 208 : i32
    %dma_wait3A_788 = arith.constant 0 : i32
    %dma_wait3A_789 = tpu.memref_slice %arg6[%dma_wait3A_787, %dma_wait3A_788] : memref<256x128xf32, #tpu.memory_space<vmem>> -> memref<8x128xf32, #tpu.memory_space<vmem>>
    %dma_wait3A_790 = tpu.memref_slice %arg2[%multiple_of3A_270, %multiple_of3A_267] : memref<1024x100000xf32, #tpu.memory_space<hbm>> -> memref<8x128xf32, #tpu.memory_space<hbm>>
    tpu.wait_dma2 semaphore(%arg8 : memref<!tpu.dma_semaphore, #tpu.memory_space<semaphore_mem>>) src(%dma_wait3A_790 : memref<8x128xf32, #tpu.memory_space<hbm>>) dst(%dma_wait3A_789 : memref<8x128xf32, #tpu.memory_space<vmem>>)
    %dma_wait3A_791 = arith.constant 216 : i32
    %dma_wait3A_792 = arith.constant 0 : i32
    %dma_wait3A_793 = tpu.memref_slice %arg6[%dma_wait3A_791, %dma_wait3A_792] : memref<256x128xf32, #tpu.memory_space<vmem>> -> memref<8x128xf32, #tpu.memory_space<vmem>>
    %dma_wait3A_794 = tpu.memref_slice %arg2[%multiple_of3A_280, %multiple_of3A_277] : memref<1024x100000xf32, #tpu.memory_space<hbm>> -> memref<8x128xf32, #tpu.memory_space<hbm>>
    %dma_wait3A_795 = arith.constant 216 : i32
    %dma_wait3A_796 = arith.constant 0 : i32
    %dma_wait3A_797 = tpu.memref_slice %arg6[%dma_wait3A_795, %dma_wait3A_796] : memref<256x128xf32, #tpu.memory_space<vmem>> -> memref<8x128xf32, #tpu.memory_space<vmem>>
    %dma_wait3A_798 = tpu.memref_slice %arg2[%multiple_of3A_280, %multiple_of3A_277] : memref<1024x100000xf32, #tpu.memory_space<hbm>> -> memref<8x128xf32, #tpu.memory_space<hbm>>
    tpu.wait_dma2 semaphore(%arg8 : memref<!tpu.dma_semaphore, #tpu.memory_space<semaphore_mem>>) src(%dma_wait3A_798 : memref<8x128xf32, #tpu.memory_space<hbm>>) dst(%dma_wait3A_797 : memref<8x128xf32, #tpu.memory_space<vmem>>)
    %dma_wait3A_799 = arith.constant 224 : i32
    %dma_wait3A_800 = arith.constant 0 : i32
    %dma_wait3A_801 = tpu.memref_slice %arg6[%dma_wait3A_799, %dma_wait3A_800] : memref<256x128xf32, #tpu.memory_space<vmem>> -> memref<8x128xf32, #tpu.memory_space<vmem>>
    %dma_wait3A_802 = tpu.memref_slice %arg2[%multiple_of3A_290, %multiple_of3A_287] : memref<1024x100000xf32, #tpu.memory_space<hbm>> -> memref<8x128xf32, #tpu.memory_space<hbm>>
    %dma_wait3A_803 = arith.constant 224 : i32
    %dma_wait3A_804 = arith.constant 0 : i32
    %dma_wait3A_805 = tpu.memref_slice %arg6[%dma_wait3A_803, %dma_wait3A_804] : memref<256x128xf32, #tpu.memory_space<vmem>> -> memref<8x128xf32, #tpu.memory_space<vmem>>
    %dma_wait3A_806 = tpu.memref_slice %arg2[%multiple_of3A_290, %multiple_of3A_287] : memref<1024x100000xf32, #tpu.memory_space<hbm>> -> memref<8x128xf32, #tpu.memory_space<hbm>>
    tpu.wait_dma2 semaphore(%arg8 : memref<!tpu.dma_semaphore, #tpu.memory_space<semaphore_mem>>) src(%dma_wait3A_806 : memref<8x128xf32, #tpu.memory_space<hbm>>) dst(%dma_wait3A_805 : memref<8x128xf32, #tpu.memory_space<vmem>>)
    %dma_wait3A_807 = arith.constant 232 : i32
    %dma_wait3A_808 = arith.constant 0 : i32
    %dma_wait3A_809 = tpu.memref_slice %arg6[%dma_wait3A_807, %dma_wait3A_808] : memref<256x128xf32, #tpu.memory_space<vmem>> -> memref<8x128xf32, #tpu.memory_space<vmem>>
    %dma_wait3A_810 = tpu.memref_slice %arg2[%multiple_of3A_300, %multiple_of3A_297] : memref<1024x100000xf32, #tpu.memory_space<hbm>> -> memref<8x128xf32, #tpu.memory_space<hbm>>
    %dma_wait3A_811 = arith.constant 232 : i32
    %dma_wait3A_812 = arith.constant 0 : i32
    %dma_wait3A_813 = tpu.memref_slice %arg6[%dma_wait3A_811, %dma_wait3A_812] : memref<256x128xf32, #tpu.memory_space<vmem>> -> memref<8x128xf32, #tpu.memory_space<vmem>>
    %dma_wait3A_814 = tpu.memref_slice %arg2[%multiple_of3A_300, %multiple_of3A_297] : memref<1024x100000xf32, #tpu.memory_space<hbm>> -> memref<8x128xf32, #tpu.memory_space<hbm>>
    tpu.wait_dma2 semaphore(%arg8 : memref<!tpu.dma_semaphore, #tpu.memory_space<semaphore_mem>>) src(%dma_wait3A_814 : memref<8x128xf32, #tpu.memory_space<hbm>>) dst(%dma_wait3A_813 : memref<8x128xf32, #tpu.memory_space<vmem>>)
    %dma_wait3A_815 = arith.constant 240 : i32
    %dma_wait3A_816 = arith.constant 0 : i32
    %dma_wait3A_817 = tpu.memref_slice %arg6[%dma_wait3A_815, %dma_wait3A_816] : memref<256x128xf32, #tpu.memory_space<vmem>> -> memref<8x128xf32, #tpu.memory_space<vmem>>
    %dma_wait3A_818 = tpu.memref_slice %arg2[%multiple_of3A_310, %multiple_of3A_307] : memref<1024x100000xf32, #tpu.memory_space<hbm>> -> memref<8x128xf32, #tpu.memory_space<hbm>>
    %dma_wait3A_819 = arith.constant 240 : i32
    %dma_wait3A_820 = arith.constant 0 : i32
    %dma_wait3A_821 = tpu.memref_slice %arg6[%dma_wait3A_819, %dma_wait3A_820] : memref<256x128xf32, #tpu.memory_space<vmem>> -> memref<8x128xf32, #tpu.memory_space<vmem>>
    %dma_wait3A_822 = tpu.memref_slice %arg2[%multiple_of3A_310, %multiple_of3A_307] : memref<1024x100000xf32, #tpu.memory_space<hbm>> -> memref<8x128xf32, #tpu.memory_space<hbm>>
    tpu.wait_dma2 semaphore(%arg8 : memref<!tpu.dma_semaphore, #tpu.memory_space<semaphore_mem>>) src(%dma_wait3A_822 : memref<8x128xf32, #tpu.memory_space<hbm>>) dst(%dma_wait3A_821 : memref<8x128xf32, #tpu.memory_space<vmem>>)
    %dma_wait3A_823 = arith.constant 248 : i32
    %dma_wait3A_824 = arith.constant 0 : i32
    %dma_wait3A_825 = tpu.memref_slice %arg6[%dma_wait3A_823, %dma_wait3A_824] : memref<256x128xf32, #tpu.memory_space<vmem>> -> memref<8x128xf32, #tpu.memory_space<vmem>>
    %dma_wait3A_826 = tpu.memref_slice %arg2[%multiple_of3A_320, %multiple_of3A_317] : memref<1024x100000xf32, #tpu.memory_space<hbm>> -> memref<8x128xf32, #tpu.memory_space<hbm>>
    %dma_wait3A_827 = arith.constant 248 : i32
    %dma_wait3A_828 = arith.constant 0 : i32
    %dma_wait3A_829 = tpu.memref_slice %arg6[%dma_wait3A_827, %dma_wait3A_828] : memref<256x128xf32, #tpu.memory_space<vmem>> -> memref<8x128xf32, #tpu.memory_space<vmem>>
    %dma_wait3A_830 = tpu.memref_slice %arg2[%multiple_of3A_320, %multiple_of3A_317] : memref<1024x100000xf32, #tpu.memory_space<hbm>> -> memref<8x128xf32, #tpu.memory_space<hbm>>
    tpu.wait_dma2 semaphore(%arg8 : memref<!tpu.dma_semaphore, #tpu.memory_space<semaphore_mem>>) src(%dma_wait3A_830 : memref<8x128xf32, #tpu.memory_space<hbm>>) dst(%dma_wait3A_829 : memref<8x128xf32, #tpu.memory_space<vmem>>)
    %iota3A = tpu.iota {dimensions = array<i32: 0>} : vector<16xi32>
    %add3A_831 = arith.constant 0 : i32
    %add3A_832 = vector.broadcast %add3A_831 : i32 to vector<16xi32>
    %add3A_833 = arith.addi %add3A_832, %iota3A : vector<16xi32>
    %get3A_834 = arith.constant 0 : index
    %get3A_835 = tpu.vector_load %arg5[%get3A_834] {strides = array<i32>} : memref<32xi32, #tpu.memory_space<vmem>>, vector<16xi32>,
    %mul3A_836 = arith.constant 8 : i32
    %mul3A_837 = vector.broadcast %mul3A_836 : i32 to vector<16xi32>
    %mul3A_838 = arith.muli %add3A_833, %mul3A_837 : vector<16xi32>
    %and3A = arith.constant 7 : i32
    %and3A_839 = vector.broadcast %and3A : i32 to vector<16xi32>
    %and3A_840 = arith.andi %add3A_833, %and3A_839 : vector<16xi32>
    %add3A_841 = arith.addi %mul3A_838, %and3A_840 : vector<16xi32>
    %and3A_842 = arith.constant 127 : i32
    %and3A_843 = vector.broadcast %and3A_842 : i32 to vector<16xi32>
    %and3A_844 = arith.andi %get3A_835, %and3A_843 : vector<16xi32>
    %gather3A = tpu.vector_load_idx %arg6[%add3A_841, %and3A_844] : memref<256x128xf32, #tpu.memory_space<vmem>>[vector<16xi32>, vector<16xi32>], vector<16xf32>,
    %swap3A = arith.constant 0 : index
    %swap3A_845 = tpu.vector_load %arg7[%swap3A] {strides = array<i32>} : memref<32xf32, #tpu.memory_space<vmem>>, vector<16xf32>,
    tpu.vector_store %arg7[%swap3A], %gather3A {strides = array<i32>} : memref<32xf32, #tpu.memory_space<vmem>>, vector<16xf32>,
    %iota3A_846 = tpu.iota {dimensions = array<i32: 0>} : vector<16xi32>
    %add3A_847 = arith.constant 16 : i32
    %add3A_848 = vector.broadcast %add3A_847 : i32 to vector<16xi32>
    %add3A_849 = arith.addi %add3A_848, %iota3A_846 : vector<16xi32>
    %get3A_850 = arith.constant 16 : index
    %get3A_851 = tpu.vector_load %arg5[%get3A_850] {strides = array<i32>} : memref<32xi32, #tpu.memory_space<vmem>>, vector<16xi32>,
    %mul3A_852 = arith.constant 8 : i32
    %mul3A_853 = vector.broadcast %mul3A_852 : i32 to vector<16xi32>
    %mul3A_854 = arith.muli %add3A_849, %mul3A_853 : vector<16xi32>
    %and3A_855 = arith.constant 7 : i32
    %and3A_856 = vector.broadcast %and3A_855 : i32 to vector<16xi32>
    %and3A_857 = arith.andi %add3A_849, %and3A_856 : vector<16xi32>
    %add3A_858 = arith.addi %mul3A_854, %and3A_857 : vector<16xi32>
    %and3A_859 = arith.constant 127 : i32
    %and3A_860 = vector.broadcast %and3A_859 : i32 to vector<16xi32>
    %and3A_861 = arith.andi %get3A_851, %and3A_860 : vector<16xi32>
    %gather3A_862 = tpu.vector_load_idx %arg6[%add3A_858, %and3A_861] : memref<256x128xf32, #tpu.memory_space<vmem>>[vector<16xi32>, vector<16xi32>], vector<16xf32>,
    %swap3A_863 = arith.constant 16 : index
    %swap3A_864 = tpu.vector_load %arg7[%swap3A_863] {strides = array<i32>} : memref<32xf32, #tpu.memory_space<vmem>>, vector<16xf32>,
    tpu.vector_store %arg7[%swap3A_863], %gather3A_862 {strides = array<i32>} : memref<32xf32, #tpu.memory_space<vmem>>, vector<16xf32>,
    "tpu.region"() ({
      %run_scoped3A = tpu.sem_alloc : memref<!tpu.dma_semaphore, #tpu.memory_space<semaphore_mem>>
      %dma_start3A_865 = tpu.memref_slice %arg4[%mul3A_2] : memref<1024xf32, #tpu.memory_space<hbm>> -> memref<32xf32, #tpu.memory_space<hbm>>
      %dma_start3A_866 = tpu.memref_slice %arg4[%mul3A_2] : memref<1024xf32, #tpu.memory_space<hbm>> -> memref<32xf32, #tpu.memory_space<hbm>>
      tpu.enqueue_dma source(%arg7 : memref<32xf32, #tpu.memory_space<vmem>>) target(%dma_start3A_866 : memref<32xf32, #tpu.memory_space<hbm>>) target_semaphore(%run_scoped3A : memref<!tpu.dma_semaphore, #tpu.memory_space<semaphore_mem>>)
      %dma_wait3A_867 = tpu.memref_slice %arg4[%mul3A_2] : memref<1024xf32, #tpu.memory_space<hbm>> -> memref<32xf32, #tpu.memory_space<hbm>>
      %dma_wait3A_868 = tpu.memref_slice %arg4[%mul3A_2] : memref<1024xf32, #tpu.memory_space<hbm>> -> memref<32xf32, #tpu.memory_space<hbm>>
      tpu.wait_dma2 semaphore(%run_scoped3A : memref<!tpu.dma_semaphore, #tpu.memory_space<semaphore_mem>>) src(%arg7 : memref<32xf32, #tpu.memory_space<vmem>>) dst(%dma_wait3A_868 : memref<32xf32, #tpu.memory_space<hbm>>)
      tpu.yield
    }) : () -> ()
    return
  }
}

module attributes {stable_mosaic.version = 14 : i64} {
  func.func @fin_body(%arg0: memref<1024x128xf32, #tpu.memory_space<vmem>>, %arg1: memref<1x2xf32, #tpu.memory_space<vmem>>) attributes {dimension_semantics = [], scalar_prefetch = 0 : i64, scratch_operands = 0 : i64, tpu.core_type = #tpu.core_type<tc>} {
    %get3A = arith.constant 0 : index
    %get3A_0 = arith.constant 0 : index
    %get3A_1 = vector.load %arg0[%get3A, %get3A_0] : memref<1024x128xf32, #tpu.memory_space<vmem>>, vector<1024x128xf32>
    %reduce_sum3A = arith.constant dense<0.000000e+00> : vector<1024xf32>
    %reduce_sum3A_2 = vector.multi_reduction <add>, %get3A_1, %reduce_sum3A [1] : vector<1024x128xf32> to vector<1024xf32>
    %broadcast_in_dim3A = vector.shape_cast %reduce_sum3A_2 : vector<1024xf32> to vector<1024x1xf32>
    %lt3A = arith.constant 1.000000e+00 : f32
    %lt3A_3 = vector.broadcast %lt3A : f32 to vector<1024x1xf32>
    %lt3A_4 = arith.cmpf olt, %broadcast_in_dim3A, %lt3A_3 : vector<1024x1xf32>
    %jit3A = arith.constant 1.000000e+00 : f32
    %jit3A_5 = arith.constant 0.000000e+00 : f32
    %broadcast_in_dim3A_6 = vector.broadcast %jit3A : f32 to vector<1024x1xf32>
    %broadcast_in_dim3A_7 = vector.broadcast %jit3A_5 : f32 to vector<1024x1xf32>
    %select_n3A = arith.select %lt3A_4, %broadcast_in_dim3A_6, %broadcast_in_dim3A_7 : vector<1024x1xi1>, vector<1024x1xf32>
    %reduce_sum3A_8 = vector.shape_cast %select_n3A : vector<1024x1xf32> to vector<1x1024x1xf32>
    %reduce_sum3A_9 = arith.constant dense<0.000000e+00> : vector<1xf32>
    %reduce_sum3A_10 = vector.multi_reduction <add>, %reduce_sum3A_8, %reduce_sum3A_9 [1, 2] : vector<1x1024x1xf32> to vector<1xf32>
    %reduce_sum3A_11 = vector.shape_cast %reduce_sum3A_10 : vector<1xf32> to vector<1x1x1xf32>
    %reduce_sum3A_12 = vector.extract %reduce_sum3A_11[0, 0, 0] : f32 from vector<1x1x1xf32>
    %mul3A = arith.constant 9.765625E-4 : f32
    %mul3A_13 = arith.mulf %reduce_sum3A_12, %mul3A : f32
    %reshape3A = vector.broadcast %mul3A_13 : f32 to vector<1x1xf32>
    %lt3A_14 = arith.constant 5.000000e+00 : f32
    %lt3A_15 = vector.broadcast %lt3A_14 : f32 to vector<1024x1xf32>
    %lt3A_16 = arith.cmpf olt, %broadcast_in_dim3A, %lt3A_15 : vector<1024x1xf32>
    %jit3A_17 = arith.constant 1.000000e+00 : f32
    %jit3A_18 = arith.constant 0.000000e+00 : f32
    %broadcast_in_dim3A_19 = vector.broadcast %jit3A_17 : f32 to vector<1024x1xf32>
    %broadcast_in_dim3A_20 = vector.broadcast %jit3A_18 : f32 to vector<1024x1xf32>
    %select_n3A_21 = arith.select %lt3A_16, %broadcast_in_dim3A_19, %broadcast_in_dim3A_20 : vector<1024x1xi1>, vector<1024x1xf32>
    %reduce_sum3A_22 = vector.shape_cast %select_n3A_21 : vector<1024x1xf32> to vector<1x1024x1xf32>
    %reduce_sum3A_23 = arith.constant dense<0.000000e+00> : vector<1xf32>
    %reduce_sum3A_24 = vector.multi_reduction <add>, %reduce_sum3A_22, %reduce_sum3A_23 [1, 2] : vector<1x1024x1xf32> to vector<1xf32>
    %reduce_sum3A_25 = vector.shape_cast %reduce_sum3A_24 : vector<1xf32> to vector<1x1x1xf32>
    %reduce_sum3A_26 = vector.extract %reduce_sum3A_25[0, 0, 0] : f32 from vector<1x1x1xf32>
    %mul3A_27 = arith.constant 9.765625E-4 : f32
    %mul3A_28 = arith.mulf %reduce_sum3A_26, %mul3A_27 : f32
    %reshape3A_29 = vector.broadcast %mul3A_28 : f32 to vector<1x1xf32>
    %concatenate3A = tpu.concatenate %reshape3A, %reshape3A_29 in 1 : vector<1x1xf32>, vector<1x1xf32> -> vector<1x2xf32>
    %swap3A = arith.constant 0 : index
    %swap3A_30 = arith.constant 0 : index
    %swap3A_31 = vector.load %arg1[%swap3A, %swap3A_30] : memref<1x2xf32, #tpu.memory_space<vmem>>, vector<1x2xf32>
    tpu.vector_store %arg1[%swap3A, %swap3A_30], %concatenate3A {strides = array<i32>} : memref<1x2xf32, #tpu.memory_space<vmem>>, vector<1x2xf32>,
    return
  }
}

module attributes {stable_mosaic.version = 14 : i64} {
  func.func @body(%arg0: i32, %arg1: memref<32x1xi32, #tpu.memory_space<vmem>>, %arg2: memref<32x1xf32, #tpu.memory_space<vmem>>, %arg3: memref<32x1xf32, #tpu.memory_space<vmem>>, %arg4: memref<32x100000xf32, #tpu.memory_space<vmem>>, %arg5: memref<32x128xf32, #tpu.memory_space<vmem>>) attributes {dimension_semantics = [#tpu.dimension_semantics<parallel>], iteration_bounds = array<i64: 32>, scalar_prefetch = 0 : i64, scratch_operands = 0 : i64, tpu.core_type = #tpu.core_type<tc>, window_params = [{transform_indices = @transform_0, window_bounds = array<i64: 32, 1>}, {transform_indices = @transform_1, window_bounds = array<i64: 32, 1>}, {transform_indices = @transform_2, window_bounds = array<i64: 32, 1>}, {transform_indices = @transform_3, window_bounds = array<i64: 32, 100000>}, {transform_indices = @transform_4, window_bounds = array<i64: 32, 128>}]} {
    %get3A = arith.constant 0 : index
    %get3A_0 = arith.constant 0 : index
    %get3A_1 = vector.load %arg1[%get3A, %get3A_0] : memref<32x1xi32, #tpu.memory_space<vmem>>, vector<32x1xi32>
    %get3A_2 = arith.constant 0 : index
    %get3A_3 = arith.constant 0 : index
    %get3A_4 = vector.load %arg2[%get3A_2, %get3A_3] : memref<32x1xf32, #tpu.memory_space<vmem>>, vector<32x1xf32>
    %get3A_5 = arith.constant 0 : index
    %get3A_6 = arith.constant 0 : index
    %get3A_7 = vector.load %arg3[%get3A_5, %get3A_6] : memref<32x1xf32, #tpu.memory_space<vmem>>, vector<32x1xf32>
    %broadcast_in_dim3A = arith.constant 0.000000e+00 : f32
    %broadcast_in_dim3A_8 = vector.broadcast %broadcast_in_dim3A : f32 to vector<32x128xf32>
    %iota3A = tpu.iota {dimensions = array<i32: 1>} : vector<32x4096xi32>
    %sub3A = arith.constant 0 : i32
    %sub3A_9 = vector.broadcast %sub3A : i32 to vector<32x1xi32>
    %sub3A_10 = arith.subi %get3A_1, %sub3A_9 : vector<32x1xi32>
    %lt3A = vector.broadcast %sub3A_10 : vector<32x1xi32> to vector<32x4096xi32>
    %lt3A_11 = arith.cmpi slt, %iota3A, %lt3A : vector<32x4096xi32>
    %broadcast_in_dim3A_12 = vector.shape_cast %get3A_4 : vector<32x1xf32> to vector<32x1xf32>
    %broadcast_in_dim3A_13 = vector.broadcast %broadcast_in_dim3A_12 : vector<32x1xf32> to vector<32x4096xf32>
    %broadcast_in_dim3A_14 = vector.shape_cast %get3A_7 : vector<32x1xf32> to vector<32x1xf32>
    %broadcast_in_dim3A_15 = vector.broadcast %broadcast_in_dim3A_14 : vector<32x1xf32> to vector<32x4096xf32>
    %select_n3A = arith.select %lt3A_11, %broadcast_in_dim3A_13, %broadcast_in_dim3A_15 : vector<32x4096xi1>, vector<32x4096xf32>
    %get3A_16 = arith.constant 0 : index
    %get3A_17 = arith.constant 0 : index
    %get3A_18 = vector.load %arg4[%get3A_16, %get3A_17] : memref<32x100000xf32, #tpu.memory_space<vmem>>, vector<32x4096xf32>
    %ge3A = arith.cmpf oge, %get3A_18, %select_n3A : vector<32x4096xf32>
    %jit3A = arith.constant 1.000000e+00 : f32
    %jit3A_19 = arith.constant 0.000000e+00 : f32
    %broadcast_in_dim3A_20 = vector.broadcast %jit3A : f32 to vector<32x4096xf32>
    %broadcast_in_dim3A_21 = vector.broadcast %jit3A_19 : f32 to vector<32x4096xf32>
    %select_n3A_22 = arith.select %ge3A, %broadcast_in_dim3A_20, %broadcast_in_dim3A_21 : vector<32x4096xi1>, vector<32x4096xf32>
    %slice3A = vector.extract_strided_slice %select_n3A_22 {offsets = [0, 0], sizes = [32, 128], strides = [1, 1]} : vector<32x4096xf32> to vector<32x128xf32>
    %slice3A_23 = vector.extract_strided_slice %select_n3A_22 {offsets = [0, 128], sizes = [32, 128], strides = [1, 1]} : vector<32x4096xf32> to vector<32x128xf32>
    %add3A = arith.addf %slice3A, %slice3A_23 : vector<32x128xf32>
    %slice3A_24 = vector.extract_strided_slice %select_n3A_22 {offsets = [0, 256], sizes = [32, 128], strides = [1, 1]} : vector<32x4096xf32> to vector<32x128xf32>
    %add3A_25 = arith.addf %add3A, %slice3A_24 : vector<32x128xf32>
    %slice3A_26 = vector.extract_strided_slice %select_n3A_22 {offsets = [0, 384], sizes = [32, 128], strides = [1, 1]} : vector<32x4096xf32> to vector<32x128xf32>
    %add3A_27 = arith.addf %add3A_25, %slice3A_26 : vector<32x128xf32>
    %slice3A_28 = vector.extract_strided_slice %select_n3A_22 {offsets = [0, 512], sizes = [32, 128], strides = [1, 1]} : vector<32x4096xf32> to vector<32x128xf32>
    %add3A_29 = arith.addf %add3A_27, %slice3A_28 : vector<32x128xf32>
    %slice3A_30 = vector.extract_strided_slice %select_n3A_22 {offsets = [0, 640], sizes = [32, 128], strides = [1, 1]} : vector<32x4096xf32> to vector<32x128xf32>
    %add3A_31 = arith.addf %add3A_29, %slice3A_30 : vector<32x128xf32>
    %slice3A_32 = vector.extract_strided_slice %select_n3A_22 {offsets = [0, 768], sizes = [32, 128], strides = [1, 1]} : vector<32x4096xf32> to vector<32x128xf32>
    %add3A_33 = arith.addf %add3A_31, %slice3A_32 : vector<32x128xf32>
    %slice3A_34 = vector.extract_strided_slice %select_n3A_22 {offsets = [0, 896], sizes = [32, 128], strides = [1, 1]} : vector<32x4096xf32> to vector<32x128xf32>
    %add3A_35 = arith.addf %add3A_33, %slice3A_34 : vector<32x128xf32>
    %slice3A_36 = vector.extract_strided_slice %select_n3A_22 {offsets = [0, 1024], sizes = [32, 128], strides = [1, 1]} : vector<32x4096xf32> to vector<32x128xf32>
    %add3A_37 = arith.addf %add3A_35, %slice3A_36 : vector<32x128xf32>
    %slice3A_38 = vector.extract_strided_slice %select_n3A_22 {offsets = [0, 1152], sizes = [32, 128], strides = [1, 1]} : vector<32x4096xf32> to vector<32x128xf32>
    %add3A_39 = arith.addf %add3A_37, %slice3A_38 : vector<32x128xf32>
    %slice3A_40 = vector.extract_strided_slice %select_n3A_22 {offsets = [0, 1280], sizes = [32, 128], strides = [1, 1]} : vector<32x4096xf32> to vector<32x128xf32>
    %add3A_41 = arith.addf %add3A_39, %slice3A_40 : vector<32x128xf32>
    %slice3A_42 = vector.extract_strided_slice %select_n3A_22 {offsets = [0, 1408], sizes = [32, 128], strides = [1, 1]} : vector<32x4096xf32> to vector<32x128xf32>
    %add3A_43 = arith.addf %add3A_41, %slice3A_42 : vector<32x128xf32>
    %slice3A_44 = vector.extract_strided_slice %select_n3A_22 {offsets = [0, 1536], sizes = [32, 128], strides = [1, 1]} : vector<32x4096xf32> to vector<32x128xf32>
    %add3A_45 = arith.addf %add3A_43, %slice3A_44 : vector<32x128xf32>
    %slice3A_46 = vector.extract_strided_slice %select_n3A_22 {offsets = [0, 1664], sizes = [32, 128], strides = [1, 1]} : vector<32x4096xf32> to vector<32x128xf32>
    %add3A_47 = arith.addf %add3A_45, %slice3A_46 : vector<32x128xf32>
    %slice3A_48 = vector.extract_strided_slice %select_n3A_22 {offsets = [0, 1792], sizes = [32, 128], strides = [1, 1]} : vector<32x4096xf32> to vector<32x128xf32>
    %add3A_49 = arith.addf %add3A_47, %slice3A_48 : vector<32x128xf32>
    %slice3A_50 = vector.extract_strided_slice %select_n3A_22 {offsets = [0, 1920], sizes = [32, 128], strides = [1, 1]} : vector<32x4096xf32> to vector<32x128xf32>
    %add3A_51 = arith.addf %add3A_49, %slice3A_50 : vector<32x128xf32>
    %slice3A_52 = vector.extract_strided_slice %select_n3A_22 {offsets = [0, 2048], sizes = [32, 128], strides = [1, 1]} : vector<32x4096xf32> to vector<32x128xf32>
    %add3A_53 = arith.addf %add3A_51, %slice3A_52 : vector<32x128xf32>
    %slice3A_54 = vector.extract_strided_slice %select_n3A_22 {offsets = [0, 2176], sizes = [32, 128], strides = [1, 1]} : vector<32x4096xf32> to vector<32x128xf32>
    %add3A_55 = arith.addf %add3A_53, %slice3A_54 : vector<32x128xf32>
    %slice3A_56 = vector.extract_strided_slice %select_n3A_22 {offsets = [0, 2304], sizes = [32, 128], strides = [1, 1]} : vector<32x4096xf32> to vector<32x128xf32>
    %add3A_57 = arith.addf %add3A_55, %slice3A_56 : vector<32x128xf32>
    %slice3A_58 = vector.extract_strided_slice %select_n3A_22 {offsets = [0, 2432], sizes = [32, 128], strides = [1, 1]} : vector<32x4096xf32> to vector<32x128xf32>
    %add3A_59 = arith.addf %add3A_57, %slice3A_58 : vector<32x128xf32>
    %slice3A_60 = vector.extract_strided_slice %select_n3A_22 {offsets = [0, 2560], sizes = [32, 128], strides = [1, 1]} : vector<32x4096xf32> to vector<32x128xf32>
    %add3A_61 = arith.addf %add3A_59, %slice3A_60 : vector<32x128xf32>
    %slice3A_62 = vector.extract_strided_slice %select_n3A_22 {offsets = [0, 2688], sizes = [32, 128], strides = [1, 1]} : vector<32x4096xf32> to vector<32x128xf32>
    %add3A_63 = arith.addf %add3A_61, %slice3A_62 : vector<32x128xf32>
    %slice3A_64 = vector.extract_strided_slice %select_n3A_22 {offsets = [0, 2816], sizes = [32, 128], strides = [1, 1]} : vector<32x4096xf32> to vector<32x128xf32>
    %add3A_65 = arith.addf %add3A_63, %slice3A_64 : vector<32x128xf32>
    %slice3A_66 = vector.extract_strided_slice %select_n3A_22 {offsets = [0, 2944], sizes = [32, 128], strides = [1, 1]} : vector<32x4096xf32> to vector<32x128xf32>
    %add3A_67 = arith.addf %add3A_65, %slice3A_66 : vector<32x128xf32>
    %slice3A_68 = vector.extract_strided_slice %select_n3A_22 {offsets = [0, 3072], sizes = [32, 128], strides = [1, 1]} : vector<32x4096xf32> to vector<32x128xf32>
    %add3A_69 = arith.addf %add3A_67, %slice3A_68 : vector<32x128xf32>
    %slice3A_70 = vector.extract_strided_slice %select_n3A_22 {offsets = [0, 3200], sizes = [32, 128], strides = [1, 1]} : vector<32x4096xf32> to vector<32x128xf32>
    %add3A_71 = arith.addf %add3A_69, %slice3A_70 : vector<32x128xf32>
    %slice3A_72 = vector.extract_strided_slice %select_n3A_22 {offsets = [0, 3328], sizes = [32, 128], strides = [1, 1]} : vector<32x4096xf32> to vector<32x128xf32>
    %add3A_73 = arith.addf %add3A_71, %slice3A_72 : vector<32x128xf32>
    %slice3A_74 = vector.extract_strided_slice %select_n3A_22 {offsets = [0, 3456], sizes = [32, 128], strides = [1, 1]} : vector<32x4096xf32> to vector<32x128xf32>
    %add3A_75 = arith.addf %add3A_73, %slice3A_74 : vector<32x128xf32>
    %slice3A_76 = vector.extract_strided_slice %select_n3A_22 {offsets = [0, 3584], sizes = [32, 128], strides = [1, 1]} : vector<32x4096xf32> to vector<32x128xf32>
    %add3A_77 = arith.addf %add3A_75, %slice3A_76 : vector<32x128xf32>
    %slice3A_78 = vector.extract_strided_slice %select_n3A_22 {offsets = [0, 3712], sizes = [32, 128], strides = [1, 1]} : vector<32x4096xf32> to vector<32x128xf32>
    %add3A_79 = arith.addf %add3A_77, %slice3A_78 : vector<32x128xf32>
    %slice3A_80 = vector.extract_strided_slice %select_n3A_22 {offsets = [0, 3840], sizes = [32, 128], strides = [1, 1]} : vector<32x4096xf32> to vector<32x128xf32>
    %add3A_81 = arith.addf %add3A_79, %slice3A_80 : vector<32x128xf32>
    %slice3A_82 = vector.extract_strided_slice %select_n3A_22 {offsets = [0, 3968], sizes = [32, 128], strides = [1, 1]} : vector<32x4096xf32> to vector<32x128xf32>
    %add3A_83 = arith.addf %add3A_81, %slice3A_82 : vector<32x128xf32>
    %add3A_84 = arith.addf %broadcast_in_dim3A_8, %add3A_83 : vector<32x128xf32>
    %iota3A_85 = tpu.iota {dimensions = array<i32: 1>} : vector<32x4096xi32>
    %sub3A_86 = arith.constant 4096 : i32
    %sub3A_87 = vector.broadcast %sub3A_86 : i32 to vector<32x1xi32>
    %sub3A_88 = arith.subi %get3A_1, %sub3A_87 : vector<32x1xi32>
    %lt3A_89 = vector.broadcast %sub3A_88 : vector<32x1xi32> to vector<32x4096xi32>
    %lt3A_90 = arith.cmpi slt, %iota3A_85, %lt3A_89 : vector<32x4096xi32>
    %broadcast_in_dim3A_91 = vector.shape_cast %get3A_4 : vector<32x1xf32> to vector<32x1xf32>
    %broadcast_in_dim3A_92 = vector.broadcast %broadcast_in_dim3A_91 : vector<32x1xf32> to vector<32x4096xf32>
    %broadcast_in_dim3A_93 = vector.shape_cast %get3A_7 : vector<32x1xf32> to vector<32x1xf32>
    %broadcast_in_dim3A_94 = vector.broadcast %broadcast_in_dim3A_93 : vector<32x1xf32> to vector<32x4096xf32>
    %select_n3A_95 = arith.select %lt3A_90, %broadcast_in_dim3A_92, %broadcast_in_dim3A_94 : vector<32x4096xi1>, vector<32x4096xf32>
    %get3A_96 = arith.constant 0 : index
    %get3A_97 = arith.constant 4096 : index
    %get3A_98 = vector.load %arg4[%get3A_96, %get3A_97] : memref<32x100000xf32, #tpu.memory_space<vmem>>, vector<32x4096xf32>
    %ge3A_99 = arith.cmpf oge, %get3A_98, %select_n3A_95 : vector<32x4096xf32>
    %jit3A_100 = arith.constant 1.000000e+00 : f32
    %jit3A_101 = arith.constant 0.000000e+00 : f32
    %broadcast_in_dim3A_102 = vector.broadcast %jit3A_100 : f32 to vector<32x4096xf32>
    %broadcast_in_dim3A_103 = vector.broadcast %jit3A_101 : f32 to vector<32x4096xf32>
    %select_n3A_104 = arith.select %ge3A_99, %broadcast_in_dim3A_102, %broadcast_in_dim3A_103 : vector<32x4096xi1>, vector<32x4096xf32>
    %slice3A_105 = vector.extract_strided_slice %select_n3A_104 {offsets = [0, 0], sizes = [32, 128], strides = [1, 1]} : vector<32x4096xf32> to vector<32x128xf32>
    %slice3A_106 = vector.extract_strided_slice %select_n3A_104 {offsets = [0, 128], sizes = [32, 128], strides = [1, 1]} : vector<32x4096xf32> to vector<32x128xf32>
    %add3A_107 = arith.addf %slice3A_105, %slice3A_106 : vector<32x128xf32>
    %slice3A_108 = vector.extract_strided_slice %select_n3A_104 {offsets = [0, 256], sizes = [32, 128], strides = [1, 1]} : vector<32x4096xf32> to vector<32x128xf32>
    %add3A_109 = arith.addf %add3A_107, %slice3A_108 : vector<32x128xf32>
    %slice3A_110 = vector.extract_strided_slice %select_n3A_104 {offsets = [0, 384], sizes = [32, 128], strides = [1, 1]} : vector<32x4096xf32> to vector<32x128xf32>
    %add3A_111 = arith.addf %add3A_109, %slice3A_110 : vector<32x128xf32>
    %slice3A_112 = vector.extract_strided_slice %select_n3A_104 {offsets = [0, 512], sizes = [32, 128], strides = [1, 1]} : vector<32x4096xf32> to vector<32x128xf32>
    %add3A_113 = arith.addf %add3A_111, %slice3A_112 : vector<32x128xf32>
    %slice3A_114 = vector.extract_strided_slice %select_n3A_104 {offsets = [0, 640], sizes = [32, 128], strides = [1, 1]} : vector<32x4096xf32> to vector<32x128xf32>
    %add3A_115 = arith.addf %add3A_113, %slice3A_114 : vector<32x128xf32>
    %slice3A_116 = vector.extract_strided_slice %select_n3A_104 {offsets = [0, 768], sizes = [32, 128], strides = [1, 1]} : vector<32x4096xf32> to vector<32x128xf32>
    %add3A_117 = arith.addf %add3A_115, %slice3A_116 : vector<32x128xf32>
    %slice3A_118 = vector.extract_strided_slice %select_n3A_104 {offsets = [0, 896], sizes = [32, 128], strides = [1, 1]} : vector<32x4096xf32> to vector<32x128xf32>
    %add3A_119 = arith.addf %add3A_117, %slice3A_118 : vector<32x128xf32>
    %slice3A_120 = vector.extract_strided_slice %select_n3A_104 {offsets = [0, 1024], sizes = [32, 128], strides = [1, 1]} : vector<32x4096xf32> to vector<32x128xf32>
    %add3A_121 = arith.addf %add3A_119, %slice3A_120 : vector<32x128xf32>
    %slice3A_122 = vector.extract_strided_slice %select_n3A_104 {offsets = [0, 1152], sizes = [32, 128], strides = [1, 1]} : vector<32x4096xf32> to vector<32x128xf32>
    %add3A_123 = arith.addf %add3A_121, %slice3A_122 : vector<32x128xf32>
    %slice3A_124 = vector.extract_strided_slice %select_n3A_104 {offsets = [0, 1280], sizes = [32, 128], strides = [1, 1]} : vector<32x4096xf32> to vector<32x128xf32>
    %add3A_125 = arith.addf %add3A_123, %slice3A_124 : vector<32x128xf32>
    %slice3A_126 = vector.extract_strided_slice %select_n3A_104 {offsets = [0, 1408], sizes = [32, 128], strides = [1, 1]} : vector<32x4096xf32> to vector<32x128xf32>
    %add3A_127 = arith.addf %add3A_125, %slice3A_126 : vector<32x128xf32>
    %slice3A_128 = vector.extract_strided_slice %select_n3A_104 {offsets = [0, 1536], sizes = [32, 128], strides = [1, 1]} : vector<32x4096xf32> to vector<32x128xf32>
    %add3A_129 = arith.addf %add3A_127, %slice3A_128 : vector<32x128xf32>
    %slice3A_130 = vector.extract_strided_slice %select_n3A_104 {offsets = [0, 1664], sizes = [32, 128], strides = [1, 1]} : vector<32x4096xf32> to vector<32x128xf32>
    %add3A_131 = arith.addf %add3A_129, %slice3A_130 : vector<32x128xf32>
    %slice3A_132 = vector.extract_strided_slice %select_n3A_104 {offsets = [0, 1792], sizes = [32, 128], strides = [1, 1]} : vector<32x4096xf32> to vector<32x128xf32>
    %add3A_133 = arith.addf %add3A_131, %slice3A_132 : vector<32x128xf32>
    %slice3A_134 = vector.extract_strided_slice %select_n3A_104 {offsets = [0, 1920], sizes = [32, 128], strides = [1, 1]} : vector<32x4096xf32> to vector<32x128xf32>
    %add3A_135 = arith.addf %add3A_133, %slice3A_134 : vector<32x128xf32>
    %slice3A_136 = vector.extract_strided_slice %select_n3A_104 {offsets = [0, 2048], sizes = [32, 128], strides = [1, 1]} : vector<32x4096xf32> to vector<32x128xf32>
    %add3A_137 = arith.addf %add3A_135, %slice3A_136 : vector<32x128xf32>
    %slice3A_138 = vector.extract_strided_slice %select_n3A_104 {offsets = [0, 2176], sizes = [32, 128], strides = [1, 1]} : vector<32x4096xf32> to vector<32x128xf32>
    %add3A_139 = arith.addf %add3A_137, %slice3A_138 : vector<32x128xf32>
    %slice3A_140 = vector.extract_strided_slice %select_n3A_104 {offsets = [0, 2304], sizes = [32, 128], strides = [1, 1]} : vector<32x4096xf32> to vector<32x128xf32>
    %add3A_141 = arith.addf %add3A_139, %slice3A_140 : vector<32x128xf32>
    %slice3A_142 = vector.extract_strided_slice %select_n3A_104 {offsets = [0, 2432], sizes = [32, 128], strides = [1, 1]} : vector<32x4096xf32> to vector<32x128xf32>
    %add3A_143 = arith.addf %add3A_141, %slice3A_142 : vector<32x128xf32>
    %slice3A_144 = vector.extract_strided_slice %select_n3A_104 {offsets = [0, 2560], sizes = [32, 128], strides = [1, 1]} : vector<32x4096xf32> to vector<32x128xf32>
    %add3A_145 = arith.addf %add3A_143, %slice3A_144 : vector<32x128xf32>
    %slice3A_146 = vector.extract_strided_slice %select_n3A_104 {offsets = [0, 2688], sizes = [32, 128], strides = [1, 1]} : vector<32x4096xf32> to vector<32x128xf32>
    %add3A_147 = arith.addf %add3A_145, %slice3A_146 : vector<32x128xf32>
    %slice3A_148 = vector.extract_strided_slice %select_n3A_104 {offsets = [0, 2816], sizes = [32, 128], strides = [1, 1]} : vector<32x4096xf32> to vector<32x128xf32>
    %add3A_149 = arith.addf %add3A_147, %slice3A_148 : vector<32x128xf32>
    %slice3A_150 = vector.extract_strided_slice %select_n3A_104 {offsets = [0, 2944], sizes = [32, 128], strides = [1, 1]} : vector<32x4096xf32> to vector<32x128xf32>
    %add3A_151 = arith.addf %add3A_149, %slice3A_150 : vector<32x128xf32>
    %slice3A_152 = vector.extract_strided_slice %select_n3A_104 {offsets = [0, 3072], sizes = [32, 128], strides = [1, 1]} : vector<32x4096xf32> to vector<32x128xf32>
    %add3A_153 = arith.addf %add3A_151, %slice3A_152 : vector<32x128xf32>
    %slice3A_154 = vector.extract_strided_slice %select_n3A_104 {offsets = [0, 3200], sizes = [32, 128], strides = [1, 1]} : vector<32x4096xf32> to vector<32x128xf32>
    %add3A_155 = arith.addf %add3A_153, %slice3A_154 : vector<32x128xf32>
    %slice3A_156 = vector.extract_strided_slice %select_n3A_104 {offsets = [0, 3328], sizes = [32, 128], strides = [1, 1]} : vector<32x4096xf32> to vector<32x128xf32>
    %add3A_157 = arith.addf %add3A_155, %slice3A_156 : vector<32x128xf32>
    %slice3A_158 = vector.extract_strided_slice %select_n3A_104 {offsets = [0, 3456], sizes = [32, 128], strides = [1, 1]} : vector<32x4096xf32> to vector<32x128xf32>
    %add3A_159 = arith.addf %add3A_157, %slice3A_158 : vector<32x128xf32>
    %slice3A_160 = vector.extract_strided_slice %select_n3A_104 {offsets = [0, 3584], sizes = [32, 128], strides = [1, 1]} : vector<32x4096xf32> to vector<32x128xf32>
    %add3A_161 = arith.addf %add3A_159, %slice3A_160 : vector<32x128xf32>
    %slice3A_162 = vector.extract_strided_slice %select_n3A_104 {offsets = [0, 3712], sizes = [32, 128], strides = [1, 1]} : vector<32x4096xf32> to vector<32x128xf32>
    %add3A_163 = arith.addf %add3A_161, %slice3A_162 : vector<32x128xf32>
    %slice3A_164 = vector.extract_strided_slice %select_n3A_104 {offsets = [0, 3840], sizes = [32, 128], strides = [1, 1]} : vector<32x4096xf32> to vector<32x128xf32>
    %add3A_165 = arith.addf %add3A_163, %slice3A_164 : vector<32x128xf32>
    %slice3A_166 = vector.extract_strided_slice %select_n3A_104 {offsets = [0, 3968], sizes = [32, 128], strides = [1, 1]} : vector<32x4096xf32> to vector<32x128xf32>
    %add3A_167 = arith.addf %add3A_165, %slice3A_166 : vector<32x128xf32>
    %add3A_168 = arith.addf %add3A_84, %add3A_167 : vector<32x128xf32>
    %iota3A_169 = tpu.iota {dimensions = array<i32: 1>} : vector<32x4096xi32>
    %sub3A_170 = arith.constant 8192 : i32
    %sub3A_171 = vector.broadcast %sub3A_170 : i32 to vector<32x1xi32>
    %sub3A_172 = arith.subi %get3A_1, %sub3A_171 : vector<32x1xi32>
    %lt3A_173 = vector.broadcast %sub3A_172 : vector<32x1xi32> to vector<32x4096xi32>
    %lt3A_174 = arith.cmpi slt, %iota3A_169, %lt3A_173 : vector<32x4096xi32>
    %broadcast_in_dim3A_175 = vector.shape_cast %get3A_4 : vector<32x1xf32> to vector<32x1xf32>
    %broadcast_in_dim3A_176 = vector.broadcast %broadcast_in_dim3A_175 : vector<32x1xf32> to vector<32x4096xf32>
    %broadcast_in_dim3A_177 = vector.shape_cast %get3A_7 : vector<32x1xf32> to vector<32x1xf32>
    %broadcast_in_dim3A_178 = vector.broadcast %broadcast_in_dim3A_177 : vector<32x1xf32> to vector<32x4096xf32>
    %select_n3A_179 = arith.select %lt3A_174, %broadcast_in_dim3A_176, %broadcast_in_dim3A_178 : vector<32x4096xi1>, vector<32x4096xf32>
    %get3A_180 = arith.constant 0 : index
    %get3A_181 = arith.constant 8192 : index
    %get3A_182 = vector.load %arg4[%get3A_180, %get3A_181] : memref<32x100000xf32, #tpu.memory_space<vmem>>, vector<32x4096xf32>
    %ge3A_183 = arith.cmpf oge, %get3A_182, %select_n3A_179 : vector<32x4096xf32>
    %jit3A_184 = arith.constant 1.000000e+00 : f32
    %jit3A_185 = arith.constant 0.000000e+00 : f32
    %broadcast_in_dim3A_186 = vector.broadcast %jit3A_184 : f32 to vector<32x4096xf32>
    %broadcast_in_dim3A_187 = vector.broadcast %jit3A_185 : f32 to vector<32x4096xf32>
    %select_n3A_188 = arith.select %ge3A_183, %broadcast_in_dim3A_186, %broadcast_in_dim3A_187 : vector<32x4096xi1>, vector<32x4096xf32>
    %slice3A_189 = vector.extract_strided_slice %select_n3A_188 {offsets = [0, 0], sizes = [32, 128], strides = [1, 1]} : vector<32x4096xf32> to vector<32x128xf32>
    %slice3A_190 = vector.extract_strided_slice %select_n3A_188 {offsets = [0, 128], sizes = [32, 128], strides = [1, 1]} : vector<32x4096xf32> to vector<32x128xf32>
    %add3A_191 = arith.addf %slice3A_189, %slice3A_190 : vector<32x128xf32>
    %slice3A_192 = vector.extract_strided_slice %select_n3A_188 {offsets = [0, 256], sizes = [32, 128], strides = [1, 1]} : vector<32x4096xf32> to vector<32x128xf32>
    %add3A_193 = arith.addf %add3A_191, %slice3A_192 : vector<32x128xf32>
    %slice3A_194 = vector.extract_strided_slice %select_n3A_188 {offsets = [0, 384], sizes = [32, 128], strides = [1, 1]} : vector<32x4096xf32> to vector<32x128xf32>
    %add3A_195 = arith.addf %add3A_193, %slice3A_194 : vector<32x128xf32>
    %slice3A_196 = vector.extract_strided_slice %select_n3A_188 {offsets = [0, 512], sizes = [32, 128], strides = [1, 1]} : vector<32x4096xf32> to vector<32x128xf32>
    %add3A_197 = arith.addf %add3A_195, %slice3A_196 : vector<32x128xf32>
    %slice3A_198 = vector.extract_strided_slice %select_n3A_188 {offsets = [0, 640], sizes = [32, 128], strides = [1, 1]} : vector<32x4096xf32> to vector<32x128xf32>
    %add3A_199 = arith.addf %add3A_197, %slice3A_198 : vector<32x128xf32>
    %slice3A_200 = vector.extract_strided_slice %select_n3A_188 {offsets = [0, 768], sizes = [32, 128], strides = [1, 1]} : vector<32x4096xf32> to vector<32x128xf32>
    %add3A_201 = arith.addf %add3A_199, %slice3A_200 : vector<32x128xf32>
    %slice3A_202 = vector.extract_strided_slice %select_n3A_188 {offsets = [0, 896], sizes = [32, 128], strides = [1, 1]} : vector<32x4096xf32> to vector<32x128xf32>
    %add3A_203 = arith.addf %add3A_201, %slice3A_202 : vector<32x128xf32>
    %slice3A_204 = vector.extract_strided_slice %select_n3A_188 {offsets = [0, 1024], sizes = [32, 128], strides = [1, 1]} : vector<32x4096xf32> to vector<32x128xf32>
    %add3A_205 = arith.addf %add3A_203, %slice3A_204 : vector<32x128xf32>
    %slice3A_206 = vector.extract_strided_slice %select_n3A_188 {offsets = [0, 1152], sizes = [32, 128], strides = [1, 1]} : vector<32x4096xf32> to vector<32x128xf32>
    %add3A_207 = arith.addf %add3A_205, %slice3A_206 : vector<32x128xf32>
    %slice3A_208 = vector.extract_strided_slice %select_n3A_188 {offsets = [0, 1280], sizes = [32, 128], strides = [1, 1]} : vector<32x4096xf32> to vector<32x128xf32>
    %add3A_209 = arith.addf %add3A_207, %slice3A_208 : vector<32x128xf32>
    %slice3A_210 = vector.extract_strided_slice %select_n3A_188 {offsets = [0, 1408], sizes = [32, 128], strides = [1, 1]} : vector<32x4096xf32> to vector<32x128xf32>
    %add3A_211 = arith.addf %add3A_209, %slice3A_210 : vector<32x128xf32>
    %slice3A_212 = vector.extract_strided_slice %select_n3A_188 {offsets = [0, 1536], sizes = [32, 128], strides = [1, 1]} : vector<32x4096xf32> to vector<32x128xf32>
    %add3A_213 = arith.addf %add3A_211, %slice3A_212 : vector<32x128xf32>
    %slice3A_214 = vector.extract_strided_slice %select_n3A_188 {offsets = [0, 1664], sizes = [32, 128], strides = [1, 1]} : vector<32x4096xf32> to vector<32x128xf32>
    %add3A_215 = arith.addf %add3A_213, %slice3A_214 : vector<32x128xf32>
    %slice3A_216 = vector.extract_strided_slice %select_n3A_188 {offsets = [0, 1792], sizes = [32, 128], strides = [1, 1]} : vector<32x4096xf32> to vector<32x128xf32>
    %add3A_217 = arith.addf %add3A_215, %slice3A_216 : vector<32x128xf32>
    %slice3A_218 = vector.extract_strided_slice %select_n3A_188 {offsets = [0, 1920], sizes = [32, 128], strides = [1, 1]} : vector<32x4096xf32> to vector<32x128xf32>
    %add3A_219 = arith.addf %add3A_217, %slice3A_218 : vector<32x128xf32>
    %slice3A_220 = vector.extract_strided_slice %select_n3A_188 {offsets = [0, 2048], sizes = [32, 128], strides = [1, 1]} : vector<32x4096xf32> to vector<32x128xf32>
    %add3A_221 = arith.addf %add3A_219, %slice3A_220 : vector<32x128xf32>
    %slice3A_222 = vector.extract_strided_slice %select_n3A_188 {offsets = [0, 2176], sizes = [32, 128], strides = [1, 1]} : vector<32x4096xf32> to vector<32x128xf32>
    %add3A_223 = arith.addf %add3A_221, %slice3A_222 : vector<32x128xf32>
    %slice3A_224 = vector.extract_strided_slice %select_n3A_188 {offsets = [0, 2304], sizes = [32, 128], strides = [1, 1]} : vector<32x4096xf32> to vector<32x128xf32>
    %add3A_225 = arith.addf %add3A_223, %slice3A_224 : vector<32x128xf32>
    %slice3A_226 = vector.extract_strided_slice %select_n3A_188 {offsets = [0, 2432], sizes = [32, 128], strides = [1, 1]} : vector<32x4096xf32> to vector<32x128xf32>
    %add3A_227 = arith.addf %add3A_225, %slice3A_226 : vector<32x128xf32>
    %slice3A_228 = vector.extract_strided_slice %select_n3A_188 {offsets = [0, 2560], sizes = [32, 128], strides = [1, 1]} : vector<32x4096xf32> to vector<32x128xf32>
    %add3A_229 = arith.addf %add3A_227, %slice3A_228 : vector<32x128xf32>
    %slice3A_230 = vector.extract_strided_slice %select_n3A_188 {offsets = [0, 2688], sizes = [32, 128], strides = [1, 1]} : vector<32x4096xf32> to vector<32x128xf32>
    %add3A_231 = arith.addf %add3A_229, %slice3A_230 : vector<32x128xf32>
    %slice3A_232 = vector.extract_strided_slice %select_n3A_188 {offsets = [0, 2816], sizes = [32, 128], strides = [1, 1]} : vector<32x4096xf32> to vector<32x128xf32>
    %add3A_233 = arith.addf %add3A_231, %slice3A_232 : vector<32x128xf32>
    %slice3A_234 = vector.extract_strided_slice %select_n3A_188 {offsets = [0, 2944], sizes = [32, 128], strides = [1, 1]} : vector<32x4096xf32> to vector<32x128xf32>
    %add3A_235 = arith.addf %add3A_233, %slice3A_234 : vector<32x128xf32>
    %slice3A_236 = vector.extract_strided_slice %select_n3A_188 {offsets = [0, 3072], sizes = [32, 128], strides = [1, 1]} : vector<32x4096xf32> to vector<32x128xf32>
    %add3A_237 = arith.addf %add3A_235, %slice3A_236 : vector<32x128xf32>
    %slice3A_238 = vector.extract_strided_slice %select_n3A_188 {offsets = [0, 3200], sizes = [32, 128], strides = [1, 1]} : vector<32x4096xf32> to vector<32x128xf32>
    %add3A_239 = arith.addf %add3A_237, %slice3A_238 : vector<32x128xf32>
    %slice3A_240 = vector.extract_strided_slice %select_n3A_188 {offsets = [0, 3328], sizes = [32, 128], strides = [1, 1]} : vector<32x4096xf32> to vector<32x128xf32>
    %add3A_241 = arith.addf %add3A_239, %slice3A_240 : vector<32x128xf32>
    %slice3A_242 = vector.extract_strided_slice %select_n3A_188 {offsets = [0, 3456], sizes = [32, 128], strides = [1, 1]} : vector<32x4096xf32> to vector<32x128xf32>
    %add3A_243 = arith.addf %add3A_241, %slice3A_242 : vector<32x128xf32>
    %slice3A_244 = vector.extract_strided_slice %select_n3A_188 {offsets = [0, 3584], sizes = [32, 128], strides = [1, 1]} : vector<32x4096xf32> to vector<32x128xf32>
    %add3A_245 = arith.addf %add3A_243, %slice3A_244 : vector<32x128xf32>
    %slice3A_246 = vector.extract_strided_slice %select_n3A_188 {offsets = [0, 3712], sizes = [32, 128], strides = [1, 1]} : vector<32x4096xf32> to vector<32x128xf32>
    %add3A_247 = arith.addf %add3A_245, %slice3A_246 : vector<32x128xf32>
    %slice3A_248 = vector.extract_strided_slice %select_n3A_188 {offsets = [0, 3840], sizes = [32, 128], strides = [1, 1]} : vector<32x4096xf32> to vector<32x128xf32>
    %add3A_249 = arith.addf %add3A_247, %slice3A_248 : vector<32x128xf32>
    %slice3A_250 = vector.extract_strided_slice %select_n3A_188 {offsets = [0, 3968], sizes = [32, 128], strides = [1, 1]} : vector<32x4096xf32> to vector<32x128xf32>
    %add3A_251 = arith.addf %add3A_249, %slice3A_250 : vector<32x128xf32>
    %add3A_252 = arith.addf %add3A_168, %add3A_251 : vector<32x128xf32>
    %iota3A_253 = tpu.iota {dimensions = array<i32: 1>} : vector<32x4096xi32>
    %sub3A_254 = arith.constant 12288 : i32
    %sub3A_255 = vector.broadcast %sub3A_254 : i32 to vector<32x1xi32>
    %sub3A_256 = arith.subi %get3A_1, %sub3A_255 : vector<32x1xi32>
    %lt3A_257 = vector.broadcast %sub3A_256 : vector<32x1xi32> to vector<32x4096xi32>
    %lt3A_258 = arith.cmpi slt, %iota3A_253, %lt3A_257 : vector<32x4096xi32>
    %broadcast_in_dim3A_259 = vector.shape_cast %get3A_4 : vector<32x1xf32> to vector<32x1xf32>
    %broadcast_in_dim3A_260 = vector.broadcast %broadcast_in_dim3A_259 : vector<32x1xf32> to vector<32x4096xf32>
    %broadcast_in_dim3A_261 = vector.shape_cast %get3A_7 : vector<32x1xf32> to vector<32x1xf32>
    %broadcast_in_dim3A_262 = vector.broadcast %broadcast_in_dim3A_261 : vector<32x1xf32> to vector<32x4096xf32>
    %select_n3A_263 = arith.select %lt3A_258, %broadcast_in_dim3A_260, %broadcast_in_dim3A_262 : vector<32x4096xi1>, vector<32x4096xf32>
    %get3A_264 = arith.constant 0 : index
    %get3A_265 = arith.constant 12288 : index
    %get3A_266 = vector.load %arg4[%get3A_264, %get3A_265] : memref<32x100000xf32, #tpu.memory_space<vmem>>, vector<32x4096xf32>
    %ge3A_267 = arith.cmpf oge, %get3A_266, %select_n3A_263 : vector<32x4096xf32>
    %jit3A_268 = arith.constant 1.000000e+00 : f32
    %jit3A_269 = arith.constant 0.000000e+00 : f32
    %broadcast_in_dim3A_270 = vector.broadcast %jit3A_268 : f32 to vector<32x4096xf32>
    %broadcast_in_dim3A_271 = vector.broadcast %jit3A_269 : f32 to vector<32x4096xf32>
    %select_n3A_272 = arith.select %ge3A_267, %broadcast_in_dim3A_270, %broadcast_in_dim3A_271 : vector<32x4096xi1>, vector<32x4096xf32>
    %slice3A_273 = vector.extract_strided_slice %select_n3A_272 {offsets = [0, 0], sizes = [32, 128], strides = [1, 1]} : vector<32x4096xf32> to vector<32x128xf32>
    %slice3A_274 = vector.extract_strided_slice %select_n3A_272 {offsets = [0, 128], sizes = [32, 128], strides = [1, 1]} : vector<32x4096xf32> to vector<32x128xf32>
    %add3A_275 = arith.addf %slice3A_273, %slice3A_274 : vector<32x128xf32>
    %slice3A_276 = vector.extract_strided_slice %select_n3A_272 {offsets = [0, 256], sizes = [32, 128], strides = [1, 1]} : vector<32x4096xf32> to vector<32x128xf32>
    %add3A_277 = arith.addf %add3A_275, %slice3A_276 : vector<32x128xf32>
    %slice3A_278 = vector.extract_strided_slice %select_n3A_272 {offsets = [0, 384], sizes = [32, 128], strides = [1, 1]} : vector<32x4096xf32> to vector<32x128xf32>
    %add3A_279 = arith.addf %add3A_277, %slice3A_278 : vector<32x128xf32>
    %slice3A_280 = vector.extract_strided_slice %select_n3A_272 {offsets = [0, 512], sizes = [32, 128], strides = [1, 1]} : vector<32x4096xf32> to vector<32x128xf32>
    %add3A_281 = arith.addf %add3A_279, %slice3A_280 : vector<32x128xf32>
    %slice3A_282 = vector.extract_strided_slice %select_n3A_272 {offsets = [0, 640], sizes = [32, 128], strides = [1, 1]} : vector<32x4096xf32> to vector<32x128xf32>
    %add3A_283 = arith.addf %add3A_281, %slice3A_282 : vector<32x128xf32>
    %slice3A_284 = vector.extract_strided_slice %select_n3A_272 {offsets = [0, 768], sizes = [32, 128], strides = [1, 1]} : vector<32x4096xf32> to vector<32x128xf32>
    %add3A_285 = arith.addf %add3A_283, %slice3A_284 : vector<32x128xf32>
    %slice3A_286 = vector.extract_strided_slice %select_n3A_272 {offsets = [0, 896], sizes = [32, 128], strides = [1, 1]} : vector<32x4096xf32> to vector<32x128xf32>
    %add3A_287 = arith.addf %add3A_285, %slice3A_286 : vector<32x128xf32>
    %slice3A_288 = vector.extract_strided_slice %select_n3A_272 {offsets = [0, 1024], sizes = [32, 128], strides = [1, 1]} : vector<32x4096xf32> to vector<32x128xf32>
    %add3A_289 = arith.addf %add3A_287, %slice3A_288 : vector<32x128xf32>
    %slice3A_290 = vector.extract_strided_slice %select_n3A_272 {offsets = [0, 1152], sizes = [32, 128], strides = [1, 1]} : vector<32x4096xf32> to vector<32x128xf32>
    %add3A_291 = arith.addf %add3A_289, %slice3A_290 : vector<32x128xf32>
    %slice3A_292 = vector.extract_strided_slice %select_n3A_272 {offsets = [0, 1280], sizes = [32, 128], strides = [1, 1]} : vector<32x4096xf32> to vector<32x128xf32>
    %add3A_293 = arith.addf %add3A_291, %slice3A_292 : vector<32x128xf32>
    %slice3A_294 = vector.extract_strided_slice %select_n3A_272 {offsets = [0, 1408], sizes = [32, 128], strides = [1, 1]} : vector<32x4096xf32> to vector<32x128xf32>
    %add3A_295 = arith.addf %add3A_293, %slice3A_294 : vector<32x128xf32>
    %slice3A_296 = vector.extract_strided_slice %select_n3A_272 {offsets = [0, 1536], sizes = [32, 128], strides = [1, 1]} : vector<32x4096xf32> to vector<32x128xf32>
    %add3A_297 = arith.addf %add3A_295, %slice3A_296 : vector<32x128xf32>
    %slice3A_298 = vector.extract_strided_slice %select_n3A_272 {offsets = [0, 1664], sizes = [32, 128], strides = [1, 1]} : vector<32x4096xf32> to vector<32x128xf32>
    %add3A_299 = arith.addf %add3A_297, %slice3A_298 : vector<32x128xf32>
    %slice3A_300 = vector.extract_strided_slice %select_n3A_272 {offsets = [0, 1792], sizes = [32, 128], strides = [1, 1]} : vector<32x4096xf32> to vector<32x128xf32>
    %add3A_301 = arith.addf %add3A_299, %slice3A_300 : vector<32x128xf32>
    %slice3A_302 = vector.extract_strided_slice %select_n3A_272 {offsets = [0, 1920], sizes = [32, 128], strides = [1, 1]} : vector<32x4096xf32> to vector<32x128xf32>
    %add3A_303 = arith.addf %add3A_301, %slice3A_302 : vector<32x128xf32>
    %slice3A_304 = vector.extract_strided_slice %select_n3A_272 {offsets = [0, 2048], sizes = [32, 128], strides = [1, 1]} : vector<32x4096xf32> to vector<32x128xf32>
    %add3A_305 = arith.addf %add3A_303, %slice3A_304 : vector<32x128xf32>
    %slice3A_306 = vector.extract_strided_slice %select_n3A_272 {offsets = [0, 2176], sizes = [32, 128], strides = [1, 1]} : vector<32x4096xf32> to vector<32x128xf32>
    %add3A_307 = arith.addf %add3A_305, %slice3A_306 : vector<32x128xf32>
    %slice3A_308 = vector.extract_strided_slice %select_n3A_272 {offsets = [0, 2304], sizes = [32, 128], strides = [1, 1]} : vector<32x4096xf32> to vector<32x128xf32>
    %add3A_309 = arith.addf %add3A_307, %slice3A_308 : vector<32x128xf32>
    %slice3A_310 = vector.extract_strided_slice %select_n3A_272 {offsets = [0, 2432], sizes = [32, 128], strides = [1, 1]} : vector<32x4096xf32> to vector<32x128xf32>
    %add3A_311 = arith.addf %add3A_309, %slice3A_310 : vector<32x128xf32>
    %slice3A_312 = vector.extract_strided_slice %select_n3A_272 {offsets = [0, 2560], sizes = [32, 128], strides = [1, 1]} : vector<32x4096xf32> to vector<32x128xf32>
    %add3A_313 = arith.addf %add3A_311, %slice3A_312 : vector<32x128xf32>
    %slice3A_314 = vector.extract_strided_slice %select_n3A_272 {offsets = [0, 2688], sizes = [32, 128], strides = [1, 1]} : vector<32x4096xf32> to vector<32x128xf32>
    %add3A_315 = arith.addf %add3A_313, %slice3A_314 : vector<32x128xf32>
    %slice3A_316 = vector.extract_strided_slice %select_n3A_272 {offsets = [0, 2816], sizes = [32, 128], strides = [1, 1]} : vector<32x4096xf32> to vector<32x128xf32>
    %add3A_317 = arith.addf %add3A_315, %slice3A_316 : vector<32x128xf32>
    %slice3A_318 = vector.extract_strided_slice %select_n3A_272 {offsets = [0, 2944], sizes = [32, 128], strides = [1, 1]} : vector<32x4096xf32> to vector<32x128xf32>
    %add3A_319 = arith.addf %add3A_317, %slice3A_318 : vector<32x128xf32>
    %slice3A_320 = vector.extract_strided_slice %select_n3A_272 {offsets = [0, 3072], sizes = [32, 128], strides = [1, 1]} : vector<32x4096xf32> to vector<32x128xf32>
    %add3A_321 = arith.addf %add3A_319, %slice3A_320 : vector<32x128xf32>
    %slice3A_322 = vector.extract_strided_slice %select_n3A_272 {offsets = [0, 3200], sizes = [32, 128], strides = [1, 1]} : vector<32x4096xf32> to vector<32x128xf32>
    %add3A_323 = arith.addf %add3A_321, %slice3A_322 : vector<32x128xf32>
    %slice3A_324 = vector.extract_strided_slice %select_n3A_272 {offsets = [0, 3328], sizes = [32, 128], strides = [1, 1]} : vector<32x4096xf32> to vector<32x128xf32>
    %add3A_325 = arith.addf %add3A_323, %slice3A_324 : vector<32x128xf32>
    %slice3A_326 = vector.extract_strided_slice %select_n3A_272 {offsets = [0, 3456], sizes = [32, 128], strides = [1, 1]} : vector<32x4096xf32> to vector<32x128xf32>
    %add3A_327 = arith.addf %add3A_325, %slice3A_326 : vector<32x128xf32>
    %slice3A_328 = vector.extract_strided_slice %select_n3A_272 {offsets = [0, 3584], sizes = [32, 128], strides = [1, 1]} : vector<32x4096xf32> to vector<32x128xf32>
    %add3A_329 = arith.addf %add3A_327, %slice3A_328 : vector<32x128xf32>
    %slice3A_330 = vector.extract_strided_slice %select_n3A_272 {offsets = [0, 3712], sizes = [32, 128], strides = [1, 1]} : vector<32x4096xf32> to vector<32x128xf32>
    %add3A_331 = arith.addf %add3A_329, %slice3A_330 : vector<32x128xf32>
    %slice3A_332 = vector.extract_strided_slice %select_n3A_272 {offsets = [0, 3840], sizes = [32, 128], strides = [1, 1]} : vector<32x4096xf32> to vector<32x128xf32>
    %add3A_333 = arith.addf %add3A_331, %slice3A_332 : vector<32x128xf32>
    %slice3A_334 = vector.extract_strided_slice %select_n3A_272 {offsets = [0, 3968], sizes = [32, 128], strides = [1, 1]} : vector<32x4096xf32> to vector<32x128xf32>
    %add3A_335 = arith.addf %add3A_333, %slice3A_334 : vector<32x128xf32>
    %add3A_336 = arith.addf %add3A_252, %add3A_335 : vector<32x128xf32>
    %iota3A_337 = tpu.iota {dimensions = array<i32: 1>} : vector<32x4096xi32>
    %sub3A_338 = arith.constant 16384 : i32
    %sub3A_339 = vector.broadcast %sub3A_338 : i32 to vector<32x1xi32>
    %sub3A_340 = arith.subi %get3A_1, %sub3A_339 : vector<32x1xi32>
    %lt3A_341 = vector.broadcast %sub3A_340 : vector<32x1xi32> to vector<32x4096xi32>
    %lt3A_342 = arith.cmpi slt, %iota3A_337, %lt3A_341 : vector<32x4096xi32>
    %broadcast_in_dim3A_343 = vector.shape_cast %get3A_4 : vector<32x1xf32> to vector<32x1xf32>
    %broadcast_in_dim3A_344 = vector.broadcast %broadcast_in_dim3A_343 : vector<32x1xf32> to vector<32x4096xf32>
    %broadcast_in_dim3A_345 = vector.shape_cast %get3A_7 : vector<32x1xf32> to vector<32x1xf32>
    %broadcast_in_dim3A_346 = vector.broadcast %broadcast_in_dim3A_345 : vector<32x1xf32> to vector<32x4096xf32>
    %select_n3A_347 = arith.select %lt3A_342, %broadcast_in_dim3A_344, %broadcast_in_dim3A_346 : vector<32x4096xi1>, vector<32x4096xf32>
    %get3A_348 = arith.constant 0 : index
    %get3A_349 = arith.constant 16384 : index
    %get3A_350 = vector.load %arg4[%get3A_348, %get3A_349] : memref<32x100000xf32, #tpu.memory_space<vmem>>, vector<32x4096xf32>
    %ge3A_351 = arith.cmpf oge, %get3A_350, %select_n3A_347 : vector<32x4096xf32>
    %jit3A_352 = arith.constant 1.000000e+00 : f32
    %jit3A_353 = arith.constant 0.000000e+00 : f32
    %broadcast_in_dim3A_354 = vector.broadcast %jit3A_352 : f32 to vector<32x4096xf32>
    %broadcast_in_dim3A_355 = vector.broadcast %jit3A_353 : f32 to vector<32x4096xf32>
    %select_n3A_356 = arith.select %ge3A_351, %broadcast_in_dim3A_354, %broadcast_in_dim3A_355 : vector<32x4096xi1>, vector<32x4096xf32>
    %slice3A_357 = vector.extract_strided_slice %select_n3A_356 {offsets = [0, 0], sizes = [32, 128], strides = [1, 1]} : vector<32x4096xf32> to vector<32x128xf32>
    %slice3A_358 = vector.extract_strided_slice %select_n3A_356 {offsets = [0, 128], sizes = [32, 128], strides = [1, 1]} : vector<32x4096xf32> to vector<32x128xf32>
    %add3A_359 = arith.addf %slice3A_357, %slice3A_358 : vector<32x128xf32>
    %slice3A_360 = vector.extract_strided_slice %select_n3A_356 {offsets = [0, 256], sizes = [32, 128], strides = [1, 1]} : vector<32x4096xf32> to vector<32x128xf32>
    %add3A_361 = arith.addf %add3A_359, %slice3A_360 : vector<32x128xf32>
    %slice3A_362 = vector.extract_strided_slice %select_n3A_356 {offsets = [0, 384], sizes = [32, 128], strides = [1, 1]} : vector<32x4096xf32> to vector<32x128xf32>
    %add3A_363 = arith.addf %add3A_361, %slice3A_362 : vector<32x128xf32>
    %slice3A_364 = vector.extract_strided_slice %select_n3A_356 {offsets = [0, 512], sizes = [32, 128], strides = [1, 1]} : vector<32x4096xf32> to vector<32x128xf32>
    %add3A_365 = arith.addf %add3A_363, %slice3A_364 : vector<32x128xf32>
    %slice3A_366 = vector.extract_strided_slice %select_n3A_356 {offsets = [0, 640], sizes = [32, 128], strides = [1, 1]} : vector<32x4096xf32> to vector<32x128xf32>
    %add3A_367 = arith.addf %add3A_365, %slice3A_366 : vector<32x128xf32>
    %slice3A_368 = vector.extract_strided_slice %select_n3A_356 {offsets = [0, 768], sizes = [32, 128], strides = [1, 1]} : vector<32x4096xf32> to vector<32x128xf32>
    %add3A_369 = arith.addf %add3A_367, %slice3A_368 : vector<32x128xf32>
    %slice3A_370 = vector.extract_strided_slice %select_n3A_356 {offsets = [0, 896], sizes = [32, 128], strides = [1, 1]} : vector<32x4096xf32> to vector<32x128xf32>
    %add3A_371 = arith.addf %add3A_369, %slice3A_370 : vector<32x128xf32>
    %slice3A_372 = vector.extract_strided_slice %select_n3A_356 {offsets = [0, 1024], sizes = [32, 128], strides = [1, 1]} : vector<32x4096xf32> to vector<32x128xf32>
    %add3A_373 = arith.addf %add3A_371, %slice3A_372 : vector<32x128xf32>
    %slice3A_374 = vector.extract_strided_slice %select_n3A_356 {offsets = [0, 1152], sizes = [32, 128], strides = [1, 1]} : vector<32x4096xf32> to vector<32x128xf32>
    %add3A_375 = arith.addf %add3A_373, %slice3A_374 : vector<32x128xf32>
    %slice3A_376 = vector.extract_strided_slice %select_n3A_356 {offsets = [0, 1280], sizes = [32, 128], strides = [1, 1]} : vector<32x4096xf32> to vector<32x128xf32>
    %add3A_377 = arith.addf %add3A_375, %slice3A_376 : vector<32x128xf32>
    %slice3A_378 = vector.extract_strided_slice %select_n3A_356 {offsets = [0, 1408], sizes = [32, 128], strides = [1, 1]} : vector<32x4096xf32> to vector<32x128xf32>
    %add3A_379 = arith.addf %add3A_377, %slice3A_378 : vector<32x128xf32>
    %slice3A_380 = vector.extract_strided_slice %select_n3A_356 {offsets = [0, 1536], sizes = [32, 128], strides = [1, 1]} : vector<32x4096xf32> to vector<32x128xf32>
    %add3A_381 = arith.addf %add3A_379, %slice3A_380 : vector<32x128xf32>
    %slice3A_382 = vector.extract_strided_slice %select_n3A_356 {offsets = [0, 1664], sizes = [32, 128], strides = [1, 1]} : vector<32x4096xf32> to vector<32x128xf32>
    %add3A_383 = arith.addf %add3A_381, %slice3A_382 : vector<32x128xf32>
    %slice3A_384 = vector.extract_strided_slice %select_n3A_356 {offsets = [0, 1792], sizes = [32, 128], strides = [1, 1]} : vector<32x4096xf32> to vector<32x128xf32>
    %add3A_385 = arith.addf %add3A_383, %slice3A_384 : vector<32x128xf32>
    %slice3A_386 = vector.extract_strided_slice %select_n3A_356 {offsets = [0, 1920], sizes = [32, 128], strides = [1, 1]} : vector<32x4096xf32> to vector<32x128xf32>
    %add3A_387 = arith.addf %add3A_385, %slice3A_386 : vector<32x128xf32>
    %slice3A_388 = vector.extract_strided_slice %select_n3A_356 {offsets = [0, 2048], sizes = [32, 128], strides = [1, 1]} : vector<32x4096xf32> to vector<32x128xf32>
    %add3A_389 = arith.addf %add3A_387, %slice3A_388 : vector<32x128xf32>
    %slice3A_390 = vector.extract_strided_slice %select_n3A_356 {offsets = [0, 2176], sizes = [32, 128], strides = [1, 1]} : vector<32x4096xf32> to vector<32x128xf32>
    %add3A_391 = arith.addf %add3A_389, %slice3A_390 : vector<32x128xf32>
    %slice3A_392 = vector.extract_strided_slice %select_n3A_356 {offsets = [0, 2304], sizes = [32, 128], strides = [1, 1]} : vector<32x4096xf32> to vector<32x128xf32>
    %add3A_393 = arith.addf %add3A_391, %slice3A_392 : vector<32x128xf32>
    %slice3A_394 = vector.extract_strided_slice %select_n3A_356 {offsets = [0, 2432], sizes = [32, 128], strides = [1, 1]} : vector<32x4096xf32> to vector<32x128xf32>
    %add3A_395 = arith.addf %add3A_393, %slice3A_394 : vector<32x128xf32>
    %slice3A_396 = vector.extract_strided_slice %select_n3A_356 {offsets = [0, 2560], sizes = [32, 128], strides = [1, 1]} : vector<32x4096xf32> to vector<32x128xf32>
    %add3A_397 = arith.addf %add3A_395, %slice3A_396 : vector<32x128xf32>
    %slice3A_398 = vector.extract_strided_slice %select_n3A_356 {offsets = [0, 2688], sizes = [32, 128], strides = [1, 1]} : vector<32x4096xf32> to vector<32x128xf32>
    %add3A_399 = arith.addf %add3A_397, %slice3A_398 : vector<32x128xf32>
    %slice3A_400 = vector.extract_strided_slice %select_n3A_356 {offsets = [0, 2816], sizes = [32, 128], strides = [1, 1]} : vector<32x4096xf32> to vector<32x128xf32>
    %add3A_401 = arith.addf %add3A_399, %slice3A_400 : vector<32x128xf32>
    %slice3A_402 = vector.extract_strided_slice %select_n3A_356 {offsets = [0, 2944], sizes = [32, 128], strides = [1, 1]} : vector<32x4096xf32> to vector<32x128xf32>
    %add3A_403 = arith.addf %add3A_401, %slice3A_402 : vector<32x128xf32>
    %slice3A_404 = vector.extract_strided_slice %select_n3A_356 {offsets = [0, 3072], sizes = [32, 128], strides = [1, 1]} : vector<32x4096xf32> to vector<32x128xf32>
    %add3A_405 = arith.addf %add3A_403, %slice3A_404 : vector<32x128xf32>
    %slice3A_406 = vector.extract_strided_slice %select_n3A_356 {offsets = [0, 3200], sizes = [32, 128], strides = [1, 1]} : vector<32x4096xf32> to vector<32x128xf32>
    %add3A_407 = arith.addf %add3A_405, %slice3A_406 : vector<32x128xf32>
    %slice3A_408 = vector.extract_strided_slice %select_n3A_356 {offsets = [0, 3328], sizes = [32, 128], strides = [1, 1]} : vector<32x4096xf32> to vector<32x128xf32>
    %add3A_409 = arith.addf %add3A_407, %slice3A_408 : vector<32x128xf32>
    %slice3A_410 = vector.extract_strided_slice %select_n3A_356 {offsets = [0, 3456], sizes = [32, 128], strides = [1, 1]} : vector<32x4096xf32> to vector<32x128xf32>
    %add3A_411 = arith.addf %add3A_409, %slice3A_410 : vector<32x128xf32>
    %slice3A_412 = vector.extract_strided_slice %select_n3A_356 {offsets = [0, 3584], sizes = [32, 128], strides = [1, 1]} : vector<32x4096xf32> to vector<32x128xf32>
    %add3A_413 = arith.addf %add3A_411, %slice3A_412 : vector<32x128xf32>
    %slice3A_414 = vector.extract_strided_slice %select_n3A_356 {offsets = [0, 3712], sizes = [32, 128], strides = [1, 1]} : vector<32x4096xf32> to vector<32x128xf32>
    %add3A_415 = arith.addf %add3A_413, %slice3A_414 : vector<32x128xf32>
    %slice3A_416 = vector.extract_strided_slice %select_n3A_356 {offsets = [0, 3840], sizes = [32, 128], strides = [1, 1]} : vector<32x4096xf32> to vector<32x128xf32>
    %add3A_417 = arith.addf %add3A_415, %slice3A_416 : vector<32x128xf32>
    %slice3A_418 = vector.extract_strided_slice %select_n3A_356 {offsets = [0, 3968], sizes = [32, 128], strides = [1, 1]} : vector<32x4096xf32> to vector<32x128xf32>
    %add3A_419 = arith.addf %add3A_417, %slice3A_418 : vector<32x128xf32>
    %add3A_420 = arith.addf %add3A_336, %add3A_419 : vector<32x128xf32>
    %iota3A_421 = tpu.iota {dimensions = array<i32: 1>} : vector<32x4096xi32>
    %sub3A_422 = arith.constant 20480 : i32
    %sub3A_423 = vector.broadcast %sub3A_422 : i32 to vector<32x1xi32>
    %sub3A_424 = arith.subi %get3A_1, %sub3A_423 : vector<32x1xi32>
    %lt3A_425 = vector.broadcast %sub3A_424 : vector<32x1xi32> to vector<32x4096xi32>
    %lt3A_426 = arith.cmpi slt, %iota3A_421, %lt3A_425 : vector<32x4096xi32>
    %broadcast_in_dim3A_427 = vector.shape_cast %get3A_4 : vector<32x1xf32> to vector<32x1xf32>
    %broadcast_in_dim3A_428 = vector.broadcast %broadcast_in_dim3A_427 : vector<32x1xf32> to vector<32x4096xf32>
    %broadcast_in_dim3A_429 = vector.shape_cast %get3A_7 : vector<32x1xf32> to vector<32x1xf32>
    %broadcast_in_dim3A_430 = vector.broadcast %broadcast_in_dim3A_429 : vector<32x1xf32> to vector<32x4096xf32>
    %select_n3A_431 = arith.select %lt3A_426, %broadcast_in_dim3A_428, %broadcast_in_dim3A_430 : vector<32x4096xi1>, vector<32x4096xf32>
    %get3A_432 = arith.constant 0 : index
    %get3A_433 = arith.constant 20480 : index
    %get3A_434 = vector.load %arg4[%get3A_432, %get3A_433] : memref<32x100000xf32, #tpu.memory_space<vmem>>, vector<32x4096xf32>
    %ge3A_435 = arith.cmpf oge, %get3A_434, %select_n3A_431 : vector<32x4096xf32>
    %jit3A_436 = arith.constant 1.000000e+00 : f32
    %jit3A_437 = arith.constant 0.000000e+00 : f32
    %broadcast_in_dim3A_438 = vector.broadcast %jit3A_436 : f32 to vector<32x4096xf32>
    %broadcast_in_dim3A_439 = vector.broadcast %jit3A_437 : f32 to vector<32x4096xf32>
    %select_n3A_440 = arith.select %ge3A_435, %broadcast_in_dim3A_438, %broadcast_in_dim3A_439 : vector<32x4096xi1>, vector<32x4096xf32>
    %slice3A_441 = vector.extract_strided_slice %select_n3A_440 {offsets = [0, 0], sizes = [32, 128], strides = [1, 1]} : vector<32x4096xf32> to vector<32x128xf32>
    %slice3A_442 = vector.extract_strided_slice %select_n3A_440 {offsets = [0, 128], sizes = [32, 128], strides = [1, 1]} : vector<32x4096xf32> to vector<32x128xf32>
    %add3A_443 = arith.addf %slice3A_441, %slice3A_442 : vector<32x128xf32>
    %slice3A_444 = vector.extract_strided_slice %select_n3A_440 {offsets = [0, 256], sizes = [32, 128], strides = [1, 1]} : vector<32x4096xf32> to vector<32x128xf32>
    %add3A_445 = arith.addf %add3A_443, %slice3A_444 : vector<32x128xf32>
    %slice3A_446 = vector.extract_strided_slice %select_n3A_440 {offsets = [0, 384], sizes = [32, 128], strides = [1, 1]} : vector<32x4096xf32> to vector<32x128xf32>
    %add3A_447 = arith.addf %add3A_445, %slice3A_446 : vector<32x128xf32>
    %slice3A_448 = vector.extract_strided_slice %select_n3A_440 {offsets = [0, 512], sizes = [32, 128], strides = [1, 1]} : vector<32x4096xf32> to vector<32x128xf32>
    %add3A_449 = arith.addf %add3A_447, %slice3A_448 : vector<32x128xf32>
    %slice3A_450 = vector.extract_strided_slice %select_n3A_440 {offsets = [0, 640], sizes = [32, 128], strides = [1, 1]} : vector<32x4096xf32> to vector<32x128xf32>
    %add3A_451 = arith.addf %add3A_449, %slice3A_450 : vector<32x128xf32>
    %slice3A_452 = vector.extract_strided_slice %select_n3A_440 {offsets = [0, 768], sizes = [32, 128], strides = [1, 1]} : vector<32x4096xf32> to vector<32x128xf32>
    %add3A_453 = arith.addf %add3A_451, %slice3A_452 : vector<32x128xf32>
    %slice3A_454 = vector.extract_strided_slice %select_n3A_440 {offsets = [0, 896], sizes = [32, 128], strides = [1, 1]} : vector<32x4096xf32> to vector<32x128xf32>
    %add3A_455 = arith.addf %add3A_453, %slice3A_454 : vector<32x128xf32>
    %slice3A_456 = vector.extract_strided_slice %select_n3A_440 {offsets = [0, 1024], sizes = [32, 128], strides = [1, 1]} : vector<32x4096xf32> to vector<32x128xf32>
    %add3A_457 = arith.addf %add3A_455, %slice3A_456 : vector<32x128xf32>
    %slice3A_458 = vector.extract_strided_slice %select_n3A_440 {offsets = [0, 1152], sizes = [32, 128], strides = [1, 1]} : vector<32x4096xf32> to vector<32x128xf32>
    %add3A_459 = arith.addf %add3A_457, %slice3A_458 : vector<32x128xf32>
    %slice3A_460 = vector.extract_strided_slice %select_n3A_440 {offsets = [0, 1280], sizes = [32, 128], strides = [1, 1]} : vector<32x4096xf32> to vector<32x128xf32>
    %add3A_461 = arith.addf %add3A_459, %slice3A_460 : vector<32x128xf32>
    %slice3A_462 = vector.extract_strided_slice %select_n3A_440 {offsets = [0, 1408], sizes = [32, 128], strides = [1, 1]} : vector<32x4096xf32> to vector<32x128xf32>
    %add3A_463 = arith.addf %add3A_461, %slice3A_462 : vector<32x128xf32>
    %slice3A_464 = vector.extract_strided_slice %select_n3A_440 {offsets = [0, 1536], sizes = [32, 128], strides = [1, 1]} : vector<32x4096xf32> to vector<32x128xf32>
    %add3A_465 = arith.addf %add3A_463, %slice3A_464 : vector<32x128xf32>
    %slice3A_466 = vector.extract_strided_slice %select_n3A_440 {offsets = [0, 1664], sizes = [32, 128], strides = [1, 1]} : vector<32x4096xf32> to vector<32x128xf32>
    %add3A_467 = arith.addf %add3A_465, %slice3A_466 : vector<32x128xf32>
    %slice3A_468 = vector.extract_strided_slice %select_n3A_440 {offsets = [0, 1792], sizes = [32, 128], strides = [1, 1]} : vector<32x4096xf32> to vector<32x128xf32>
    %add3A_469 = arith.addf %add3A_467, %slice3A_468 : vector<32x128xf32>
    %slice3A_470 = vector.extract_strided_slice %select_n3A_440 {offsets = [0, 1920], sizes = [32, 128], strides = [1, 1]} : vector<32x4096xf32> to vector<32x128xf32>
    %add3A_471 = arith.addf %add3A_469, %slice3A_470 : vector<32x128xf32>
    %slice3A_472 = vector.extract_strided_slice %select_n3A_440 {offsets = [0, 2048], sizes = [32, 128], strides = [1, 1]} : vector<32x4096xf32> to vector<32x128xf32>
    %add3A_473 = arith.addf %add3A_471, %slice3A_472 : vector<32x128xf32>
    %slice3A_474 = vector.extract_strided_slice %select_n3A_440 {offsets = [0, 2176], sizes = [32, 128], strides = [1, 1]} : vector<32x4096xf32> to vector<32x128xf32>
    %add3A_475 = arith.addf %add3A_473, %slice3A_474 : vector<32x128xf32>
    %slice3A_476 = vector.extract_strided_slice %select_n3A_440 {offsets = [0, 2304], sizes = [32, 128], strides = [1, 1]} : vector<32x4096xf32> to vector<32x128xf32>
    %add3A_477 = arith.addf %add3A_475, %slice3A_476 : vector<32x128xf32>
    %slice3A_478 = vector.extract_strided_slice %select_n3A_440 {offsets = [0, 2432], sizes = [32, 128], strides = [1, 1]} : vector<32x4096xf32> to vector<32x128xf32>
    %add3A_479 = arith.addf %add3A_477, %slice3A_478 : vector<32x128xf32>
    %slice3A_480 = vector.extract_strided_slice %select_n3A_440 {offsets = [0, 2560], sizes = [32, 128], strides = [1, 1]} : vector<32x4096xf32> to vector<32x128xf32>
    %add3A_481 = arith.addf %add3A_479, %slice3A_480 : vector<32x128xf32>
    %slice3A_482 = vector.extract_strided_slice %select_n3A_440 {offsets = [0, 2688], sizes = [32, 128], strides = [1, 1]} : vector<32x4096xf32> to vector<32x128xf32>
    %add3A_483 = arith.addf %add3A_481, %slice3A_482 : vector<32x128xf32>
    %slice3A_484 = vector.extract_strided_slice %select_n3A_440 {offsets = [0, 2816], sizes = [32, 128], strides = [1, 1]} : vector<32x4096xf32> to vector<32x128xf32>
    %add3A_485 = arith.addf %add3A_483, %slice3A_484 : vector<32x128xf32>
    %slice3A_486 = vector.extract_strided_slice %select_n3A_440 {offsets = [0, 2944], sizes = [32, 128], strides = [1, 1]} : vector<32x4096xf32> to vector<32x128xf32>
    %add3A_487 = arith.addf %add3A_485, %slice3A_486 : vector<32x128xf32>
    %slice3A_488 = vector.extract_strided_slice %select_n3A_440 {offsets = [0, 3072], sizes = [32, 128], strides = [1, 1]} : vector<32x4096xf32> to vector<32x128xf32>
    %add3A_489 = arith.addf %add3A_487, %slice3A_488 : vector<32x128xf32>
    %slice3A_490 = vector.extract_strided_slice %select_n3A_440 {offsets = [0, 3200], sizes = [32, 128], strides = [1, 1]} : vector<32x4096xf32> to vector<32x128xf32>
    %add3A_491 = arith.addf %add3A_489, %slice3A_490 : vector<32x128xf32>
    %slice3A_492 = vector.extract_strided_slice %select_n3A_440 {offsets = [0, 3328], sizes = [32, 128], strides = [1, 1]} : vector<32x4096xf32> to vector<32x128xf32>
    %add3A_493 = arith.addf %add3A_491, %slice3A_492 : vector<32x128xf32>
    %slice3A_494 = vector.extract_strided_slice %select_n3A_440 {offsets = [0, 3456], sizes = [32, 128], strides = [1, 1]} : vector<32x4096xf32> to vector<32x128xf32>
    %add3A_495 = arith.addf %add3A_493, %slice3A_494 : vector<32x128xf32>
    %slice3A_496 = vector.extract_strided_slice %select_n3A_440 {offsets = [0, 3584], sizes = [32, 128], strides = [1, 1]} : vector<32x4096xf32> to vector<32x128xf32>
    %add3A_497 = arith.addf %add3A_495, %slice3A_496 : vector<32x128xf32>
    %slice3A_498 = vector.extract_strided_slice %select_n3A_440 {offsets = [0, 3712], sizes = [32, 128], strides = [1, 1]} : vector<32x4096xf32> to vector<32x128xf32>
    %add3A_499 = arith.addf %add3A_497, %slice3A_498 : vector<32x128xf32>
    %slice3A_500 = vector.extract_strided_slice %select_n3A_440 {offsets = [0, 3840], sizes = [32, 128], strides = [1, 1]} : vector<32x4096xf32> to vector<32x128xf32>
    %add3A_501 = arith.addf %add3A_499, %slice3A_500 : vector<32x128xf32>
    %slice3A_502 = vector.extract_strided_slice %select_n3A_440 {offsets = [0, 3968], sizes = [32, 128], strides = [1, 1]} : vector<32x4096xf32> to vector<32x128xf32>
    %add3A_503 = arith.addf %add3A_501, %slice3A_502 : vector<32x128xf32>
    %add3A_504 = arith.addf %add3A_420, %add3A_503 : vector<32x128xf32>
    %iota3A_505 = tpu.iota {dimensions = array<i32: 1>} : vector<32x4096xi32>
    %sub3A_506 = arith.constant 24576 : i32
    %sub3A_507 = vector.broadcast %sub3A_506 : i32 to vector<32x1xi32>
    %sub3A_508 = arith.subi %get3A_1, %sub3A_507 : vector<32x1xi32>
    %lt3A_509 = vector.broadcast %sub3A_508 : vector<32x1xi32> to vector<32x4096xi32>
    %lt3A_510 = arith.cmpi slt, %iota3A_505, %lt3A_509 : vector<32x4096xi32>
    %broadcast_in_dim3A_511 = vector.shape_cast %get3A_4 : vector<32x1xf32> to vector<32x1xf32>
    %broadcast_in_dim3A_512 = vector.broadcast %broadcast_in_dim3A_511 : vector<32x1xf32> to vector<32x4096xf32>
    %broadcast_in_dim3A_513 = vector.shape_cast %get3A_7 : vector<32x1xf32> to vector<32x1xf32>
    %broadcast_in_dim3A_514 = vector.broadcast %broadcast_in_dim3A_513 : vector<32x1xf32> to vector<32x4096xf32>
    %select_n3A_515 = arith.select %lt3A_510, %broadcast_in_dim3A_512, %broadcast_in_dim3A_514 : vector<32x4096xi1>, vector<32x4096xf32>
    %get3A_516 = arith.constant 0 : index
    %get3A_517 = arith.constant 24576 : index
    %get3A_518 = vector.load %arg4[%get3A_516, %get3A_517] : memref<32x100000xf32, #tpu.memory_space<vmem>>, vector<32x4096xf32>
    %ge3A_519 = arith.cmpf oge, %get3A_518, %select_n3A_515 : vector<32x4096xf32>
    %jit3A_520 = arith.constant 1.000000e+00 : f32
    %jit3A_521 = arith.constant 0.000000e+00 : f32
    %broadcast_in_dim3A_522 = vector.broadcast %jit3A_520 : f32 to vector<32x4096xf32>
    %broadcast_in_dim3A_523 = vector.broadcast %jit3A_521 : f32 to vector<32x4096xf32>
    %select_n3A_524 = arith.select %ge3A_519, %broadcast_in_dim3A_522, %broadcast_in_dim3A_523 : vector<32x4096xi1>, vector<32x4096xf32>
    %slice3A_525 = vector.extract_strided_slice %select_n3A_524 {offsets = [0, 0], sizes = [32, 128], strides = [1, 1]} : vector<32x4096xf32> to vector<32x128xf32>
    %slice3A_526 = vector.extract_strided_slice %select_n3A_524 {offsets = [0, 128], sizes = [32, 128], strides = [1, 1]} : vector<32x4096xf32> to vector<32x128xf32>
    %add3A_527 = arith.addf %slice3A_525, %slice3A_526 : vector<32x128xf32>
    %slice3A_528 = vector.extract_strided_slice %select_n3A_524 {offsets = [0, 256], sizes = [32, 128], strides = [1, 1]} : vector<32x4096xf32> to vector<32x128xf32>
    %add3A_529 = arith.addf %add3A_527, %slice3A_528 : vector<32x128xf32>
    %slice3A_530 = vector.extract_strided_slice %select_n3A_524 {offsets = [0, 384], sizes = [32, 128], strides = [1, 1]} : vector<32x4096xf32> to vector<32x128xf32>
    %add3A_531 = arith.addf %add3A_529, %slice3A_530 : vector<32x128xf32>
    %slice3A_532 = vector.extract_strided_slice %select_n3A_524 {offsets = [0, 512], sizes = [32, 128], strides = [1, 1]} : vector<32x4096xf32> to vector<32x128xf32>
    %add3A_533 = arith.addf %add3A_531, %slice3A_532 : vector<32x128xf32>
    %slice3A_534 = vector.extract_strided_slice %select_n3A_524 {offsets = [0, 640], sizes = [32, 128], strides = [1, 1]} : vector<32x4096xf32> to vector<32x128xf32>
    %add3A_535 = arith.addf %add3A_533, %slice3A_534 : vector<32x128xf32>
    %slice3A_536 = vector.extract_strided_slice %select_n3A_524 {offsets = [0, 768], sizes = [32, 128], strides = [1, 1]} : vector<32x4096xf32> to vector<32x128xf32>
    %add3A_537 = arith.addf %add3A_535, %slice3A_536 : vector<32x128xf32>
    %slice3A_538 = vector.extract_strided_slice %select_n3A_524 {offsets = [0, 896], sizes = [32, 128], strides = [1, 1]} : vector<32x4096xf32> to vector<32x128xf32>
    %add3A_539 = arith.addf %add3A_537, %slice3A_538 : vector<32x128xf32>
    %slice3A_540 = vector.extract_strided_slice %select_n3A_524 {offsets = [0, 1024], sizes = [32, 128], strides = [1, 1]} : vector<32x4096xf32> to vector<32x128xf32>
    %add3A_541 = arith.addf %add3A_539, %slice3A_540 : vector<32x128xf32>
    %slice3A_542 = vector.extract_strided_slice %select_n3A_524 {offsets = [0, 1152], sizes = [32, 128], strides = [1, 1]} : vector<32x4096xf32> to vector<32x128xf32>
    %add3A_543 = arith.addf %add3A_541, %slice3A_542 : vector<32x128xf32>
    %slice3A_544 = vector.extract_strided_slice %select_n3A_524 {offsets = [0, 1280], sizes = [32, 128], strides = [1, 1]} : vector<32x4096xf32> to vector<32x128xf32>
    %add3A_545 = arith.addf %add3A_543, %slice3A_544 : vector<32x128xf32>
    %slice3A_546 = vector.extract_strided_slice %select_n3A_524 {offsets = [0, 1408], sizes = [32, 128], strides = [1, 1]} : vector<32x4096xf32> to vector<32x128xf32>
    %add3A_547 = arith.addf %add3A_545, %slice3A_546 : vector<32x128xf32>
    %slice3A_548 = vector.extract_strided_slice %select_n3A_524 {offsets = [0, 1536], sizes = [32, 128], strides = [1, 1]} : vector<32x4096xf32> to vector<32x128xf32>
    %add3A_549 = arith.addf %add3A_547, %slice3A_548 : vector<32x128xf32>
    %slice3A_550 = vector.extract_strided_slice %select_n3A_524 {offsets = [0, 1664], sizes = [32, 128], strides = [1, 1]} : vector<32x4096xf32> to vector<32x128xf32>
    %add3A_551 = arith.addf %add3A_549, %slice3A_550 : vector<32x128xf32>
    %slice3A_552 = vector.extract_strided_slice %select_n3A_524 {offsets = [0, 1792], sizes = [32, 128], strides = [1, 1]} : vector<32x4096xf32> to vector<32x128xf32>
    %add3A_553 = arith.addf %add3A_551, %slice3A_552 : vector<32x128xf32>
    %slice3A_554 = vector.extract_strided_slice %select_n3A_524 {offsets = [0, 1920], sizes = [32, 128], strides = [1, 1]} : vector<32x4096xf32> to vector<32x128xf32>
    %add3A_555 = arith.addf %add3A_553, %slice3A_554 : vector<32x128xf32>
    %slice3A_556 = vector.extract_strided_slice %select_n3A_524 {offsets = [0, 2048], sizes = [32, 128], strides = [1, 1]} : vector<32x4096xf32> to vector<32x128xf32>
    %add3A_557 = arith.addf %add3A_555, %slice3A_556 : vector<32x128xf32>
    %slice3A_558 = vector.extract_strided_slice %select_n3A_524 {offsets = [0, 2176], sizes = [32, 128], strides = [1, 1]} : vector<32x4096xf32> to vector<32x128xf32>
    %add3A_559 = arith.addf %add3A_557, %slice3A_558 : vector<32x128xf32>
    %slice3A_560 = vector.extract_strided_slice %select_n3A_524 {offsets = [0, 2304], sizes = [32, 128], strides = [1, 1]} : vector<32x4096xf32> to vector<32x128xf32>
    %add3A_561 = arith.addf %add3A_559, %slice3A_560 : vector<32x128xf32>
    %slice3A_562 = vector.extract_strided_slice %select_n3A_524 {offsets = [0, 2432], sizes = [32, 128], strides = [1, 1]} : vector<32x4096xf32> to vector<32x128xf32>
    %add3A_563 = arith.addf %add3A_561, %slice3A_562 : vector<32x128xf32>
    %slice3A_564 = vector.extract_strided_slice %select_n3A_524 {offsets = [0, 2560], sizes = [32, 128], strides = [1, 1]} : vector<32x4096xf32> to vector<32x128xf32>
    %add3A_565 = arith.addf %add3A_563, %slice3A_564 : vector<32x128xf32>
    %slice3A_566 = vector.extract_strided_slice %select_n3A_524 {offsets = [0, 2688], sizes = [32, 128], strides = [1, 1]} : vector<32x4096xf32> to vector<32x128xf32>
    %add3A_567 = arith.addf %add3A_565, %slice3A_566 : vector<32x128xf32>
    %slice3A_568 = vector.extract_strided_slice %select_n3A_524 {offsets = [0, 2816], sizes = [32, 128], strides = [1, 1]} : vector<32x4096xf32> to vector<32x128xf32>
    %add3A_569 = arith.addf %add3A_567, %slice3A_568 : vector<32x128xf32>
    %slice3A_570 = vector.extract_strided_slice %select_n3A_524 {offsets = [0, 2944], sizes = [32, 128], strides = [1, 1]} : vector<32x4096xf32> to vector<32x128xf32>
    %add3A_571 = arith.addf %add3A_569, %slice3A_570 : vector<32x128xf32>
    %slice3A_572 = vector.extract_strided_slice %select_n3A_524 {offsets = [0, 3072], sizes = [32, 128], strides = [1, 1]} : vector<32x4096xf32> to vector<32x128xf32>
    %add3A_573 = arith.addf %add3A_571, %slice3A_572 : vector<32x128xf32>
    %slice3A_574 = vector.extract_strided_slice %select_n3A_524 {offsets = [0, 3200], sizes = [32, 128], strides = [1, 1]} : vector<32x4096xf32> to vector<32x128xf32>
    %add3A_575 = arith.addf %add3A_573, %slice3A_574 : vector<32x128xf32>
    %slice3A_576 = vector.extract_strided_slice %select_n3A_524 {offsets = [0, 3328], sizes = [32, 128], strides = [1, 1]} : vector<32x4096xf32> to vector<32x128xf32>
    %add3A_577 = arith.addf %add3A_575, %slice3A_576 : vector<32x128xf32>
    %slice3A_578 = vector.extract_strided_slice %select_n3A_524 {offsets = [0, 3456], sizes = [32, 128], strides = [1, 1]} : vector<32x4096xf32> to vector<32x128xf32>
    %add3A_579 = arith.addf %add3A_577, %slice3A_578 : vector<32x128xf32>
    %slice3A_580 = vector.extract_strided_slice %select_n3A_524 {offsets = [0, 3584], sizes = [32, 128], strides = [1, 1]} : vector<32x4096xf32> to vector<32x128xf32>
    %add3A_581 = arith.addf %add3A_579, %slice3A_580 : vector<32x128xf32>
    %slice3A_582 = vector.extract_strided_slice %select_n3A_524 {offsets = [0, 3712], sizes = [32, 128], strides = [1, 1]} : vector<32x4096xf32> to vector<32x128xf32>
    %add3A_583 = arith.addf %add3A_581, %slice3A_582 : vector<32x128xf32>
    %slice3A_584 = vector.extract_strided_slice %select_n3A_524 {offsets = [0, 3840], sizes = [32, 128], strides = [1, 1]} : vector<32x4096xf32> to vector<32x128xf32>
    %add3A_585 = arith.addf %add3A_583, %slice3A_584 : vector<32x128xf32>
    %slice3A_586 = vector.extract_strided_slice %select_n3A_524 {offsets = [0, 3968], sizes = [32, 128], strides = [1, 1]} : vector<32x4096xf32> to vector<32x128xf32>
    %add3A_587 = arith.addf %add3A_585, %slice3A_586 : vector<32x128xf32>
    %add3A_588 = arith.addf %add3A_504, %add3A_587 : vector<32x128xf32>
    %iota3A_589 = tpu.iota {dimensions = array<i32: 1>} : vector<32x4096xi32>
    %sub3A_590 = arith.constant 28672 : i32
    %sub3A_591 = vector.broadcast %sub3A_590 : i32 to vector<32x1xi32>
    %sub3A_592 = arith.subi %get3A_1, %sub3A_591 : vector<32x1xi32>
    %lt3A_593 = vector.broadcast %sub3A_592 : vector<32x1xi32> to vector<32x4096xi32>
    %lt3A_594 = arith.cmpi slt, %iota3A_589, %lt3A_593 : vector<32x4096xi32>
    %broadcast_in_dim3A_595 = vector.shape_cast %get3A_4 : vector<32x1xf32> to vector<32x1xf32>
    %broadcast_in_dim3A_596 = vector.broadcast %broadcast_in_dim3A_595 : vector<32x1xf32> to vector<32x4096xf32>
    %broadcast_in_dim3A_597 = vector.shape_cast %get3A_7 : vector<32x1xf32> to vector<32x1xf32>
    %broadcast_in_dim3A_598 = vector.broadcast %broadcast_in_dim3A_597 : vector<32x1xf32> to vector<32x4096xf32>
    %select_n3A_599 = arith.select %lt3A_594, %broadcast_in_dim3A_596, %broadcast_in_dim3A_598 : vector<32x4096xi1>, vector<32x4096xf32>
    %get3A_600 = arith.constant 0 : index
    %get3A_601 = arith.constant 28672 : index
    %get3A_602 = vector.load %arg4[%get3A_600, %get3A_601] : memref<32x100000xf32, #tpu.memory_space<vmem>>, vector<32x4096xf32>
    %ge3A_603 = arith.cmpf oge, %get3A_602, %select_n3A_599 : vector<32x4096xf32>
    %jit3A_604 = arith.constant 1.000000e+00 : f32
    %jit3A_605 = arith.constant 0.000000e+00 : f32
    %broadcast_in_dim3A_606 = vector.broadcast %jit3A_604 : f32 to vector<32x4096xf32>
    %broadcast_in_dim3A_607 = vector.broadcast %jit3A_605 : f32 to vector<32x4096xf32>
    %select_n3A_608 = arith.select %ge3A_603, %broadcast_in_dim3A_606, %broadcast_in_dim3A_607 : vector<32x4096xi1>, vector<32x4096xf32>
    %slice3A_609 = vector.extract_strided_slice %select_n3A_608 {offsets = [0, 0], sizes = [32, 128], strides = [1, 1]} : vector<32x4096xf32> to vector<32x128xf32>
    %slice3A_610 = vector.extract_strided_slice %select_n3A_608 {offsets = [0, 128], sizes = [32, 128], strides = [1, 1]} : vector<32x4096xf32> to vector<32x128xf32>
    %add3A_611 = arith.addf %slice3A_609, %slice3A_610 : vector<32x128xf32>
    %slice3A_612 = vector.extract_strided_slice %select_n3A_608 {offsets = [0, 256], sizes = [32, 128], strides = [1, 1]} : vector<32x4096xf32> to vector<32x128xf32>
    %add3A_613 = arith.addf %add3A_611, %slice3A_612 : vector<32x128xf32>
    %slice3A_614 = vector.extract_strided_slice %select_n3A_608 {offsets = [0, 384], sizes = [32, 128], strides = [1, 1]} : vector<32x4096xf32> to vector<32x128xf32>
    %add3A_615 = arith.addf %add3A_613, %slice3A_614 : vector<32x128xf32>
    %slice3A_616 = vector.extract_strided_slice %select_n3A_608 {offsets = [0, 512], sizes = [32, 128], strides = [1, 1]} : vector<32x4096xf32> to vector<32x128xf32>
    %add3A_617 = arith.addf %add3A_615, %slice3A_616 : vector<32x128xf32>
    %slice3A_618 = vector.extract_strided_slice %select_n3A_608 {offsets = [0, 640], sizes = [32, 128], strides = [1, 1]} : vector<32x4096xf32> to vector<32x128xf32>
    %add3A_619 = arith.addf %add3A_617, %slice3A_618 : vector<32x128xf32>
    %slice3A_620 = vector.extract_strided_slice %select_n3A_608 {offsets = [0, 768], sizes = [32, 128], strides = [1, 1]} : vector<32x4096xf32> to vector<32x128xf32>
    %add3A_621 = arith.addf %add3A_619, %slice3A_620 : vector<32x128xf32>
    %slice3A_622 = vector.extract_strided_slice %select_n3A_608 {offsets = [0, 896], sizes = [32, 128], strides = [1, 1]} : vector<32x4096xf32> to vector<32x128xf32>
    %add3A_623 = arith.addf %add3A_621, %slice3A_622 : vector<32x128xf32>
    %slice3A_624 = vector.extract_strided_slice %select_n3A_608 {offsets = [0, 1024], sizes = [32, 128], strides = [1, 1]} : vector<32x4096xf32> to vector<32x128xf32>
    %add3A_625 = arith.addf %add3A_623, %slice3A_624 : vector<32x128xf32>
    %slice3A_626 = vector.extract_strided_slice %select_n3A_608 {offsets = [0, 1152], sizes = [32, 128], strides = [1, 1]} : vector<32x4096xf32> to vector<32x128xf32>
    %add3A_627 = arith.addf %add3A_625, %slice3A_626 : vector<32x128xf32>
    %slice3A_628 = vector.extract_strided_slice %select_n3A_608 {offsets = [0, 1280], sizes = [32, 128], strides = [1, 1]} : vector<32x4096xf32> to vector<32x128xf32>
    %add3A_629 = arith.addf %add3A_627, %slice3A_628 : vector<32x128xf32>
    %slice3A_630 = vector.extract_strided_slice %select_n3A_608 {offsets = [0, 1408], sizes = [32, 128], strides = [1, 1]} : vector<32x4096xf32> to vector<32x128xf32>
    %add3A_631 = arith.addf %add3A_629, %slice3A_630 : vector<32x128xf32>
    %slice3A_632 = vector.extract_strided_slice %select_n3A_608 {offsets = [0, 1536], sizes = [32, 128], strides = [1, 1]} : vector<32x4096xf32> to vector<32x128xf32>
    %add3A_633 = arith.addf %add3A_631, %slice3A_632 : vector<32x128xf32>
    %slice3A_634 = vector.extract_strided_slice %select_n3A_608 {offsets = [0, 1664], sizes = [32, 128], strides = [1, 1]} : vector<32x4096xf32> to vector<32x128xf32>
    %add3A_635 = arith.addf %add3A_633, %slice3A_634 : vector<32x128xf32>
    %slice3A_636 = vector.extract_strided_slice %select_n3A_608 {offsets = [0, 1792], sizes = [32, 128], strides = [1, 1]} : vector<32x4096xf32> to vector<32x128xf32>
    %add3A_637 = arith.addf %add3A_635, %slice3A_636 : vector<32x128xf32>
    %slice3A_638 = vector.extract_strided_slice %select_n3A_608 {offsets = [0, 1920], sizes = [32, 128], strides = [1, 1]} : vector<32x4096xf32> to vector<32x128xf32>
    %add3A_639 = arith.addf %add3A_637, %slice3A_638 : vector<32x128xf32>
    %slice3A_640 = vector.extract_strided_slice %select_n3A_608 {offsets = [0, 2048], sizes = [32, 128], strides = [1, 1]} : vector<32x4096xf32> to vector<32x128xf32>
    %add3A_641 = arith.addf %add3A_639, %slice3A_640 : vector<32x128xf32>
    %slice3A_642 = vector.extract_strided_slice %select_n3A_608 {offsets = [0, 2176], sizes = [32, 128], strides = [1, 1]} : vector<32x4096xf32> to vector<32x128xf32>
    %add3A_643 = arith.addf %add3A_641, %slice3A_642 : vector<32x128xf32>
    %slice3A_644 = vector.extract_strided_slice %select_n3A_608 {offsets = [0, 2304], sizes = [32, 128], strides = [1, 1]} : vector<32x4096xf32> to vector<32x128xf32>
    %add3A_645 = arith.addf %add3A_643, %slice3A_644 : vector<32x128xf32>
    %slice3A_646 = vector.extract_strided_slice %select_n3A_608 {offsets = [0, 2432], sizes = [32, 128], strides = [1, 1]} : vector<32x4096xf32> to vector<32x128xf32>
    %add3A_647 = arith.addf %add3A_645, %slice3A_646 : vector<32x128xf32>
    %slice3A_648 = vector.extract_strided_slice %select_n3A_608 {offsets = [0, 2560], sizes = [32, 128], strides = [1, 1]} : vector<32x4096xf32> to vector<32x128xf32>
    %add3A_649 = arith.addf %add3A_647, %slice3A_648 : vector<32x128xf32>
    %slice3A_650 = vector.extract_strided_slice %select_n3A_608 {offsets = [0, 2688], sizes = [32, 128], strides = [1, 1]} : vector<32x4096xf32> to vector<32x128xf32>
    %add3A_651 = arith.addf %add3A_649, %slice3A_650 : vector<32x128xf32>
    %slice3A_652 = vector.extract_strided_slice %select_n3A_608 {offsets = [0, 2816], sizes = [32, 128], strides = [1, 1]} : vector<32x4096xf32> to vector<32x128xf32>
    %add3A_653 = arith.addf %add3A_651, %slice3A_652 : vector<32x128xf32>
    %slice3A_654 = vector.extract_strided_slice %select_n3A_608 {offsets = [0, 2944], sizes = [32, 128], strides = [1, 1]} : vector<32x4096xf32> to vector<32x128xf32>
    %add3A_655 = arith.addf %add3A_653, %slice3A_654 : vector<32x128xf32>
    %slice3A_656 = vector.extract_strided_slice %select_n3A_608 {offsets = [0, 3072], sizes = [32, 128], strides = [1, 1]} : vector<32x4096xf32> to vector<32x128xf32>
    %add3A_657 = arith.addf %add3A_655, %slice3A_656 : vector<32x128xf32>
    %slice3A_658 = vector.extract_strided_slice %select_n3A_608 {offsets = [0, 3200], sizes = [32, 128], strides = [1, 1]} : vector<32x4096xf32> to vector<32x128xf32>
    %add3A_659 = arith.addf %add3A_657, %slice3A_658 : vector<32x128xf32>
    %slice3A_660 = vector.extract_strided_slice %select_n3A_608 {offsets = [0, 3328], sizes = [32, 128], strides = [1, 1]} : vector<32x4096xf32> to vector<32x128xf32>
    %add3A_661 = arith.addf %add3A_659, %slice3A_660 : vector<32x128xf32>
    %slice3A_662 = vector.extract_strided_slice %select_n3A_608 {offsets = [0, 3456], sizes = [32, 128], strides = [1, 1]} : vector<32x4096xf32> to vector<32x128xf32>
    %add3A_663 = arith.addf %add3A_661, %slice3A_662 : vector<32x128xf32>
    %slice3A_664 = vector.extract_strided_slice %select_n3A_608 {offsets = [0, 3584], sizes = [32, 128], strides = [1, 1]} : vector<32x4096xf32> to vector<32x128xf32>
    %add3A_665 = arith.addf %add3A_663, %slice3A_664 : vector<32x128xf32>
    %slice3A_666 = vector.extract_strided_slice %select_n3A_608 {offsets = [0, 3712], sizes = [32, 128], strides = [1, 1]} : vector<32x4096xf32> to vector<32x128xf32>
    %add3A_667 = arith.addf %add3A_665, %slice3A_666 : vector<32x128xf32>
    %slice3A_668 = vector.extract_strided_slice %select_n3A_608 {offsets = [0, 3840], sizes = [32, 128], strides = [1, 1]} : vector<32x4096xf32> to vector<32x128xf32>
    %add3A_669 = arith.addf %add3A_667, %slice3A_668 : vector<32x128xf32>
    %slice3A_670 = vector.extract_strided_slice %select_n3A_608 {offsets = [0, 3968], sizes = [32, 128], strides = [1, 1]} : vector<32x4096xf32> to vector<32x128xf32>
    %add3A_671 = arith.addf %add3A_669, %slice3A_670 : vector<32x128xf32>
    %add3A_672 = arith.addf %add3A_588, %add3A_671 : vector<32x128xf32>
    %iota3A_673 = tpu.iota {dimensions = array<i32: 1>} : vector<32x4096xi32>
    %sub3A_674 = arith.constant 32768 : i32
    %sub3A_675 = vector.broadcast %sub3A_674 : i32 to vector<32x1xi32>
    %sub3A_676 = arith.subi %get3A_1, %sub3A_675 : vector<32x1xi32>
    %lt3A_677 = vector.broadcast %sub3A_676 : vector<32x1xi32> to vector<32x4096xi32>
    %lt3A_678 = arith.cmpi slt, %iota3A_673, %lt3A_677 : vector<32x4096xi32>
    %broadcast_in_dim3A_679 = vector.shape_cast %get3A_4 : vector<32x1xf32> to vector<32x1xf32>
    %broadcast_in_dim3A_680 = vector.broadcast %broadcast_in_dim3A_679 : vector<32x1xf32> to vector<32x4096xf32>
    %broadcast_in_dim3A_681 = vector.shape_cast %get3A_7 : vector<32x1xf32> to vector<32x1xf32>
    %broadcast_in_dim3A_682 = vector.broadcast %broadcast_in_dim3A_681 : vector<32x1xf32> to vector<32x4096xf32>
    %select_n3A_683 = arith.select %lt3A_678, %broadcast_in_dim3A_680, %broadcast_in_dim3A_682 : vector<32x4096xi1>, vector<32x4096xf32>
    %get3A_684 = arith.constant 0 : index
    %get3A_685 = arith.constant 32768 : index
    %get3A_686 = vector.load %arg4[%get3A_684, %get3A_685] : memref<32x100000xf32, #tpu.memory_space<vmem>>, vector<32x4096xf32>
    %ge3A_687 = arith.cmpf oge, %get3A_686, %select_n3A_683 : vector<32x4096xf32>
    %jit3A_688 = arith.constant 1.000000e+00 : f32
    %jit3A_689 = arith.constant 0.000000e+00 : f32
    %broadcast_in_dim3A_690 = vector.broadcast %jit3A_688 : f32 to vector<32x4096xf32>
    %broadcast_in_dim3A_691 = vector.broadcast %jit3A_689 : f32 to vector<32x4096xf32>
    %select_n3A_692 = arith.select %ge3A_687, %broadcast_in_dim3A_690, %broadcast_in_dim3A_691 : vector<32x4096xi1>, vector<32x4096xf32>
    %slice3A_693 = vector.extract_strided_slice %select_n3A_692 {offsets = [0, 0], sizes = [32, 128], strides = [1, 1]} : vector<32x4096xf32> to vector<32x128xf32>
    %slice3A_694 = vector.extract_strided_slice %select_n3A_692 {offsets = [0, 128], sizes = [32, 128], strides = [1, 1]} : vector<32x4096xf32> to vector<32x128xf32>
    %add3A_695 = arith.addf %slice3A_693, %slice3A_694 : vector<32x128xf32>
    %slice3A_696 = vector.extract_strided_slice %select_n3A_692 {offsets = [0, 256], sizes = [32, 128], strides = [1, 1]} : vector<32x4096xf32> to vector<32x128xf32>
    %add3A_697 = arith.addf %add3A_695, %slice3A_696 : vector<32x128xf32>
    %slice3A_698 = vector.extract_strided_slice %select_n3A_692 {offsets = [0, 384], sizes = [32, 128], strides = [1, 1]} : vector<32x4096xf32> to vector<32x128xf32>
    %add3A_699 = arith.addf %add3A_697, %slice3A_698 : vector<32x128xf32>
    %slice3A_700 = vector.extract_strided_slice %select_n3A_692 {offsets = [0, 512], sizes = [32, 128], strides = [1, 1]} : vector<32x4096xf32> to vector<32x128xf32>
    %add3A_701 = arith.addf %add3A_699, %slice3A_700 : vector<32x128xf32>
    %slice3A_702 = vector.extract_strided_slice %select_n3A_692 {offsets = [0, 640], sizes = [32, 128], strides = [1, 1]} : vector<32x4096xf32> to vector<32x128xf32>
    %add3A_703 = arith.addf %add3A_701, %slice3A_702 : vector<32x128xf32>
    %slice3A_704 = vector.extract_strided_slice %select_n3A_692 {offsets = [0, 768], sizes = [32, 128], strides = [1, 1]} : vector<32x4096xf32> to vector<32x128xf32>
    %add3A_705 = arith.addf %add3A_703, %slice3A_704 : vector<32x128xf32>
    %slice3A_706 = vector.extract_strided_slice %select_n3A_692 {offsets = [0, 896], sizes = [32, 128], strides = [1, 1]} : vector<32x4096xf32> to vector<32x128xf32>
    %add3A_707 = arith.addf %add3A_705, %slice3A_706 : vector<32x128xf32>
    %slice3A_708 = vector.extract_strided_slice %select_n3A_692 {offsets = [0, 1024], sizes = [32, 128], strides = [1, 1]} : vector<32x4096xf32> to vector<32x128xf32>
    %add3A_709 = arith.addf %add3A_707, %slice3A_708 : vector<32x128xf32>
    %slice3A_710 = vector.extract_strided_slice %select_n3A_692 {offsets = [0, 1152], sizes = [32, 128], strides = [1, 1]} : vector<32x4096xf32> to vector<32x128xf32>
    %add3A_711 = arith.addf %add3A_709, %slice3A_710 : vector<32x128xf32>
    %slice3A_712 = vector.extract_strided_slice %select_n3A_692 {offsets = [0, 1280], sizes = [32, 128], strides = [1, 1]} : vector<32x4096xf32> to vector<32x128xf32>
    %add3A_713 = arith.addf %add3A_711, %slice3A_712 : vector<32x128xf32>
    %slice3A_714 = vector.extract_strided_slice %select_n3A_692 {offsets = [0, 1408], sizes = [32, 128], strides = [1, 1]} : vector<32x4096xf32> to vector<32x128xf32>
    %add3A_715 = arith.addf %add3A_713, %slice3A_714 : vector<32x128xf32>
    %slice3A_716 = vector.extract_strided_slice %select_n3A_692 {offsets = [0, 1536], sizes = [32, 128], strides = [1, 1]} : vector<32x4096xf32> to vector<32x128xf32>
    %add3A_717 = arith.addf %add3A_715, %slice3A_716 : vector<32x128xf32>
    %slice3A_718 = vector.extract_strided_slice %select_n3A_692 {offsets = [0, 1664], sizes = [32, 128], strides = [1, 1]} : vector<32x4096xf32> to vector<32x128xf32>
    %add3A_719 = arith.addf %add3A_717, %slice3A_718 : vector<32x128xf32>
    %slice3A_720 = vector.extract_strided_slice %select_n3A_692 {offsets = [0, 1792], sizes = [32, 128], strides = [1, 1]} : vector<32x4096xf32> to vector<32x128xf32>
    %add3A_721 = arith.addf %add3A_719, %slice3A_720 : vector<32x128xf32>
    %slice3A_722 = vector.extract_strided_slice %select_n3A_692 {offsets = [0, 1920], sizes = [32, 128], strides = [1, 1]} : vector<32x4096xf32> to vector<32x128xf32>
    %add3A_723 = arith.addf %add3A_721, %slice3A_722 : vector<32x128xf32>
    %slice3A_724 = vector.extract_strided_slice %select_n3A_692 {offsets = [0, 2048], sizes = [32, 128], strides = [1, 1]} : vector<32x4096xf32> to vector<32x128xf32>
    %add3A_725 = arith.addf %add3A_723, %slice3A_724 : vector<32x128xf32>
    %slice3A_726 = vector.extract_strided_slice %select_n3A_692 {offsets = [0, 2176], sizes = [32, 128], strides = [1, 1]} : vector<32x4096xf32> to vector<32x128xf32>
    %add3A_727 = arith.addf %add3A_725, %slice3A_726 : vector<32x128xf32>
    %slice3A_728 = vector.extract_strided_slice %select_n3A_692 {offsets = [0, 2304], sizes = [32, 128], strides = [1, 1]} : vector<32x4096xf32> to vector<32x128xf32>
    %add3A_729 = arith.addf %add3A_727, %slice3A_728 : vector<32x128xf32>
    %slice3A_730 = vector.extract_strided_slice %select_n3A_692 {offsets = [0, 2432], sizes = [32, 128], strides = [1, 1]} : vector<32x4096xf32> to vector<32x128xf32>
    %add3A_731 = arith.addf %add3A_729, %slice3A_730 : vector<32x128xf32>
    %slice3A_732 = vector.extract_strided_slice %select_n3A_692 {offsets = [0, 2560], sizes = [32, 128], strides = [1, 1]} : vector<32x4096xf32> to vector<32x128xf32>
    %add3A_733 = arith.addf %add3A_731, %slice3A_732 : vector<32x128xf32>
    %slice3A_734 = vector.extract_strided_slice %select_n3A_692 {offsets = [0, 2688], sizes = [32, 128], strides = [1, 1]} : vector<32x4096xf32> to vector<32x128xf32>
    %add3A_735 = arith.addf %add3A_733, %slice3A_734 : vector<32x128xf32>
    %slice3A_736 = vector.extract_strided_slice %select_n3A_692 {offsets = [0, 2816], sizes = [32, 128], strides = [1, 1]} : vector<32x4096xf32> to vector<32x128xf32>
    %add3A_737 = arith.addf %add3A_735, %slice3A_736 : vector<32x128xf32>
    %slice3A_738 = vector.extract_strided_slice %select_n3A_692 {offsets = [0, 2944], sizes = [32, 128], strides = [1, 1]} : vector<32x4096xf32> to vector<32x128xf32>
    %add3A_739 = arith.addf %add3A_737, %slice3A_738 : vector<32x128xf32>
    %slice3A_740 = vector.extract_strided_slice %select_n3A_692 {offsets = [0, 3072], sizes = [32, 128], strides = [1, 1]} : vector<32x4096xf32> to vector<32x128xf32>
    %add3A_741 = arith.addf %add3A_739, %slice3A_740 : vector<32x128xf32>
    %slice3A_742 = vector.extract_strided_slice %select_n3A_692 {offsets = [0, 3200], sizes = [32, 128], strides = [1, 1]} : vector<32x4096xf32> to vector<32x128xf32>
    %add3A_743 = arith.addf %add3A_741, %slice3A_742 : vector<32x128xf32>
    %slice3A_744 = vector.extract_strided_slice %select_n3A_692 {offsets = [0, 3328], sizes = [32, 128], strides = [1, 1]} : vector<32x4096xf32> to vector<32x128xf32>
    %add3A_745 = arith.addf %add3A_743, %slice3A_744 : vector<32x128xf32>
    %slice3A_746 = vector.extract_strided_slice %select_n3A_692 {offsets = [0, 3456], sizes = [32, 128], strides = [1, 1]} : vector<32x4096xf32> to vector<32x128xf32>
    %add3A_747 = arith.addf %add3A_745, %slice3A_746 : vector<32x128xf32>
    %slice3A_748 = vector.extract_strided_slice %select_n3A_692 {offsets = [0, 3584], sizes = [32, 128], strides = [1, 1]} : vector<32x4096xf32> to vector<32x128xf32>
    %add3A_749 = arith.addf %add3A_747, %slice3A_748 : vector<32x128xf32>
    %slice3A_750 = vector.extract_strided_slice %select_n3A_692 {offsets = [0, 3712], sizes = [32, 128], strides = [1, 1]} : vector<32x4096xf32> to vector<32x128xf32>
    %add3A_751 = arith.addf %add3A_749, %slice3A_750 : vector<32x128xf32>
    %slice3A_752 = vector.extract_strided_slice %select_n3A_692 {offsets = [0, 3840], sizes = [32, 128], strides = [1, 1]} : vector<32x4096xf32> to vector<32x128xf32>
    %add3A_753 = arith.addf %add3A_751, %slice3A_752 : vector<32x128xf32>
    %slice3A_754 = vector.extract_strided_slice %select_n3A_692 {offsets = [0, 3968], sizes = [32, 128], strides = [1, 1]} : vector<32x4096xf32> to vector<32x128xf32>
    %add3A_755 = arith.addf %add3A_753, %slice3A_754 : vector<32x128xf32>
    %add3A_756 = arith.addf %add3A_672, %add3A_755 : vector<32x128xf32>
    %iota3A_757 = tpu.iota {dimensions = array<i32: 1>} : vector<32x4096xi32>
    %sub3A_758 = arith.constant 36864 : i32
    %sub3A_759 = vector.broadcast %sub3A_758 : i32 to vector<32x1xi32>
    %sub3A_760 = arith.subi %get3A_1, %sub3A_759 : vector<32x1xi32>
    %lt3A_761 = vector.broadcast %sub3A_760 : vector<32x1xi32> to vector<32x4096xi32>
    %lt3A_762 = arith.cmpi slt, %iota3A_757, %lt3A_761 : vector<32x4096xi32>
    %broadcast_in_dim3A_763 = vector.shape_cast %get3A_4 : vector<32x1xf32> to vector<32x1xf32>
    %broadcast_in_dim3A_764 = vector.broadcast %broadcast_in_dim3A_763 : vector<32x1xf32> to vector<32x4096xf32>
    %broadcast_in_dim3A_765 = vector.shape_cast %get3A_7 : vector<32x1xf32> to vector<32x1xf32>
    %broadcast_in_dim3A_766 = vector.broadcast %broadcast_in_dim3A_765 : vector<32x1xf32> to vector<32x4096xf32>
    %select_n3A_767 = arith.select %lt3A_762, %broadcast_in_dim3A_764, %broadcast_in_dim3A_766 : vector<32x4096xi1>, vector<32x4096xf32>
    %get3A_768 = arith.constant 0 : index
    %get3A_769 = arith.constant 36864 : index
    %get3A_770 = vector.load %arg4[%get3A_768, %get3A_769] : memref<32x100000xf32, #tpu.memory_space<vmem>>, vector<32x4096xf32>
    %ge3A_771 = arith.cmpf oge, %get3A_770, %select_n3A_767 : vector<32x4096xf32>
    %jit3A_772 = arith.constant 1.000000e+00 : f32
    %jit3A_773 = arith.constant 0.000000e+00 : f32
    %broadcast_in_dim3A_774 = vector.broadcast %jit3A_772 : f32 to vector<32x4096xf32>
    %broadcast_in_dim3A_775 = vector.broadcast %jit3A_773 : f32 to vector<32x4096xf32>
    %select_n3A_776 = arith.select %ge3A_771, %broadcast_in_dim3A_774, %broadcast_in_dim3A_775 : vector<32x4096xi1>, vector<32x4096xf32>
    %slice3A_777 = vector.extract_strided_slice %select_n3A_776 {offsets = [0, 0], sizes = [32, 128], strides = [1, 1]} : vector<32x4096xf32> to vector<32x128xf32>
    %slice3A_778 = vector.extract_strided_slice %select_n3A_776 {offsets = [0, 128], sizes = [32, 128], strides = [1, 1]} : vector<32x4096xf32> to vector<32x128xf32>
    %add3A_779 = arith.addf %slice3A_777, %slice3A_778 : vector<32x128xf32>
    %slice3A_780 = vector.extract_strided_slice %select_n3A_776 {offsets = [0, 256], sizes = [32, 128], strides = [1, 1]} : vector<32x4096xf32> to vector<32x128xf32>
    %add3A_781 = arith.addf %add3A_779, %slice3A_780 : vector<32x128xf32>
    %slice3A_782 = vector.extract_strided_slice %select_n3A_776 {offsets = [0, 384], sizes = [32, 128], strides = [1, 1]} : vector<32x4096xf32> to vector<32x128xf32>
    %add3A_783 = arith.addf %add3A_781, %slice3A_782 : vector<32x128xf32>
    %slice3A_784 = vector.extract_strided_slice %select_n3A_776 {offsets = [0, 512], sizes = [32, 128], strides = [1, 1]} : vector<32x4096xf32> to vector<32x128xf32>
    %add3A_785 = arith.addf %add3A_783, %slice3A_784 : vector<32x128xf32>
    %slice3A_786 = vector.extract_strided_slice %select_n3A_776 {offsets = [0, 640], sizes = [32, 128], strides = [1, 1]} : vector<32x4096xf32> to vector<32x128xf32>
    %add3A_787 = arith.addf %add3A_785, %slice3A_786 : vector<32x128xf32>
    %slice3A_788 = vector.extract_strided_slice %select_n3A_776 {offsets = [0, 768], sizes = [32, 128], strides = [1, 1]} : vector<32x4096xf32> to vector<32x128xf32>
    %add3A_789 = arith.addf %add3A_787, %slice3A_788 : vector<32x128xf32>
    %slice3A_790 = vector.extract_strided_slice %select_n3A_776 {offsets = [0, 896], sizes = [32, 128], strides = [1, 1]} : vector<32x4096xf32> to vector<32x128xf32>
    %add3A_791 = arith.addf %add3A_789, %slice3A_790 : vector<32x128xf32>
    %slice3A_792 = vector.extract_strided_slice %select_n3A_776 {offsets = [0, 1024], sizes = [32, 128], strides = [1, 1]} : vector<32x4096xf32> to vector<32x128xf32>
    %add3A_793 = arith.addf %add3A_791, %slice3A_792 : vector<32x128xf32>
    %slice3A_794 = vector.extract_strided_slice %select_n3A_776 {offsets = [0, 1152], sizes = [32, 128], strides = [1, 1]} : vector<32x4096xf32> to vector<32x128xf32>
    %add3A_795 = arith.addf %add3A_793, %slice3A_794 : vector<32x128xf32>
    %slice3A_796 = vector.extract_strided_slice %select_n3A_776 {offsets = [0, 1280], sizes = [32, 128], strides = [1, 1]} : vector<32x4096xf32> to vector<32x128xf32>
    %add3A_797 = arith.addf %add3A_795, %slice3A_796 : vector<32x128xf32>
    %slice3A_798 = vector.extract_strided_slice %select_n3A_776 {offsets = [0, 1408], sizes = [32, 128], strides = [1, 1]} : vector<32x4096xf32> to vector<32x128xf32>
    %add3A_799 = arith.addf %add3A_797, %slice3A_798 : vector<32x128xf32>
    %slice3A_800 = vector.extract_strided_slice %select_n3A_776 {offsets = [0, 1536], sizes = [32, 128], strides = [1, 1]} : vector<32x4096xf32> to vector<32x128xf32>
    %add3A_801 = arith.addf %add3A_799, %slice3A_800 : vector<32x128xf32>
    %slice3A_802 = vector.extract_strided_slice %select_n3A_776 {offsets = [0, 1664], sizes = [32, 128], strides = [1, 1]} : vector<32x4096xf32> to vector<32x128xf32>
    %add3A_803 = arith.addf %add3A_801, %slice3A_802 : vector<32x128xf32>
    %slice3A_804 = vector.extract_strided_slice %select_n3A_776 {offsets = [0, 1792], sizes = [32, 128], strides = [1, 1]} : vector<32x4096xf32> to vector<32x128xf32>
    %add3A_805 = arith.addf %add3A_803, %slice3A_804 : vector<32x128xf32>
    %slice3A_806 = vector.extract_strided_slice %select_n3A_776 {offsets = [0, 1920], sizes = [32, 128], strides = [1, 1]} : vector<32x4096xf32> to vector<32x128xf32>
    %add3A_807 = arith.addf %add3A_805, %slice3A_806 : vector<32x128xf32>
    %slice3A_808 = vector.extract_strided_slice %select_n3A_776 {offsets = [0, 2048], sizes = [32, 128], strides = [1, 1]} : vector<32x4096xf32> to vector<32x128xf32>
    %add3A_809 = arith.addf %add3A_807, %slice3A_808 : vector<32x128xf32>
    %slice3A_810 = vector.extract_strided_slice %select_n3A_776 {offsets = [0, 2176], sizes = [32, 128], strides = [1, 1]} : vector<32x4096xf32> to vector<32x128xf32>
    %add3A_811 = arith.addf %add3A_809, %slice3A_810 : vector<32x128xf32>
    %slice3A_812 = vector.extract_strided_slice %select_n3A_776 {offsets = [0, 2304], sizes = [32, 128], strides = [1, 1]} : vector<32x4096xf32> to vector<32x128xf32>
    %add3A_813 = arith.addf %add3A_811, %slice3A_812 : vector<32x128xf32>
    %slice3A_814 = vector.extract_strided_slice %select_n3A_776 {offsets = [0, 2432], sizes = [32, 128], strides = [1, 1]} : vector<32x4096xf32> to vector<32x128xf32>
    %add3A_815 = arith.addf %add3A_813, %slice3A_814 : vector<32x128xf32>
    %slice3A_816 = vector.extract_strided_slice %select_n3A_776 {offsets = [0, 2560], sizes = [32, 128], strides = [1, 1]} : vector<32x4096xf32> to vector<32x128xf32>
    %add3A_817 = arith.addf %add3A_815, %slice3A_816 : vector<32x128xf32>
    %slice3A_818 = vector.extract_strided_slice %select_n3A_776 {offsets = [0, 2688], sizes = [32, 128], strides = [1, 1]} : vector<32x4096xf32> to vector<32x128xf32>
    %add3A_819 = arith.addf %add3A_817, %slice3A_818 : vector<32x128xf32>
    %slice3A_820 = vector.extract_strided_slice %select_n3A_776 {offsets = [0, 2816], sizes = [32, 128], strides = [1, 1]} : vector<32x4096xf32> to vector<32x128xf32>
    %add3A_821 = arith.addf %add3A_819, %slice3A_820 : vector<32x128xf32>
    %slice3A_822 = vector.extract_strided_slice %select_n3A_776 {offsets = [0, 2944], sizes = [32, 128], strides = [1, 1]} : vector<32x4096xf32> to vector<32x128xf32>
    %add3A_823 = arith.addf %add3A_821, %slice3A_822 : vector<32x128xf32>
    %slice3A_824 = vector.extract_strided_slice %select_n3A_776 {offsets = [0, 3072], sizes = [32, 128], strides = [1, 1]} : vector<32x4096xf32> to vector<32x128xf32>
    %add3A_825 = arith.addf %add3A_823, %slice3A_824 : vector<32x128xf32>
    %slice3A_826 = vector.extract_strided_slice %select_n3A_776 {offsets = [0, 3200], sizes = [32, 128], strides = [1, 1]} : vector<32x4096xf32> to vector<32x128xf32>
    %add3A_827 = arith.addf %add3A_825, %slice3A_826 : vector<32x128xf32>
    %slice3A_828 = vector.extract_strided_slice %select_n3A_776 {offsets = [0, 3328], sizes = [32, 128], strides = [1, 1]} : vector<32x4096xf32> to vector<32x128xf32>
    %add3A_829 = arith.addf %add3A_827, %slice3A_828 : vector<32x128xf32>
    %slice3A_830 = vector.extract_strided_slice %select_n3A_776 {offsets = [0, 3456], sizes = [32, 128], strides = [1, 1]} : vector<32x4096xf32> to vector<32x128xf32>
    %add3A_831 = arith.addf %add3A_829, %slice3A_830 : vector<32x128xf32>
    %slice3A_832 = vector.extract_strided_slice %select_n3A_776 {offsets = [0, 3584], sizes = [32, 128], strides = [1, 1]} : vector<32x4096xf32> to vector<32x128xf32>
    %add3A_833 = arith.addf %add3A_831, %slice3A_832 : vector<32x128xf32>
    %slice3A_834 = vector.extract_strided_slice %select_n3A_776 {offsets = [0, 3712], sizes = [32, 128], strides = [1, 1]} : vector<32x4096xf32> to vector<32x128xf32>
    %add3A_835 = arith.addf %add3A_833, %slice3A_834 : vector<32x128xf32>
    %slice3A_836 = vector.extract_strided_slice %select_n3A_776 {offsets = [0, 3840], sizes = [32, 128], strides = [1, 1]} : vector<32x4096xf32> to vector<32x128xf32>
    %add3A_837 = arith.addf %add3A_835, %slice3A_836 : vector<32x128xf32>
    %slice3A_838 = vector.extract_strided_slice %select_n3A_776 {offsets = [0, 3968], sizes = [32, 128], strides = [1, 1]} : vector<32x4096xf32> to vector<32x128xf32>
    %add3A_839 = arith.addf %add3A_837, %slice3A_838 : vector<32x128xf32>
    %add3A_840 = arith.addf %add3A_756, %add3A_839 : vector<32x128xf32>
    %iota3A_841 = tpu.iota {dimensions = array<i32: 1>} : vector<32x4096xi32>
    %sub3A_842 = arith.constant 40960 : i32
    %sub3A_843 = vector.broadcast %sub3A_842 : i32 to vector<32x1xi32>
    %sub3A_844 = arith.subi %get3A_1, %sub3A_843 : vector<32x1xi32>
    %lt3A_845 = vector.broadcast %sub3A_844 : vector<32x1xi32> to vector<32x4096xi32>
    %lt3A_846 = arith.cmpi slt, %iota3A_841, %lt3A_845 : vector<32x4096xi32>
    %broadcast_in_dim3A_847 = vector.shape_cast %get3A_4 : vector<32x1xf32> to vector<32x1xf32>
    %broadcast_in_dim3A_848 = vector.broadcast %broadcast_in_dim3A_847 : vector<32x1xf32> to vector<32x4096xf32>
    %broadcast_in_dim3A_849 = vector.shape_cast %get3A_7 : vector<32x1xf32> to vector<32x1xf32>
    %broadcast_in_dim3A_850 = vector.broadcast %broadcast_in_dim3A_849 : vector<32x1xf32> to vector<32x4096xf32>
    %select_n3A_851 = arith.select %lt3A_846, %broadcast_in_dim3A_848, %broadcast_in_dim3A_850 : vector<32x4096xi1>, vector<32x4096xf32>
    %get3A_852 = arith.constant 0 : index
    %get3A_853 = arith.constant 40960 : index
    %get3A_854 = vector.load %arg4[%get3A_852, %get3A_853] : memref<32x100000xf32, #tpu.memory_space<vmem>>, vector<32x4096xf32>
    %ge3A_855 = arith.cmpf oge, %get3A_854, %select_n3A_851 : vector<32x4096xf32>
    %jit3A_856 = arith.constant 1.000000e+00 : f32
    %jit3A_857 = arith.constant 0.000000e+00 : f32
    %broadcast_in_dim3A_858 = vector.broadcast %jit3A_856 : f32 to vector<32x4096xf32>
    %broadcast_in_dim3A_859 = vector.broadcast %jit3A_857 : f32 to vector<32x4096xf32>
    %select_n3A_860 = arith.select %ge3A_855, %broadcast_in_dim3A_858, %broadcast_in_dim3A_859 : vector<32x4096xi1>, vector<32x4096xf32>
    %slice3A_861 = vector.extract_strided_slice %select_n3A_860 {offsets = [0, 0], sizes = [32, 128], strides = [1, 1]} : vector<32x4096xf32> to vector<32x128xf32>
    %slice3A_862 = vector.extract_strided_slice %select_n3A_860 {offsets = [0, 128], sizes = [32, 128], strides = [1, 1]} : vector<32x4096xf32> to vector<32x128xf32>
    %add3A_863 = arith.addf %slice3A_861, %slice3A_862 : vector<32x128xf32>
    %slice3A_864 = vector.extract_strided_slice %select_n3A_860 {offsets = [0, 256], sizes = [32, 128], strides = [1, 1]} : vector<32x4096xf32> to vector<32x128xf32>
    %add3A_865 = arith.addf %add3A_863, %slice3A_864 : vector<32x128xf32>
    %slice3A_866 = vector.extract_strided_slice %select_n3A_860 {offsets = [0, 384], sizes = [32, 128], strides = [1, 1]} : vector<32x4096xf32> to vector<32x128xf32>
    %add3A_867 = arith.addf %add3A_865, %slice3A_866 : vector<32x128xf32>
    %slice3A_868 = vector.extract_strided_slice %select_n3A_860 {offsets = [0, 512], sizes = [32, 128], strides = [1, 1]} : vector<32x4096xf32> to vector<32x128xf32>
    %add3A_869 = arith.addf %add3A_867, %slice3A_868 : vector<32x128xf32>
    %slice3A_870 = vector.extract_strided_slice %select_n3A_860 {offsets = [0, 640], sizes = [32, 128], strides = [1, 1]} : vector<32x4096xf32> to vector<32x128xf32>
    %add3A_871 = arith.addf %add3A_869, %slice3A_870 : vector<32x128xf32>
    %slice3A_872 = vector.extract_strided_slice %select_n3A_860 {offsets = [0, 768], sizes = [32, 128], strides = [1, 1]} : vector<32x4096xf32> to vector<32x128xf32>
    %add3A_873 = arith.addf %add3A_871, %slice3A_872 : vector<32x128xf32>
    %slice3A_874 = vector.extract_strided_slice %select_n3A_860 {offsets = [0, 896], sizes = [32, 128], strides = [1, 1]} : vector<32x4096xf32> to vector<32x128xf32>
    %add3A_875 = arith.addf %add3A_873, %slice3A_874 : vector<32x128xf32>
    %slice3A_876 = vector.extract_strided_slice %select_n3A_860 {offsets = [0, 1024], sizes = [32, 128], strides = [1, 1]} : vector<32x4096xf32> to vector<32x128xf32>
    %add3A_877 = arith.addf %add3A_875, %slice3A_876 : vector<32x128xf32>
    %slice3A_878 = vector.extract_strided_slice %select_n3A_860 {offsets = [0, 1152], sizes = [32, 128], strides = [1, 1]} : vector<32x4096xf32> to vector<32x128xf32>
    %add3A_879 = arith.addf %add3A_877, %slice3A_878 : vector<32x128xf32>
    %slice3A_880 = vector.extract_strided_slice %select_n3A_860 {offsets = [0, 1280], sizes = [32, 128], strides = [1, 1]} : vector<32x4096xf32> to vector<32x128xf32>
    %add3A_881 = arith.addf %add3A_879, %slice3A_880 : vector<32x128xf32>
    %slice3A_882 = vector.extract_strided_slice %select_n3A_860 {offsets = [0, 1408], sizes = [32, 128], strides = [1, 1]} : vector<32x4096xf32> to vector<32x128xf32>
    %add3A_883 = arith.addf %add3A_881, %slice3A_882 : vector<32x128xf32>
    %slice3A_884 = vector.extract_strided_slice %select_n3A_860 {offsets = [0, 1536], sizes = [32, 128], strides = [1, 1]} : vector<32x4096xf32> to vector<32x128xf32>
    %add3A_885 = arith.addf %add3A_883, %slice3A_884 : vector<32x128xf32>
    %slice3A_886 = vector.extract_strided_slice %select_n3A_860 {offsets = [0, 1664], sizes = [32, 128], strides = [1, 1]} : vector<32x4096xf32> to vector<32x128xf32>
    %add3A_887 = arith.addf %add3A_885, %slice3A_886 : vector<32x128xf32>
    %slice3A_888 = vector.extract_strided_slice %select_n3A_860 {offsets = [0, 1792], sizes = [32, 128], strides = [1, 1]} : vector<32x4096xf32> to vector<32x128xf32>
    %add3A_889 = arith.addf %add3A_887, %slice3A_888 : vector<32x128xf32>
    %slice3A_890 = vector.extract_strided_slice %select_n3A_860 {offsets = [0, 1920], sizes = [32, 128], strides = [1, 1]} : vector<32x4096xf32> to vector<32x128xf32>
    %add3A_891 = arith.addf %add3A_889, %slice3A_890 : vector<32x128xf32>
    %slice3A_892 = vector.extract_strided_slice %select_n3A_860 {offsets = [0, 2048], sizes = [32, 128], strides = [1, 1]} : vector<32x4096xf32> to vector<32x128xf32>
    %add3A_893 = arith.addf %add3A_891, %slice3A_892 : vector<32x128xf32>
    %slice3A_894 = vector.extract_strided_slice %select_n3A_860 {offsets = [0, 2176], sizes = [32, 128], strides = [1, 1]} : vector<32x4096xf32> to vector<32x128xf32>
    %add3A_895 = arith.addf %add3A_893, %slice3A_894 : vector<32x128xf32>
    %slice3A_896 = vector.extract_strided_slice %select_n3A_860 {offsets = [0, 2304], sizes = [32, 128], strides = [1, 1]} : vector<32x4096xf32> to vector<32x128xf32>
    %add3A_897 = arith.addf %add3A_895, %slice3A_896 : vector<32x128xf32>
    %slice3A_898 = vector.extract_strided_slice %select_n3A_860 {offsets = [0, 2432], sizes = [32, 128], strides = [1, 1]} : vector<32x4096xf32> to vector<32x128xf32>
    %add3A_899 = arith.addf %add3A_897, %slice3A_898 : vector<32x128xf32>
    %slice3A_900 = vector.extract_strided_slice %select_n3A_860 {offsets = [0, 2560], sizes = [32, 128], strides = [1, 1]} : vector<32x4096xf32> to vector<32x128xf32>
    %add3A_901 = arith.addf %add3A_899, %slice3A_900 : vector<32x128xf32>
    %slice3A_902 = vector.extract_strided_slice %select_n3A_860 {offsets = [0, 2688], sizes = [32, 128], strides = [1, 1]} : vector<32x4096xf32> to vector<32x128xf32>
    %add3A_903 = arith.addf %add3A_901, %slice3A_902 : vector<32x128xf32>
    %slice3A_904 = vector.extract_strided_slice %select_n3A_860 {offsets = [0, 2816], sizes = [32, 128], strides = [1, 1]} : vector<32x4096xf32> to vector<32x128xf32>
    %add3A_905 = arith.addf %add3A_903, %slice3A_904 : vector<32x128xf32>
    %slice3A_906 = vector.extract_strided_slice %select_n3A_860 {offsets = [0, 2944], sizes = [32, 128], strides = [1, 1]} : vector<32x4096xf32> to vector<32x128xf32>
    %add3A_907 = arith.addf %add3A_905, %slice3A_906 : vector<32x128xf32>
    %slice3A_908 = vector.extract_strided_slice %select_n3A_860 {offsets = [0, 3072], sizes = [32, 128], strides = [1, 1]} : vector<32x4096xf32> to vector<32x128xf32>
    %add3A_909 = arith.addf %add3A_907, %slice3A_908 : vector<32x128xf32>
    %slice3A_910 = vector.extract_strided_slice %select_n3A_860 {offsets = [0, 3200], sizes = [32, 128], strides = [1, 1]} : vector<32x4096xf32> to vector<32x128xf32>
    %add3A_911 = arith.addf %add3A_909, %slice3A_910 : vector<32x128xf32>
    %slice3A_912 = vector.extract_strided_slice %select_n3A_860 {offsets = [0, 3328], sizes = [32, 128], strides = [1, 1]} : vector<32x4096xf32> to vector<32x128xf32>
    %add3A_913 = arith.addf %add3A_911, %slice3A_912 : vector<32x128xf32>
    %slice3A_914 = vector.extract_strided_slice %select_n3A_860 {offsets = [0, 3456], sizes = [32, 128], strides = [1, 1]} : vector<32x4096xf32> to vector<32x128xf32>
    %add3A_915 = arith.addf %add3A_913, %slice3A_914 : vector<32x128xf32>
    %slice3A_916 = vector.extract_strided_slice %select_n3A_860 {offsets = [0, 3584], sizes = [32, 128], strides = [1, 1]} : vector<32x4096xf32> to vector<32x128xf32>
    %add3A_917 = arith.addf %add3A_915, %slice3A_916 : vector<32x128xf32>
    %slice3A_918 = vector.extract_strided_slice %select_n3A_860 {offsets = [0, 3712], sizes = [32, 128], strides = [1, 1]} : vector<32x4096xf32> to vector<32x128xf32>
    %add3A_919 = arith.addf %add3A_917, %slice3A_918 : vector<32x128xf32>
    %slice3A_920 = vector.extract_strided_slice %select_n3A_860 {offsets = [0, 3840], sizes = [32, 128], strides = [1, 1]} : vector<32x4096xf32> to vector<32x128xf32>
    %add3A_921 = arith.addf %add3A_919, %slice3A_920 : vector<32x128xf32>
    %slice3A_922 = vector.extract_strided_slice %select_n3A_860 {offsets = [0, 3968], sizes = [32, 128], strides = [1, 1]} : vector<32x4096xf32> to vector<32x128xf32>
    %add3A_923 = arith.addf %add3A_921, %slice3A_922 : vector<32x128xf32>
    %add3A_924 = arith.addf %add3A_840, %add3A_923 : vector<32x128xf32>
    %iota3A_925 = tpu.iota {dimensions = array<i32: 1>} : vector<32x4096xi32>
    %sub3A_926 = arith.constant 45056 : i32
    %sub3A_927 = vector.broadcast %sub3A_926 : i32 to vector<32x1xi32>
    %sub3A_928 = arith.subi %get3A_1, %sub3A_927 : vector<32x1xi32>
    %lt3A_929 = vector.broadcast %sub3A_928 : vector<32x1xi32> to vector<32x4096xi32>
    %lt3A_930 = arith.cmpi slt, %iota3A_925, %lt3A_929 : vector<32x4096xi32>
    %broadcast_in_dim3A_931 = vector.shape_cast %get3A_4 : vector<32x1xf32> to vector<32x1xf32>
    %broadcast_in_dim3A_932 = vector.broadcast %broadcast_in_dim3A_931 : vector<32x1xf32> to vector<32x4096xf32>
    %broadcast_in_dim3A_933 = vector.shape_cast %get3A_7 : vector<32x1xf32> to vector<32x1xf32>
    %broadcast_in_dim3A_934 = vector.broadcast %broadcast_in_dim3A_933 : vector<32x1xf32> to vector<32x4096xf32>
    %select_n3A_935 = arith.select %lt3A_930, %broadcast_in_dim3A_932, %broadcast_in_dim3A_934 : vector<32x4096xi1>, vector<32x4096xf32>
    %get3A_936 = arith.constant 0 : index
    %get3A_937 = arith.constant 45056 : index
    %get3A_938 = vector.load %arg4[%get3A_936, %get3A_937] : memref<32x100000xf32, #tpu.memory_space<vmem>>, vector<32x4096xf32>
    %ge3A_939 = arith.cmpf oge, %get3A_938, %select_n3A_935 : vector<32x4096xf32>
    %jit3A_940 = arith.constant 1.000000e+00 : f32
    %jit3A_941 = arith.constant 0.000000e+00 : f32
    %broadcast_in_dim3A_942 = vector.broadcast %jit3A_940 : f32 to vector<32x4096xf32>
    %broadcast_in_dim3A_943 = vector.broadcast %jit3A_941 : f32 to vector<32x4096xf32>
    %select_n3A_944 = arith.select %ge3A_939, %broadcast_in_dim3A_942, %broadcast_in_dim3A_943 : vector<32x4096xi1>, vector<32x4096xf32>
    %slice3A_945 = vector.extract_strided_slice %select_n3A_944 {offsets = [0, 0], sizes = [32, 128], strides = [1, 1]} : vector<32x4096xf32> to vector<32x128xf32>
    %slice3A_946 = vector.extract_strided_slice %select_n3A_944 {offsets = [0, 128], sizes = [32, 128], strides = [1, 1]} : vector<32x4096xf32> to vector<32x128xf32>
    %add3A_947 = arith.addf %slice3A_945, %slice3A_946 : vector<32x128xf32>
    %slice3A_948 = vector.extract_strided_slice %select_n3A_944 {offsets = [0, 256], sizes = [32, 128], strides = [1, 1]} : vector<32x4096xf32> to vector<32x128xf32>
    %add3A_949 = arith.addf %add3A_947, %slice3A_948 : vector<32x128xf32>
    %slice3A_950 = vector.extract_strided_slice %select_n3A_944 {offsets = [0, 384], sizes = [32, 128], strides = [1, 1]} : vector<32x4096xf32> to vector<32x128xf32>
    %add3A_951 = arith.addf %add3A_949, %slice3A_950 : vector<32x128xf32>
    %slice3A_952 = vector.extract_strided_slice %select_n3A_944 {offsets = [0, 512], sizes = [32, 128], strides = [1, 1]} : vector<32x4096xf32> to vector<32x128xf32>
    %add3A_953 = arith.addf %add3A_951, %slice3A_952 : vector<32x128xf32>
    %slice3A_954 = vector.extract_strided_slice %select_n3A_944 {offsets = [0, 640], sizes = [32, 128], strides = [1, 1]} : vector<32x4096xf32> to vector<32x128xf32>
    %add3A_955 = arith.addf %add3A_953, %slice3A_954 : vector<32x128xf32>
    %slice3A_956 = vector.extract_strided_slice %select_n3A_944 {offsets = [0, 768], sizes = [32, 128], strides = [1, 1]} : vector<32x4096xf32> to vector<32x128xf32>
    %add3A_957 = arith.addf %add3A_955, %slice3A_956 : vector<32x128xf32>
    %slice3A_958 = vector.extract_strided_slice %select_n3A_944 {offsets = [0, 896], sizes = [32, 128], strides = [1, 1]} : vector<32x4096xf32> to vector<32x128xf32>
    %add3A_959 = arith.addf %add3A_957, %slice3A_958 : vector<32x128xf32>
    %slice3A_960 = vector.extract_strided_slice %select_n3A_944 {offsets = [0, 1024], sizes = [32, 128], strides = [1, 1]} : vector<32x4096xf32> to vector<32x128xf32>
    %add3A_961 = arith.addf %add3A_959, %slice3A_960 : vector<32x128xf32>
    %slice3A_962 = vector.extract_strided_slice %select_n3A_944 {offsets = [0, 1152], sizes = [32, 128], strides = [1, 1]} : vector<32x4096xf32> to vector<32x128xf32>
    %add3A_963 = arith.addf %add3A_961, %slice3A_962 : vector<32x128xf32>
    %slice3A_964 = vector.extract_strided_slice %select_n3A_944 {offsets = [0, 1280], sizes = [32, 128], strides = [1, 1]} : vector<32x4096xf32> to vector<32x128xf32>
    %add3A_965 = arith.addf %add3A_963, %slice3A_964 : vector<32x128xf32>
    %slice3A_966 = vector.extract_strided_slice %select_n3A_944 {offsets = [0, 1408], sizes = [32, 128], strides = [1, 1]} : vector<32x4096xf32> to vector<32x128xf32>
    %add3A_967 = arith.addf %add3A_965, %slice3A_966 : vector<32x128xf32>
    %slice3A_968 = vector.extract_strided_slice %select_n3A_944 {offsets = [0, 1536], sizes = [32, 128], strides = [1, 1]} : vector<32x4096xf32> to vector<32x128xf32>
    %add3A_969 = arith.addf %add3A_967, %slice3A_968 : vector<32x128xf32>
    %slice3A_970 = vector.extract_strided_slice %select_n3A_944 {offsets = [0, 1664], sizes = [32, 128], strides = [1, 1]} : vector<32x4096xf32> to vector<32x128xf32>
    %add3A_971 = arith.addf %add3A_969, %slice3A_970 : vector<32x128xf32>
    %slice3A_972 = vector.extract_strided_slice %select_n3A_944 {offsets = [0, 1792], sizes = [32, 128], strides = [1, 1]} : vector<32x4096xf32> to vector<32x128xf32>
    %add3A_973 = arith.addf %add3A_971, %slice3A_972 : vector<32x128xf32>
    %slice3A_974 = vector.extract_strided_slice %select_n3A_944 {offsets = [0, 1920], sizes = [32, 128], strides = [1, 1]} : vector<32x4096xf32> to vector<32x128xf32>
    %add3A_975 = arith.addf %add3A_973, %slice3A_974 : vector<32x128xf32>
    %slice3A_976 = vector.extract_strided_slice %select_n3A_944 {offsets = [0, 2048], sizes = [32, 128], strides = [1, 1]} : vector<32x4096xf32> to vector<32x128xf32>
    %add3A_977 = arith.addf %add3A_975, %slice3A_976 : vector<32x128xf32>
    %slice3A_978 = vector.extract_strided_slice %select_n3A_944 {offsets = [0, 2176], sizes = [32, 128], strides = [1, 1]} : vector<32x4096xf32> to vector<32x128xf32>
    %add3A_979 = arith.addf %add3A_977, %slice3A_978 : vector<32x128xf32>
    %slice3A_980 = vector.extract_strided_slice %select_n3A_944 {offsets = [0, 2304], sizes = [32, 128], strides = [1, 1]} : vector<32x4096xf32> to vector<32x128xf32>
    %add3A_981 = arith.addf %add3A_979, %slice3A_980 : vector<32x128xf32>
    %slice3A_982 = vector.extract_strided_slice %select_n3A_944 {offsets = [0, 2432], sizes = [32, 128], strides = [1, 1]} : vector<32x4096xf32> to vector<32x128xf32>
    %add3A_983 = arith.addf %add3A_981, %slice3A_982 : vector<32x128xf32>
    %slice3A_984 = vector.extract_strided_slice %select_n3A_944 {offsets = [0, 2560], sizes = [32, 128], strides = [1, 1]} : vector<32x4096xf32> to vector<32x128xf32>
    %add3A_985 = arith.addf %add3A_983, %slice3A_984 : vector<32x128xf32>
    %slice3A_986 = vector.extract_strided_slice %select_n3A_944 {offsets = [0, 2688], sizes = [32, 128], strides = [1, 1]} : vector<32x4096xf32> to vector<32x128xf32>
    %add3A_987 = arith.addf %add3A_985, %slice3A_986 : vector<32x128xf32>
    %slice3A_988 = vector.extract_strided_slice %select_n3A_944 {offsets = [0, 2816], sizes = [32, 128], strides = [1, 1]} : vector<32x4096xf32> to vector<32x128xf32>
    %add3A_989 = arith.addf %add3A_987, %slice3A_988 : vector<32x128xf32>
    %slice3A_990 = vector.extract_strided_slice %select_n3A_944 {offsets = [0, 2944], sizes = [32, 128], strides = [1, 1]} : vector<32x4096xf32> to vector<32x128xf32>
    %add3A_991 = arith.addf %add3A_989, %slice3A_990 : vector<32x128xf32>
    %slice3A_992 = vector.extract_strided_slice %select_n3A_944 {offsets = [0, 3072], sizes = [32, 128], strides = [1, 1]} : vector<32x4096xf32> to vector<32x128xf32>
    %add3A_993 = arith.addf %add3A_991, %slice3A_992 : vector<32x128xf32>
    %slice3A_994 = vector.extract_strided_slice %select_n3A_944 {offsets = [0, 3200], sizes = [32, 128], strides = [1, 1]} : vector<32x4096xf32> to vector<32x128xf32>
    %add3A_995 = arith.addf %add3A_993, %slice3A_994 : vector<32x128xf32>
    %slice3A_996 = vector.extract_strided_slice %select_n3A_944 {offsets = [0, 3328], sizes = [32, 128], strides = [1, 1]} : vector<32x4096xf32> to vector<32x128xf32>
    %add3A_997 = arith.addf %add3A_995, %slice3A_996 : vector<32x128xf32>
    %slice3A_998 = vector.extract_strided_slice %select_n3A_944 {offsets = [0, 3456], sizes = [32, 128], strides = [1, 1]} : vector<32x4096xf32> to vector<32x128xf32>
    %add3A_999 = arith.addf %add3A_997, %slice3A_998 : vector<32x128xf32>
    %slice3A_1000 = vector.extract_strided_slice %select_n3A_944 {offsets = [0, 3584], sizes = [32, 128], strides = [1, 1]} : vector<32x4096xf32> to vector<32x128xf32>
    %add3A_1001 = arith.addf %add3A_999, %slice3A_1000 : vector<32x128xf32>
    %slice3A_1002 = vector.extract_strided_slice %select_n3A_944 {offsets = [0, 3712], sizes = [32, 128], strides = [1, 1]} : vector<32x4096xf32> to vector<32x128xf32>
    %add3A_1003 = arith.addf %add3A_1001, %slice3A_1002 : vector<32x128xf32>
    %slice3A_1004 = vector.extract_strided_slice %select_n3A_944 {offsets = [0, 3840], sizes = [32, 128], strides = [1, 1]} : vector<32x4096xf32> to vector<32x128xf32>
    %add3A_1005 = arith.addf %add3A_1003, %slice3A_1004 : vector<32x128xf32>
    %slice3A_1006 = vector.extract_strided_slice %select_n3A_944 {offsets = [0, 3968], sizes = [32, 128], strides = [1, 1]} : vector<32x4096xf32> to vector<32x128xf32>
    %add3A_1007 = arith.addf %add3A_1005, %slice3A_1006 : vector<32x128xf32>
    %add3A_1008 = arith.addf %add3A_924, %add3A_1007 : vector<32x128xf32>
    %iota3A_1009 = tpu.iota {dimensions = array<i32: 1>} : vector<32x4096xi32>
    %sub3A_1010 = arith.constant 49152 : i32
    %sub3A_1011 = vector.broadcast %sub3A_1010 : i32 to vector<32x1xi32>
    %sub3A_1012 = arith.subi %get3A_1, %sub3A_1011 : vector<32x1xi32>
    %lt3A_1013 = vector.broadcast %sub3A_1012 : vector<32x1xi32> to vector<32x4096xi32>
    %lt3A_1014 = arith.cmpi slt, %iota3A_1009, %lt3A_1013 : vector<32x4096xi32>
    %broadcast_in_dim3A_1015 = vector.shape_cast %get3A_4 : vector<32x1xf32> to vector<32x1xf32>
    %broadcast_in_dim3A_1016 = vector.broadcast %broadcast_in_dim3A_1015 : vector<32x1xf32> to vector<32x4096xf32>
    %broadcast_in_dim3A_1017 = vector.shape_cast %get3A_7 : vector<32x1xf32> to vector<32x1xf32>
    %broadcast_in_dim3A_1018 = vector.broadcast %broadcast_in_dim3A_1017 : vector<32x1xf32> to vector<32x4096xf32>
    %select_n3A_1019 = arith.select %lt3A_1014, %broadcast_in_dim3A_1016, %broadcast_in_dim3A_1018 : vector<32x4096xi1>, vector<32x4096xf32>
    %get3A_1020 = arith.constant 0 : index
    %get3A_1021 = arith.constant 49152 : index
    %get3A_1022 = vector.load %arg4[%get3A_1020, %get3A_1021] : memref<32x100000xf32, #tpu.memory_space<vmem>>, vector<32x4096xf32>
    %ge3A_1023 = arith.cmpf oge, %get3A_1022, %select_n3A_1019 : vector<32x4096xf32>
    %jit3A_1024 = arith.constant 1.000000e+00 : f32
    %jit3A_1025 = arith.constant 0.000000e+00 : f32
    %broadcast_in_dim3A_1026 = vector.broadcast %jit3A_1024 : f32 to vector<32x4096xf32>
    %broadcast_in_dim3A_1027 = vector.broadcast %jit3A_1025 : f32 to vector<32x4096xf32>
    %select_n3A_1028 = arith.select %ge3A_1023, %broadcast_in_dim3A_1026, %broadcast_in_dim3A_1027 : vector<32x4096xi1>, vector<32x4096xf32>
    %slice3A_1029 = vector.extract_strided_slice %select_n3A_1028 {offsets = [0, 0], sizes = [32, 128], strides = [1, 1]} : vector<32x4096xf32> to vector<32x128xf32>
    %slice3A_1030 = vector.extract_strided_slice %select_n3A_1028 {offsets = [0, 128], sizes = [32, 128], strides = [1, 1]} : vector<32x4096xf32> to vector<32x128xf32>
    %add3A_1031 = arith.addf %slice3A_1029, %slice3A_1030 : vector<32x128xf32>
    %slice3A_1032 = vector.extract_strided_slice %select_n3A_1028 {offsets = [0, 256], sizes = [32, 128], strides = [1, 1]} : vector<32x4096xf32> to vector<32x128xf32>
    %add3A_1033 = arith.addf %add3A_1031, %slice3A_1032 : vector<32x128xf32>
    %slice3A_1034 = vector.extract_strided_slice %select_n3A_1028 {offsets = [0, 384], sizes = [32, 128], strides = [1, 1]} : vector<32x4096xf32> to vector<32x128xf32>
    %add3A_1035 = arith.addf %add3A_1033, %slice3A_1034 : vector<32x128xf32>
    %slice3A_1036 = vector.extract_strided_slice %select_n3A_1028 {offsets = [0, 512], sizes = [32, 128], strides = [1, 1]} : vector<32x4096xf32> to vector<32x128xf32>
    %add3A_1037 = arith.addf %add3A_1035, %slice3A_1036 : vector<32x128xf32>
    %slice3A_1038 = vector.extract_strided_slice %select_n3A_1028 {offsets = [0, 640], sizes = [32, 128], strides = [1, 1]} : vector<32x4096xf32> to vector<32x128xf32>
    %add3A_1039 = arith.addf %add3A_1037, %slice3A_1038 : vector<32x128xf32>
    %slice3A_1040 = vector.extract_strided_slice %select_n3A_1028 {offsets = [0, 768], sizes = [32, 128], strides = [1, 1]} : vector<32x4096xf32> to vector<32x128xf32>
    %add3A_1041 = arith.addf %add3A_1039, %slice3A_1040 : vector<32x128xf32>
    %slice3A_1042 = vector.extract_strided_slice %select_n3A_1028 {offsets = [0, 896], sizes = [32, 128], strides = [1, 1]} : vector<32x4096xf32> to vector<32x128xf32>
    %add3A_1043 = arith.addf %add3A_1041, %slice3A_1042 : vector<32x128xf32>
    %slice3A_1044 = vector.extract_strided_slice %select_n3A_1028 {offsets = [0, 1024], sizes = [32, 128], strides = [1, 1]} : vector<32x4096xf32> to vector<32x128xf32>
    %add3A_1045 = arith.addf %add3A_1043, %slice3A_1044 : vector<32x128xf32>
    %slice3A_1046 = vector.extract_strided_slice %select_n3A_1028 {offsets = [0, 1152], sizes = [32, 128], strides = [1, 1]} : vector<32x4096xf32> to vector<32x128xf32>
    %add3A_1047 = arith.addf %add3A_1045, %slice3A_1046 : vector<32x128xf32>
    %slice3A_1048 = vector.extract_strided_slice %select_n3A_1028 {offsets = [0, 1280], sizes = [32, 128], strides = [1, 1]} : vector<32x4096xf32> to vector<32x128xf32>
    %add3A_1049 = arith.addf %add3A_1047, %slice3A_1048 : vector<32x128xf32>
    %slice3A_1050 = vector.extract_strided_slice %select_n3A_1028 {offsets = [0, 1408], sizes = [32, 128], strides = [1, 1]} : vector<32x4096xf32> to vector<32x128xf32>
    %add3A_1051 = arith.addf %add3A_1049, %slice3A_1050 : vector<32x128xf32>
    %slice3A_1052 = vector.extract_strided_slice %select_n3A_1028 {offsets = [0, 1536], sizes = [32, 128], strides = [1, 1]} : vector<32x4096xf32> to vector<32x128xf32>
    %add3A_1053 = arith.addf %add3A_1051, %slice3A_1052 : vector<32x128xf32>
    %slice3A_1054 = vector.extract_strided_slice %select_n3A_1028 {offsets = [0, 1664], sizes = [32, 128], strides = [1, 1]} : vector<32x4096xf32> to vector<32x128xf32>
    %add3A_1055 = arith.addf %add3A_1053, %slice3A_1054 : vector<32x128xf32>
    %slice3A_1056 = vector.extract_strided_slice %select_n3A_1028 {offsets = [0, 1792], sizes = [32, 128], strides = [1, 1]} : vector<32x4096xf32> to vector<32x128xf32>
    %add3A_1057 = arith.addf %add3A_1055, %slice3A_1056 : vector<32x128xf32>
    %slice3A_1058 = vector.extract_strided_slice %select_n3A_1028 {offsets = [0, 1920], sizes = [32, 128], strides = [1, 1]} : vector<32x4096xf32> to vector<32x128xf32>
    %add3A_1059 = arith.addf %add3A_1057, %slice3A_1058 : vector<32x128xf32>
    %slice3A_1060 = vector.extract_strided_slice %select_n3A_1028 {offsets = [0, 2048], sizes = [32, 128], strides = [1, 1]} : vector<32x4096xf32> to vector<32x128xf32>
    %add3A_1061 = arith.addf %add3A_1059, %slice3A_1060 : vector<32x128xf32>
    %slice3A_1062 = vector.extract_strided_slice %select_n3A_1028 {offsets = [0, 2176], sizes = [32, 128], strides = [1, 1]} : vector<32x4096xf32> to vector<32x128xf32>
    %add3A_1063 = arith.addf %add3A_1061, %slice3A_1062 : vector<32x128xf32>
    %slice3A_1064 = vector.extract_strided_slice %select_n3A_1028 {offsets = [0, 2304], sizes = [32, 128], strides = [1, 1]} : vector<32x4096xf32> to vector<32x128xf32>
    %add3A_1065 = arith.addf %add3A_1063, %slice3A_1064 : vector<32x128xf32>
    %slice3A_1066 = vector.extract_strided_slice %select_n3A_1028 {offsets = [0, 2432], sizes = [32, 128], strides = [1, 1]} : vector<32x4096xf32> to vector<32x128xf32>
    %add3A_1067 = arith.addf %add3A_1065, %slice3A_1066 : vector<32x128xf32>
    %slice3A_1068 = vector.extract_strided_slice %select_n3A_1028 {offsets = [0, 2560], sizes = [32, 128], strides = [1, 1]} : vector<32x4096xf32> to vector<32x128xf32>
    %add3A_1069 = arith.addf %add3A_1067, %slice3A_1068 : vector<32x128xf32>
    %slice3A_1070 = vector.extract_strided_slice %select_n3A_1028 {offsets = [0, 2688], sizes = [32, 128], strides = [1, 1]} : vector<32x4096xf32> to vector<32x128xf32>
    %add3A_1071 = arith.addf %add3A_1069, %slice3A_1070 : vector<32x128xf32>
    %slice3A_1072 = vector.extract_strided_slice %select_n3A_1028 {offsets = [0, 2816], sizes = [32, 128], strides = [1, 1]} : vector<32x4096xf32> to vector<32x128xf32>
    %add3A_1073 = arith.addf %add3A_1071, %slice3A_1072 : vector<32x128xf32>
    %slice3A_1074 = vector.extract_strided_slice %select_n3A_1028 {offsets = [0, 2944], sizes = [32, 128], strides = [1, 1]} : vector<32x4096xf32> to vector<32x128xf32>
    %add3A_1075 = arith.addf %add3A_1073, %slice3A_1074 : vector<32x128xf32>
    %slice3A_1076 = vector.extract_strided_slice %select_n3A_1028 {offsets = [0, 3072], sizes = [32, 128], strides = [1, 1]} : vector<32x4096xf32> to vector<32x128xf32>
    %add3A_1077 = arith.addf %add3A_1075, %slice3A_1076 : vector<32x128xf32>
    %slice3A_1078 = vector.extract_strided_slice %select_n3A_1028 {offsets = [0, 3200], sizes = [32, 128], strides = [1, 1]} : vector<32x4096xf32> to vector<32x128xf32>
    %add3A_1079 = arith.addf %add3A_1077, %slice3A_1078 : vector<32x128xf32>
    %slice3A_1080 = vector.extract_strided_slice %select_n3A_1028 {offsets = [0, 3328], sizes = [32, 128], strides = [1, 1]} : vector<32x4096xf32> to vector<32x128xf32>
    %add3A_1081 = arith.addf %add3A_1079, %slice3A_1080 : vector<32x128xf32>
    %slice3A_1082 = vector.extract_strided_slice %select_n3A_1028 {offsets = [0, 3456], sizes = [32, 128], strides = [1, 1]} : vector<32x4096xf32> to vector<32x128xf32>
    %add3A_1083 = arith.addf %add3A_1081, %slice3A_1082 : vector<32x128xf32>
    %slice3A_1084 = vector.extract_strided_slice %select_n3A_1028 {offsets = [0, 3584], sizes = [32, 128], strides = [1, 1]} : vector<32x4096xf32> to vector<32x128xf32>
    %add3A_1085 = arith.addf %add3A_1083, %slice3A_1084 : vector<32x128xf32>
    %slice3A_1086 = vector.extract_strided_slice %select_n3A_1028 {offsets = [0, 3712], sizes = [32, 128], strides = [1, 1]} : vector<32x4096xf32> to vector<32x128xf32>
    %add3A_1087 = arith.addf %add3A_1085, %slice3A_1086 : vector<32x128xf32>
    %slice3A_1088 = vector.extract_strided_slice %select_n3A_1028 {offsets = [0, 3840], sizes = [32, 128], strides = [1, 1]} : vector<32x4096xf32> to vector<32x128xf32>
    %add3A_1089 = arith.addf %add3A_1087, %slice3A_1088 : vector<32x128xf32>
    %slice3A_1090 = vector.extract_strided_slice %select_n3A_1028 {offsets = [0, 3968], sizes = [32, 128], strides = [1, 1]} : vector<32x4096xf32> to vector<32x128xf32>
    %add3A_1091 = arith.addf %add3A_1089, %slice3A_1090 : vector<32x128xf32>
    %add3A_1092 = arith.addf %add3A_1008, %add3A_1091 : vector<32x128xf32>
    %iota3A_1093 = tpu.iota {dimensions = array<i32: 1>} : vector<32x4096xi32>
    %sub3A_1094 = arith.constant 53248 : i32
    %sub3A_1095 = vector.broadcast %sub3A_1094 : i32 to vector<32x1xi32>
    %sub3A_1096 = arith.subi %get3A_1, %sub3A_1095 : vector<32x1xi32>
    %lt3A_1097 = vector.broadcast %sub3A_1096 : vector<32x1xi32> to vector<32x4096xi32>
    %lt3A_1098 = arith.cmpi slt, %iota3A_1093, %lt3A_1097 : vector<32x4096xi32>
    %broadcast_in_dim3A_1099 = vector.shape_cast %get3A_4 : vector<32x1xf32> to vector<32x1xf32>
    %broadcast_in_dim3A_1100 = vector.broadcast %broadcast_in_dim3A_1099 : vector<32x1xf32> to vector<32x4096xf32>
    %broadcast_in_dim3A_1101 = vector.shape_cast %get3A_7 : vector<32x1xf32> to vector<32x1xf32>
    %broadcast_in_dim3A_1102 = vector.broadcast %broadcast_in_dim3A_1101 : vector<32x1xf32> to vector<32x4096xf32>
    %select_n3A_1103 = arith.select %lt3A_1098, %broadcast_in_dim3A_1100, %broadcast_in_dim3A_1102 : vector<32x4096xi1>, vector<32x4096xf32>
    %get3A_1104 = arith.constant 0 : index
    %get3A_1105 = arith.constant 53248 : index
    %get3A_1106 = vector.load %arg4[%get3A_1104, %get3A_1105] : memref<32x100000xf32, #tpu.memory_space<vmem>>, vector<32x4096xf32>
    %ge3A_1107 = arith.cmpf oge, %get3A_1106, %select_n3A_1103 : vector<32x4096xf32>
    %jit3A_1108 = arith.constant 1.000000e+00 : f32
    %jit3A_1109 = arith.constant 0.000000e+00 : f32
    %broadcast_in_dim3A_1110 = vector.broadcast %jit3A_1108 : f32 to vector<32x4096xf32>
    %broadcast_in_dim3A_1111 = vector.broadcast %jit3A_1109 : f32 to vector<32x4096xf32>
    %select_n3A_1112 = arith.select %ge3A_1107, %broadcast_in_dim3A_1110, %broadcast_in_dim3A_1111 : vector<32x4096xi1>, vector<32x4096xf32>
    %slice3A_1113 = vector.extract_strided_slice %select_n3A_1112 {offsets = [0, 0], sizes = [32, 128], strides = [1, 1]} : vector<32x4096xf32> to vector<32x128xf32>
    %slice3A_1114 = vector.extract_strided_slice %select_n3A_1112 {offsets = [0, 128], sizes = [32, 128], strides = [1, 1]} : vector<32x4096xf32> to vector<32x128xf32>
    %add3A_1115 = arith.addf %slice3A_1113, %slice3A_1114 : vector<32x128xf32>
    %slice3A_1116 = vector.extract_strided_slice %select_n3A_1112 {offsets = [0, 256], sizes = [32, 128], strides = [1, 1]} : vector<32x4096xf32> to vector<32x128xf32>
    %add3A_1117 = arith.addf %add3A_1115, %slice3A_1116 : vector<32x128xf32>
    %slice3A_1118 = vector.extract_strided_slice %select_n3A_1112 {offsets = [0, 384], sizes = [32, 128], strides = [1, 1]} : vector<32x4096xf32> to vector<32x128xf32>
    %add3A_1119 = arith.addf %add3A_1117, %slice3A_1118 : vector<32x128xf32>
    %slice3A_1120 = vector.extract_strided_slice %select_n3A_1112 {offsets = [0, 512], sizes = [32, 128], strides = [1, 1]} : vector<32x4096xf32> to vector<32x128xf32>
    %add3A_1121 = arith.addf %add3A_1119, %slice3A_1120 : vector<32x128xf32>
    %slice3A_1122 = vector.extract_strided_slice %select_n3A_1112 {offsets = [0, 640], sizes = [32, 128], strides = [1, 1]} : vector<32x4096xf32> to vector<32x128xf32>
    %add3A_1123 = arith.addf %add3A_1121, %slice3A_1122 : vector<32x128xf32>
    %slice3A_1124 = vector.extract_strided_slice %select_n3A_1112 {offsets = [0, 768], sizes = [32, 128], strides = [1, 1]} : vector<32x4096xf32> to vector<32x128xf32>
    %add3A_1125 = arith.addf %add3A_1123, %slice3A_1124 : vector<32x128xf32>
    %slice3A_1126 = vector.extract_strided_slice %select_n3A_1112 {offsets = [0, 896], sizes = [32, 128], strides = [1, 1]} : vector<32x4096xf32> to vector<32x128xf32>
    %add3A_1127 = arith.addf %add3A_1125, %slice3A_1126 : vector<32x128xf32>
    %slice3A_1128 = vector.extract_strided_slice %select_n3A_1112 {offsets = [0, 1024], sizes = [32, 128], strides = [1, 1]} : vector<32x4096xf32> to vector<32x128xf32>
    %add3A_1129 = arith.addf %add3A_1127, %slice3A_1128 : vector<32x128xf32>
    %slice3A_1130 = vector.extract_strided_slice %select_n3A_1112 {offsets = [0, 1152], sizes = [32, 128], strides = [1, 1]} : vector<32x4096xf32> to vector<32x128xf32>
    %add3A_1131 = arith.addf %add3A_1129, %slice3A_1130 : vector<32x128xf32>
    %slice3A_1132 = vector.extract_strided_slice %select_n3A_1112 {offsets = [0, 1280], sizes = [32, 128], strides = [1, 1]} : vector<32x4096xf32> to vector<32x128xf32>
    %add3A_1133 = arith.addf %add3A_1131, %slice3A_1132 : vector<32x128xf32>
    %slice3A_1134 = vector.extract_strided_slice %select_n3A_1112 {offsets = [0, 1408], sizes = [32, 128], strides = [1, 1]} : vector<32x4096xf32> to vector<32x128xf32>
    %add3A_1135 = arith.addf %add3A_1133, %slice3A_1134 : vector<32x128xf32>
    %slice3A_1136 = vector.extract_strided_slice %select_n3A_1112 {offsets = [0, 1536], sizes = [32, 128], strides = [1, 1]} : vector<32x4096xf32> to vector<32x128xf32>
    %add3A_1137 = arith.addf %add3A_1135, %slice3A_1136 : vector<32x128xf32>
    %slice3A_1138 = vector.extract_strided_slice %select_n3A_1112 {offsets = [0, 1664], sizes = [32, 128], strides = [1, 1]} : vector<32x4096xf32> to vector<32x128xf32>
    %add3A_1139 = arith.addf %add3A_1137, %slice3A_1138 : vector<32x128xf32>
    %slice3A_1140 = vector.extract_strided_slice %select_n3A_1112 {offsets = [0, 1792], sizes = [32, 128], strides = [1, 1]} : vector<32x4096xf32> to vector<32x128xf32>
    %add3A_1141 = arith.addf %add3A_1139, %slice3A_1140 : vector<32x128xf32>
    %slice3A_1142 = vector.extract_strided_slice %select_n3A_1112 {offsets = [0, 1920], sizes = [32, 128], strides = [1, 1]} : vector<32x4096xf32> to vector<32x128xf32>
    %add3A_1143 = arith.addf %add3A_1141, %slice3A_1142 : vector<32x128xf32>
    %slice3A_1144 = vector.extract_strided_slice %select_n3A_1112 {offsets = [0, 2048], sizes = [32, 128], strides = [1, 1]} : vector<32x4096xf32> to vector<32x128xf32>
    %add3A_1145 = arith.addf %add3A_1143, %slice3A_1144 : vector<32x128xf32>
    %slice3A_1146 = vector.extract_strided_slice %select_n3A_1112 {offsets = [0, 2176], sizes = [32, 128], strides = [1, 1]} : vector<32x4096xf32> to vector<32x128xf32>
    %add3A_1147 = arith.addf %add3A_1145, %slice3A_1146 : vector<32x128xf32>
    %slice3A_1148 = vector.extract_strided_slice %select_n3A_1112 {offsets = [0, 2304], sizes = [32, 128], strides = [1, 1]} : vector<32x4096xf32> to vector<32x128xf32>
    %add3A_1149 = arith.addf %add3A_1147, %slice3A_1148 : vector<32x128xf32>
    %slice3A_1150 = vector.extract_strided_slice %select_n3A_1112 {offsets = [0, 2432], sizes = [32, 128], strides = [1, 1]} : vector<32x4096xf32> to vector<32x128xf32>
    %add3A_1151 = arith.addf %add3A_1149, %slice3A_1150 : vector<32x128xf32>
    %slice3A_1152 = vector.extract_strided_slice %select_n3A_1112 {offsets = [0, 2560], sizes = [32, 128], strides = [1, 1]} : vector<32x4096xf32> to vector<32x128xf32>
    %add3A_1153 = arith.addf %add3A_1151, %slice3A_1152 : vector<32x128xf32>
    %slice3A_1154 = vector.extract_strided_slice %select_n3A_1112 {offsets = [0, 2688], sizes = [32, 128], strides = [1, 1]} : vector<32x4096xf32> to vector<32x128xf32>
    %add3A_1155 = arith.addf %add3A_1153, %slice3A_1154 : vector<32x128xf32>
    %slice3A_1156 = vector.extract_strided_slice %select_n3A_1112 {offsets = [0, 2816], sizes = [32, 128], strides = [1, 1]} : vector<32x4096xf32> to vector<32x128xf32>
    %add3A_1157 = arith.addf %add3A_1155, %slice3A_1156 : vector<32x128xf32>
    %slice3A_1158 = vector.extract_strided_slice %select_n3A_1112 {offsets = [0, 2944], sizes = [32, 128], strides = [1, 1]} : vector<32x4096xf32> to vector<32x128xf32>
    %add3A_1159 = arith.addf %add3A_1157, %slice3A_1158 : vector<32x128xf32>
    %slice3A_1160 = vector.extract_strided_slice %select_n3A_1112 {offsets = [0, 3072], sizes = [32, 128], strides = [1, 1]} : vector<32x4096xf32> to vector<32x128xf32>
    %add3A_1161 = arith.addf %add3A_1159, %slice3A_1160 : vector<32x128xf32>
    %slice3A_1162 = vector.extract_strided_slice %select_n3A_1112 {offsets = [0, 3200], sizes = [32, 128], strides = [1, 1]} : vector<32x4096xf32> to vector<32x128xf32>
    %add3A_1163 = arith.addf %add3A_1161, %slice3A_1162 : vector<32x128xf32>
    %slice3A_1164 = vector.extract_strided_slice %select_n3A_1112 {offsets = [0, 3328], sizes = [32, 128], strides = [1, 1]} : vector<32x4096xf32> to vector<32x128xf32>
    %add3A_1165 = arith.addf %add3A_1163, %slice3A_1164 : vector<32x128xf32>
    %slice3A_1166 = vector.extract_strided_slice %select_n3A_1112 {offsets = [0, 3456], sizes = [32, 128], strides = [1, 1]} : vector<32x4096xf32> to vector<32x128xf32>
    %add3A_1167 = arith.addf %add3A_1165, %slice3A_1166 : vector<32x128xf32>
    %slice3A_1168 = vector.extract_strided_slice %select_n3A_1112 {offsets = [0, 3584], sizes = [32, 128], strides = [1, 1]} : vector<32x4096xf32> to vector<32x128xf32>
    %add3A_1169 = arith.addf %add3A_1167, %slice3A_1168 : vector<32x128xf32>
    %slice3A_1170 = vector.extract_strided_slice %select_n3A_1112 {offsets = [0, 3712], sizes = [32, 128], strides = [1, 1]} : vector<32x4096xf32> to vector<32x128xf32>
    %add3A_1171 = arith.addf %add3A_1169, %slice3A_1170 : vector<32x128xf32>
    %slice3A_1172 = vector.extract_strided_slice %select_n3A_1112 {offsets = [0, 3840], sizes = [32, 128], strides = [1, 1]} : vector<32x4096xf32> to vector<32x128xf32>
    %add3A_1173 = arith.addf %add3A_1171, %slice3A_1172 : vector<32x128xf32>
    %slice3A_1174 = vector.extract_strided_slice %select_n3A_1112 {offsets = [0, 3968], sizes = [32, 128], strides = [1, 1]} : vector<32x4096xf32> to vector<32x128xf32>
    %add3A_1175 = arith.addf %add3A_1173, %slice3A_1174 : vector<32x128xf32>
    %add3A_1176 = arith.addf %add3A_1092, %add3A_1175 : vector<32x128xf32>
    %iota3A_1177 = tpu.iota {dimensions = array<i32: 1>} : vector<32x4096xi32>
    %sub3A_1178 = arith.constant 57344 : i32
    %sub3A_1179 = vector.broadcast %sub3A_1178 : i32 to vector<32x1xi32>
    %sub3A_1180 = arith.subi %get3A_1, %sub3A_1179 : vector<32x1xi32>
    %lt3A_1181 = vector.broadcast %sub3A_1180 : vector<32x1xi32> to vector<32x4096xi32>
    %lt3A_1182 = arith.cmpi slt, %iota3A_1177, %lt3A_1181 : vector<32x4096xi32>
    %broadcast_in_dim3A_1183 = vector.shape_cast %get3A_4 : vector<32x1xf32> to vector<32x1xf32>
    %broadcast_in_dim3A_1184 = vector.broadcast %broadcast_in_dim3A_1183 : vector<32x1xf32> to vector<32x4096xf32>
    %broadcast_in_dim3A_1185 = vector.shape_cast %get3A_7 : vector<32x1xf32> to vector<32x1xf32>
    %broadcast_in_dim3A_1186 = vector.broadcast %broadcast_in_dim3A_1185 : vector<32x1xf32> to vector<32x4096xf32>
    %select_n3A_1187 = arith.select %lt3A_1182, %broadcast_in_dim3A_1184, %broadcast_in_dim3A_1186 : vector<32x4096xi1>, vector<32x4096xf32>
    %get3A_1188 = arith.constant 0 : index
    %get3A_1189 = arith.constant 57344 : index
    %get3A_1190 = vector.load %arg4[%get3A_1188, %get3A_1189] : memref<32x100000xf32, #tpu.memory_space<vmem>>, vector<32x4096xf32>
    %ge3A_1191 = arith.cmpf oge, %get3A_1190, %select_n3A_1187 : vector<32x4096xf32>
    %jit3A_1192 = arith.constant 1.000000e+00 : f32
    %jit3A_1193 = arith.constant 0.000000e+00 : f32
    %broadcast_in_dim3A_1194 = vector.broadcast %jit3A_1192 : f32 to vector<32x4096xf32>
    %broadcast_in_dim3A_1195 = vector.broadcast %jit3A_1193 : f32 to vector<32x4096xf32>
    %select_n3A_1196 = arith.select %ge3A_1191, %broadcast_in_dim3A_1194, %broadcast_in_dim3A_1195 : vector<32x4096xi1>, vector<32x4096xf32>
    %slice3A_1197 = vector.extract_strided_slice %select_n3A_1196 {offsets = [0, 0], sizes = [32, 128], strides = [1, 1]} : vector<32x4096xf32> to vector<32x128xf32>
    %slice3A_1198 = vector.extract_strided_slice %select_n3A_1196 {offsets = [0, 128], sizes = [32, 128], strides = [1, 1]} : vector<32x4096xf32> to vector<32x128xf32>
    %add3A_1199 = arith.addf %slice3A_1197, %slice3A_1198 : vector<32x128xf32>
    %slice3A_1200 = vector.extract_strided_slice %select_n3A_1196 {offsets = [0, 256], sizes = [32, 128], strides = [1, 1]} : vector<32x4096xf32> to vector<32x128xf32>
    %add3A_1201 = arith.addf %add3A_1199, %slice3A_1200 : vector<32x128xf32>
    %slice3A_1202 = vector.extract_strided_slice %select_n3A_1196 {offsets = [0, 384], sizes = [32, 128], strides = [1, 1]} : vector<32x4096xf32> to vector<32x128xf32>
    %add3A_1203 = arith.addf %add3A_1201, %slice3A_1202 : vector<32x128xf32>
    %slice3A_1204 = vector.extract_strided_slice %select_n3A_1196 {offsets = [0, 512], sizes = [32, 128], strides = [1, 1]} : vector<32x4096xf32> to vector<32x128xf32>
    %add3A_1205 = arith.addf %add3A_1203, %slice3A_1204 : vector<32x128xf32>
    %slice3A_1206 = vector.extract_strided_slice %select_n3A_1196 {offsets = [0, 640], sizes = [32, 128], strides = [1, 1]} : vector<32x4096xf32> to vector<32x128xf32>
    %add3A_1207 = arith.addf %add3A_1205, %slice3A_1206 : vector<32x128xf32>
    %slice3A_1208 = vector.extract_strided_slice %select_n3A_1196 {offsets = [0, 768], sizes = [32, 128], strides = [1, 1]} : vector<32x4096xf32> to vector<32x128xf32>
    %add3A_1209 = arith.addf %add3A_1207, %slice3A_1208 : vector<32x128xf32>
    %slice3A_1210 = vector.extract_strided_slice %select_n3A_1196 {offsets = [0, 896], sizes = [32, 128], strides = [1, 1]} : vector<32x4096xf32> to vector<32x128xf32>
    %add3A_1211 = arith.addf %add3A_1209, %slice3A_1210 : vector<32x128xf32>
    %slice3A_1212 = vector.extract_strided_slice %select_n3A_1196 {offsets = [0, 1024], sizes = [32, 128], strides = [1, 1]} : vector<32x4096xf32> to vector<32x128xf32>
    %add3A_1213 = arith.addf %add3A_1211, %slice3A_1212 : vector<32x128xf32>
    %slice3A_1214 = vector.extract_strided_slice %select_n3A_1196 {offsets = [0, 1152], sizes = [32, 128], strides = [1, 1]} : vector<32x4096xf32> to vector<32x128xf32>
    %add3A_1215 = arith.addf %add3A_1213, %slice3A_1214 : vector<32x128xf32>
    %slice3A_1216 = vector.extract_strided_slice %select_n3A_1196 {offsets = [0, 1280], sizes = [32, 128], strides = [1, 1]} : vector<32x4096xf32> to vector<32x128xf32>
    %add3A_1217 = arith.addf %add3A_1215, %slice3A_1216 : vector<32x128xf32>
    %slice3A_1218 = vector.extract_strided_slice %select_n3A_1196 {offsets = [0, 1408], sizes = [32, 128], strides = [1, 1]} : vector<32x4096xf32> to vector<32x128xf32>
    %add3A_1219 = arith.addf %add3A_1217, %slice3A_1218 : vector<32x128xf32>
    %slice3A_1220 = vector.extract_strided_slice %select_n3A_1196 {offsets = [0, 1536], sizes = [32, 128], strides = [1, 1]} : vector<32x4096xf32> to vector<32x128xf32>
    %add3A_1221 = arith.addf %add3A_1219, %slice3A_1220 : vector<32x128xf32>
    %slice3A_1222 = vector.extract_strided_slice %select_n3A_1196 {offsets = [0, 1664], sizes = [32, 128], strides = [1, 1]} : vector<32x4096xf32> to vector<32x128xf32>
    %add3A_1223 = arith.addf %add3A_1221, %slice3A_1222 : vector<32x128xf32>
    %slice3A_1224 = vector.extract_strided_slice %select_n3A_1196 {offsets = [0, 1792], sizes = [32, 128], strides = [1, 1]} : vector<32x4096xf32> to vector<32x128xf32>
    %add3A_1225 = arith.addf %add3A_1223, %slice3A_1224 : vector<32x128xf32>
    %slice3A_1226 = vector.extract_strided_slice %select_n3A_1196 {offsets = [0, 1920], sizes = [32, 128], strides = [1, 1]} : vector<32x4096xf32> to vector<32x128xf32>
    %add3A_1227 = arith.addf %add3A_1225, %slice3A_1226 : vector<32x128xf32>
    %slice3A_1228 = vector.extract_strided_slice %select_n3A_1196 {offsets = [0, 2048], sizes = [32, 128], strides = [1, 1]} : vector<32x4096xf32> to vector<32x128xf32>
    %add3A_1229 = arith.addf %add3A_1227, %slice3A_1228 : vector<32x128xf32>
    %slice3A_1230 = vector.extract_strided_slice %select_n3A_1196 {offsets = [0, 2176], sizes = [32, 128], strides = [1, 1]} : vector<32x4096xf32> to vector<32x128xf32>
    %add3A_1231 = arith.addf %add3A_1229, %slice3A_1230 : vector<32x128xf32>
    %slice3A_1232 = vector.extract_strided_slice %select_n3A_1196 {offsets = [0, 2304], sizes = [32, 128], strides = [1, 1]} : vector<32x4096xf32> to vector<32x128xf32>
    %add3A_1233 = arith.addf %add3A_1231, %slice3A_1232 : vector<32x128xf32>
    %slice3A_1234 = vector.extract_strided_slice %select_n3A_1196 {offsets = [0, 2432], sizes = [32, 128], strides = [1, 1]} : vector<32x4096xf32> to vector<32x128xf32>
    %add3A_1235 = arith.addf %add3A_1233, %slice3A_1234 : vector<32x128xf32>
    %slice3A_1236 = vector.extract_strided_slice %select_n3A_1196 {offsets = [0, 2560], sizes = [32, 128], strides = [1, 1]} : vector<32x4096xf32> to vector<32x128xf32>
    %add3A_1237 = arith.addf %add3A_1235, %slice3A_1236 : vector<32x128xf32>
    %slice3A_1238 = vector.extract_strided_slice %select_n3A_1196 {offsets = [0, 2688], sizes = [32, 128], strides = [1, 1]} : vector<32x4096xf32> to vector<32x128xf32>
    %add3A_1239 = arith.addf %add3A_1237, %slice3A_1238 : vector<32x128xf32>
    %slice3A_1240 = vector.extract_strided_slice %select_n3A_1196 {offsets = [0, 2816], sizes = [32, 128], strides = [1, 1]} : vector<32x4096xf32> to vector<32x128xf32>
    %add3A_1241 = arith.addf %add3A_1239, %slice3A_1240 : vector<32x128xf32>
    %slice3A_1242 = vector.extract_strided_slice %select_n3A_1196 {offsets = [0, 2944], sizes = [32, 128], strides = [1, 1]} : vector<32x4096xf32> to vector<32x128xf32>
    %add3A_1243 = arith.addf %add3A_1241, %slice3A_1242 : vector<32x128xf32>
    %slice3A_1244 = vector.extract_strided_slice %select_n3A_1196 {offsets = [0, 3072], sizes = [32, 128], strides = [1, 1]} : vector<32x4096xf32> to vector<32x128xf32>
    %add3A_1245 = arith.addf %add3A_1243, %slice3A_1244 : vector<32x128xf32>
    %slice3A_1246 = vector.extract_strided_slice %select_n3A_1196 {offsets = [0, 3200], sizes = [32, 128], strides = [1, 1]} : vector<32x4096xf32> to vector<32x128xf32>
    %add3A_1247 = arith.addf %add3A_1245, %slice3A_1246 : vector<32x128xf32>
    %slice3A_1248 = vector.extract_strided_slice %select_n3A_1196 {offsets = [0, 3328], sizes = [32, 128], strides = [1, 1]} : vector<32x4096xf32> to vector<32x128xf32>
    %add3A_1249 = arith.addf %add3A_1247, %slice3A_1248 : vector<32x128xf32>
    %slice3A_1250 = vector.extract_strided_slice %select_n3A_1196 {offsets = [0, 3456], sizes = [32, 128], strides = [1, 1]} : vector<32x4096xf32> to vector<32x128xf32>
    %add3A_1251 = arith.addf %add3A_1249, %slice3A_1250 : vector<32x128xf32>
    %slice3A_1252 = vector.extract_strided_slice %select_n3A_1196 {offsets = [0, 3584], sizes = [32, 128], strides = [1, 1]} : vector<32x4096xf32> to vector<32x128xf32>
    %add3A_1253 = arith.addf %add3A_1251, %slice3A_1252 : vector<32x128xf32>
    %slice3A_1254 = vector.extract_strided_slice %select_n3A_1196 {offsets = [0, 3712], sizes = [32, 128], strides = [1, 1]} : vector<32x4096xf32> to vector<32x128xf32>
    %add3A_1255 = arith.addf %add3A_1253, %slice3A_1254 : vector<32x128xf32>
    %slice3A_1256 = vector.extract_strided_slice %select_n3A_1196 {offsets = [0, 3840], sizes = [32, 128], strides = [1, 1]} : vector<32x4096xf32> to vector<32x128xf32>
    %add3A_1257 = arith.addf %add3A_1255, %slice3A_1256 : vector<32x128xf32>
    %slice3A_1258 = vector.extract_strided_slice %select_n3A_1196 {offsets = [0, 3968], sizes = [32, 128], strides = [1, 1]} : vector<32x4096xf32> to vector<32x128xf32>
    %add3A_1259 = arith.addf %add3A_1257, %slice3A_1258 : vector<32x128xf32>
    %add3A_1260 = arith.addf %add3A_1176, %add3A_1259 : vector<32x128xf32>
    %iota3A_1261 = tpu.iota {dimensions = array<i32: 1>} : vector<32x4096xi32>
    %sub3A_1262 = arith.constant 61440 : i32
    %sub3A_1263 = vector.broadcast %sub3A_1262 : i32 to vector<32x1xi32>
    %sub3A_1264 = arith.subi %get3A_1, %sub3A_1263 : vector<32x1xi32>
    %lt3A_1265 = vector.broadcast %sub3A_1264 : vector<32x1xi32> to vector<32x4096xi32>
    %lt3A_1266 = arith.cmpi slt, %iota3A_1261, %lt3A_1265 : vector<32x4096xi32>
    %broadcast_in_dim3A_1267 = vector.shape_cast %get3A_4 : vector<32x1xf32> to vector<32x1xf32>
    %broadcast_in_dim3A_1268 = vector.broadcast %broadcast_in_dim3A_1267 : vector<32x1xf32> to vector<32x4096xf32>
    %broadcast_in_dim3A_1269 = vector.shape_cast %get3A_7 : vector<32x1xf32> to vector<32x1xf32>
    %broadcast_in_dim3A_1270 = vector.broadcast %broadcast_in_dim3A_1269 : vector<32x1xf32> to vector<32x4096xf32>
    %select_n3A_1271 = arith.select %lt3A_1266, %broadcast_in_dim3A_1268, %broadcast_in_dim3A_1270 : vector<32x4096xi1>, vector<32x4096xf32>
    %get3A_1272 = arith.constant 0 : index
    %get3A_1273 = arith.constant 61440 : index
    %get3A_1274 = vector.load %arg4[%get3A_1272, %get3A_1273] : memref<32x100000xf32, #tpu.memory_space<vmem>>, vector<32x4096xf32>
    %ge3A_1275 = arith.cmpf oge, %get3A_1274, %select_n3A_1271 : vector<32x4096xf32>
    %jit3A_1276 = arith.constant 1.000000e+00 : f32
    %jit3A_1277 = arith.constant 0.000000e+00 : f32
    %broadcast_in_dim3A_1278 = vector.broadcast %jit3A_1276 : f32 to vector<32x4096xf32>
    %broadcast_in_dim3A_1279 = vector.broadcast %jit3A_1277 : f32 to vector<32x4096xf32>
    %select_n3A_1280 = arith.select %ge3A_1275, %broadcast_in_dim3A_1278, %broadcast_in_dim3A_1279 : vector<32x4096xi1>, vector<32x4096xf32>
    %slice3A_1281 = vector.extract_strided_slice %select_n3A_1280 {offsets = [0, 0], sizes = [32, 128], strides = [1, 1]} : vector<32x4096xf32> to vector<32x128xf32>
    %slice3A_1282 = vector.extract_strided_slice %select_n3A_1280 {offsets = [0, 128], sizes = [32, 128], strides = [1, 1]} : vector<32x4096xf32> to vector<32x128xf32>
    %add3A_1283 = arith.addf %slice3A_1281, %slice3A_1282 : vector<32x128xf32>
    %slice3A_1284 = vector.extract_strided_slice %select_n3A_1280 {offsets = [0, 256], sizes = [32, 128], strides = [1, 1]} : vector<32x4096xf32> to vector<32x128xf32>
    %add3A_1285 = arith.addf %add3A_1283, %slice3A_1284 : vector<32x128xf32>
    %slice3A_1286 = vector.extract_strided_slice %select_n3A_1280 {offsets = [0, 384], sizes = [32, 128], strides = [1, 1]} : vector<32x4096xf32> to vector<32x128xf32>
    %add3A_1287 = arith.addf %add3A_1285, %slice3A_1286 : vector<32x128xf32>
    %slice3A_1288 = vector.extract_strided_slice %select_n3A_1280 {offsets = [0, 512], sizes = [32, 128], strides = [1, 1]} : vector<32x4096xf32> to vector<32x128xf32>
    %add3A_1289 = arith.addf %add3A_1287, %slice3A_1288 : vector<32x128xf32>
    %slice3A_1290 = vector.extract_strided_slice %select_n3A_1280 {offsets = [0, 640], sizes = [32, 128], strides = [1, 1]} : vector<32x4096xf32> to vector<32x128xf32>
    %add3A_1291 = arith.addf %add3A_1289, %slice3A_1290 : vector<32x128xf32>
    %slice3A_1292 = vector.extract_strided_slice %select_n3A_1280 {offsets = [0, 768], sizes = [32, 128], strides = [1, 1]} : vector<32x4096xf32> to vector<32x128xf32>
    %add3A_1293 = arith.addf %add3A_1291, %slice3A_1292 : vector<32x128xf32>
    %slice3A_1294 = vector.extract_strided_slice %select_n3A_1280 {offsets = [0, 896], sizes = [32, 128], strides = [1, 1]} : vector<32x4096xf32> to vector<32x128xf32>
    %add3A_1295 = arith.addf %add3A_1293, %slice3A_1294 : vector<32x128xf32>
    %slice3A_1296 = vector.extract_strided_slice %select_n3A_1280 {offsets = [0, 1024], sizes = [32, 128], strides = [1, 1]} : vector<32x4096xf32> to vector<32x128xf32>
    %add3A_1297 = arith.addf %add3A_1295, %slice3A_1296 : vector<32x128xf32>
    %slice3A_1298 = vector.extract_strided_slice %select_n3A_1280 {offsets = [0, 1152], sizes = [32, 128], strides = [1, 1]} : vector<32x4096xf32> to vector<32x128xf32>
    %add3A_1299 = arith.addf %add3A_1297, %slice3A_1298 : vector<32x128xf32>
    %slice3A_1300 = vector.extract_strided_slice %select_n3A_1280 {offsets = [0, 1280], sizes = [32, 128], strides = [1, 1]} : vector<32x4096xf32> to vector<32x128xf32>
    %add3A_1301 = arith.addf %add3A_1299, %slice3A_1300 : vector<32x128xf32>
    %slice3A_1302 = vector.extract_strided_slice %select_n3A_1280 {offsets = [0, 1408], sizes = [32, 128], strides = [1, 1]} : vector<32x4096xf32> to vector<32x128xf32>
    %add3A_1303 = arith.addf %add3A_1301, %slice3A_1302 : vector<32x128xf32>
    %slice3A_1304 = vector.extract_strided_slice %select_n3A_1280 {offsets = [0, 1536], sizes = [32, 128], strides = [1, 1]} : vector<32x4096xf32> to vector<32x128xf32>
    %add3A_1305 = arith.addf %add3A_1303, %slice3A_1304 : vector<32x128xf32>
    %slice3A_1306 = vector.extract_strided_slice %select_n3A_1280 {offsets = [0, 1664], sizes = [32, 128], strides = [1, 1]} : vector<32x4096xf32> to vector<32x128xf32>
    %add3A_1307 = arith.addf %add3A_1305, %slice3A_1306 : vector<32x128xf32>
    %slice3A_1308 = vector.extract_strided_slice %select_n3A_1280 {offsets = [0, 1792], sizes = [32, 128], strides = [1, 1]} : vector<32x4096xf32> to vector<32x128xf32>
    %add3A_1309 = arith.addf %add3A_1307, %slice3A_1308 : vector<32x128xf32>
    %slice3A_1310 = vector.extract_strided_slice %select_n3A_1280 {offsets = [0, 1920], sizes = [32, 128], strides = [1, 1]} : vector<32x4096xf32> to vector<32x128xf32>
    %add3A_1311 = arith.addf %add3A_1309, %slice3A_1310 : vector<32x128xf32>
    %slice3A_1312 = vector.extract_strided_slice %select_n3A_1280 {offsets = [0, 2048], sizes = [32, 128], strides = [1, 1]} : vector<32x4096xf32> to vector<32x128xf32>
    %add3A_1313 = arith.addf %add3A_1311, %slice3A_1312 : vector<32x128xf32>
    %slice3A_1314 = vector.extract_strided_slice %select_n3A_1280 {offsets = [0, 2176], sizes = [32, 128], strides = [1, 1]} : vector<32x4096xf32> to vector<32x128xf32>
    %add3A_1315 = arith.addf %add3A_1313, %slice3A_1314 : vector<32x128xf32>
    %slice3A_1316 = vector.extract_strided_slice %select_n3A_1280 {offsets = [0, 2304], sizes = [32, 128], strides = [1, 1]} : vector<32x4096xf32> to vector<32x128xf32>
    %add3A_1317 = arith.addf %add3A_1315, %slice3A_1316 : vector<32x128xf32>
    %slice3A_1318 = vector.extract_strided_slice %select_n3A_1280 {offsets = [0, 2432], sizes = [32, 128], strides = [1, 1]} : vector<32x4096xf32> to vector<32x128xf32>
    %add3A_1319 = arith.addf %add3A_1317, %slice3A_1318 : vector<32x128xf32>
    %slice3A_1320 = vector.extract_strided_slice %select_n3A_1280 {offsets = [0, 2560], sizes = [32, 128], strides = [1, 1]} : vector<32x4096xf32> to vector<32x128xf32>
    %add3A_1321 = arith.addf %add3A_1319, %slice3A_1320 : vector<32x128xf32>
    %slice3A_1322 = vector.extract_strided_slice %select_n3A_1280 {offsets = [0, 2688], sizes = [32, 128], strides = [1, 1]} : vector<32x4096xf32> to vector<32x128xf32>
    %add3A_1323 = arith.addf %add3A_1321, %slice3A_1322 : vector<32x128xf32>
    %slice3A_1324 = vector.extract_strided_slice %select_n3A_1280 {offsets = [0, 2816], sizes = [32, 128], strides = [1, 1]} : vector<32x4096xf32> to vector<32x128xf32>
    %add3A_1325 = arith.addf %add3A_1323, %slice3A_1324 : vector<32x128xf32>
    %slice3A_1326 = vector.extract_strided_slice %select_n3A_1280 {offsets = [0, 2944], sizes = [32, 128], strides = [1, 1]} : vector<32x4096xf32> to vector<32x128xf32>
    %add3A_1327 = arith.addf %add3A_1325, %slice3A_1326 : vector<32x128xf32>
    %slice3A_1328 = vector.extract_strided_slice %select_n3A_1280 {offsets = [0, 3072], sizes = [32, 128], strides = [1, 1]} : vector<32x4096xf32> to vector<32x128xf32>
    %add3A_1329 = arith.addf %add3A_1327, %slice3A_1328 : vector<32x128xf32>
    %slice3A_1330 = vector.extract_strided_slice %select_n3A_1280 {offsets = [0, 3200], sizes = [32, 128], strides = [1, 1]} : vector<32x4096xf32> to vector<32x128xf32>
    %add3A_1331 = arith.addf %add3A_1329, %slice3A_1330 : vector<32x128xf32>
    %slice3A_1332 = vector.extract_strided_slice %select_n3A_1280 {offsets = [0, 3328], sizes = [32, 128], strides = [1, 1]} : vector<32x4096xf32> to vector<32x128xf32>
    %add3A_1333 = arith.addf %add3A_1331, %slice3A_1332 : vector<32x128xf32>
    %slice3A_1334 = vector.extract_strided_slice %select_n3A_1280 {offsets = [0, 3456], sizes = [32, 128], strides = [1, 1]} : vector<32x4096xf32> to vector<32x128xf32>
    %add3A_1335 = arith.addf %add3A_1333, %slice3A_1334 : vector<32x128xf32>
    %slice3A_1336 = vector.extract_strided_slice %select_n3A_1280 {offsets = [0, 3584], sizes = [32, 128], strides = [1, 1]} : vector<32x4096xf32> to vector<32x128xf32>
    %add3A_1337 = arith.addf %add3A_1335, %slice3A_1336 : vector<32x128xf32>
    %slice3A_1338 = vector.extract_strided_slice %select_n3A_1280 {offsets = [0, 3712], sizes = [32, 128], strides = [1, 1]} : vector<32x4096xf32> to vector<32x128xf32>
    %add3A_1339 = arith.addf %add3A_1337, %slice3A_1338 : vector<32x128xf32>
    %slice3A_1340 = vector.extract_strided_slice %select_n3A_1280 {offsets = [0, 3840], sizes = [32, 128], strides = [1, 1]} : vector<32x4096xf32> to vector<32x128xf32>
    %add3A_1341 = arith.addf %add3A_1339, %slice3A_1340 : vector<32x128xf32>
    %slice3A_1342 = vector.extract_strided_slice %select_n3A_1280 {offsets = [0, 3968], sizes = [32, 128], strides = [1, 1]} : vector<32x4096xf32> to vector<32x128xf32>
    %add3A_1343 = arith.addf %add3A_1341, %slice3A_1342 : vector<32x128xf32>
    %add3A_1344 = arith.addf %add3A_1260, %add3A_1343 : vector<32x128xf32>
    %iota3A_1345 = tpu.iota {dimensions = array<i32: 1>} : vector<32x4096xi32>
    %sub3A_1346 = arith.constant 65536 : i32
    %sub3A_1347 = vector.broadcast %sub3A_1346 : i32 to vector<32x1xi32>
    %sub3A_1348 = arith.subi %get3A_1, %sub3A_1347 : vector<32x1xi32>
    %lt3A_1349 = vector.broadcast %sub3A_1348 : vector<32x1xi32> to vector<32x4096xi32>
    %lt3A_1350 = arith.cmpi slt, %iota3A_1345, %lt3A_1349 : vector<32x4096xi32>
    %broadcast_in_dim3A_1351 = vector.shape_cast %get3A_4 : vector<32x1xf32> to vector<32x1xf32>
    %broadcast_in_dim3A_1352 = vector.broadcast %broadcast_in_dim3A_1351 : vector<32x1xf32> to vector<32x4096xf32>
    %broadcast_in_dim3A_1353 = vector.shape_cast %get3A_7 : vector<32x1xf32> to vector<32x1xf32>
    %broadcast_in_dim3A_1354 = vector.broadcast %broadcast_in_dim3A_1353 : vector<32x1xf32> to vector<32x4096xf32>
    %select_n3A_1355 = arith.select %lt3A_1350, %broadcast_in_dim3A_1352, %broadcast_in_dim3A_1354 : vector<32x4096xi1>, vector<32x4096xf32>
    %get3A_1356 = arith.constant 0 : index
    %get3A_1357 = arith.constant 65536 : index
    %get3A_1358 = vector.load %arg4[%get3A_1356, %get3A_1357] : memref<32x100000xf32, #tpu.memory_space<vmem>>, vector<32x4096xf32>
    %ge3A_1359 = arith.cmpf oge, %get3A_1358, %select_n3A_1355 : vector<32x4096xf32>
    %jit3A_1360 = arith.constant 1.000000e+00 : f32
    %jit3A_1361 = arith.constant 0.000000e+00 : f32
    %broadcast_in_dim3A_1362 = vector.broadcast %jit3A_1360 : f32 to vector<32x4096xf32>
    %broadcast_in_dim3A_1363 = vector.broadcast %jit3A_1361 : f32 to vector<32x4096xf32>
    %select_n3A_1364 = arith.select %ge3A_1359, %broadcast_in_dim3A_1362, %broadcast_in_dim3A_1363 : vector<32x4096xi1>, vector<32x4096xf32>
    %slice3A_1365 = vector.extract_strided_slice %select_n3A_1364 {offsets = [0, 0], sizes = [32, 128], strides = [1, 1]} : vector<32x4096xf32> to vector<32x128xf32>
    %slice3A_1366 = vector.extract_strided_slice %select_n3A_1364 {offsets = [0, 128], sizes = [32, 128], strides = [1, 1]} : vector<32x4096xf32> to vector<32x128xf32>
    %add3A_1367 = arith.addf %slice3A_1365, %slice3A_1366 : vector<32x128xf32>
    %slice3A_1368 = vector.extract_strided_slice %select_n3A_1364 {offsets = [0, 256], sizes = [32, 128], strides = [1, 1]} : vector<32x4096xf32> to vector<32x128xf32>
    %add3A_1369 = arith.addf %add3A_1367, %slice3A_1368 : vector<32x128xf32>
    %slice3A_1370 = vector.extract_strided_slice %select_n3A_1364 {offsets = [0, 384], sizes = [32, 128], strides = [1, 1]} : vector<32x4096xf32> to vector<32x128xf32>
    %add3A_1371 = arith.addf %add3A_1369, %slice3A_1370 : vector<32x128xf32>
    %slice3A_1372 = vector.extract_strided_slice %select_n3A_1364 {offsets = [0, 512], sizes = [32, 128], strides = [1, 1]} : vector<32x4096xf32> to vector<32x128xf32>
    %add3A_1373 = arith.addf %add3A_1371, %slice3A_1372 : vector<32x128xf32>
    %slice3A_1374 = vector.extract_strided_slice %select_n3A_1364 {offsets = [0, 640], sizes = [32, 128], strides = [1, 1]} : vector<32x4096xf32> to vector<32x128xf32>
    %add3A_1375 = arith.addf %add3A_1373, %slice3A_1374 : vector<32x128xf32>
    %slice3A_1376 = vector.extract_strided_slice %select_n3A_1364 {offsets = [0, 768], sizes = [32, 128], strides = [1, 1]} : vector<32x4096xf32> to vector<32x128xf32>
    %add3A_1377 = arith.addf %add3A_1375, %slice3A_1376 : vector<32x128xf32>
    %slice3A_1378 = vector.extract_strided_slice %select_n3A_1364 {offsets = [0, 896], sizes = [32, 128], strides = [1, 1]} : vector<32x4096xf32> to vector<32x128xf32>
    %add3A_1379 = arith.addf %add3A_1377, %slice3A_1378 : vector<32x128xf32>
    %slice3A_1380 = vector.extract_strided_slice %select_n3A_1364 {offsets = [0, 1024], sizes = [32, 128], strides = [1, 1]} : vector<32x4096xf32> to vector<32x128xf32>
    %add3A_1381 = arith.addf %add3A_1379, %slice3A_1380 : vector<32x128xf32>
    %slice3A_1382 = vector.extract_strided_slice %select_n3A_1364 {offsets = [0, 1152], sizes = [32, 128], strides = [1, 1]} : vector<32x4096xf32> to vector<32x128xf32>
    %add3A_1383 = arith.addf %add3A_1381, %slice3A_1382 : vector<32x128xf32>
    %slice3A_1384 = vector.extract_strided_slice %select_n3A_1364 {offsets = [0, 1280], sizes = [32, 128], strides = [1, 1]} : vector<32x4096xf32> to vector<32x128xf32>
    %add3A_1385 = arith.addf %add3A_1383, %slice3A_1384 : vector<32x128xf32>
    %slice3A_1386 = vector.extract_strided_slice %select_n3A_1364 {offsets = [0, 1408], sizes = [32, 128], strides = [1, 1]} : vector<32x4096xf32> to vector<32x128xf32>
    %add3A_1387 = arith.addf %add3A_1385, %slice3A_1386 : vector<32x128xf32>
    %slice3A_1388 = vector.extract_strided_slice %select_n3A_1364 {offsets = [0, 1536], sizes = [32, 128], strides = [1, 1]} : vector<32x4096xf32> to vector<32x128xf32>
    %add3A_1389 = arith.addf %add3A_1387, %slice3A_1388 : vector<32x128xf32>
    %slice3A_1390 = vector.extract_strided_slice %select_n3A_1364 {offsets = [0, 1664], sizes = [32, 128], strides = [1, 1]} : vector<32x4096xf32> to vector<32x128xf32>
    %add3A_1391 = arith.addf %add3A_1389, %slice3A_1390 : vector<32x128xf32>
    %slice3A_1392 = vector.extract_strided_slice %select_n3A_1364 {offsets = [0, 1792], sizes = [32, 128], strides = [1, 1]} : vector<32x4096xf32> to vector<32x128xf32>
    %add3A_1393 = arith.addf %add3A_1391, %slice3A_1392 : vector<32x128xf32>
    %slice3A_1394 = vector.extract_strided_slice %select_n3A_1364 {offsets = [0, 1920], sizes = [32, 128], strides = [1, 1]} : vector<32x4096xf32> to vector<32x128xf32>
    %add3A_1395 = arith.addf %add3A_1393, %slice3A_1394 : vector<32x128xf32>
    %slice3A_1396 = vector.extract_strided_slice %select_n3A_1364 {offsets = [0, 2048], sizes = [32, 128], strides = [1, 1]} : vector<32x4096xf32> to vector<32x128xf32>
    %add3A_1397 = arith.addf %add3A_1395, %slice3A_1396 : vector<32x128xf32>
    %slice3A_1398 = vector.extract_strided_slice %select_n3A_1364 {offsets = [0, 2176], sizes = [32, 128], strides = [1, 1]} : vector<32x4096xf32> to vector<32x128xf32>
    %add3A_1399 = arith.addf %add3A_1397, %slice3A_1398 : vector<32x128xf32>
    %slice3A_1400 = vector.extract_strided_slice %select_n3A_1364 {offsets = [0, 2304], sizes = [32, 128], strides = [1, 1]} : vector<32x4096xf32> to vector<32x128xf32>
    %add3A_1401 = arith.addf %add3A_1399, %slice3A_1400 : vector<32x128xf32>
    %slice3A_1402 = vector.extract_strided_slice %select_n3A_1364 {offsets = [0, 2432], sizes = [32, 128], strides = [1, 1]} : vector<32x4096xf32> to vector<32x128xf32>
    %add3A_1403 = arith.addf %add3A_1401, %slice3A_1402 : vector<32x128xf32>
    %slice3A_1404 = vector.extract_strided_slice %select_n3A_1364 {offsets = [0, 2560], sizes = [32, 128], strides = [1, 1]} : vector<32x4096xf32> to vector<32x128xf32>
    %add3A_1405 = arith.addf %add3A_1403, %slice3A_1404 : vector<32x128xf32>
    %slice3A_1406 = vector.extract_strided_slice %select_n3A_1364 {offsets = [0, 2688], sizes = [32, 128], strides = [1, 1]} : vector<32x4096xf32> to vector<32x128xf32>
    %add3A_1407 = arith.addf %add3A_1405, %slice3A_1406 : vector<32x128xf32>
    %slice3A_1408 = vector.extract_strided_slice %select_n3A_1364 {offsets = [0, 2816], sizes = [32, 128], strides = [1, 1]} : vector<32x4096xf32> to vector<32x128xf32>
    %add3A_1409 = arith.addf %add3A_1407, %slice3A_1408 : vector<32x128xf32>
    %slice3A_1410 = vector.extract_strided_slice %select_n3A_1364 {offsets = [0, 2944], sizes = [32, 128], strides = [1, 1]} : vector<32x4096xf32> to vector<32x128xf32>
    %add3A_1411 = arith.addf %add3A_1409, %slice3A_1410 : vector<32x128xf32>
    %slice3A_1412 = vector.extract_strided_slice %select_n3A_1364 {offsets = [0, 3072], sizes = [32, 128], strides = [1, 1]} : vector<32x4096xf32> to vector<32x128xf32>
    %add3A_1413 = arith.addf %add3A_1411, %slice3A_1412 : vector<32x128xf32>
    %slice3A_1414 = vector.extract_strided_slice %select_n3A_1364 {offsets = [0, 3200], sizes = [32, 128], strides = [1, 1]} : vector<32x4096xf32> to vector<32x128xf32>
    %add3A_1415 = arith.addf %add3A_1413, %slice3A_1414 : vector<32x128xf32>
    %slice3A_1416 = vector.extract_strided_slice %select_n3A_1364 {offsets = [0, 3328], sizes = [32, 128], strides = [1, 1]} : vector<32x4096xf32> to vector<32x128xf32>
    %add3A_1417 = arith.addf %add3A_1415, %slice3A_1416 : vector<32x128xf32>
    %slice3A_1418 = vector.extract_strided_slice %select_n3A_1364 {offsets = [0, 3456], sizes = [32, 128], strides = [1, 1]} : vector<32x4096xf32> to vector<32x128xf32>
    %add3A_1419 = arith.addf %add3A_1417, %slice3A_1418 : vector<32x128xf32>
    %slice3A_1420 = vector.extract_strided_slice %select_n3A_1364 {offsets = [0, 3584], sizes = [32, 128], strides = [1, 1]} : vector<32x4096xf32> to vector<32x128xf32>
    %add3A_1421 = arith.addf %add3A_1419, %slice3A_1420 : vector<32x128xf32>
    %slice3A_1422 = vector.extract_strided_slice %select_n3A_1364 {offsets = [0, 3712], sizes = [32, 128], strides = [1, 1]} : vector<32x4096xf32> to vector<32x128xf32>
    %add3A_1423 = arith.addf %add3A_1421, %slice3A_1422 : vector<32x128xf32>
    %slice3A_1424 = vector.extract_strided_slice %select_n3A_1364 {offsets = [0, 3840], sizes = [32, 128], strides = [1, 1]} : vector<32x4096xf32> to vector<32x128xf32>
    %add3A_1425 = arith.addf %add3A_1423, %slice3A_1424 : vector<32x128xf32>
    %slice3A_1426 = vector.extract_strided_slice %select_n3A_1364 {offsets = [0, 3968], sizes = [32, 128], strides = [1, 1]} : vector<32x4096xf32> to vector<32x128xf32>
    %add3A_1427 = arith.addf %add3A_1425, %slice3A_1426 : vector<32x128xf32>
    %add3A_1428 = arith.addf %add3A_1344, %add3A_1427 : vector<32x128xf32>
    %iota3A_1429 = tpu.iota {dimensions = array<i32: 1>} : vector<32x4096xi32>
    %sub3A_1430 = arith.constant 69632 : i32
    %sub3A_1431 = vector.broadcast %sub3A_1430 : i32 to vector<32x1xi32>
    %sub3A_1432 = arith.subi %get3A_1, %sub3A_1431 : vector<32x1xi32>
    %lt3A_1433 = vector.broadcast %sub3A_1432 : vector<32x1xi32> to vector<32x4096xi32>
    %lt3A_1434 = arith.cmpi slt, %iota3A_1429, %lt3A_1433 : vector<32x4096xi32>
    %broadcast_in_dim3A_1435 = vector.shape_cast %get3A_4 : vector<32x1xf32> to vector<32x1xf32>
    %broadcast_in_dim3A_1436 = vector.broadcast %broadcast_in_dim3A_1435 : vector<32x1xf32> to vector<32x4096xf32>
    %broadcast_in_dim3A_1437 = vector.shape_cast %get3A_7 : vector<32x1xf32> to vector<32x1xf32>
    %broadcast_in_dim3A_1438 = vector.broadcast %broadcast_in_dim3A_1437 : vector<32x1xf32> to vector<32x4096xf32>
    %select_n3A_1439 = arith.select %lt3A_1434, %broadcast_in_dim3A_1436, %broadcast_in_dim3A_1438 : vector<32x4096xi1>, vector<32x4096xf32>
    %get3A_1440 = arith.constant 0 : index
    %get3A_1441 = arith.constant 69632 : index
    %get3A_1442 = vector.load %arg4[%get3A_1440, %get3A_1441] : memref<32x100000xf32, #tpu.memory_space<vmem>>, vector<32x4096xf32>
    %ge3A_1443 = arith.cmpf oge, %get3A_1442, %select_n3A_1439 : vector<32x4096xf32>
    %jit3A_1444 = arith.constant 1.000000e+00 : f32
    %jit3A_1445 = arith.constant 0.000000e+00 : f32
    %broadcast_in_dim3A_1446 = vector.broadcast %jit3A_1444 : f32 to vector<32x4096xf32>
    %broadcast_in_dim3A_1447 = vector.broadcast %jit3A_1445 : f32 to vector<32x4096xf32>
    %select_n3A_1448 = arith.select %ge3A_1443, %broadcast_in_dim3A_1446, %broadcast_in_dim3A_1447 : vector<32x4096xi1>, vector<32x4096xf32>
    %slice3A_1449 = vector.extract_strided_slice %select_n3A_1448 {offsets = [0, 0], sizes = [32, 128], strides = [1, 1]} : vector<32x4096xf32> to vector<32x128xf32>
    %slice3A_1450 = vector.extract_strided_slice %select_n3A_1448 {offsets = [0, 128], sizes = [32, 128], strides = [1, 1]} : vector<32x4096xf32> to vector<32x128xf32>
    %add3A_1451 = arith.addf %slice3A_1449, %slice3A_1450 : vector<32x128xf32>
    %slice3A_1452 = vector.extract_strided_slice %select_n3A_1448 {offsets = [0, 256], sizes = [32, 128], strides = [1, 1]} : vector<32x4096xf32> to vector<32x128xf32>
    %add3A_1453 = arith.addf %add3A_1451, %slice3A_1452 : vector<32x128xf32>
    %slice3A_1454 = vector.extract_strided_slice %select_n3A_1448 {offsets = [0, 384], sizes = [32, 128], strides = [1, 1]} : vector<32x4096xf32> to vector<32x128xf32>
    %add3A_1455 = arith.addf %add3A_1453, %slice3A_1454 : vector<32x128xf32>
    %slice3A_1456 = vector.extract_strided_slice %select_n3A_1448 {offsets = [0, 512], sizes = [32, 128], strides = [1, 1]} : vector<32x4096xf32> to vector<32x128xf32>
    %add3A_1457 = arith.addf %add3A_1455, %slice3A_1456 : vector<32x128xf32>
    %slice3A_1458 = vector.extract_strided_slice %select_n3A_1448 {offsets = [0, 640], sizes = [32, 128], strides = [1, 1]} : vector<32x4096xf32> to vector<32x128xf32>
    %add3A_1459 = arith.addf %add3A_1457, %slice3A_1458 : vector<32x128xf32>
    %slice3A_1460 = vector.extract_strided_slice %select_n3A_1448 {offsets = [0, 768], sizes = [32, 128], strides = [1, 1]} : vector<32x4096xf32> to vector<32x128xf32>
    %add3A_1461 = arith.addf %add3A_1459, %slice3A_1460 : vector<32x128xf32>
    %slice3A_1462 = vector.extract_strided_slice %select_n3A_1448 {offsets = [0, 896], sizes = [32, 128], strides = [1, 1]} : vector<32x4096xf32> to vector<32x128xf32>
    %add3A_1463 = arith.addf %add3A_1461, %slice3A_1462 : vector<32x128xf32>
    %slice3A_1464 = vector.extract_strided_slice %select_n3A_1448 {offsets = [0, 1024], sizes = [32, 128], strides = [1, 1]} : vector<32x4096xf32> to vector<32x128xf32>
    %add3A_1465 = arith.addf %add3A_1463, %slice3A_1464 : vector<32x128xf32>
    %slice3A_1466 = vector.extract_strided_slice %select_n3A_1448 {offsets = [0, 1152], sizes = [32, 128], strides = [1, 1]} : vector<32x4096xf32> to vector<32x128xf32>
    %add3A_1467 = arith.addf %add3A_1465, %slice3A_1466 : vector<32x128xf32>
    %slice3A_1468 = vector.extract_strided_slice %select_n3A_1448 {offsets = [0, 1280], sizes = [32, 128], strides = [1, 1]} : vector<32x4096xf32> to vector<32x128xf32>
    %add3A_1469 = arith.addf %add3A_1467, %slice3A_1468 : vector<32x128xf32>
    %slice3A_1470 = vector.extract_strided_slice %select_n3A_1448 {offsets = [0, 1408], sizes = [32, 128], strides = [1, 1]} : vector<32x4096xf32> to vector<32x128xf32>
    %add3A_1471 = arith.addf %add3A_1469, %slice3A_1470 : vector<32x128xf32>
    %slice3A_1472 = vector.extract_strided_slice %select_n3A_1448 {offsets = [0, 1536], sizes = [32, 128], strides = [1, 1]} : vector<32x4096xf32> to vector<32x128xf32>
    %add3A_1473 = arith.addf %add3A_1471, %slice3A_1472 : vector<32x128xf32>
    %slice3A_1474 = vector.extract_strided_slice %select_n3A_1448 {offsets = [0, 1664], sizes = [32, 128], strides = [1, 1]} : vector<32x4096xf32> to vector<32x128xf32>
    %add3A_1475 = arith.addf %add3A_1473, %slice3A_1474 : vector<32x128xf32>
    %slice3A_1476 = vector.extract_strided_slice %select_n3A_1448 {offsets = [0, 1792], sizes = [32, 128], strides = [1, 1]} : vector<32x4096xf32> to vector<32x128xf32>
    %add3A_1477 = arith.addf %add3A_1475, %slice3A_1476 : vector<32x128xf32>
    %slice3A_1478 = vector.extract_strided_slice %select_n3A_1448 {offsets = [0, 1920], sizes = [32, 128], strides = [1, 1]} : vector<32x4096xf32> to vector<32x128xf32>
    %add3A_1479 = arith.addf %add3A_1477, %slice3A_1478 : vector<32x128xf32>
    %slice3A_1480 = vector.extract_strided_slice %select_n3A_1448 {offsets = [0, 2048], sizes = [32, 128], strides = [1, 1]} : vector<32x4096xf32> to vector<32x128xf32>
    %add3A_1481 = arith.addf %add3A_1479, %slice3A_1480 : vector<32x128xf32>
    %slice3A_1482 = vector.extract_strided_slice %select_n3A_1448 {offsets = [0, 2176], sizes = [32, 128], strides = [1, 1]} : vector<32x4096xf32> to vector<32x128xf32>
    %add3A_1483 = arith.addf %add3A_1481, %slice3A_1482 : vector<32x128xf32>
    %slice3A_1484 = vector.extract_strided_slice %select_n3A_1448 {offsets = [0, 2304], sizes = [32, 128], strides = [1, 1]} : vector<32x4096xf32> to vector<32x128xf32>
    %add3A_1485 = arith.addf %add3A_1483, %slice3A_1484 : vector<32x128xf32>
    %slice3A_1486 = vector.extract_strided_slice %select_n3A_1448 {offsets = [0, 2432], sizes = [32, 128], strides = [1, 1]} : vector<32x4096xf32> to vector<32x128xf32>
    %add3A_1487 = arith.addf %add3A_1485, %slice3A_1486 : vector<32x128xf32>
    %slice3A_1488 = vector.extract_strided_slice %select_n3A_1448 {offsets = [0, 2560], sizes = [32, 128], strides = [1, 1]} : vector<32x4096xf32> to vector<32x128xf32>
    %add3A_1489 = arith.addf %add3A_1487, %slice3A_1488 : vector<32x128xf32>
    %slice3A_1490 = vector.extract_strided_slice %select_n3A_1448 {offsets = [0, 2688], sizes = [32, 128], strides = [1, 1]} : vector<32x4096xf32> to vector<32x128xf32>
    %add3A_1491 = arith.addf %add3A_1489, %slice3A_1490 : vector<32x128xf32>
    %slice3A_1492 = vector.extract_strided_slice %select_n3A_1448 {offsets = [0, 2816], sizes = [32, 128], strides = [1, 1]} : vector<32x4096xf32> to vector<32x128xf32>
    %add3A_1493 = arith.addf %add3A_1491, %slice3A_1492 : vector<32x128xf32>
    %slice3A_1494 = vector.extract_strided_slice %select_n3A_1448 {offsets = [0, 2944], sizes = [32, 128], strides = [1, 1]} : vector<32x4096xf32> to vector<32x128xf32>
    %add3A_1495 = arith.addf %add3A_1493, %slice3A_1494 : vector<32x128xf32>
    %slice3A_1496 = vector.extract_strided_slice %select_n3A_1448 {offsets = [0, 3072], sizes = [32, 128], strides = [1, 1]} : vector<32x4096xf32> to vector<32x128xf32>
    %add3A_1497 = arith.addf %add3A_1495, %slice3A_1496 : vector<32x128xf32>
    %slice3A_1498 = vector.extract_strided_slice %select_n3A_1448 {offsets = [0, 3200], sizes = [32, 128], strides = [1, 1]} : vector<32x4096xf32> to vector<32x128xf32>
    %add3A_1499 = arith.addf %add3A_1497, %slice3A_1498 : vector<32x128xf32>
    %slice3A_1500 = vector.extract_strided_slice %select_n3A_1448 {offsets = [0, 3328], sizes = [32, 128], strides = [1, 1]} : vector<32x4096xf32> to vector<32x128xf32>
    %add3A_1501 = arith.addf %add3A_1499, %slice3A_1500 : vector<32x128xf32>
    %slice3A_1502 = vector.extract_strided_slice %select_n3A_1448 {offsets = [0, 3456], sizes = [32, 128], strides = [1, 1]} : vector<32x4096xf32> to vector<32x128xf32>
    %add3A_1503 = arith.addf %add3A_1501, %slice3A_1502 : vector<32x128xf32>
    %slice3A_1504 = vector.extract_strided_slice %select_n3A_1448 {offsets = [0, 3584], sizes = [32, 128], strides = [1, 1]} : vector<32x4096xf32> to vector<32x128xf32>
    %add3A_1505 = arith.addf %add3A_1503, %slice3A_1504 : vector<32x128xf32>
    %slice3A_1506 = vector.extract_strided_slice %select_n3A_1448 {offsets = [0, 3712], sizes = [32, 128], strides = [1, 1]} : vector<32x4096xf32> to vector<32x128xf32>
    %add3A_1507 = arith.addf %add3A_1505, %slice3A_1506 : vector<32x128xf32>
    %slice3A_1508 = vector.extract_strided_slice %select_n3A_1448 {offsets = [0, 3840], sizes = [32, 128], strides = [1, 1]} : vector<32x4096xf32> to vector<32x128xf32>
    %add3A_1509 = arith.addf %add3A_1507, %slice3A_1508 : vector<32x128xf32>
    %slice3A_1510 = vector.extract_strided_slice %select_n3A_1448 {offsets = [0, 3968], sizes = [32, 128], strides = [1, 1]} : vector<32x4096xf32> to vector<32x128xf32>
    %add3A_1511 = arith.addf %add3A_1509, %slice3A_1510 : vector<32x128xf32>
    %add3A_1512 = arith.addf %add3A_1428, %add3A_1511 : vector<32x128xf32>
    %iota3A_1513 = tpu.iota {dimensions = array<i32: 1>} : vector<32x4096xi32>
    %sub3A_1514 = arith.constant 73728 : i32
    %sub3A_1515 = vector.broadcast %sub3A_1514 : i32 to vector<32x1xi32>
    %sub3A_1516 = arith.subi %get3A_1, %sub3A_1515 : vector<32x1xi32>
    %lt3A_1517 = vector.broadcast %sub3A_1516 : vector<32x1xi32> to vector<32x4096xi32>
    %lt3A_1518 = arith.cmpi slt, %iota3A_1513, %lt3A_1517 : vector<32x4096xi32>
    %broadcast_in_dim3A_1519 = vector.shape_cast %get3A_4 : vector<32x1xf32> to vector<32x1xf32>
    %broadcast_in_dim3A_1520 = vector.broadcast %broadcast_in_dim3A_1519 : vector<32x1xf32> to vector<32x4096xf32>
    %broadcast_in_dim3A_1521 = vector.shape_cast %get3A_7 : vector<32x1xf32> to vector<32x1xf32>
    %broadcast_in_dim3A_1522 = vector.broadcast %broadcast_in_dim3A_1521 : vector<32x1xf32> to vector<32x4096xf32>
    %select_n3A_1523 = arith.select %lt3A_1518, %broadcast_in_dim3A_1520, %broadcast_in_dim3A_1522 : vector<32x4096xi1>, vector<32x4096xf32>
    %get3A_1524 = arith.constant 0 : index
    %get3A_1525 = arith.constant 73728 : index
    %get3A_1526 = vector.load %arg4[%get3A_1524, %get3A_1525] : memref<32x100000xf32, #tpu.memory_space<vmem>>, vector<32x4096xf32>
    %ge3A_1527 = arith.cmpf oge, %get3A_1526, %select_n3A_1523 : vector<32x4096xf32>
    %jit3A_1528 = arith.constant 1.000000e+00 : f32
    %jit3A_1529 = arith.constant 0.000000e+00 : f32
    %broadcast_in_dim3A_1530 = vector.broadcast %jit3A_1528 : f32 to vector<32x4096xf32>
    %broadcast_in_dim3A_1531 = vector.broadcast %jit3A_1529 : f32 to vector<32x4096xf32>
    %select_n3A_1532 = arith.select %ge3A_1527, %broadcast_in_dim3A_1530, %broadcast_in_dim3A_1531 : vector<32x4096xi1>, vector<32x4096xf32>
    %slice3A_1533 = vector.extract_strided_slice %select_n3A_1532 {offsets = [0, 0], sizes = [32, 128], strides = [1, 1]} : vector<32x4096xf32> to vector<32x128xf32>
    %slice3A_1534 = vector.extract_strided_slice %select_n3A_1532 {offsets = [0, 128], sizes = [32, 128], strides = [1, 1]} : vector<32x4096xf32> to vector<32x128xf32>
    %add3A_1535 = arith.addf %slice3A_1533, %slice3A_1534 : vector<32x128xf32>
    %slice3A_1536 = vector.extract_strided_slice %select_n3A_1532 {offsets = [0, 256], sizes = [32, 128], strides = [1, 1]} : vector<32x4096xf32> to vector<32x128xf32>
    %add3A_1537 = arith.addf %add3A_1535, %slice3A_1536 : vector<32x128xf32>
    %slice3A_1538 = vector.extract_strided_slice %select_n3A_1532 {offsets = [0, 384], sizes = [32, 128], strides = [1, 1]} : vector<32x4096xf32> to vector<32x128xf32>
    %add3A_1539 = arith.addf %add3A_1537, %slice3A_1538 : vector<32x128xf32>
    %slice3A_1540 = vector.extract_strided_slice %select_n3A_1532 {offsets = [0, 512], sizes = [32, 128], strides = [1, 1]} : vector<32x4096xf32> to vector<32x128xf32>
    %add3A_1541 = arith.addf %add3A_1539, %slice3A_1540 : vector<32x128xf32>
    %slice3A_1542 = vector.extract_strided_slice %select_n3A_1532 {offsets = [0, 640], sizes = [32, 128], strides = [1, 1]} : vector<32x4096xf32> to vector<32x128xf32>
    %add3A_1543 = arith.addf %add3A_1541, %slice3A_1542 : vector<32x128xf32>
    %slice3A_1544 = vector.extract_strided_slice %select_n3A_1532 {offsets = [0, 768], sizes = [32, 128], strides = [1, 1]} : vector<32x4096xf32> to vector<32x128xf32>
    %add3A_1545 = arith.addf %add3A_1543, %slice3A_1544 : vector<32x128xf32>
    %slice3A_1546 = vector.extract_strided_slice %select_n3A_1532 {offsets = [0, 896], sizes = [32, 128], strides = [1, 1]} : vector<32x4096xf32> to vector<32x128xf32>
    %add3A_1547 = arith.addf %add3A_1545, %slice3A_1546 : vector<32x128xf32>
    %slice3A_1548 = vector.extract_strided_slice %select_n3A_1532 {offsets = [0, 1024], sizes = [32, 128], strides = [1, 1]} : vector<32x4096xf32> to vector<32x128xf32>
    %add3A_1549 = arith.addf %add3A_1547, %slice3A_1548 : vector<32x128xf32>
    %slice3A_1550 = vector.extract_strided_slice %select_n3A_1532 {offsets = [0, 1152], sizes = [32, 128], strides = [1, 1]} : vector<32x4096xf32> to vector<32x128xf32>
    %add3A_1551 = arith.addf %add3A_1549, %slice3A_1550 : vector<32x128xf32>
    %slice3A_1552 = vector.extract_strided_slice %select_n3A_1532 {offsets = [0, 1280], sizes = [32, 128], strides = [1, 1]} : vector<32x4096xf32> to vector<32x128xf32>
    %add3A_1553 = arith.addf %add3A_1551, %slice3A_1552 : vector<32x128xf32>
    %slice3A_1554 = vector.extract_strided_slice %select_n3A_1532 {offsets = [0, 1408], sizes = [32, 128], strides = [1, 1]} : vector<32x4096xf32> to vector<32x128xf32>
    %add3A_1555 = arith.addf %add3A_1553, %slice3A_1554 : vector<32x128xf32>
    %slice3A_1556 = vector.extract_strided_slice %select_n3A_1532 {offsets = [0, 1536], sizes = [32, 128], strides = [1, 1]} : vector<32x4096xf32> to vector<32x128xf32>
    %add3A_1557 = arith.addf %add3A_1555, %slice3A_1556 : vector<32x128xf32>
    %slice3A_1558 = vector.extract_strided_slice %select_n3A_1532 {offsets = [0, 1664], sizes = [32, 128], strides = [1, 1]} : vector<32x4096xf32> to vector<32x128xf32>
    %add3A_1559 = arith.addf %add3A_1557, %slice3A_1558 : vector<32x128xf32>
    %slice3A_1560 = vector.extract_strided_slice %select_n3A_1532 {offsets = [0, 1792], sizes = [32, 128], strides = [1, 1]} : vector<32x4096xf32> to vector<32x128xf32>
    %add3A_1561 = arith.addf %add3A_1559, %slice3A_1560 : vector<32x128xf32>
    %slice3A_1562 = vector.extract_strided_slice %select_n3A_1532 {offsets = [0, 1920], sizes = [32, 128], strides = [1, 1]} : vector<32x4096xf32> to vector<32x128xf32>
    %add3A_1563 = arith.addf %add3A_1561, %slice3A_1562 : vector<32x128xf32>
    %slice3A_1564 = vector.extract_strided_slice %select_n3A_1532 {offsets = [0, 2048], sizes = [32, 128], strides = [1, 1]} : vector<32x4096xf32> to vector<32x128xf32>
    %add3A_1565 = arith.addf %add3A_1563, %slice3A_1564 : vector<32x128xf32>
    %slice3A_1566 = vector.extract_strided_slice %select_n3A_1532 {offsets = [0, 2176], sizes = [32, 128], strides = [1, 1]} : vector<32x4096xf32> to vector<32x128xf32>
    %add3A_1567 = arith.addf %add3A_1565, %slice3A_1566 : vector<32x128xf32>
    %slice3A_1568 = vector.extract_strided_slice %select_n3A_1532 {offsets = [0, 2304], sizes = [32, 128], strides = [1, 1]} : vector<32x4096xf32> to vector<32x128xf32>
    %add3A_1569 = arith.addf %add3A_1567, %slice3A_1568 : vector<32x128xf32>
    %slice3A_1570 = vector.extract_strided_slice %select_n3A_1532 {offsets = [0, 2432], sizes = [32, 128], strides = [1, 1]} : vector<32x4096xf32> to vector<32x128xf32>
    %add3A_1571 = arith.addf %add3A_1569, %slice3A_1570 : vector<32x128xf32>
    %slice3A_1572 = vector.extract_strided_slice %select_n3A_1532 {offsets = [0, 2560], sizes = [32, 128], strides = [1, 1]} : vector<32x4096xf32> to vector<32x128xf32>
    %add3A_1573 = arith.addf %add3A_1571, %slice3A_1572 : vector<32x128xf32>
    %slice3A_1574 = vector.extract_strided_slice %select_n3A_1532 {offsets = [0, 2688], sizes = [32, 128], strides = [1, 1]} : vector<32x4096xf32> to vector<32x128xf32>
    %add3A_1575 = arith.addf %add3A_1573, %slice3A_1574 : vector<32x128xf32>
    %slice3A_1576 = vector.extract_strided_slice %select_n3A_1532 {offsets = [0, 2816], sizes = [32, 128], strides = [1, 1]} : vector<32x4096xf32> to vector<32x128xf32>
    %add3A_1577 = arith.addf %add3A_1575, %slice3A_1576 : vector<32x128xf32>
    %slice3A_1578 = vector.extract_strided_slice %select_n3A_1532 {offsets = [0, 2944], sizes = [32, 128], strides = [1, 1]} : vector<32x4096xf32> to vector<32x128xf32>
    %add3A_1579 = arith.addf %add3A_1577, %slice3A_1578 : vector<32x128xf32>
    %slice3A_1580 = vector.extract_strided_slice %select_n3A_1532 {offsets = [0, 3072], sizes = [32, 128], strides = [1, 1]} : vector<32x4096xf32> to vector<32x128xf32>
    %add3A_1581 = arith.addf %add3A_1579, %slice3A_1580 : vector<32x128xf32>
    %slice3A_1582 = vector.extract_strided_slice %select_n3A_1532 {offsets = [0, 3200], sizes = [32, 128], strides = [1, 1]} : vector<32x4096xf32> to vector<32x128xf32>
    %add3A_1583 = arith.addf %add3A_1581, %slice3A_1582 : vector<32x128xf32>
    %slice3A_1584 = vector.extract_strided_slice %select_n3A_1532 {offsets = [0, 3328], sizes = [32, 128], strides = [1, 1]} : vector<32x4096xf32> to vector<32x128xf32>
    %add3A_1585 = arith.addf %add3A_1583, %slice3A_1584 : vector<32x128xf32>
    %slice3A_1586 = vector.extract_strided_slice %select_n3A_1532 {offsets = [0, 3456], sizes = [32, 128], strides = [1, 1]} : vector<32x4096xf32> to vector<32x128xf32>
    %add3A_1587 = arith.addf %add3A_1585, %slice3A_1586 : vector<32x128xf32>
    %slice3A_1588 = vector.extract_strided_slice %select_n3A_1532 {offsets = [0, 3584], sizes = [32, 128], strides = [1, 1]} : vector<32x4096xf32> to vector<32x128xf32>
    %add3A_1589 = arith.addf %add3A_1587, %slice3A_1588 : vector<32x128xf32>
    %slice3A_1590 = vector.extract_strided_slice %select_n3A_1532 {offsets = [0, 3712], sizes = [32, 128], strides = [1, 1]} : vector<32x4096xf32> to vector<32x128xf32>
    %add3A_1591 = arith.addf %add3A_1589, %slice3A_1590 : vector<32x128xf32>
    %slice3A_1592 = vector.extract_strided_slice %select_n3A_1532 {offsets = [0, 3840], sizes = [32, 128], strides = [1, 1]} : vector<32x4096xf32> to vector<32x128xf32>
    %add3A_1593 = arith.addf %add3A_1591, %slice3A_1592 : vector<32x128xf32>
    %slice3A_1594 = vector.extract_strided_slice %select_n3A_1532 {offsets = [0, 3968], sizes = [32, 128], strides = [1, 1]} : vector<32x4096xf32> to vector<32x128xf32>
    %add3A_1595 = arith.addf %add3A_1593, %slice3A_1594 : vector<32x128xf32>
    %add3A_1596 = arith.addf %add3A_1512, %add3A_1595 : vector<32x128xf32>
    %iota3A_1597 = tpu.iota {dimensions = array<i32: 1>} : vector<32x4096xi32>
    %sub3A_1598 = arith.constant 77824 : i32
    %sub3A_1599 = vector.broadcast %sub3A_1598 : i32 to vector<32x1xi32>
    %sub3A_1600 = arith.subi %get3A_1, %sub3A_1599 : vector<32x1xi32>
    %lt3A_1601 = vector.broadcast %sub3A_1600 : vector<32x1xi32> to vector<32x4096xi32>
    %lt3A_1602 = arith.cmpi slt, %iota3A_1597, %lt3A_1601 : vector<32x4096xi32>
    %broadcast_in_dim3A_1603 = vector.shape_cast %get3A_4 : vector<32x1xf32> to vector<32x1xf32>
    %broadcast_in_dim3A_1604 = vector.broadcast %broadcast_in_dim3A_1603 : vector<32x1xf32> to vector<32x4096xf32>
    %broadcast_in_dim3A_1605 = vector.shape_cast %get3A_7 : vector<32x1xf32> to vector<32x1xf32>
    %broadcast_in_dim3A_1606 = vector.broadcast %broadcast_in_dim3A_1605 : vector<32x1xf32> to vector<32x4096xf32>
    %select_n3A_1607 = arith.select %lt3A_1602, %broadcast_in_dim3A_1604, %broadcast_in_dim3A_1606 : vector<32x4096xi1>, vector<32x4096xf32>
    %get3A_1608 = arith.constant 0 : index
    %get3A_1609 = arith.constant 77824 : index
    %get3A_1610 = vector.load %arg4[%get3A_1608, %get3A_1609] : memref<32x100000xf32, #tpu.memory_space<vmem>>, vector<32x4096xf32>
    %ge3A_1611 = arith.cmpf oge, %get3A_1610, %select_n3A_1607 : vector<32x4096xf32>
    %jit3A_1612 = arith.constant 1.000000e+00 : f32
    %jit3A_1613 = arith.constant 0.000000e+00 : f32
    %broadcast_in_dim3A_1614 = vector.broadcast %jit3A_1612 : f32 to vector<32x4096xf32>
    %broadcast_in_dim3A_1615 = vector.broadcast %jit3A_1613 : f32 to vector<32x4096xf32>
    %select_n3A_1616 = arith.select %ge3A_1611, %broadcast_in_dim3A_1614, %broadcast_in_dim3A_1615 : vector<32x4096xi1>, vector<32x4096xf32>
    %slice3A_1617 = vector.extract_strided_slice %select_n3A_1616 {offsets = [0, 0], sizes = [32, 128], strides = [1, 1]} : vector<32x4096xf32> to vector<32x128xf32>
    %slice3A_1618 = vector.extract_strided_slice %select_n3A_1616 {offsets = [0, 128], sizes = [32, 128], strides = [1, 1]} : vector<32x4096xf32> to vector<32x128xf32>
    %add3A_1619 = arith.addf %slice3A_1617, %slice3A_1618 : vector<32x128xf32>
    %slice3A_1620 = vector.extract_strided_slice %select_n3A_1616 {offsets = [0, 256], sizes = [32, 128], strides = [1, 1]} : vector<32x4096xf32> to vector<32x128xf32>
    %add3A_1621 = arith.addf %add3A_1619, %slice3A_1620 : vector<32x128xf32>
    %slice3A_1622 = vector.extract_strided_slice %select_n3A_1616 {offsets = [0, 384], sizes = [32, 128], strides = [1, 1]} : vector<32x4096xf32> to vector<32x128xf32>
    %add3A_1623 = arith.addf %add3A_1621, %slice3A_1622 : vector<32x128xf32>
    %slice3A_1624 = vector.extract_strided_slice %select_n3A_1616 {offsets = [0, 512], sizes = [32, 128], strides = [1, 1]} : vector<32x4096xf32> to vector<32x128xf32>
    %add3A_1625 = arith.addf %add3A_1623, %slice3A_1624 : vector<32x128xf32>
    %slice3A_1626 = vector.extract_strided_slice %select_n3A_1616 {offsets = [0, 640], sizes = [32, 128], strides = [1, 1]} : vector<32x4096xf32> to vector<32x128xf32>
    %add3A_1627 = arith.addf %add3A_1625, %slice3A_1626 : vector<32x128xf32>
    %slice3A_1628 = vector.extract_strided_slice %select_n3A_1616 {offsets = [0, 768], sizes = [32, 128], strides = [1, 1]} : vector<32x4096xf32> to vector<32x128xf32>
    %add3A_1629 = arith.addf %add3A_1627, %slice3A_1628 : vector<32x128xf32>
    %slice3A_1630 = vector.extract_strided_slice %select_n3A_1616 {offsets = [0, 896], sizes = [32, 128], strides = [1, 1]} : vector<32x4096xf32> to vector<32x128xf32>
    %add3A_1631 = arith.addf %add3A_1629, %slice3A_1630 : vector<32x128xf32>
    %slice3A_1632 = vector.extract_strided_slice %select_n3A_1616 {offsets = [0, 1024], sizes = [32, 128], strides = [1, 1]} : vector<32x4096xf32> to vector<32x128xf32>
    %add3A_1633 = arith.addf %add3A_1631, %slice3A_1632 : vector<32x128xf32>
    %slice3A_1634 = vector.extract_strided_slice %select_n3A_1616 {offsets = [0, 1152], sizes = [32, 128], strides = [1, 1]} : vector<32x4096xf32> to vector<32x128xf32>
    %add3A_1635 = arith.addf %add3A_1633, %slice3A_1634 : vector<32x128xf32>
    %slice3A_1636 = vector.extract_strided_slice %select_n3A_1616 {offsets = [0, 1280], sizes = [32, 128], strides = [1, 1]} : vector<32x4096xf32> to vector<32x128xf32>
    %add3A_1637 = arith.addf %add3A_1635, %slice3A_1636 : vector<32x128xf32>
    %slice3A_1638 = vector.extract_strided_slice %select_n3A_1616 {offsets = [0, 1408], sizes = [32, 128], strides = [1, 1]} : vector<32x4096xf32> to vector<32x128xf32>
    %add3A_1639 = arith.addf %add3A_1637, %slice3A_1638 : vector<32x128xf32>
    %slice3A_1640 = vector.extract_strided_slice %select_n3A_1616 {offsets = [0, 1536], sizes = [32, 128], strides = [1, 1]} : vector<32x4096xf32> to vector<32x128xf32>
    %add3A_1641 = arith.addf %add3A_1639, %slice3A_1640 : vector<32x128xf32>
    %slice3A_1642 = vector.extract_strided_slice %select_n3A_1616 {offsets = [0, 1664], sizes = [32, 128], strides = [1, 1]} : vector<32x4096xf32> to vector<32x128xf32>
    %add3A_1643 = arith.addf %add3A_1641, %slice3A_1642 : vector<32x128xf32>
    %slice3A_1644 = vector.extract_strided_slice %select_n3A_1616 {offsets = [0, 1792], sizes = [32, 128], strides = [1, 1]} : vector<32x4096xf32> to vector<32x128xf32>
    %add3A_1645 = arith.addf %add3A_1643, %slice3A_1644 : vector<32x128xf32>
    %slice3A_1646 = vector.extract_strided_slice %select_n3A_1616 {offsets = [0, 1920], sizes = [32, 128], strides = [1, 1]} : vector<32x4096xf32> to vector<32x128xf32>
    %add3A_1647 = arith.addf %add3A_1645, %slice3A_1646 : vector<32x128xf32>
    %slice3A_1648 = vector.extract_strided_slice %select_n3A_1616 {offsets = [0, 2048], sizes = [32, 128], strides = [1, 1]} : vector<32x4096xf32> to vector<32x128xf32>
    %add3A_1649 = arith.addf %add3A_1647, %slice3A_1648 : vector<32x128xf32>
    %slice3A_1650 = vector.extract_strided_slice %select_n3A_1616 {offsets = [0, 2176], sizes = [32, 128], strides = [1, 1]} : vector<32x4096xf32> to vector<32x128xf32>
    %add3A_1651 = arith.addf %add3A_1649, %slice3A_1650 : vector<32x128xf32>
    %slice3A_1652 = vector.extract_strided_slice %select_n3A_1616 {offsets = [0, 2304], sizes = [32, 128], strides = [1, 1]} : vector<32x4096xf32> to vector<32x128xf32>
    %add3A_1653 = arith.addf %add3A_1651, %slice3A_1652 : vector<32x128xf32>
    %slice3A_1654 = vector.extract_strided_slice %select_n3A_1616 {offsets = [0, 2432], sizes = [32, 128], strides = [1, 1]} : vector<32x4096xf32> to vector<32x128xf32>
    %add3A_1655 = arith.addf %add3A_1653, %slice3A_1654 : vector<32x128xf32>
    %slice3A_1656 = vector.extract_strided_slice %select_n3A_1616 {offsets = [0, 2560], sizes = [32, 128], strides = [1, 1]} : vector<32x4096xf32> to vector<32x128xf32>
    %add3A_1657 = arith.addf %add3A_1655, %slice3A_1656 : vector<32x128xf32>
    %slice3A_1658 = vector.extract_strided_slice %select_n3A_1616 {offsets = [0, 2688], sizes = [32, 128], strides = [1, 1]} : vector<32x4096xf32> to vector<32x128xf32>
    %add3A_1659 = arith.addf %add3A_1657, %slice3A_1658 : vector<32x128xf32>
    %slice3A_1660 = vector.extract_strided_slice %select_n3A_1616 {offsets = [0, 2816], sizes = [32, 128], strides = [1, 1]} : vector<32x4096xf32> to vector<32x128xf32>
    %add3A_1661 = arith.addf %add3A_1659, %slice3A_1660 : vector<32x128xf32>
    %slice3A_1662 = vector.extract_strided_slice %select_n3A_1616 {offsets = [0, 2944], sizes = [32, 128], strides = [1, 1]} : vector<32x4096xf32> to vector<32x128xf32>
    %add3A_1663 = arith.addf %add3A_1661, %slice3A_1662 : vector<32x128xf32>
    %slice3A_1664 = vector.extract_strided_slice %select_n3A_1616 {offsets = [0, 3072], sizes = [32, 128], strides = [1, 1]} : vector<32x4096xf32> to vector<32x128xf32>
    %add3A_1665 = arith.addf %add3A_1663, %slice3A_1664 : vector<32x128xf32>
    %slice3A_1666 = vector.extract_strided_slice %select_n3A_1616 {offsets = [0, 3200], sizes = [32, 128], strides = [1, 1]} : vector<32x4096xf32> to vector<32x128xf32>
    %add3A_1667 = arith.addf %add3A_1665, %slice3A_1666 : vector<32x128xf32>
    %slice3A_1668 = vector.extract_strided_slice %select_n3A_1616 {offsets = [0, 3328], sizes = [32, 128], strides = [1, 1]} : vector<32x4096xf32> to vector<32x128xf32>
    %add3A_1669 = arith.addf %add3A_1667, %slice3A_1668 : vector<32x128xf32>
    %slice3A_1670 = vector.extract_strided_slice %select_n3A_1616 {offsets = [0, 3456], sizes = [32, 128], strides = [1, 1]} : vector<32x4096xf32> to vector<32x128xf32>
    %add3A_1671 = arith.addf %add3A_1669, %slice3A_1670 : vector<32x128xf32>
    %slice3A_1672 = vector.extract_strided_slice %select_n3A_1616 {offsets = [0, 3584], sizes = [32, 128], strides = [1, 1]} : vector<32x4096xf32> to vector<32x128xf32>
    %add3A_1673 = arith.addf %add3A_1671, %slice3A_1672 : vector<32x128xf32>
    %slice3A_1674 = vector.extract_strided_slice %select_n3A_1616 {offsets = [0, 3712], sizes = [32, 128], strides = [1, 1]} : vector<32x4096xf32> to vector<32x128xf32>
    %add3A_1675 = arith.addf %add3A_1673, %slice3A_1674 : vector<32x128xf32>
    %slice3A_1676 = vector.extract_strided_slice %select_n3A_1616 {offsets = [0, 3840], sizes = [32, 128], strides = [1, 1]} : vector<32x4096xf32> to vector<32x128xf32>
    %add3A_1677 = arith.addf %add3A_1675, %slice3A_1676 : vector<32x128xf32>
    %slice3A_1678 = vector.extract_strided_slice %select_n3A_1616 {offsets = [0, 3968], sizes = [32, 128], strides = [1, 1]} : vector<32x4096xf32> to vector<32x128xf32>
    %add3A_1679 = arith.addf %add3A_1677, %slice3A_1678 : vector<32x128xf32>
    %add3A_1680 = arith.addf %add3A_1596, %add3A_1679 : vector<32x128xf32>
    %iota3A_1681 = tpu.iota {dimensions = array<i32: 1>} : vector<32x4096xi32>
    %sub3A_1682 = arith.constant 81920 : i32
    %sub3A_1683 = vector.broadcast %sub3A_1682 : i32 to vector<32x1xi32>
    %sub3A_1684 = arith.subi %get3A_1, %sub3A_1683 : vector<32x1xi32>
    %lt3A_1685 = vector.broadcast %sub3A_1684 : vector<32x1xi32> to vector<32x4096xi32>
    %lt3A_1686 = arith.cmpi slt, %iota3A_1681, %lt3A_1685 : vector<32x4096xi32>
    %broadcast_in_dim3A_1687 = vector.shape_cast %get3A_4 : vector<32x1xf32> to vector<32x1xf32>
    %broadcast_in_dim3A_1688 = vector.broadcast %broadcast_in_dim3A_1687 : vector<32x1xf32> to vector<32x4096xf32>
    %broadcast_in_dim3A_1689 = vector.shape_cast %get3A_7 : vector<32x1xf32> to vector<32x1xf32>
    %broadcast_in_dim3A_1690 = vector.broadcast %broadcast_in_dim3A_1689 : vector<32x1xf32> to vector<32x4096xf32>
    %select_n3A_1691 = arith.select %lt3A_1686, %broadcast_in_dim3A_1688, %broadcast_in_dim3A_1690 : vector<32x4096xi1>, vector<32x4096xf32>
    %get3A_1692 = arith.constant 0 : index
    %get3A_1693 = arith.constant 81920 : index
    %get3A_1694 = vector.load %arg4[%get3A_1692, %get3A_1693] : memref<32x100000xf32, #tpu.memory_space<vmem>>, vector<32x4096xf32>
    %ge3A_1695 = arith.cmpf oge, %get3A_1694, %select_n3A_1691 : vector<32x4096xf32>
    %jit3A_1696 = arith.constant 1.000000e+00 : f32
    %jit3A_1697 = arith.constant 0.000000e+00 : f32
    %broadcast_in_dim3A_1698 = vector.broadcast %jit3A_1696 : f32 to vector<32x4096xf32>
    %broadcast_in_dim3A_1699 = vector.broadcast %jit3A_1697 : f32 to vector<32x4096xf32>
    %select_n3A_1700 = arith.select %ge3A_1695, %broadcast_in_dim3A_1698, %broadcast_in_dim3A_1699 : vector<32x4096xi1>, vector<32x4096xf32>
    %slice3A_1701 = vector.extract_strided_slice %select_n3A_1700 {offsets = [0, 0], sizes = [32, 128], strides = [1, 1]} : vector<32x4096xf32> to vector<32x128xf32>
    %slice3A_1702 = vector.extract_strided_slice %select_n3A_1700 {offsets = [0, 128], sizes = [32, 128], strides = [1, 1]} : vector<32x4096xf32> to vector<32x128xf32>
    %add3A_1703 = arith.addf %slice3A_1701, %slice3A_1702 : vector<32x128xf32>
    %slice3A_1704 = vector.extract_strided_slice %select_n3A_1700 {offsets = [0, 256], sizes = [32, 128], strides = [1, 1]} : vector<32x4096xf32> to vector<32x128xf32>
    %add3A_1705 = arith.addf %add3A_1703, %slice3A_1704 : vector<32x128xf32>
    %slice3A_1706 = vector.extract_strided_slice %select_n3A_1700 {offsets = [0, 384], sizes = [32, 128], strides = [1, 1]} : vector<32x4096xf32> to vector<32x128xf32>
    %add3A_1707 = arith.addf %add3A_1705, %slice3A_1706 : vector<32x128xf32>
    %slice3A_1708 = vector.extract_strided_slice %select_n3A_1700 {offsets = [0, 512], sizes = [32, 128], strides = [1, 1]} : vector<32x4096xf32> to vector<32x128xf32>
    %add3A_1709 = arith.addf %add3A_1707, %slice3A_1708 : vector<32x128xf32>
    %slice3A_1710 = vector.extract_strided_slice %select_n3A_1700 {offsets = [0, 640], sizes = [32, 128], strides = [1, 1]} : vector<32x4096xf32> to vector<32x128xf32>
    %add3A_1711 = arith.addf %add3A_1709, %slice3A_1710 : vector<32x128xf32>
    %slice3A_1712 = vector.extract_strided_slice %select_n3A_1700 {offsets = [0, 768], sizes = [32, 128], strides = [1, 1]} : vector<32x4096xf32> to vector<32x128xf32>
    %add3A_1713 = arith.addf %add3A_1711, %slice3A_1712 : vector<32x128xf32>
    %slice3A_1714 = vector.extract_strided_slice %select_n3A_1700 {offsets = [0, 896], sizes = [32, 128], strides = [1, 1]} : vector<32x4096xf32> to vector<32x128xf32>
    %add3A_1715 = arith.addf %add3A_1713, %slice3A_1714 : vector<32x128xf32>
    %slice3A_1716 = vector.extract_strided_slice %select_n3A_1700 {offsets = [0, 1024], sizes = [32, 128], strides = [1, 1]} : vector<32x4096xf32> to vector<32x128xf32>
    %add3A_1717 = arith.addf %add3A_1715, %slice3A_1716 : vector<32x128xf32>
    %slice3A_1718 = vector.extract_strided_slice %select_n3A_1700 {offsets = [0, 1152], sizes = [32, 128], strides = [1, 1]} : vector<32x4096xf32> to vector<32x128xf32>
    %add3A_1719 = arith.addf %add3A_1717, %slice3A_1718 : vector<32x128xf32>
    %slice3A_1720 = vector.extract_strided_slice %select_n3A_1700 {offsets = [0, 1280], sizes = [32, 128], strides = [1, 1]} : vector<32x4096xf32> to vector<32x128xf32>
    %add3A_1721 = arith.addf %add3A_1719, %slice3A_1720 : vector<32x128xf32>
    %slice3A_1722 = vector.extract_strided_slice %select_n3A_1700 {offsets = [0, 1408], sizes = [32, 128], strides = [1, 1]} : vector<32x4096xf32> to vector<32x128xf32>
    %add3A_1723 = arith.addf %add3A_1721, %slice3A_1722 : vector<32x128xf32>
    %slice3A_1724 = vector.extract_strided_slice %select_n3A_1700 {offsets = [0, 1536], sizes = [32, 128], strides = [1, 1]} : vector<32x4096xf32> to vector<32x128xf32>
    %add3A_1725 = arith.addf %add3A_1723, %slice3A_1724 : vector<32x128xf32>
    %slice3A_1726 = vector.extract_strided_slice %select_n3A_1700 {offsets = [0, 1664], sizes = [32, 128], strides = [1, 1]} : vector<32x4096xf32> to vector<32x128xf32>
    %add3A_1727 = arith.addf %add3A_1725, %slice3A_1726 : vector<32x128xf32>
    %slice3A_1728 = vector.extract_strided_slice %select_n3A_1700 {offsets = [0, 1792], sizes = [32, 128], strides = [1, 1]} : vector<32x4096xf32> to vector<32x128xf32>
    %add3A_1729 = arith.addf %add3A_1727, %slice3A_1728 : vector<32x128xf32>
    %slice3A_1730 = vector.extract_strided_slice %select_n3A_1700 {offsets = [0, 1920], sizes = [32, 128], strides = [1, 1]} : vector<32x4096xf32> to vector<32x128xf32>
    %add3A_1731 = arith.addf %add3A_1729, %slice3A_1730 : vector<32x128xf32>
    %slice3A_1732 = vector.extract_strided_slice %select_n3A_1700 {offsets = [0, 2048], sizes = [32, 128], strides = [1, 1]} : vector<32x4096xf32> to vector<32x128xf32>
    %add3A_1733 = arith.addf %add3A_1731, %slice3A_1732 : vector<32x128xf32>
    %slice3A_1734 = vector.extract_strided_slice %select_n3A_1700 {offsets = [0, 2176], sizes = [32, 128], strides = [1, 1]} : vector<32x4096xf32> to vector<32x128xf32>
    %add3A_1735 = arith.addf %add3A_1733, %slice3A_1734 : vector<32x128xf32>
    %slice3A_1736 = vector.extract_strided_slice %select_n3A_1700 {offsets = [0, 2304], sizes = [32, 128], strides = [1, 1]} : vector<32x4096xf32> to vector<32x128xf32>
    %add3A_1737 = arith.addf %add3A_1735, %slice3A_1736 : vector<32x128xf32>
    %slice3A_1738 = vector.extract_strided_slice %select_n3A_1700 {offsets = [0, 2432], sizes = [32, 128], strides = [1, 1]} : vector<32x4096xf32> to vector<32x128xf32>
    %add3A_1739 = arith.addf %add3A_1737, %slice3A_1738 : vector<32x128xf32>
    %slice3A_1740 = vector.extract_strided_slice %select_n3A_1700 {offsets = [0, 2560], sizes = [32, 128], strides = [1, 1]} : vector<32x4096xf32> to vector<32x128xf32>
    %add3A_1741 = arith.addf %add3A_1739, %slice3A_1740 : vector<32x128xf32>
    %slice3A_1742 = vector.extract_strided_slice %select_n3A_1700 {offsets = [0, 2688], sizes = [32, 128], strides = [1, 1]} : vector<32x4096xf32> to vector<32x128xf32>
    %add3A_1743 = arith.addf %add3A_1741, %slice3A_1742 : vector<32x128xf32>
    %slice3A_1744 = vector.extract_strided_slice %select_n3A_1700 {offsets = [0, 2816], sizes = [32, 128], strides = [1, 1]} : vector<32x4096xf32> to vector<32x128xf32>
    %add3A_1745 = arith.addf %add3A_1743, %slice3A_1744 : vector<32x128xf32>
    %slice3A_1746 = vector.extract_strided_slice %select_n3A_1700 {offsets = [0, 2944], sizes = [32, 128], strides = [1, 1]} : vector<32x4096xf32> to vector<32x128xf32>
    %add3A_1747 = arith.addf %add3A_1745, %slice3A_1746 : vector<32x128xf32>
    %slice3A_1748 = vector.extract_strided_slice %select_n3A_1700 {offsets = [0, 3072], sizes = [32, 128], strides = [1, 1]} : vector<32x4096xf32> to vector<32x128xf32>
    %add3A_1749 = arith.addf %add3A_1747, %slice3A_1748 : vector<32x128xf32>
    %slice3A_1750 = vector.extract_strided_slice %select_n3A_1700 {offsets = [0, 3200], sizes = [32, 128], strides = [1, 1]} : vector<32x4096xf32> to vector<32x128xf32>
    %add3A_1751 = arith.addf %add3A_1749, %slice3A_1750 : vector<32x128xf32>
    %slice3A_1752 = vector.extract_strided_slice %select_n3A_1700 {offsets = [0, 3328], sizes = [32, 128], strides = [1, 1]} : vector<32x4096xf32> to vector<32x128xf32>
    %add3A_1753 = arith.addf %add3A_1751, %slice3A_1752 : vector<32x128xf32>
    %slice3A_1754 = vector.extract_strided_slice %select_n3A_1700 {offsets = [0, 3456], sizes = [32, 128], strides = [1, 1]} : vector<32x4096xf32> to vector<32x128xf32>
    %add3A_1755 = arith.addf %add3A_1753, %slice3A_1754 : vector<32x128xf32>
    %slice3A_1756 = vector.extract_strided_slice %select_n3A_1700 {offsets = [0, 3584], sizes = [32, 128], strides = [1, 1]} : vector<32x4096xf32> to vector<32x128xf32>
    %add3A_1757 = arith.addf %add3A_1755, %slice3A_1756 : vector<32x128xf32>
    %slice3A_1758 = vector.extract_strided_slice %select_n3A_1700 {offsets = [0, 3712], sizes = [32, 128], strides = [1, 1]} : vector<32x4096xf32> to vector<32x128xf32>
    %add3A_1759 = arith.addf %add3A_1757, %slice3A_1758 : vector<32x128xf32>
    %slice3A_1760 = vector.extract_strided_slice %select_n3A_1700 {offsets = [0, 3840], sizes = [32, 128], strides = [1, 1]} : vector<32x4096xf32> to vector<32x128xf32>
    %add3A_1761 = arith.addf %add3A_1759, %slice3A_1760 : vector<32x128xf32>
    %slice3A_1762 = vector.extract_strided_slice %select_n3A_1700 {offsets = [0, 3968], sizes = [32, 128], strides = [1, 1]} : vector<32x4096xf32> to vector<32x128xf32>
    %add3A_1763 = arith.addf %add3A_1761, %slice3A_1762 : vector<32x128xf32>
    %add3A_1764 = arith.addf %add3A_1680, %add3A_1763 : vector<32x128xf32>
    %iota3A_1765 = tpu.iota {dimensions = array<i32: 1>} : vector<32x4096xi32>
    %sub3A_1766 = arith.constant 86016 : i32
    %sub3A_1767 = vector.broadcast %sub3A_1766 : i32 to vector<32x1xi32>
    %sub3A_1768 = arith.subi %get3A_1, %sub3A_1767 : vector<32x1xi32>
    %lt3A_1769 = vector.broadcast %sub3A_1768 : vector<32x1xi32> to vector<32x4096xi32>
    %lt3A_1770 = arith.cmpi slt, %iota3A_1765, %lt3A_1769 : vector<32x4096xi32>
    %broadcast_in_dim3A_1771 = vector.shape_cast %get3A_4 : vector<32x1xf32> to vector<32x1xf32>
    %broadcast_in_dim3A_1772 = vector.broadcast %broadcast_in_dim3A_1771 : vector<32x1xf32> to vector<32x4096xf32>
    %broadcast_in_dim3A_1773 = vector.shape_cast %get3A_7 : vector<32x1xf32> to vector<32x1xf32>
    %broadcast_in_dim3A_1774 = vector.broadcast %broadcast_in_dim3A_1773 : vector<32x1xf32> to vector<32x4096xf32>
    %select_n3A_1775 = arith.select %lt3A_1770, %broadcast_in_dim3A_1772, %broadcast_in_dim3A_1774 : vector<32x4096xi1>, vector<32x4096xf32>
    %get3A_1776 = arith.constant 0 : index
    %get3A_1777 = arith.constant 86016 : index
    %get3A_1778 = vector.load %arg4[%get3A_1776, %get3A_1777] : memref<32x100000xf32, #tpu.memory_space<vmem>>, vector<32x4096xf32>
    %ge3A_1779 = arith.cmpf oge, %get3A_1778, %select_n3A_1775 : vector<32x4096xf32>
    %jit3A_1780 = arith.constant 1.000000e+00 : f32
    %jit3A_1781 = arith.constant 0.000000e+00 : f32
    %broadcast_in_dim3A_1782 = vector.broadcast %jit3A_1780 : f32 to vector<32x4096xf32>
    %broadcast_in_dim3A_1783 = vector.broadcast %jit3A_1781 : f32 to vector<32x4096xf32>
    %select_n3A_1784 = arith.select %ge3A_1779, %broadcast_in_dim3A_1782, %broadcast_in_dim3A_1783 : vector<32x4096xi1>, vector<32x4096xf32>
    %slice3A_1785 = vector.extract_strided_slice %select_n3A_1784 {offsets = [0, 0], sizes = [32, 128], strides = [1, 1]} : vector<32x4096xf32> to vector<32x128xf32>
    %slice3A_1786 = vector.extract_strided_slice %select_n3A_1784 {offsets = [0, 128], sizes = [32, 128], strides = [1, 1]} : vector<32x4096xf32> to vector<32x128xf32>
    %add3A_1787 = arith.addf %slice3A_1785, %slice3A_1786 : vector<32x128xf32>
    %slice3A_1788 = vector.extract_strided_slice %select_n3A_1784 {offsets = [0, 256], sizes = [32, 128], strides = [1, 1]} : vector<32x4096xf32> to vector<32x128xf32>
    %add3A_1789 = arith.addf %add3A_1787, %slice3A_1788 : vector<32x128xf32>
    %slice3A_1790 = vector.extract_strided_slice %select_n3A_1784 {offsets = [0, 384], sizes = [32, 128], strides = [1, 1]} : vector<32x4096xf32> to vector<32x128xf32>
    %add3A_1791 = arith.addf %add3A_1789, %slice3A_1790 : vector<32x128xf32>
    %slice3A_1792 = vector.extract_strided_slice %select_n3A_1784 {offsets = [0, 512], sizes = [32, 128], strides = [1, 1]} : vector<32x4096xf32> to vector<32x128xf32>
    %add3A_1793 = arith.addf %add3A_1791, %slice3A_1792 : vector<32x128xf32>
    %slice3A_1794 = vector.extract_strided_slice %select_n3A_1784 {offsets = [0, 640], sizes = [32, 128], strides = [1, 1]} : vector<32x4096xf32> to vector<32x128xf32>
    %add3A_1795 = arith.addf %add3A_1793, %slice3A_1794 : vector<32x128xf32>
    %slice3A_1796 = vector.extract_strided_slice %select_n3A_1784 {offsets = [0, 768], sizes = [32, 128], strides = [1, 1]} : vector<32x4096xf32> to vector<32x128xf32>
    %add3A_1797 = arith.addf %add3A_1795, %slice3A_1796 : vector<32x128xf32>
    %slice3A_1798 = vector.extract_strided_slice %select_n3A_1784 {offsets = [0, 896], sizes = [32, 128], strides = [1, 1]} : vector<32x4096xf32> to vector<32x128xf32>
    %add3A_1799 = arith.addf %add3A_1797, %slice3A_1798 : vector<32x128xf32>
    %slice3A_1800 = vector.extract_strided_slice %select_n3A_1784 {offsets = [0, 1024], sizes = [32, 128], strides = [1, 1]} : vector<32x4096xf32> to vector<32x128xf32>
    %add3A_1801 = arith.addf %add3A_1799, %slice3A_1800 : vector<32x128xf32>
    %slice3A_1802 = vector.extract_strided_slice %select_n3A_1784 {offsets = [0, 1152], sizes = [32, 128], strides = [1, 1]} : vector<32x4096xf32> to vector<32x128xf32>
    %add3A_1803 = arith.addf %add3A_1801, %slice3A_1802 : vector<32x128xf32>
    %slice3A_1804 = vector.extract_strided_slice %select_n3A_1784 {offsets = [0, 1280], sizes = [32, 128], strides = [1, 1]} : vector<32x4096xf32> to vector<32x128xf32>
    %add3A_1805 = arith.addf %add3A_1803, %slice3A_1804 : vector<32x128xf32>
    %slice3A_1806 = vector.extract_strided_slice %select_n3A_1784 {offsets = [0, 1408], sizes = [32, 128], strides = [1, 1]} : vector<32x4096xf32> to vector<32x128xf32>
    %add3A_1807 = arith.addf %add3A_1805, %slice3A_1806 : vector<32x128xf32>
    %slice3A_1808 = vector.extract_strided_slice %select_n3A_1784 {offsets = [0, 1536], sizes = [32, 128], strides = [1, 1]} : vector<32x4096xf32> to vector<32x128xf32>
    %add3A_1809 = arith.addf %add3A_1807, %slice3A_1808 : vector<32x128xf32>
    %slice3A_1810 = vector.extract_strided_slice %select_n3A_1784 {offsets = [0, 1664], sizes = [32, 128], strides = [1, 1]} : vector<32x4096xf32> to vector<32x128xf32>
    %add3A_1811 = arith.addf %add3A_1809, %slice3A_1810 : vector<32x128xf32>
    %slice3A_1812 = vector.extract_strided_slice %select_n3A_1784 {offsets = [0, 1792], sizes = [32, 128], strides = [1, 1]} : vector<32x4096xf32> to vector<32x128xf32>
    %add3A_1813 = arith.addf %add3A_1811, %slice3A_1812 : vector<32x128xf32>
    %slice3A_1814 = vector.extract_strided_slice %select_n3A_1784 {offsets = [0, 1920], sizes = [32, 128], strides = [1, 1]} : vector<32x4096xf32> to vector<32x128xf32>
    %add3A_1815 = arith.addf %add3A_1813, %slice3A_1814 : vector<32x128xf32>
    %slice3A_1816 = vector.extract_strided_slice %select_n3A_1784 {offsets = [0, 2048], sizes = [32, 128], strides = [1, 1]} : vector<32x4096xf32> to vector<32x128xf32>
    %add3A_1817 = arith.addf %add3A_1815, %slice3A_1816 : vector<32x128xf32>
    %slice3A_1818 = vector.extract_strided_slice %select_n3A_1784 {offsets = [0, 2176], sizes = [32, 128], strides = [1, 1]} : vector<32x4096xf32> to vector<32x128xf32>
    %add3A_1819 = arith.addf %add3A_1817, %slice3A_1818 : vector<32x128xf32>
    %slice3A_1820 = vector.extract_strided_slice %select_n3A_1784 {offsets = [0, 2304], sizes = [32, 128], strides = [1, 1]} : vector<32x4096xf32> to vector<32x128xf32>
    %add3A_1821 = arith.addf %add3A_1819, %slice3A_1820 : vector<32x128xf32>
    %slice3A_1822 = vector.extract_strided_slice %select_n3A_1784 {offsets = [0, 2432], sizes = [32, 128], strides = [1, 1]} : vector<32x4096xf32> to vector<32x128xf32>
    %add3A_1823 = arith.addf %add3A_1821, %slice3A_1822 : vector<32x128xf32>
    %slice3A_1824 = vector.extract_strided_slice %select_n3A_1784 {offsets = [0, 2560], sizes = [32, 128], strides = [1, 1]} : vector<32x4096xf32> to vector<32x128xf32>
    %add3A_1825 = arith.addf %add3A_1823, %slice3A_1824 : vector<32x128xf32>
    %slice3A_1826 = vector.extract_strided_slice %select_n3A_1784 {offsets = [0, 2688], sizes = [32, 128], strides = [1, 1]} : vector<32x4096xf32> to vector<32x128xf32>
    %add3A_1827 = arith.addf %add3A_1825, %slice3A_1826 : vector<32x128xf32>
    %slice3A_1828 = vector.extract_strided_slice %select_n3A_1784 {offsets = [0, 2816], sizes = [32, 128], strides = [1, 1]} : vector<32x4096xf32> to vector<32x128xf32>
    %add3A_1829 = arith.addf %add3A_1827, %slice3A_1828 : vector<32x128xf32>
    %slice3A_1830 = vector.extract_strided_slice %select_n3A_1784 {offsets = [0, 2944], sizes = [32, 128], strides = [1, 1]} : vector<32x4096xf32> to vector<32x128xf32>
    %add3A_1831 = arith.addf %add3A_1829, %slice3A_1830 : vector<32x128xf32>
    %slice3A_1832 = vector.extract_strided_slice %select_n3A_1784 {offsets = [0, 3072], sizes = [32, 128], strides = [1, 1]} : vector<32x4096xf32> to vector<32x128xf32>
    %add3A_1833 = arith.addf %add3A_1831, %slice3A_1832 : vector<32x128xf32>
    %slice3A_1834 = vector.extract_strided_slice %select_n3A_1784 {offsets = [0, 3200], sizes = [32, 128], strides = [1, 1]} : vector<32x4096xf32> to vector<32x128xf32>
    %add3A_1835 = arith.addf %add3A_1833, %slice3A_1834 : vector<32x128xf32>
    %slice3A_1836 = vector.extract_strided_slice %select_n3A_1784 {offsets = [0, 3328], sizes = [32, 128], strides = [1, 1]} : vector<32x4096xf32> to vector<32x128xf32>
    %add3A_1837 = arith.addf %add3A_1835, %slice3A_1836 : vector<32x128xf32>
    %slice3A_1838 = vector.extract_strided_slice %select_n3A_1784 {offsets = [0, 3456], sizes = [32, 128], strides = [1, 1]} : vector<32x4096xf32> to vector<32x128xf32>
    %add3A_1839 = arith.addf %add3A_1837, %slice3A_1838 : vector<32x128xf32>
    %slice3A_1840 = vector.extract_strided_slice %select_n3A_1784 {offsets = [0, 3584], sizes = [32, 128], strides = [1, 1]} : vector<32x4096xf32> to vector<32x128xf32>
    %add3A_1841 = arith.addf %add3A_1839, %slice3A_1840 : vector<32x128xf32>
    %slice3A_1842 = vector.extract_strided_slice %select_n3A_1784 {offsets = [0, 3712], sizes = [32, 128], strides = [1, 1]} : vector<32x4096xf32> to vector<32x128xf32>
    %add3A_1843 = arith.addf %add3A_1841, %slice3A_1842 : vector<32x128xf32>
    %slice3A_1844 = vector.extract_strided_slice %select_n3A_1784 {offsets = [0, 3840], sizes = [32, 128], strides = [1, 1]} : vector<32x4096xf32> to vector<32x128xf32>
    %add3A_1845 = arith.addf %add3A_1843, %slice3A_1844 : vector<32x128xf32>
    %slice3A_1846 = vector.extract_strided_slice %select_n3A_1784 {offsets = [0, 3968], sizes = [32, 128], strides = [1, 1]} : vector<32x4096xf32> to vector<32x128xf32>
    %add3A_1847 = arith.addf %add3A_1845, %slice3A_1846 : vector<32x128xf32>
    %add3A_1848 = arith.addf %add3A_1764, %add3A_1847 : vector<32x128xf32>
    %iota3A_1849 = tpu.iota {dimensions = array<i32: 1>} : vector<32x4096xi32>
    %sub3A_1850 = arith.constant 90112 : i32
    %sub3A_1851 = vector.broadcast %sub3A_1850 : i32 to vector<32x1xi32>
    %sub3A_1852 = arith.subi %get3A_1, %sub3A_1851 : vector<32x1xi32>
    %lt3A_1853 = vector.broadcast %sub3A_1852 : vector<32x1xi32> to vector<32x4096xi32>
    %lt3A_1854 = arith.cmpi slt, %iota3A_1849, %lt3A_1853 : vector<32x4096xi32>
    %broadcast_in_dim3A_1855 = vector.shape_cast %get3A_4 : vector<32x1xf32> to vector<32x1xf32>
    %broadcast_in_dim3A_1856 = vector.broadcast %broadcast_in_dim3A_1855 : vector<32x1xf32> to vector<32x4096xf32>
    %broadcast_in_dim3A_1857 = vector.shape_cast %get3A_7 : vector<32x1xf32> to vector<32x1xf32>
    %broadcast_in_dim3A_1858 = vector.broadcast %broadcast_in_dim3A_1857 : vector<32x1xf32> to vector<32x4096xf32>
    %select_n3A_1859 = arith.select %lt3A_1854, %broadcast_in_dim3A_1856, %broadcast_in_dim3A_1858 : vector<32x4096xi1>, vector<32x4096xf32>
    %get3A_1860 = arith.constant 0 : index
    %get3A_1861 = arith.constant 90112 : index
    %get3A_1862 = vector.load %arg4[%get3A_1860, %get3A_1861] : memref<32x100000xf32, #tpu.memory_space<vmem>>, vector<32x4096xf32>
    %ge3A_1863 = arith.cmpf oge, %get3A_1862, %select_n3A_1859 : vector<32x4096xf32>
    %jit3A_1864 = arith.constant 1.000000e+00 : f32
    %jit3A_1865 = arith.constant 0.000000e+00 : f32
    %broadcast_in_dim3A_1866 = vector.broadcast %jit3A_1864 : f32 to vector<32x4096xf32>
    %broadcast_in_dim3A_1867 = vector.broadcast %jit3A_1865 : f32 to vector<32x4096xf32>
    %select_n3A_1868 = arith.select %ge3A_1863, %broadcast_in_dim3A_1866, %broadcast_in_dim3A_1867 : vector<32x4096xi1>, vector<32x4096xf32>
    %slice3A_1869 = vector.extract_strided_slice %select_n3A_1868 {offsets = [0, 0], sizes = [32, 128], strides = [1, 1]} : vector<32x4096xf32> to vector<32x128xf32>
    %slice3A_1870 = vector.extract_strided_slice %select_n3A_1868 {offsets = [0, 128], sizes = [32, 128], strides = [1, 1]} : vector<32x4096xf32> to vector<32x128xf32>
    %add3A_1871 = arith.addf %slice3A_1869, %slice3A_1870 : vector<32x128xf32>
    %slice3A_1872 = vector.extract_strided_slice %select_n3A_1868 {offsets = [0, 256], sizes = [32, 128], strides = [1, 1]} : vector<32x4096xf32> to vector<32x128xf32>
    %add3A_1873 = arith.addf %add3A_1871, %slice3A_1872 : vector<32x128xf32>
    %slice3A_1874 = vector.extract_strided_slice %select_n3A_1868 {offsets = [0, 384], sizes = [32, 128], strides = [1, 1]} : vector<32x4096xf32> to vector<32x128xf32>
    %add3A_1875 = arith.addf %add3A_1873, %slice3A_1874 : vector<32x128xf32>
    %slice3A_1876 = vector.extract_strided_slice %select_n3A_1868 {offsets = [0, 512], sizes = [32, 128], strides = [1, 1]} : vector<32x4096xf32> to vector<32x128xf32>
    %add3A_1877 = arith.addf %add3A_1875, %slice3A_1876 : vector<32x128xf32>
    %slice3A_1878 = vector.extract_strided_slice %select_n3A_1868 {offsets = [0, 640], sizes = [32, 128], strides = [1, 1]} : vector<32x4096xf32> to vector<32x128xf32>
    %add3A_1879 = arith.addf %add3A_1877, %slice3A_1878 : vector<32x128xf32>
    %slice3A_1880 = vector.extract_strided_slice %select_n3A_1868 {offsets = [0, 768], sizes = [32, 128], strides = [1, 1]} : vector<32x4096xf32> to vector<32x128xf32>
    %add3A_1881 = arith.addf %add3A_1879, %slice3A_1880 : vector<32x128xf32>
    %slice3A_1882 = vector.extract_strided_slice %select_n3A_1868 {offsets = [0, 896], sizes = [32, 128], strides = [1, 1]} : vector<32x4096xf32> to vector<32x128xf32>
    %add3A_1883 = arith.addf %add3A_1881, %slice3A_1882 : vector<32x128xf32>
    %slice3A_1884 = vector.extract_strided_slice %select_n3A_1868 {offsets = [0, 1024], sizes = [32, 128], strides = [1, 1]} : vector<32x4096xf32> to vector<32x128xf32>
    %add3A_1885 = arith.addf %add3A_1883, %slice3A_1884 : vector<32x128xf32>
    %slice3A_1886 = vector.extract_strided_slice %select_n3A_1868 {offsets = [0, 1152], sizes = [32, 128], strides = [1, 1]} : vector<32x4096xf32> to vector<32x128xf32>
    %add3A_1887 = arith.addf %add3A_1885, %slice3A_1886 : vector<32x128xf32>
    %slice3A_1888 = vector.extract_strided_slice %select_n3A_1868 {offsets = [0, 1280], sizes = [32, 128], strides = [1, 1]} : vector<32x4096xf32> to vector<32x128xf32>
    %add3A_1889 = arith.addf %add3A_1887, %slice3A_1888 : vector<32x128xf32>
    %slice3A_1890 = vector.extract_strided_slice %select_n3A_1868 {offsets = [0, 1408], sizes = [32, 128], strides = [1, 1]} : vector<32x4096xf32> to vector<32x128xf32>
    %add3A_1891 = arith.addf %add3A_1889, %slice3A_1890 : vector<32x128xf32>
    %slice3A_1892 = vector.extract_strided_slice %select_n3A_1868 {offsets = [0, 1536], sizes = [32, 128], strides = [1, 1]} : vector<32x4096xf32> to vector<32x128xf32>
    %add3A_1893 = arith.addf %add3A_1891, %slice3A_1892 : vector<32x128xf32>
    %slice3A_1894 = vector.extract_strided_slice %select_n3A_1868 {offsets = [0, 1664], sizes = [32, 128], strides = [1, 1]} : vector<32x4096xf32> to vector<32x128xf32>
    %add3A_1895 = arith.addf %add3A_1893, %slice3A_1894 : vector<32x128xf32>
    %slice3A_1896 = vector.extract_strided_slice %select_n3A_1868 {offsets = [0, 1792], sizes = [32, 128], strides = [1, 1]} : vector<32x4096xf32> to vector<32x128xf32>
    %add3A_1897 = arith.addf %add3A_1895, %slice3A_1896 : vector<32x128xf32>
    %slice3A_1898 = vector.extract_strided_slice %select_n3A_1868 {offsets = [0, 1920], sizes = [32, 128], strides = [1, 1]} : vector<32x4096xf32> to vector<32x128xf32>
    %add3A_1899 = arith.addf %add3A_1897, %slice3A_1898 : vector<32x128xf32>
    %slice3A_1900 = vector.extract_strided_slice %select_n3A_1868 {offsets = [0, 2048], sizes = [32, 128], strides = [1, 1]} : vector<32x4096xf32> to vector<32x128xf32>
    %add3A_1901 = arith.addf %add3A_1899, %slice3A_1900 : vector<32x128xf32>
    %slice3A_1902 = vector.extract_strided_slice %select_n3A_1868 {offsets = [0, 2176], sizes = [32, 128], strides = [1, 1]} : vector<32x4096xf32> to vector<32x128xf32>
    %add3A_1903 = arith.addf %add3A_1901, %slice3A_1902 : vector<32x128xf32>
    %slice3A_1904 = vector.extract_strided_slice %select_n3A_1868 {offsets = [0, 2304], sizes = [32, 128], strides = [1, 1]} : vector<32x4096xf32> to vector<32x128xf32>
    %add3A_1905 = arith.addf %add3A_1903, %slice3A_1904 : vector<32x128xf32>
    %slice3A_1906 = vector.extract_strided_slice %select_n3A_1868 {offsets = [0, 2432], sizes = [32, 128], strides = [1, 1]} : vector<32x4096xf32> to vector<32x128xf32>
    %add3A_1907 = arith.addf %add3A_1905, %slice3A_1906 : vector<32x128xf32>
    %slice3A_1908 = vector.extract_strided_slice %select_n3A_1868 {offsets = [0, 2560], sizes = [32, 128], strides = [1, 1]} : vector<32x4096xf32> to vector<32x128xf32>
    %add3A_1909 = arith.addf %add3A_1907, %slice3A_1908 : vector<32x128xf32>
    %slice3A_1910 = vector.extract_strided_slice %select_n3A_1868 {offsets = [0, 2688], sizes = [32, 128], strides = [1, 1]} : vector<32x4096xf32> to vector<32x128xf32>
    %add3A_1911 = arith.addf %add3A_1909, %slice3A_1910 : vector<32x128xf32>
    %slice3A_1912 = vector.extract_strided_slice %select_n3A_1868 {offsets = [0, 2816], sizes = [32, 128], strides = [1, 1]} : vector<32x4096xf32> to vector<32x128xf32>
    %add3A_1913 = arith.addf %add3A_1911, %slice3A_1912 : vector<32x128xf32>
    %slice3A_1914 = vector.extract_strided_slice %select_n3A_1868 {offsets = [0, 2944], sizes = [32, 128], strides = [1, 1]} : vector<32x4096xf32> to vector<32x128xf32>
    %add3A_1915 = arith.addf %add3A_1913, %slice3A_1914 : vector<32x128xf32>
    %slice3A_1916 = vector.extract_strided_slice %select_n3A_1868 {offsets = [0, 3072], sizes = [32, 128], strides = [1, 1]} : vector<32x4096xf32> to vector<32x128xf32>
    %add3A_1917 = arith.addf %add3A_1915, %slice3A_1916 : vector<32x128xf32>
    %slice3A_1918 = vector.extract_strided_slice %select_n3A_1868 {offsets = [0, 3200], sizes = [32, 128], strides = [1, 1]} : vector<32x4096xf32> to vector<32x128xf32>
    %add3A_1919 = arith.addf %add3A_1917, %slice3A_1918 : vector<32x128xf32>
    %slice3A_1920 = vector.extract_strided_slice %select_n3A_1868 {offsets = [0, 3328], sizes = [32, 128], strides = [1, 1]} : vector<32x4096xf32> to vector<32x128xf32>
    %add3A_1921 = arith.addf %add3A_1919, %slice3A_1920 : vector<32x128xf32>
    %slice3A_1922 = vector.extract_strided_slice %select_n3A_1868 {offsets = [0, 3456], sizes = [32, 128], strides = [1, 1]} : vector<32x4096xf32> to vector<32x128xf32>
    %add3A_1923 = arith.addf %add3A_1921, %slice3A_1922 : vector<32x128xf32>
    %slice3A_1924 = vector.extract_strided_slice %select_n3A_1868 {offsets = [0, 3584], sizes = [32, 128], strides = [1, 1]} : vector<32x4096xf32> to vector<32x128xf32>
    %add3A_1925 = arith.addf %add3A_1923, %slice3A_1924 : vector<32x128xf32>
    %slice3A_1926 = vector.extract_strided_slice %select_n3A_1868 {offsets = [0, 3712], sizes = [32, 128], strides = [1, 1]} : vector<32x4096xf32> to vector<32x128xf32>
    %add3A_1927 = arith.addf %add3A_1925, %slice3A_1926 : vector<32x128xf32>
    %slice3A_1928 = vector.extract_strided_slice %select_n3A_1868 {offsets = [0, 3840], sizes = [32, 128], strides = [1, 1]} : vector<32x4096xf32> to vector<32x128xf32>
    %add3A_1929 = arith.addf %add3A_1927, %slice3A_1928 : vector<32x128xf32>
    %slice3A_1930 = vector.extract_strided_slice %select_n3A_1868 {offsets = [0, 3968], sizes = [32, 128], strides = [1, 1]} : vector<32x4096xf32> to vector<32x128xf32>
    %add3A_1931 = arith.addf %add3A_1929, %slice3A_1930 : vector<32x128xf32>
    %add3A_1932 = arith.addf %add3A_1848, %add3A_1931 : vector<32x128xf32>
    %iota3A_1933 = tpu.iota {dimensions = array<i32: 1>} : vector<32x4096xi32>
    %sub3A_1934 = arith.constant 94208 : i32
    %sub3A_1935 = vector.broadcast %sub3A_1934 : i32 to vector<32x1xi32>
    %sub3A_1936 = arith.subi %get3A_1, %sub3A_1935 : vector<32x1xi32>
    %lt3A_1937 = vector.broadcast %sub3A_1936 : vector<32x1xi32> to vector<32x4096xi32>
    %lt3A_1938 = arith.cmpi slt, %iota3A_1933, %lt3A_1937 : vector<32x4096xi32>
    %broadcast_in_dim3A_1939 = vector.shape_cast %get3A_4 : vector<32x1xf32> to vector<32x1xf32>
    %broadcast_in_dim3A_1940 = vector.broadcast %broadcast_in_dim3A_1939 : vector<32x1xf32> to vector<32x4096xf32>
    %broadcast_in_dim3A_1941 = vector.shape_cast %get3A_7 : vector<32x1xf32> to vector<32x1xf32>
    %broadcast_in_dim3A_1942 = vector.broadcast %broadcast_in_dim3A_1941 : vector<32x1xf32> to vector<32x4096xf32>
    %select_n3A_1943 = arith.select %lt3A_1938, %broadcast_in_dim3A_1940, %broadcast_in_dim3A_1942 : vector<32x4096xi1>, vector<32x4096xf32>
    %get3A_1944 = arith.constant 0 : index
    %get3A_1945 = arith.constant 94208 : index
    %get3A_1946 = vector.load %arg4[%get3A_1944, %get3A_1945] : memref<32x100000xf32, #tpu.memory_space<vmem>>, vector<32x4096xf32>
    %ge3A_1947 = arith.cmpf oge, %get3A_1946, %select_n3A_1943 : vector<32x4096xf32>
    %jit3A_1948 = arith.constant 1.000000e+00 : f32
    %jit3A_1949 = arith.constant 0.000000e+00 : f32
    %broadcast_in_dim3A_1950 = vector.broadcast %jit3A_1948 : f32 to vector<32x4096xf32>
    %broadcast_in_dim3A_1951 = vector.broadcast %jit3A_1949 : f32 to vector<32x4096xf32>
    %select_n3A_1952 = arith.select %ge3A_1947, %broadcast_in_dim3A_1950, %broadcast_in_dim3A_1951 : vector<32x4096xi1>, vector<32x4096xf32>
    %slice3A_1953 = vector.extract_strided_slice %select_n3A_1952 {offsets = [0, 0], sizes = [32, 128], strides = [1, 1]} : vector<32x4096xf32> to vector<32x128xf32>
    %slice3A_1954 = vector.extract_strided_slice %select_n3A_1952 {offsets = [0, 128], sizes = [32, 128], strides = [1, 1]} : vector<32x4096xf32> to vector<32x128xf32>
    %add3A_1955 = arith.addf %slice3A_1953, %slice3A_1954 : vector<32x128xf32>
    %slice3A_1956 = vector.extract_strided_slice %select_n3A_1952 {offsets = [0, 256], sizes = [32, 128], strides = [1, 1]} : vector<32x4096xf32> to vector<32x128xf32>
    %add3A_1957 = arith.addf %add3A_1955, %slice3A_1956 : vector<32x128xf32>
    %slice3A_1958 = vector.extract_strided_slice %select_n3A_1952 {offsets = [0, 384], sizes = [32, 128], strides = [1, 1]} : vector<32x4096xf32> to vector<32x128xf32>
    %add3A_1959 = arith.addf %add3A_1957, %slice3A_1958 : vector<32x128xf32>
    %slice3A_1960 = vector.extract_strided_slice %select_n3A_1952 {offsets = [0, 512], sizes = [32, 128], strides = [1, 1]} : vector<32x4096xf32> to vector<32x128xf32>
    %add3A_1961 = arith.addf %add3A_1959, %slice3A_1960 : vector<32x128xf32>
    %slice3A_1962 = vector.extract_strided_slice %select_n3A_1952 {offsets = [0, 640], sizes = [32, 128], strides = [1, 1]} : vector<32x4096xf32> to vector<32x128xf32>
    %add3A_1963 = arith.addf %add3A_1961, %slice3A_1962 : vector<32x128xf32>
    %slice3A_1964 = vector.extract_strided_slice %select_n3A_1952 {offsets = [0, 768], sizes = [32, 128], strides = [1, 1]} : vector<32x4096xf32> to vector<32x128xf32>
    %add3A_1965 = arith.addf %add3A_1963, %slice3A_1964 : vector<32x128xf32>
    %slice3A_1966 = vector.extract_strided_slice %select_n3A_1952 {offsets = [0, 896], sizes = [32, 128], strides = [1, 1]} : vector<32x4096xf32> to vector<32x128xf32>
    %add3A_1967 = arith.addf %add3A_1965, %slice3A_1966 : vector<32x128xf32>
    %slice3A_1968 = vector.extract_strided_slice %select_n3A_1952 {offsets = [0, 1024], sizes = [32, 128], strides = [1, 1]} : vector<32x4096xf32> to vector<32x128xf32>
    %add3A_1969 = arith.addf %add3A_1967, %slice3A_1968 : vector<32x128xf32>
    %slice3A_1970 = vector.extract_strided_slice %select_n3A_1952 {offsets = [0, 1152], sizes = [32, 128], strides = [1, 1]} : vector<32x4096xf32> to vector<32x128xf32>
    %add3A_1971 = arith.addf %add3A_1969, %slice3A_1970 : vector<32x128xf32>
    %slice3A_1972 = vector.extract_strided_slice %select_n3A_1952 {offsets = [0, 1280], sizes = [32, 128], strides = [1, 1]} : vector<32x4096xf32> to vector<32x128xf32>
    %add3A_1973 = arith.addf %add3A_1971, %slice3A_1972 : vector<32x128xf32>
    %slice3A_1974 = vector.extract_strided_slice %select_n3A_1952 {offsets = [0, 1408], sizes = [32, 128], strides = [1, 1]} : vector<32x4096xf32> to vector<32x128xf32>
    %add3A_1975 = arith.addf %add3A_1973, %slice3A_1974 : vector<32x128xf32>
    %slice3A_1976 = vector.extract_strided_slice %select_n3A_1952 {offsets = [0, 1536], sizes = [32, 128], strides = [1, 1]} : vector<32x4096xf32> to vector<32x128xf32>
    %add3A_1977 = arith.addf %add3A_1975, %slice3A_1976 : vector<32x128xf32>
    %slice3A_1978 = vector.extract_strided_slice %select_n3A_1952 {offsets = [0, 1664], sizes = [32, 128], strides = [1, 1]} : vector<32x4096xf32> to vector<32x128xf32>
    %add3A_1979 = arith.addf %add3A_1977, %slice3A_1978 : vector<32x128xf32>
    %slice3A_1980 = vector.extract_strided_slice %select_n3A_1952 {offsets = [0, 1792], sizes = [32, 128], strides = [1, 1]} : vector<32x4096xf32> to vector<32x128xf32>
    %add3A_1981 = arith.addf %add3A_1979, %slice3A_1980 : vector<32x128xf32>
    %slice3A_1982 = vector.extract_strided_slice %select_n3A_1952 {offsets = [0, 1920], sizes = [32, 128], strides = [1, 1]} : vector<32x4096xf32> to vector<32x128xf32>
    %add3A_1983 = arith.addf %add3A_1981, %slice3A_1982 : vector<32x128xf32>
    %slice3A_1984 = vector.extract_strided_slice %select_n3A_1952 {offsets = [0, 2048], sizes = [32, 128], strides = [1, 1]} : vector<32x4096xf32> to vector<32x128xf32>
    %add3A_1985 = arith.addf %add3A_1983, %slice3A_1984 : vector<32x128xf32>
    %slice3A_1986 = vector.extract_strided_slice %select_n3A_1952 {offsets = [0, 2176], sizes = [32, 128], strides = [1, 1]} : vector<32x4096xf32> to vector<32x128xf32>
    %add3A_1987 = arith.addf %add3A_1985, %slice3A_1986 : vector<32x128xf32>
    %slice3A_1988 = vector.extract_strided_slice %select_n3A_1952 {offsets = [0, 2304], sizes = [32, 128], strides = [1, 1]} : vector<32x4096xf32> to vector<32x128xf32>
    %add3A_1989 = arith.addf %add3A_1987, %slice3A_1988 : vector<32x128xf32>
    %slice3A_1990 = vector.extract_strided_slice %select_n3A_1952 {offsets = [0, 2432], sizes = [32, 128], strides = [1, 1]} : vector<32x4096xf32> to vector<32x128xf32>
    %add3A_1991 = arith.addf %add3A_1989, %slice3A_1990 : vector<32x128xf32>
    %slice3A_1992 = vector.extract_strided_slice %select_n3A_1952 {offsets = [0, 2560], sizes = [32, 128], strides = [1, 1]} : vector<32x4096xf32> to vector<32x128xf32>
    %add3A_1993 = arith.addf %add3A_1991, %slice3A_1992 : vector<32x128xf32>
    %slice3A_1994 = vector.extract_strided_slice %select_n3A_1952 {offsets = [0, 2688], sizes = [32, 128], strides = [1, 1]} : vector<32x4096xf32> to vector<32x128xf32>
    %add3A_1995 = arith.addf %add3A_1993, %slice3A_1994 : vector<32x128xf32>
    %slice3A_1996 = vector.extract_strided_slice %select_n3A_1952 {offsets = [0, 2816], sizes = [32, 128], strides = [1, 1]} : vector<32x4096xf32> to vector<32x128xf32>
    %add3A_1997 = arith.addf %add3A_1995, %slice3A_1996 : vector<32x128xf32>
    %slice3A_1998 = vector.extract_strided_slice %select_n3A_1952 {offsets = [0, 2944], sizes = [32, 128], strides = [1, 1]} : vector<32x4096xf32> to vector<32x128xf32>
    %add3A_1999 = arith.addf %add3A_1997, %slice3A_1998 : vector<32x128xf32>
    %slice3A_2000 = vector.extract_strided_slice %select_n3A_1952 {offsets = [0, 3072], sizes = [32, 128], strides = [1, 1]} : vector<32x4096xf32> to vector<32x128xf32>
    %add3A_2001 = arith.addf %add3A_1999, %slice3A_2000 : vector<32x128xf32>
    %slice3A_2002 = vector.extract_strided_slice %select_n3A_1952 {offsets = [0, 3200], sizes = [32, 128], strides = [1, 1]} : vector<32x4096xf32> to vector<32x128xf32>
    %add3A_2003 = arith.addf %add3A_2001, %slice3A_2002 : vector<32x128xf32>
    %slice3A_2004 = vector.extract_strided_slice %select_n3A_1952 {offsets = [0, 3328], sizes = [32, 128], strides = [1, 1]} : vector<32x4096xf32> to vector<32x128xf32>
    %add3A_2005 = arith.addf %add3A_2003, %slice3A_2004 : vector<32x128xf32>
    %slice3A_2006 = vector.extract_strided_slice %select_n3A_1952 {offsets = [0, 3456], sizes = [32, 128], strides = [1, 1]} : vector<32x4096xf32> to vector<32x128xf32>
    %add3A_2007 = arith.addf %add3A_2005, %slice3A_2006 : vector<32x128xf32>
    %slice3A_2008 = vector.extract_strided_slice %select_n3A_1952 {offsets = [0, 3584], sizes = [32, 128], strides = [1, 1]} : vector<32x4096xf32> to vector<32x128xf32>
    %add3A_2009 = arith.addf %add3A_2007, %slice3A_2008 : vector<32x128xf32>
    %slice3A_2010 = vector.extract_strided_slice %select_n3A_1952 {offsets = [0, 3712], sizes = [32, 128], strides = [1, 1]} : vector<32x4096xf32> to vector<32x128xf32>
    %add3A_2011 = arith.addf %add3A_2009, %slice3A_2010 : vector<32x128xf32>
    %slice3A_2012 = vector.extract_strided_slice %select_n3A_1952 {offsets = [0, 3840], sizes = [32, 128], strides = [1, 1]} : vector<32x4096xf32> to vector<32x128xf32>
    %add3A_2013 = arith.addf %add3A_2011, %slice3A_2012 : vector<32x128xf32>
    %slice3A_2014 = vector.extract_strided_slice %select_n3A_1952 {offsets = [0, 3968], sizes = [32, 128], strides = [1, 1]} : vector<32x4096xf32> to vector<32x128xf32>
    %add3A_2015 = arith.addf %add3A_2013, %slice3A_2014 : vector<32x128xf32>
    %add3A_2016 = arith.addf %add3A_1932, %add3A_2015 : vector<32x128xf32>
    %iota3A_2017 = tpu.iota {dimensions = array<i32: 1>} : vector<32x1664xi32>
    %sub3A_2018 = arith.constant 98304 : i32
    %sub3A_2019 = vector.broadcast %sub3A_2018 : i32 to vector<32x1xi32>
    %sub3A_2020 = arith.subi %get3A_1, %sub3A_2019 : vector<32x1xi32>
    %lt3A_2021 = vector.broadcast %sub3A_2020 : vector<32x1xi32> to vector<32x1664xi32>
    %lt3A_2022 = arith.cmpi slt, %iota3A_2017, %lt3A_2021 : vector<32x1664xi32>
    %broadcast_in_dim3A_2023 = vector.shape_cast %get3A_4 : vector<32x1xf32> to vector<32x1xf32>
    %broadcast_in_dim3A_2024 = vector.broadcast %broadcast_in_dim3A_2023 : vector<32x1xf32> to vector<32x1664xf32>
    %broadcast_in_dim3A_2025 = vector.shape_cast %get3A_7 : vector<32x1xf32> to vector<32x1xf32>
    %broadcast_in_dim3A_2026 = vector.broadcast %broadcast_in_dim3A_2025 : vector<32x1xf32> to vector<32x1664xf32>
    %select_n3A_2027 = arith.select %lt3A_2022, %broadcast_in_dim3A_2024, %broadcast_in_dim3A_2026 : vector<32x1664xi1>, vector<32x1664xf32>
    %get3A_2028 = arith.constant 0 : index
    %get3A_2029 = arith.constant 98304 : index
    %get3A_2030 = vector.load %arg4[%get3A_2028, %get3A_2029] : memref<32x100000xf32, #tpu.memory_space<vmem>>, vector<32x1664xf32>
    %ge3A_2031 = arith.cmpf oge, %get3A_2030, %select_n3A_2027 : vector<32x1664xf32>
    %jit3A_2032 = arith.constant 1.000000e+00 : f32
    %jit3A_2033 = arith.constant 0.000000e+00 : f32
    %broadcast_in_dim3A_2034 = vector.broadcast %jit3A_2032 : f32 to vector<32x1664xf32>
    %broadcast_in_dim3A_2035 = vector.broadcast %jit3A_2033 : f32 to vector<32x1664xf32>
    %select_n3A_2036 = arith.select %ge3A_2031, %broadcast_in_dim3A_2034, %broadcast_in_dim3A_2035 : vector<32x1664xi1>, vector<32x1664xf32>
    %slice3A_2037 = vector.extract_strided_slice %select_n3A_2036 {offsets = [0, 0], sizes = [32, 128], strides = [1, 1]} : vector<32x1664xf32> to vector<32x128xf32>
    %slice3A_2038 = vector.extract_strided_slice %select_n3A_2036 {offsets = [0, 128], sizes = [32, 128], strides = [1, 1]} : vector<32x1664xf32> to vector<32x128xf32>
    %add3A_2039 = arith.addf %slice3A_2037, %slice3A_2038 : vector<32x128xf32>
    %slice3A_2040 = vector.extract_strided_slice %select_n3A_2036 {offsets = [0, 256], sizes = [32, 128], strides = [1, 1]} : vector<32x1664xf32> to vector<32x128xf32>
    %add3A_2041 = arith.addf %add3A_2039, %slice3A_2040 : vector<32x128xf32>
    %slice3A_2042 = vector.extract_strided_slice %select_n3A_2036 {offsets = [0, 384], sizes = [32, 128], strides = [1, 1]} : vector<32x1664xf32> to vector<32x128xf32>
    %add3A_2043 = arith.addf %add3A_2041, %slice3A_2042 : vector<32x128xf32>
    %slice3A_2044 = vector.extract_strided_slice %select_n3A_2036 {offsets = [0, 512], sizes = [32, 128], strides = [1, 1]} : vector<32x1664xf32> to vector<32x128xf32>
    %add3A_2045 = arith.addf %add3A_2043, %slice3A_2044 : vector<32x128xf32>
    %slice3A_2046 = vector.extract_strided_slice %select_n3A_2036 {offsets = [0, 640], sizes = [32, 128], strides = [1, 1]} : vector<32x1664xf32> to vector<32x128xf32>
    %add3A_2047 = arith.addf %add3A_2045, %slice3A_2046 : vector<32x128xf32>
    %slice3A_2048 = vector.extract_strided_slice %select_n3A_2036 {offsets = [0, 768], sizes = [32, 128], strides = [1, 1]} : vector<32x1664xf32> to vector<32x128xf32>
    %add3A_2049 = arith.addf %add3A_2047, %slice3A_2048 : vector<32x128xf32>
    %slice3A_2050 = vector.extract_strided_slice %select_n3A_2036 {offsets = [0, 896], sizes = [32, 128], strides = [1, 1]} : vector<32x1664xf32> to vector<32x128xf32>
    %add3A_2051 = arith.addf %add3A_2049, %slice3A_2050 : vector<32x128xf32>
    %slice3A_2052 = vector.extract_strided_slice %select_n3A_2036 {offsets = [0, 1024], sizes = [32, 128], strides = [1, 1]} : vector<32x1664xf32> to vector<32x128xf32>
    %add3A_2053 = arith.addf %add3A_2051, %slice3A_2052 : vector<32x128xf32>
    %slice3A_2054 = vector.extract_strided_slice %select_n3A_2036 {offsets = [0, 1152], sizes = [32, 128], strides = [1, 1]} : vector<32x1664xf32> to vector<32x128xf32>
    %add3A_2055 = arith.addf %add3A_2053, %slice3A_2054 : vector<32x128xf32>
    %slice3A_2056 = vector.extract_strided_slice %select_n3A_2036 {offsets = [0, 1280], sizes = [32, 128], strides = [1, 1]} : vector<32x1664xf32> to vector<32x128xf32>
    %add3A_2057 = arith.addf %add3A_2055, %slice3A_2056 : vector<32x128xf32>
    %slice3A_2058 = vector.extract_strided_slice %select_n3A_2036 {offsets = [0, 1408], sizes = [32, 128], strides = [1, 1]} : vector<32x1664xf32> to vector<32x128xf32>
    %add3A_2059 = arith.addf %add3A_2057, %slice3A_2058 : vector<32x128xf32>
    %slice3A_2060 = vector.extract_strided_slice %select_n3A_2036 {offsets = [0, 1536], sizes = [32, 128], strides = [1, 1]} : vector<32x1664xf32> to vector<32x128xf32>
    %add3A_2061 = arith.addf %add3A_2059, %slice3A_2060 : vector<32x128xf32>
    %add3A_2062 = arith.addf %add3A_2016, %add3A_2061 : vector<32x128xf32>
    %iota3A_2063 = tpu.iota {dimensions = array<i32: 1>} : vector<32x32xi32>
    %sub3A_2064 = arith.constant 99968 : i32
    %sub3A_2065 = vector.broadcast %sub3A_2064 : i32 to vector<32x1xi32>
    %sub3A_2066 = arith.subi %get3A_1, %sub3A_2065 : vector<32x1xi32>
    %lt3A_2067 = vector.broadcast %sub3A_2066 : vector<32x1xi32> to vector<32x32xi32>
    %lt3A_2068 = arith.cmpi slt, %iota3A_2063, %lt3A_2067 : vector<32x32xi32>
    %broadcast_in_dim3A_2069 = vector.shape_cast %get3A_4 : vector<32x1xf32> to vector<32x1xf32>
    %broadcast_in_dim3A_2070 = vector.broadcast %broadcast_in_dim3A_2069 : vector<32x1xf32> to vector<32x32xf32>
    %broadcast_in_dim3A_2071 = vector.shape_cast %get3A_7 : vector<32x1xf32> to vector<32x1xf32>
    %broadcast_in_dim3A_2072 = vector.broadcast %broadcast_in_dim3A_2071 : vector<32x1xf32> to vector<32x32xf32>
    %select_n3A_2073 = arith.select %lt3A_2068, %broadcast_in_dim3A_2070, %broadcast_in_dim3A_2072 : vector<32x32xi1>, vector<32x32xf32>
    %get3A_2074 = arith.constant 0 : index
    %get3A_2075 = arith.constant 99968 : index
    %get3A_2076 = vector.load %arg4[%get3A_2074, %get3A_2075] : memref<32x100000xf32, #tpu.memory_space<vmem>>, vector<32x32xf32>
    %ge3A_2077 = arith.cmpf oge, %get3A_2076, %select_n3A_2073 : vector<32x32xf32>
    %jit3A_2078 = arith.constant 1.000000e+00 : f32
    %jit3A_2079 = arith.constant 0.000000e+00 : f32
    %broadcast_in_dim3A_2080 = vector.broadcast %jit3A_2078 : f32 to vector<32x32xf32>
    %broadcast_in_dim3A_2081 = vector.broadcast %jit3A_2079 : f32 to vector<32x32xf32>
    %select_n3A_2082 = arith.select %ge3A_2077, %broadcast_in_dim3A_2080, %broadcast_in_dim3A_2081 : vector<32x32xi1>, vector<32x32xf32>
    %broadcast_in_dim3A_2083 = arith.constant 0.000000e+00 : f32
    %broadcast_in_dim3A_2084 = vector.broadcast %broadcast_in_dim3A_2083 : f32 to vector<32x96xf32>
    %concatenate3A = tpu.concatenate %select_n3A_2082, %broadcast_in_dim3A_2084 in 1 : vector<32x32xf32>, vector<32x96xf32> -> vector<32x128xf32>
    %add3A_2085 = arith.addf %add3A_2062, %concatenate3A : vector<32x128xf32>
    %swap3A = arith.constant 0 : index
    %swap3A_2086 = arith.constant 0 : index
    %swap3A_2087 = vector.load %arg5[%swap3A, %swap3A_2086] : memref<32x128xf32, #tpu.memory_space<vmem>>, vector<32x128xf32>
    tpu.vector_store %arg5[%swap3A, %swap3A_2086], %add3A_2085 {strides = array<i32>} : memref<32x128xf32, #tpu.memory_space<vmem>>, vector<32x128xf32>,
    return
  }
  func.func @transform_0(%arg0: i32) -> (i32, i32) {
    %mul3A = arith.constant 1 : i32
    %mul3A_0 = arith.muli %mul3A, %arg0 : i32
    %add3A = arith.constant 0 : i32
    %add3A_1 = arith.addi %mul3A_0, %add3A : i32
    %c0_i32 = arith.constant 0 : i32
    %c0_i32_2 = arith.constant 0 : i32
    return %add3A_1, %c0_i32 : i32, i32
  }
  func.func @transform_1(%arg0: i32) -> (i32, i32) {
    %mul3A = arith.constant 1 : i32
    %mul3A_0 = arith.muli %mul3A, %arg0 : i32
    %add3A = arith.constant 0 : i32
    %add3A_1 = arith.addi %mul3A_0, %add3A : i32
    %c0_i32 = arith.constant 0 : i32
    %c0_i32_2 = arith.constant 0 : i32
    return %add3A_1, %c0_i32 : i32, i32
  }
  func.func @transform_2(%arg0: i32) -> (i32, i32) {
    %mul3A = arith.constant 1 : i32
    %mul3A_0 = arith.muli %mul3A, %arg0 : i32
    %add3A = arith.constant 0 : i32
    %add3A_1 = arith.addi %mul3A_0, %add3A : i32
    %c0_i32 = arith.constant 0 : i32
    %c0_i32_2 = arith.constant 0 : i32
    return %add3A_1, %c0_i32 : i32, i32
  }
  func.func @transform_3(%arg0: i32) -> (i32, i32) {
    %mul3A = arith.constant 1 : i32
    %mul3A_0 = arith.muli %mul3A, %arg0 : i32
    %add3A = arith.constant 0 : i32
    %add3A_1 = arith.addi %mul3A_0, %add3A : i32
    %c0_i32 = arith.constant 0 : i32
    %c0_i32_2 = arith.constant 0 : i32
    return %add3A_1, %c0_i32 : i32, i32
  }
  func.func @transform_4(%arg0: i32) -> (i32, i32) {
    %c0_i32 = arith.constant 0 : i32
    %c0_i32_0 = arith.constant 0 : i32
    return %arg0, %c0_i32 : i32, i32
  }
}

</mosaic_0001>

<sc_bundles>
// kernel: kernel.5.cloned.1.call-start
scs
__scs_entry_jumppad:
0x0: {  	(pc) =	sbr.rel $0x88, $3  }
0x1: {  	(tag) =	ssettag $0x0;
	lr =	simm.s32 $0x1  }
0x2: {  	[smem:$0x3F9F] =	sst lr;
	_ =	strace $0xD0000000  }
0x3: {  	_ = 	snop  }
0x4: {  	_ = 	snop  }
0x5: {  	_ = 	snop  }
0x6: {  	_ = 	snop  }
0x7: {  	_ = 	snop  }
__scs_overlays_trampoline_lowered:
0x8: {  	[smem:$0x3FAE] =	sst s0  }
0x9: {  	[smem:$0x3FAF] =	sst s1  }
0xa: {  	[smem:$0x3FB0] =	sst s2  }
0xb: {  	[smem:$0x3FB1] =	sst s3  }
0xc: {  	[smem:$0x3FB2] =	sst s4  }
0xd: {  	[smem:$0x3FB3] =	sst s5  }
0xe: {  	[smem:$0x3FB4] =	sst s6  }
0xf: {  	[smem:$0x3FB5] =	sst s7  }
0x10: {  	[smem:$0x3FB6] =	sst s8  }
0x11: {  	[smem:$0x3FB7] =	sst s9;
	s0 =	simm.s32 @!p0 $0x0  }
0x12: {  	s1 =	sld [smem:$0x3F9D];
	s0 =	simm.s32 @p0 $0x1  }
0x13: {  	[smem:$0x3FB8] =	sst s0;
	s0 =	simm.s32 @!p1 $0x0  }
0x14: {  	s2 =	sld [smem:$0x3F9C];
	s0 =	simm.s32 @p1 $0x1  }
0x15: {  	[smem:$0x3FB9] =	sst s0;
	s0 =	simm.s32 @!p2 $0x0  }
0x16: {  	s3 =	sld [smem:$0x3FDB];
	s0 =	simm.s32 @p2 $0x1  }
0x17: {  	s4 =	simm.s32 $0x1BF5;
	[smem:$0x3FBB] =	sst s0  }
0x18: {  	s0 =	sld [smem:$0x3F9E];
	_ =	swait.ge [sflag:s4], $0x0  }
0x19: {  	s7 =	sld [smem:$0x3F9F]  }
0x1a: {  	s8 =	sadd.s32 $0xFFFFE003, lr  }
0x1b: {  	s9 =	sadd.s32 $0xFFFFFEF7, lr;
	s5 =	simm.s32 $0xFFFFFFFF;
	p2 =	slt.u32 s8, $0xFFFFF086  }
0x1c: {  	p1 =	slt.u32 s9, $0xF7A;
	s5 =	simm.s32 @!p2 $0x0  }
0x1d: {  	s5 =	simm.s32 @p1 $0x1;
	p0 =	seq.s32 s7, s2  }
0x1e: {  	s7 =	smul.u32 @!p0 $0xF7A, s2;
	p2 =	seq.s32 @!p0 s5, $0x0  }
0x1f: {  	s9 =	smul.u32 $0xF7A, s1;
	s8 =	simm.s32 @!p0 $0x1BF5;
	p2 =	por !p2, p0  }
0x20: {  	[sflag:s8] =	ssyncset.s32 @!p0 $0xFFFFF086;
	s6 =	sadd.s32 @!p0 s3, s7;
	s7 =	simm.s32 @!p0 $0x108  }
0x21: {  	s3 =	sadd.s32 s3, s9;
	s6 =	sadd.s32 @!p0 $0x88, s6;
	s7 =	simm.s32 @p2 $0x1082  }
0x22: {  	[simem:s7], [sflag:s8] =	dma.local @!p0 [hbm:s6], $0xF7A  }
0x23: {  	s9 =	sor.u32 $0xD0000000, s2;
	s6 =	simm.s32 $0x108;
	_ =	swait.ge @!p0 [sflag:s8], $0x0  }
0x24: {  	s3 =	sadd.s32 $0x88, s3;
	s6 =	simm.s32 @!p1 $0x1082;
	[sflag:s4] =	ssyncset.s32 $0xFFFFF086  }
0x25: {  	[simem:s6], [sflag:s4] =	dma.local [hbm:s3], $0xF7A  }
0x26: {  	[smem:$0x3F9F] =	sst s1;
	(tag) =	ssettag s2;
	_ =	strace s9  }
0x27: {  	s1 =	sld [smem:$0x3FAF]  }
0x28: {  	s2 =	sld [smem:$0x3FB0]  }
0x29: {  	s4 =	sld [smem:$0x3FB2]  }
0x2a: {  	p0 =	seq.s32 s5, $0x0;
	s5 =	sld [smem:$0x3FB3]  }
0x2b: {  	s6 =	sld [smem:$0x3FB4]  }
0x2c: {  	s7 =	sld [smem:$0x3FB5]  }
0x2d: {  	s3 =	simm.s32 $0x108;
	s8 =	sld [smem:$0x3FB6]  }
0x2e: {  	s3 =	simm.s32 @!p0 $0x1082;
	s9 =	sld [smem:$0x3FB7]  }
0x2f: {  	lr =	sadd.s32 s0, s3;
	s0 =	sld [smem:$0x3FAE]  }
0x30: {  	s3 =	sld [smem:$0x3FB1]  }
0x31: {  	[smem:$0x3FBA] =	sst s10  }
0x32: {  	s10 =	sld [smem:$0x3FB8];
	_ =	sdelay $0x3  }
0x33: {  	p0 =	seq.s32 s10, $0x1;
	s10 =	sld [smem:$0x3FBA];
	_ =	sdelay $0x3  }
0x34: {  	[smem:$0x3FBA] =	sst s10  }
0x35: {  	s10 =	sld [smem:$0x3FB9];
	_ =	sdelay $0x3  }
0x36: {  	p1 =	seq.s32 s10, $0x1;
	s10 =	sld [smem:$0x3FBA];
	_ =	sdelay $0x3  }
0x37: {  	[smem:$0x3FBA] =	sst s10  }
0x38: {  	s10 =	sld [smem:$0x3FBB]  }
0x39: {  	_ = 	snop;
	(pc) =	sbr.ind lr, $3  }
0x3a: {  	_ = 	snop  }
0x3b: {  	_ = 	snop  }
0x3c: {  	p2 =	seq.s32 s10, $0x1;
	s10 =	sld [smem:$0x3FBA]  }
0x3d: {  	_ =	shalt  }
0x3e: {  	_ =	shalt  }
0x3f: {  	_ =	shalt  }
0x40: {  	_ =	shalt  }
0x41: {  	_ =	shalt  }
0x42: {  	_ =	shalt  }
0x43: {  	_ =	shalt  }
0x44: {  	_ =	shalt  }
0x45: {  	_ =	shalt  }
0x46: {  	_ =	shalt  }
0x47: {  	_ =	shalt  }
0x48: {  	_ =	shalt  }
0x49: {  	_ =	shalt  }
0x4a: {  	_ =	shalt  }
0x4b: {  	_ =	shalt  }
0x4c: {  	_ =	shalt  }
0x4d: {  	_ =	shalt  }
0x4e: {  	_ =	shalt  }
0x4f: {  	_ =	shalt  }
0x50: {  	_ =	shalt  }
0x51: {  	_ =	shalt  }
0x52: {  	_ =	shalt  }
0x53: {  	_ =	shalt  }
0x54: {  	_ =	shalt  }
0x55: {  	_ =	shalt  }
0x56: {  	_ =	shalt  }
0x57: {  	_ =	shalt  }
0x58: {  	_ =	shalt  }
0x59: {  	_ =	shalt  }
0x5a: {  	_ =	shalt  }
0x5b: {  	_ =	shalt  }
0x5c: {  	_ =	shalt  }
0x5d: {  	_ =	shalt  }
0x5e: {  	_ =	shalt  }
0x5f: {  	_ =	shalt  }
0x60: {  	_ =	shalt  }
0x61: {  	_ =	shalt  }
0x62: {  	_ =	shalt  }
0x63: {  	_ =	shalt  }
0x64: {  	_ =	shalt  }
0x65: {  	_ =	shalt  }
0x66: {  	_ =	shalt  }
0x67: {  	_ =	shalt  }
0x68: {  	_ =	shalt  }
0x69: {  	_ =	shalt  }
0x6a: {  	_ =	shalt  }
0x6b: {  	_ =	shalt  }
0x6c: {  	_ =	shalt  }
0x6d: {  	_ =	shalt  }
0x6e: {  	_ =	shalt  }
0x6f: {  	_ =	shalt  }
0x70: {  	_ =	shalt  }
0x71: {  	_ =	shalt  }
0x72: {  	_ =	shalt  }
0x73: {  	_ =	shalt  }
0x74: {  	_ =	shalt  }
0x75: {  	_ =	shalt  }
0x76: {  	_ =	shalt  }
0x77: {  	_ =	shalt  }
0x78: {  	_ =	shalt  }
0x79: {  	_ =	shalt  }
0x7a: {  	_ =	shalt  }
0x7b: {  	_ =	shalt  }
0x7c: {  	_ =	shalt  }
0x7d: {  	_ =	shalt  }
0x7e: {  	_ =	shalt  }
0x7f: {  	_ =	shalt  }
0x80: {  	_ =	shalt  }
0x81: {  	_ =	shalt  }
0x82: {  	_ =	shalt  }
0x83: {  	_ =	shalt  }
0x84: {  	_ =	shalt  }
0x85: {  	_ =	shalt  }
0x86: {  	_ =	shalt  }
0x87: {  	_ =	shalt  }
.Lfunc_end0:
.L_simem_size_0:
called_computation_lowered:
.L_overlay_start_0:
0x88: {  	s2 =	sld [smem:$0x3FD9]  }
0x89: {  	s3 =	sld [smem:$0x3FFE];
	_ =	sdelay $0x1  }
0x8a: {  	s1 =	srdreg.scid  }
0x8b: {  	s0 =	sand.u32 $0x1, s1  }
0x8c: {  	s17 =	sshll.u32 s0, $0xA;
	s2 =	sadd.s32 s3, s2  }
0x8d: {  	s2 =	sadd.s32 s2, s17  }
0x8e: {  	[smem:$0x3FC6] =	sst s2  }
0x8f: {  	_ = 	snop  }
0x90: {  	s2 =	sld [smem:$0x3FC8];
	(tm) =	ssettm $0x1  }
0x91: {  	s18 =	sld [smem:$0x3FFB];
	_ =	sdelay $0x3  }
0x92: {  	_ =	strace s18  }
0x93: {  	s3 =	sld [smem:$0x3FFC];
	_ =	sdelay $0x3  }
0x94: {  	_ =	strace s3  }
0x95: {  	s3 =	sld [smem:$0x3FFD];
	_ =	sdelay $0x3  }
0x96: {  	_ =	strace s3  }
0x97: {  	_ =	strace $0x8FFFFFFF  }
0x98: {  	s19 =	sld [smem:$0x3FDB];
	_ =	sdelay $0x1  }
0x99: {  	s4 =	simm.s32 $_scs_section_size  }
0x9a: {  	s5 =	simm.s32 $_size__tile_overlayer_lowered;
	s6 =	simm.s32 $_tile_overlayer_lowered  }
0x9b: {  	s22 =	simm.s32 $0x1BFF;
	s21 =	sshll.u32 s6, $0x1;
	s3 =	sadd.s32 s4, s19  }
0x9c: {  	s7 =	simm.s32 $0x0;
	s20 =	sshll.u32 s5, $0x1;
	s5 =	sadd.s32 s21, s3  }
0x9d: {  	[timem:s7], [sflag:s22] =	dma.local [hbm:s5], s20  }
0x9e: {  	_ =	swait.ge [sflag:s22], s20  }
0x9f: {  	s4 =	ssub.s32 $0x0, s20;
	[sflag:s22] =	ssyncset.done $0x0  }
0xa0: {  	[sflag:s22] =	ssyncadd.s32 s4;
	_ =	sdelay $0x1  }
0xa1: {  	s23 =	simm.s32 $0x1B8B  }
0xa2: {  	_ =	swait.ge [sflag:s23], $0x1  }
0xa3: {  	[sflag:s23] =	ssyncset.done $0x0  }
0xa4: {  	s25 =	simm.s32 $0x1B8E;
	s24 =	sld [smem:$0x3FFE];
	[sflag:s23] =	ssyncadd.s32 $0xFFFFFFFF  }
0xa5: {  	s26 =	simm.s32 $execute0_lowered;
	[smem:$0x3FD2] =	sst s25  }
0xa6: {  	s5 =	sshll.u32 s26, $0x1;
	_ =	strace $0x80000046;
	[dreg:$0x1] =	wrdreg $0xFFFFFFFF  }
0xa7: {  	s28 =	simm.s32 $_size_execute0_lowered;
	s3 =	sadd.s32 s3, s5;
	[dreg:$0x0] =	wrdreg $0x0  }
0xa8: {  	s5 =	sshll.u32 s28, $0x1;
	[dreg:$0x2] =	wrdreg s3  }
0xa9: {  	[dreg:$0x3] =	wrdreg s5  }
0xaa: {  	[dreg:$0x4] =	wrdreg $0xC0  }
0xab: {  	_ =	task [dreg:s7], $0x5FFFF  }
0xac: {  	[dreg:$0x1] =	wrdreg $0xFFFFFFFF  }
0xad: {  	[dreg:$0x0] =	wrdreg $0x60  }
0xae: {  	[dreg:$0x2] =	wrdreg s24  }
0xaf: {  	[dreg:$0x3] =	wrdreg s2  }
0xb0: {  	[dreg:$0x4] =	wrdreg $0x9  }
0xb1: {  	_ =	task.clear_ibuf [dreg:s7], $0x5FFFF;
	_ =	strace $0x90000046  }
0xb2: {  	s29 =	simm.s32 $0x9;
	_ =	strace $0x80000048  }
0xb3: {  	_ =	swait.ge [sflag:s29], $0x1  }
0xb4: {  	[sflag:s29] =	ssyncadd.s32 $0xFFFFFFFF  }
0xb5: {  	_ =	strace $0x90000048  }
0xb6: {  	_ =	sfence  }
0xb7: {  	s30 =	sld [smem:$0x0];
	_ =	sdelay $0x2  }
0xb8: {  	s31 =	sshll.u32 s1, $0xD;
	s1 =	sshrl.u32 s1, $0x2  }
0xb9: {  	s3 =	sand.u32 $0x4000, s31;
	s1 =	sadd.s32 s1, s30  }
0xba: {  	s0 =	sor.u32 s3, s0;
	s1 =	sshll.u32 s1, $0x11  }
0xbb: {  	s0 =	sor.u32 s1, s0  }
0xbc: {  	s0 =	sadd.s32 $0x8F2B, s0  }
0xbd: {  	[sflag:s0] =	ssyncadd.remote.s32 $0x1  }
0xbe: {  	_ =	sfence.sel $0xFFFF  }
0xbf: {  	[dreg:$0x0] =	wrdreg $0xFFFFFFFF;
	(pc) =	sbr.abs _section_cstart, $3  }
0xc0: {  	[dreg:$0x1] =	wrdreg $0xFFFFFFFF  }
0xc1: {  	_ =	task.clear_ibuf [dreg:s7], $0x2FFFF;
	_ =	strace $0x9FFFFFFF  }
0xc2: {  	(tm) =	ssettm $0x7FFFFFFF  }
0xc3: {  	_ =	shalt  }
tec
execute0_lowered:
.L_overlay_start_1:
0x0: {  	(tag) =	ssettag $0x1  }
0x1: {  	s0 =	rddreg [dreg:$0x0]  }
0x2: {  	s3 =	rddreg [dreg:$0x1];
	s2 =	simm.s32 $0x0  }
0x3: {  	s17 =	simm.s32 $0x480;
	[smem:$0x7FF] =	sst s2  }
0x4: {  	s18 =	simm.s32 $0x880;
	_ =	strace $0x80000047;
	[dreg:$0x5] =	wrdreg s17  }
0x5: {  	s19 =	simm.s32 $0xC80;
	[dreg:$0x6] =	wrdreg s18  }
0x6: {  	s20 =	simm.s32 $0x1080;
	[dreg:$0x7] =	wrdreg s19  }
0x7: {  	s21 =	simm.s32 $0x1480;
	[dreg:$0x8] =	wrdreg s20  }
0x8: {  	s22 =	simm.s32 $0x1880;
	[dreg:$0x9] =	wrdreg s21  }
0x9: {  	s23 =	simm.s32 $0x1C80;
	[dreg:$0xa] =	wrdreg s22  }
0xa: {  	s24 =	simm.s32 $0x2080;
	[dreg:$0xb] =	wrdreg s23  }
0xb: {  	s25 =	simm.s32 $0x2480;
	[dreg:$0xc] =	wrdreg s24  }
0xc: {  	s26 =	simm.s32 $0x2880;
	[dreg:$0xd] =	wrdreg s25  }
0xd: {  	s28 =	simm.s32 $0x2C80;
	[dreg:$0xe] =	wrdreg s26  }
0xe: {  	s29 =	simm.s32 $0x3080;
	[dreg:$0xf] =	wrdreg s28  }
0xf: {  	s31 =	simm.s32 $0x3480;
	[dreg:$0x10] =	wrdreg s29  }
0x10: {  	s5 =	simm.s32 $0x3C80;
	[dreg:$0x11] =	wrdreg s31  }
0x11: {  	s6 =	simm.s32 $0x4080;
	[dreg:$0x13] =	wrdreg s5  }
0x12: {  	s7 =	simm.s32 $0x4480;
	[dreg:$0x14] =	wrdreg s6  }
0x13: {  	s8 =	simm.s32 $0x4880;
	[dreg:$0x15] =	wrdreg s7  }
0x14: {  	s9 =	simm.s32 $0x4C80;
	[dreg:$0x16] =	wrdreg s8  }
0x15: {  	s10 =	simm.s32 $0x5080;
	[dreg:$0x17] =	wrdreg s9  }
0x16: {  	s12 =	simm.s32 $0x5480;
	[dreg:$0x18] =	wrdreg s10  }
0x17: {  	s13 =	simm.s32 $0x5880;
	[dreg:$0x19] =	wrdreg s12  }
0x18: {  	[dreg:$0x1a] =	wrdreg s13;
	s17 =	simm.s32 $0x6880  }
0x19: {  	s18 =	simm.s32 $0x6C80;
	[dreg:$0x1e] =	wrdreg s17  }
0x1a: {  	s1 =	srdreg.scid;
	s19 =	simm.s32 $0x7080;
	[dreg:$0x1f] =	wrdreg s18  }
0x1b: {  	s4 =	stileid.u32;
	s20 =	simm.s32 $0x7480;
	[smem:$0x7FA] =	sst s19  }
0x1c: {  	s11 =	sand.u32 $0x1, s1;
	s21 =	simm.s32 $0x7880;
	[smem:$0x7FB] =	sst s20  }
0x1d: {  	s14 =	sshll.u32 s4, $0x3;
	s22 =	simm.s32 $0x7C80;
	[smem:$0x7FC] =	sst s21  }
0x1e: {  	s15 =	sshll.u32 s11, $0x2;
	s24 =	simm.s32 $0x8080;
	[smem:$0x7FD] =	sst s22  }
0x1f: {  	s1 =	sor.u32 s15, s14;
	s14 =	simm.s32 $0x5C80;
	[smem:$0x7F6] =	sst s24  }
0x20: {  	s15 =	simm.s32 $0x6080;
	[dreg:$0x1b] =	wrdreg s14  }
0x21: {  	s4 =	sadd.s32 s1, s0;
	s3 =	sadd.s32 s3, s1;
	[dreg:$0x1c] =	wrdreg s15  }
0x22: {  	[dreg:$0x3] =	wrdreg s3;
	s16 =	sadd.s32 $0xC38600, s4  }
0x23: {  	s4 =	simm.s32 $0x3880;
	[dreg:$0x4] =	wrdreg s16  }
0x24: {  	[dreg:$0x12] =	wrdreg s4  }
0x25: {  	s16 =	simm.s32 $0x6480;
	s23 =	rddreg [dreg:$0x3]  }
0x26: {  	s5 =	simm.s32 $0x2;
	[dreg:$0x1d] =	wrdreg s16  }
0x27: {  	[tilespmem:s2], [sflag:$0x2] =	stream.linear.gather [hbm4b:s23+s2], $0x20, $0x38;
	[tilespmem:$0x8100] =	vst v63  }
0x28: {  	_ =	swait.ge [sflag:s5], $0x20  }
0x29: {  	[sflag:s5] =	ssyncset.done $0x0  }
0x2a: {  	[sflag:s5] =	ssyncadd.s32 $0xFFFFFFE0  }
0x2b: {  	v0 =	vld [tilespmem:$0x0];
	_ =	sdelay $0x4  }
0x2c: {  	v0 =	vshll.u32 v0, $0x3  }
0x2d: {  	(v2sf) =	vpush v0, $0x2  }
0x2e: {  	(v2sf) =	vpush v0, $0x1  }
0x2f: {  	(v2sf) =	vpush v0, $0x0;
	_ =	sdelay $0x1  }
0x30: {  	(v2sf) =	vpush v0, $0x6  }
0x31: {  	(v2sf) =	vpush v0, $0x3;
	_ =	sdelay $0x3  }
0x32: {  	(v2sf) =	vpush v0, $0xA  }
0x33: {  	(v2sf) =	vpush v0, $0x4;
	_ =	sdelay $0x1  }
0x34: {  	s31 =	rddreg [dreg:$0x5];
	(v2sf) =	vpush v0, $0xB  }
0x35: {  	s15 =	rddreg [dreg:$0x6]  }
0x36: {  	s12 =	smul.u32 $0xC3800, s1;
	s16 =	rddreg [dreg:$0x8];
	(v2sf) =	vpush v0, $0x5  }
0x37: {  	s9 =	simm.s32 $0x80;
	s18 =	rddreg [dreg:$0x7];
	s25 =	spop (v2sf)  }
0x38: {  	s14 =	rddreg [dreg:$0xc];
	s5 =	sadd.s32 $0x600, s0;
	s26 =	spop (v2sf)  }
0x39: {  	s28 =	sand.u32 $0x7FFFFC00, s25;
	s25 =	rddreg [dreg:$0x9];
	s29 =	spop (v2sf)  }
0x3a: {  	s0 =	sand.u32 $0x7FFFFC00, s26;
	s1 =	sadd.s32 s12, s28;
	s3 =	sand.u32 $0x7FFFFC00, s29  }
0x3b: {  	s6 =	spop (v2sf);
	s1 =	sshrl.u32 s1, $0x3;
	s0 =	sadd.s32 s12, s0  }
0x3c: {  	(v2sf) =	vpush v0, $0xC;
	s29 =	rddreg [dreg:$0xa];
	s3 =	sadd.s32 s12, s3;
	s7 =	spop (v2sf)  }
0x3d: {  	s8 =	sshrl.u32 s0, $0x3;
	s1 =	sadd.s32 s5, s1;
	s3 =	sshrl.u32 s3, $0x3  }
0x3e: {  	(v2sf) =	vpush v0, $0x7;
	s6 =	sand.u32 $0x7FFFFC00, s6;
	s8 =	sadd.s32 s5, s8;
	s3 =	sadd.s32 s5, s3  }
0x3f: {  	v1 =	vld [tilespmem:$0x10];
	[tilespmem:s9], [sflag:$0x1] =	stream.linear.gather [hbm4b:s3+s2], $0x400, $0x38  }
0x40: {  	(v2sf) =	vpush v0, $0x8;
	s19 =	sand.u32 $0x7FFFFC00, s7;
	s26 =	sadd.s32 s12, s6;
	s9 =	spop (v2sf)  }
0x41: {  	s3 =	sadd.s32 s12, s19;
	s19 =	rddreg [dreg:$0xe];
	s17 =	spop (v2sf)  }
0x42: {  	[tilespmem:s31], [sflag:$0x1] =	stream.linear.gather [hbm4b:s8+s2], $0x400, $0x38;
	[tilespmem:$0x8100] =	vst v63  }
0x43: {  	(v2sf) =	vpush v0, $0xD;
	s3 =	sshrl.u32 s3, $0x3;
	s0 =	sand.u32 $0x7FFFFC00, s9;
	s20 =	spop (v2sf)  }
0x44: {  	(v2sf) =	vpush v0, $0xE;
	s21 =	sand.u32 $0x7FFFFC00, s17;
	s3 =	sadd.s32 s5, s3;
	s31 =	rddreg [dreg:$0xb]  }
0x45: {  	s22 =	spop (v2sf);
	s7 =	sadd.s32 s12, s21;
	s20 =	sand.u32 $0x7FFFFC00, s20  }
0x46: {  	(v2sf) =	vpush v0, $0x9;
	[tilespmem:s15], [sflag:$0x1] =	stream.linear.gather [hbm4b:s1+s2], $0x400, $0x38;
	[tilespmem:$0x8100] =	vst v63  }
0x47: {  	s21 =	rddreg [dreg:$0xf];
	s8 =	sand.u32 $0x7FFFFC00, s22;
	s7 =	sshrl.u32 s7, $0x3  }
0x48: {  	[tilespmem:s18], [sflag:$0x1] =	stream.linear.gather [hbm4b:s3+s2], $0x400, $0x38;
	[tilespmem:$0x8100] =	vst v63  }
0x49: {  	s8 =	sadd.s32 s12, s8;
	s23 =	sadd.s32 s5, s7;
	s18 =	rddreg [dreg:$0xd]  }
0x4a: {  	s24 =	sshrl.u32 s8, $0x3;
	s3 =	sshrl.u32 s26, $0x3;
	s26 =	rddreg [dreg:$0x11]  }
0x4b: {  	s7 =	sadd.s32 s5, s24;
	s24 =	rddreg [dreg:$0x13];
	s1 =	spop (v2sf)  }
0x4c: {  	[tilespmem:s16], [sflag:$0x1] =	stream.linear.gather [hbm4b:s23+s2], $0x400, $0x38;
	[tilespmem:$0x8100] =	vst v63  }
0x4d: {  	s3 =	sadd.s32 s5, s3;
	s23 =	rddreg [dreg:$0x10];
	s28 =	spop (v2sf)  }
0x4e: {  	[tilespmem:s25], [sflag:$0x1] =	stream.linear.gather [hbm4b:s7+s2], $0x400, $0x38;
	[tilespmem:$0x8100] =	vst v63  }
0x4f: {  	s1 =	sand.u32 $0x7FFFFC00, s1;
	s4 =	sand.u32 $0x7FFFFC00, s28;
	s10 =	spop (v2sf)  }
0x50: {  	s7 =	sadd.s32 $0xC3800, s12;
	s4 =	sadd.s32 s12, s4;
	s13 =	sand.u32 $0x7FFFFC00, s10  }
0x51: {  	(v2sf) =	vpush v0, $0xF;
	v0 =	vshll.u32 v1, $0x3;
	[tilespmem:s29], [sflag:$0x1] =	stream.linear.gather [hbm4b:s3+s2], $0x400, $0x38;
	[tilespmem:$0x8100] =	vst v63  }
0x52: {  	(v2sf) =	vpush v0, $0x1;
	s15 =	spop (v2sf);
	s4 =	sshrl.u32 s4, $0x3;
	s3 =	sadd.s32 s7, s13  }
0x53: {  	s16 =	spop (v2sf);
	s4 =	sadd.s32 s5, s4;
	s3 =	sshrl.u32 s3, $0x3  }
0x54: {  	(v2sf) =	vpush v0, $0x2;
	[tilespmem:s31], [sflag:$0x1] =	stream.linear.gather [hbm4b:s4+s2], $0x400, $0x38;
	[tilespmem:$0x8100] =	vst v63  }
0x55: {  	s28 =	rddreg [dreg:$0x12];
	s3 =	sadd.s32 s5, s3;
	s17 =	spop (v2sf)  }
0x56: {  	(v2sf) =	vpush v0, $0x0;
	[tilespmem:s14], [sflag:$0x1] =	stream.linear.gather [hbm4b:s3+s2], $0x400, $0x38;
	[tilespmem:$0x8100] =	vst v63  }
0x57: {  	s0 =	sadd.s32 s7, s0;
	s22 =	sadd.s32 s7, s20;
	s3 =	sand.u32 $0x7FFFFC00, s17  }
0x58: {  	s1 =	sadd.s32 s7, s1;
	s0 =	sshrl.u32 s0, $0x3;
	s3 =	sadd.s32 s7, s3  }
0x59: {  	s25 =	sand.u32 $0x7FFFFC00, s15;
	s1 =	sshrl.u32 s1, $0x3;
	s3 =	sshrl.u32 s3, $0x3  }
0x5a: {  	s15 =	rddreg [dreg:$0x14];
	s29 =	sand.u32 $0x7FFFFC00, s16;
	s3 =	sadd.s32 s5, s3  }
0x5b: {  	(v2sf) =	vpush v0, $0xE;
	[tilespmem:s18], [sflag:$0x1] =	stream.linear.gather [hbm4b:s3+s2], $0x400, $0x38;
	[tilespmem:$0x8100] =	vst v63  }
0x5c: {  	s0 =	sadd.s32 s5, s0;
	s6 =	sadd.s32 s7, s29;
	(v2sf) =	vpush v0, $0x3;
	s3 =	sshrl.u32 s22, $0x3  }
0x5d: {  	[tilespmem:s19], [sflag:$0x1] =	stream.linear.gather [hbm4b:s0+s2], $0x400, $0x38;
	[tilespmem:$0x8100] =	vst v63  }
0x5e: {  	s1 =	sadd.s32 s5, s1;
	s6 =	sshrl.u32 s6, $0x3;
	s3 =	sadd.s32 s5, s3  }
0x5f: {  	[tilespmem:s21], [sflag:$0x1] =	stream.linear.gather [hbm4b:s3+s2], $0x400, $0x38;
	[tilespmem:$0x8100] =	vst v63  }
0x60: {  	s6 =	sadd.s32 s5, s6;
	s31 =	spop (v2sf);
	(v2sf) =	vpush v0, $0x4;
	s3 =	sadd.s32 s7, s25  }
0x61: {  	s14 =	sadd.s32 $0x187000, s12;
	s9 =	spop (v2sf);
	s3 =	sshrl.u32 s3, $0x3  }
0x62: {  	[tilespmem:s23], [sflag:$0x1] =	stream.linear.gather [hbm4b:s1+s2], $0x400, $0x38;
	[tilespmem:$0x8100] =	vst v63  }
0x63: {  	s8 =	sand.u32 $0x7FFFFC00, s31;
	s10 =	spop (v2sf);
	s3 =	sadd.s32 s5, s3  }
0x64: {  	[tilespmem:s26], [sflag:$0x1] =	stream.linear.gather [hbm4b:s3+s2], $0x400, $0x38;
	[tilespmem:$0x8100] =	vst v63  }
0x65: {  	s17 =	rddreg [dreg:$0x15];
	(v2sf) =	vpush v0, $0x5;
	s13 =	spop (v2sf);
	s3 =	sadd.s32 s7, s8  }
0x66: {  	s16 =	sand.u32 $0x7FFFFC00, s9;
	s1 =	sand.u32 $0x7FFFFC00, s13;
	s3 =	sshrl.u32 s3, $0x3  }
0x67: {  	(v2sf) =	vpush v0, $0x6;
	[tilespmem:s28], [sflag:$0x1] =	stream.linear.gather [hbm4b:s6+s2], $0x400, $0x38;
	[tilespmem:$0x8100] =	vst v63  }
0x68: {  	s18 =	sand.u32 $0x7FFFFC00, s10;
	s1 =	sadd.s32 s14, s1;
	s3 =	sadd.s32 s5, s3  }
0x69: {  	[tilespmem:s24], [sflag:$0x1] =	stream.linear.gather [hbm4b:s3+s2], $0x400, $0x38;
	[tilespmem:$0x8100] =	vst v63  }
0x6a: {  	(v2sf) =	vpush v0, $0x7;
	s0 =	spop (v2sf);
	s1 =	sshrl.u32 s1, $0x3;
	s3 =	sadd.s32 s14, s16  }
0x6b: {  	s1 =	sadd.s32 s5, s1;
	s20 =	spop (v2sf);
	s3 =	sshrl.u32 s3, $0x3  }
0x6c: {  	[tilespmem:s15], [sflag:$0x1] =	stream.linear.gather [hbm4b:s1+s2], $0x400, $0x38;
	[tilespmem:$0x8100] =	vst v63  }
0x6d: {  	(v2sf) =	vpush v0, $0x8;
	s4 =	sand.u32 $0x7FFFFC00, s20;
	s3 =	sadd.s32 s5, s3;
	s1 =	sadd.s32 s14, s18  }
0x6e: {  	[tilespmem:s17], [sflag:$0x1] =	stream.linear.gather [hbm4b:s3+s2], $0x400, $0x38;
	[tilespmem:$0x8100] =	vst v63  }
0x6f: {  	s4 =	sadd.s32 s14, s4;
	s1 =	sshrl.u32 s1, $0x3;
	s22 =	spop (v2sf);
	(v2sf) =	vpush v0, $0x9  }
0x70: {  	s19 =	rddreg [dreg:$0x16];
	s23 =	sshrl.u32 s4, $0x3;
	s1 =	sadd.s32 s5, s1  }
0x71: {  	[tilespmem:s19], [sflag:$0x1] =	stream.linear.gather [hbm4b:s1+s2], $0x400, $0x38;
	[tilespmem:$0x8100] =	vst v63  }
0x72: {  	s21 =	rddreg [dreg:$0x17];
	s3 =	sadd.s32 s5, s23;
	s1 =	sand.u32 $0x7FFFFC00, s22  }
0x73: {  	[tilespmem:s21], [sflag:$0x1] =	stream.linear.gather [hbm4b:s3+s2], $0x400, $0x38;
	[tilespmem:$0x8100] =	vst v63  }
0x74: {  	s30 =	sadd.s32 $0x24A800, s12;
	s25 =	spop (v2sf);
	s1 =	sadd.s32 s14, s1  }
0x75: {  	s24 =	rddreg [dreg:$0x18];
	(v2sf) =	vpush v0, $0xB;
	s4 =	sand.u32 $0x7FFFFC00, s25;
	s1 =	sshrl.u32 s1, $0x3  }
0x76: {  	s28 =	spop (v2sf);
	(v2sf) =	vpush v0, $0xA;
	s4 =	sadd.s32 s14, s4;
	s1 =	sadd.s32 s5, s1  }
0x77: {  	[tilespmem:s24], [sflag:$0x1] =	stream.linear.gather [hbm4b:s1+s2], $0x400, $0x38;
	[tilespmem:$0x8100] =	vst v63  }
0x78: {  	s26 =	rddreg [dreg:$0x19];
	s29 =	sshrl.u32 s4, $0x3;
	s1 =	sand.u32 $0x7FFFFC00, s28  }
0x79: {  	s6 =	spop (v2sf);
	s3 =	sadd.s32 s5, s29;
	s1 =	sadd.s32 s14, s1  }
0x7a: {  	[tilespmem:s26], [sflag:$0x1] =	stream.linear.gather [hbm4b:s3+s2], $0x400, $0x38;
	[tilespmem:$0x8100] =	vst v63  }
0x7b: {  	s31 =	rddreg [dreg:$0x1a];
	s4 =	sand.u32 $0x7FFFFC00, s6;
	s1 =	sshrl.u32 s1, $0x3  }
0x7c: {  	s9 =	spop (v2sf);
	s4 =	sadd.s32 s14, s4;
	s1 =	sadd.s32 s5, s1  }
0x7d: {  	[tilespmem:s31], [sflag:$0x1] =	stream.linear.gather [hbm4b:s1+s2], $0x400, $0x38;
	[tilespmem:$0x8100] =	vst v63  }
0x7e: {  	s10 =	sshrl.u32 s4, $0x3;
	s1 =	sand.u32 $0x7FFFFC00, s9;
	s13 =	spop (v2sf);
	(v2sf) =	vpush v0, $0xC  }
0x7f: {  	s8 =	rddreg [dreg:$0x1b];
	s3 =	sadd.s32 s5, s10;
	s1 =	sadd.s32 s30, s1  }
0x80: {  	[tilespmem:s8], [sflag:$0x1] =	stream.linear.gather [hbm4b:s3+s2], $0x400, $0x38;
	[tilespmem:$0x8100] =	vst v63  }
0x81: {  	[smem:$0x7F9] =	sst s12;
	s1 =	sshrl.u32 s1, $0x3  }
0x82: {  	s12 =	rddreg [dreg:$0x1c];
	s1 =	sadd.s32 s5, s1  }
0x83: {  	[tilespmem:s12], [sflag:$0x1] =	stream.linear.gather [hbm4b:s1+s2], $0x400, $0x38;
	[tilespmem:$0x8100] =	vst v63  }
0x84: {  	s4 =	sand.u32 $0x7FFFFC00, s13;
	s16 =	spop (v2sf);
	(v2sf) =	vpush v0, $0xD  }
0x85: {  	s15 =	sadd.s32 s30, s4;
	s17 =	spop (v2sf)  }
0x86: {  	[smem:$0x7F8] =	sst s14;
	s3 =	sshrl.u32 s15, $0x3;
	s1 =	sand.u32 $0x7FFFFC00, s17  }
0x87: {  	s14 =	rddreg [dreg:$0x1d];
	s3 =	sadd.s32 s5, s3;
	s1 =	sadd.s32 s30, s1  }
0x88: {  	[tilespmem:s14], [sflag:$0x1] =	stream.linear.gather [hbm4b:s3+s2], $0x400, $0x38;
	[tilespmem:$0x8100] =	vst v63  }
0x89: {  	s1 =	sshrl.u32 s1, $0x3  }
0x8a: {  	s18 =	rddreg [dreg:$0x1e];
	s19 =	sand.u32 $0x7FFFFC00, s16;
	s1 =	sadd.s32 s5, s1  }
0x8b: {  	[tilespmem:s18], [sflag:$0x1] =	stream.linear.gather [hbm4b:s1+s2], $0x400, $0x38;
	[tilespmem:$0x8100] =	vst v63  }
0x8c: {  	s1 =	sadd.s32 s30, s19  }
0x8d: {  	s1 =	sshrl.u32 s1, $0x3;
	s21 =	spop (v2sf);
	(v2sf) =	vpush v0, $0xF  }
0x8e: {  	s20 =	rddreg [dreg:$0x1f];
	s1 =	sadd.s32 s5, s1  }
0x8f: {  	[tilespmem:s20], [sflag:$0x1] =	stream.linear.gather [hbm4b:s1+s2], $0x400, $0x38;
	[tilespmem:$0x8100] =	vst v63  }
0x90: {  	s1 =	sand.u32 $0x7FFFFC00, s21  }
0x91: {  	s22 =	sld [smem:$0x7FA];
	s1 =	sadd.s32 s30, s1  }
0x92: {  	s1 =	sshrl.u32 s1, $0x3  }
0x93: {  	s23 =	spop (v2sf);
	s1 =	sadd.s32 s5, s1  }
0x94: {  	[tilespmem:s22], [sflag:$0x1] =	stream.linear.gather [hbm4b:s1+s2], $0x400, $0x38;
	[tilespmem:$0x8100] =	vst v63  }
0x95: {  	s1 =	sand.u32 $0x7FFFFC00, s23  }
0x96: {  	s0 =	sand.u32 $0x7FFFFC00, s0;
	s24 =	sld [smem:$0x7FB];
	s1 =	sadd.s32 s30, s1  }
0x97: {  	s0 =	sadd.s32 s30, s0;
	s1 =	sshrl.u32 s1, $0x3  }
0x98: {  	s0 =	sshrl.u32 s0, $0x3;
	s25 =	sld [smem:$0x7FC];
	s1 =	sadd.s32 s5, s1  }
0x99: {  	[tilespmem:s24], [sflag:$0x1] =	stream.linear.gather [hbm4b:s1+s2], $0x400, $0x38;
	[tilespmem:$0x8100] =	vst v63  }
0x9a: {  	s0 =	sadd.s32 s5, s0  }
0x9b: {  	[tilespmem:s25], [sflag:$0x1] =	stream.linear.gather [hbm4b:s0+s2], $0x400, $0x38;
	[tilespmem:$0x8100] =	vst v63  }
0x9c: {  	s26 =	spop (v2sf)  }
0x9d: {  	s0 =	sand.u32 $0x7FFFFC00, s26  }
0x9e: {  	s28 =	sld [smem:$0x7FD];
	s0 =	sadd.s32 s30, s0  }
0x9f: {  	s0 =	sshrl.u32 s0, $0x3  }
0xa0: {  	[smem:$0x7F7] =	sst s7;
	s10 =	simm.s32 $0x1;
	s0 =	sadd.s32 s5, s0  }
0xa1: {  	[tilespmem:s28], [sflag:$0x1] =	stream.linear.gather [hbm4b:s0+s2], $0x400, $0x38;
	[tilespmem:$0x8100] =	vst v63  }
0xa2: {  	_ =	swait.ge [sflag:s10], $0x400  }
0xa3: {  	[sflag:s10] =	ssyncset.done $0x0  }
0xa4: {  	[sflag:s10] =	ssyncadd.s32 $0xFFFFFC00  }
0xa5: {  	_ =	swait.ge [sflag:s10], $0x400  }
0xa6: {  	[sflag:s10] =	ssyncset.done $0x0  }
0xa7: {  	[sflag:s10] =	ssyncadd.s32 $0xFFFFFC00  }
0xa8: {  	_ =	swait.ge [sflag:s10], $0x400  }
0xa9: {  	[sflag:s10] =	ssyncset.done $0x0  }
0xaa: {  	[sflag:s10] =	ssyncadd.s32 $0xFFFFFC00  }
0xab: {  	_ =	swait.ge [sflag:s10], $0x400  }
0xac: {  	[sflag:s10] =	ssyncset.done $0x0  }
0xad: {  	[sflag:s10] =	ssyncadd.s32 $0xFFFFFC00  }
0xae: {  	_ =	swait.ge [sflag:s10], $0x400  }
0xaf: {  	[sflag:s10] =	ssyncset.done $0x0  }
0xb0: {  	[sflag:s10] =	ssyncadd.s32 $0xFFFFFC00  }
0xb1: {  	_ =	swait.ge [sflag:s10], $0x400  }
0xb2: {  	[sflag:s10] =	ssyncset.done $0x0  }
0xb3: {  	[sflag:s10] =	ssyncadd.s32 $0xFFFFFC00  }
0xb4: {  	_ =	swait.ge [sflag:s10], $0x400  }
0xb5: {  	[sflag:s10] =	ssyncset.done $0x0  }
0xb6: {  	[sflag:s10] =	ssyncadd.s32 $0xFFFFFC00  }
0xb7: {  	_ =	swait.ge [sflag:s10], $0x400  }
0xb8: {  	[sflag:s10] =	ssyncset.done $0x0  }
0xb9: {  	[sflag:s10] =	ssyncadd.s32 $0xFFFFFC00  }
0xba: {  	_ =	swait.ge [sflag:s10], $0x400  }
0xbb: {  	[sflag:s10] =	ssyncset.done $0x0  }
0xbc: {  	[sflag:s10] =	ssyncadd.s32 $0xFFFFFC00  }
0xbd: {  	_ =	swait.ge [sflag:s10], $0x400  }
0xbe: {  	[sflag:s10] =	ssyncset.done $0x0  }
0xbf: {  	[sflag:s10] =	ssyncadd.s32 $0xFFFFFC00  }
0xc0: {  	_ =	swait.ge [sflag:s10], $0x400  }
0xc1: {  	[sflag:s10] =	ssyncset.done $0x0  }
0xc2: {  	[sflag:s10] =	ssyncadd.s32 $0xFFFFFC00  }
0xc3: {  	_ =	swait.ge [sflag:s10], $0x400  }
0xc4: {  	[sflag:s10] =	ssyncset.done $0x0  }
0xc5: {  	[sflag:s10] =	ssyncadd.s32 $0xFFFFFC00  }
0xc6: {  	_ =	swait.ge [sflag:s10], $0x400  }
0xc7: {  	[sflag:s10] =	ssyncset.done $0x0  }
0xc8: {  	[sflag:s10] =	ssyncadd.s32 $0xFFFFFC00  }
0xc9: {  	_ =	swait.ge [sflag:s10], $0x400  }
0xca: {  	[sflag:s10] =	ssyncset.done $0x0  }
0xcb: {  	[sflag:s10] =	ssyncadd.s32 $0xFFFFFC00  }
0xcc: {  	_ =	swait.ge [sflag:s10], $0x400  }
0xcd: {  	[sflag:s10] =	ssyncset.done $0x0  }
0xce: {  	[sflag:s10] =	ssyncadd.s32 $0xFFFFFC00  }
0xcf: {  	_ =	swait.ge [sflag:s10], $0x400  }
0xd0: {  	[sflag:s10] =	ssyncset.done $0x0  }
0xd1: {  	[sflag:s10] =	ssyncadd.s32 $0xFFFFFC00  }
0xd2: {  	_ =	swait.ge [sflag:s10], $0x400  }
0xd3: {  	[sflag:s10] =	ssyncset.done $0x0  }
0xd4: {  	[sflag:s10] =	ssyncadd.s32 $0xFFFFFC00  }
0xd5: {  	_ =	swait.ge [sflag:s10], $0x400  }
0xd6: {  	[sflag:s10] =	ssyncset.done $0x0  }
0xd7: {  	[sflag:s10] =	ssyncadd.s32 $0xFFFFFC00  }
0xd8: {  	_ =	swait.ge [sflag:s10], $0x400  }
0xd9: {  	[sflag:s10] =	ssyncset.done $0x0  }
0xda: {  	[sflag:s10] =	ssyncadd.s32 $0xFFFFFC00  }
0xdb: {  	_ =	swait.ge [sflag:s10], $0x400  }
0xdc: {  	[sflag:s10] =	ssyncset.done $0x0  }
0xdd: {  	[sflag:s10] =	ssyncadd.s32 $0xFFFFFC00  }
0xde: {  	_ =	swait.ge [sflag:s10], $0x400  }
0xdf: {  	[sflag:s10] =	ssyncset.done $0x0  }
0xe0: {  	[sflag:s10] =	ssyncadd.s32 $0xFFFFFC00  }
0xe1: {  	_ =	swait.ge [sflag:s10], $0x400  }
0xe2: {  	[sflag:s10] =	ssyncset.done $0x0  }
0xe3: {  	[sflag:s10] =	ssyncadd.s32 $0xFFFFFC00  }
0xe4: {  	_ =	swait.ge [sflag:s10], $0x400  }
0xe5: {  	[sflag:s10] =	ssyncset.done $0x0  }
0xe6: {  	[sflag:s10] =	ssyncadd.s32 $0xFFFFFC00  }
0xe7: {  	_ =	swait.ge [sflag:s10], $0x400  }
0xe8: {  	[sflag:s10] =	ssyncset.done $0x0  }
0xe9: {  	[sflag:s10] =	ssyncadd.s32 $0xFFFFFC00  }
0xea: {  	_ =	swait.ge [sflag:s10], $0x400  }
0xeb: {  	[sflag:s10] =	ssyncset.done $0x0  }
0xec: {  	[sflag:s10] =	ssyncadd.s32 $0xFFFFFC00  }
0xed: {  	_ =	swait.ge [sflag:s10], $0x400  }
0xee: {  	[sflag:s10] =	ssyncset.done $0x0  }
0xef: {  	[sflag:s10] =	ssyncadd.s32 $0xFFFFFC00  }
0xf0: {  	_ =	swait.ge [sflag:s10], $0x400  }
0xf1: {  	[sflag:s10] =	ssyncset.done $0x0  }
0xf2: {  	[sflag:s10] =	ssyncadd.s32 $0xFFFFFC00  }
0xf3: {  	_ =	swait.ge [sflag:s10], $0x400  }
0xf4: {  	vm0 =	vcmask $0x300;
	v1 =	vimm.s32 $0x7F80;
	v0 =	vimm.s32 $0x3F80;
	[sflag:s10] =	ssyncset.done $0x0  }
0xf5: {  	vm1 =	vcmask $0x704;
	v1 =	vsel vm0, $0x4000, v1;
	v0 =	vsel vm0, $0x0, v0;
	[sflag:s10] =	ssyncadd.s32 $0xFFFFFC00  }
0xf6: {  	vm15 =	vcmask $0xB08;
	v1 =	vsel vm1, $0x4480, v1;
	v0 =	vsel vm1, $0x480, v0;
	_ =	swait.ge [sflag:s10], $0x400  }
0xf7: {  	vm4 =	vcmask $0xF0C;
	v1 =	vsel vm15, $0x4900, v1;
	v0 =	vsel vm15, $0x900, v0;
	[sflag:s10] =	ssyncset.done $0x0  }
0xf8: {  	vm5 =	vcmask $0x1310;
	v1 =	vsel vm4, $0x4D80, v1;
	v0 =	vsel vm4, $0xD80, v0;
	[sflag:s10] =	ssyncadd.s32 $0xFFFFFC00  }
0xf9: {  	vm6 =	vcmask $0x1714;
	v1 =	vsel vm5, $0x5200, v1;
	v0 =	vsel vm5, $0x1200, v0;
	_ =	swait.ge [sflag:s10], $0x400  }
0xfa: {  	vm7 =	vcmask $0x1B18;
	v1 =	vsel vm6, $0x5680, v1;
	s29 =	ssub.s32 $0x2, s11;
	v0 =	vsel vm6, $0x1680, v0;
	[sflag:s10] =	ssyncset.done $0x0  }
0xfb: {  	vm8 =	vcmask $0x1F1C;
	v1 =	vsel vm7, $0x5B00, v1;
	s31 =	sshrl.u32 s29, $0x1;
	v0 =	vsel vm7, $0x1B00, v0;
	[sflag:s10] =	ssyncadd.s32 $0xFFFFFC00  }
0xfc: {  	vm9 =	vcmask $0x2320;
	v1 =	vsel vm8, $0x5F80, v1;
	v0 =	vsel vm8, $0x1F80, v0;
	s0 =	ssub.s32 s29, s31;
	_ =	swait.ge [sflag:s10], $0x400  }
0xfd: {  	vm10 =	vcmask $0x2724;
	v1 =	vsel vm9, $0x6000, v1;
	v0 =	vsel vm9, $0x2000, v0;
	s0 =	smax.u32 s0, $0x1;
	[sflag:s10] =	ssyncset.done $0x0  }
0xfe: {  	vm11 =	vcmask $0x2B28;
	v1 =	vsel vm10, $0x6480, v1;
	v0 =	vsel vm10, $0x2480, v0;
	p0 =	sne.s32 s0, $0x1;
	[sflag:s10] =	ssyncadd.s32 $0xFFFFFC00  }
.Ltmp0:
0xff: {  	vm12 =	vcmask $0x2F2C;
	v1 =	vsel vm11, $0x6900, v1;
	v0 =	vsel vm11, $0x2900, v0;
	_ =	swait.ge [sflag:s10], $0x400;
	(pc) =	sbr.rel @!p0 .LBB2_2-.Ltmp0, $4  }
0x100: {  	vm13 =	vcmask $0x3330;
	v1 =	vsel vm12, $0x6D80, v1;
	v0 =	vsel vm12, $0x2D80, v0;
	[sflag:s10] =	ssyncset.done $0x0  }
0x101: {  	vm14 =	vcmask $0x3734;
	v1 =	vsel vm13, $0x7200, v1;
	v0 =	vsel vm13, $0x3200, v0;
	[sflag:s10] =	ssyncadd.s32 $0xFFFFFC00  }
0x102: {  	v3 =	vsel vm14, $0x7680, v1;
	vm15 =	vcmask $0x3B38;
	v0 =	vsel vm14, $0x3680, v0;
	v2 =	vld [tilespmem:$0x0]  }
0x103: {  	v1 =	vsel vm15, $0x3B00, v0;
	v0 =	vsel vm15, $0x7B00, v3;
	s11 =	sadd.s32 $0xFFFFFFFF, s0;
	v3 =	vld [tilespmem:$0x10]  }
.LBB2_1:
0x104: {  	_ =	sdelay $0x2  }
0x105: {  	v2 =	vand.u32 $0x7F, v2  }
0x106: {  	v2 =	vor.u32 v1, v2;
	_ =	sdelay $0x3  }
0x107: {  	s29 =	simm.s32 $0x80  }
0x108: {  	v3 =	vand.u32 $0x7F, v3;
	v2 =	vld.idx.msk [tilespmem:v2+s29+$0x0], $0xffff  }
0x109: {  	v3 =	vor.u32 v0, v3;
	_ =	sdelay $0x3  }
0x10a: {  	[tilespmem:$0x8080] =	vst v2  }
0x10b: {  	v2 =	vld.idx.msk [tilespmem:v3+s29+$0x0], $0xffff;
	_ =	sdelay $0x2  }
0x10c: {  	s0 =	sld [smem:$0x7F6];
	_ =	sdelay $0x1  }
0x10d: {  	s1 =	rddreg [dreg:$0x4];
	s3 =	simm.s32 $0x2;
	[tilespmem:$0x8090] =	vst v2  }
0x10e: {  	[hbm4b:s1+s2] =	stream.linear.scatter [tilespmem:s0], [sflag:$0x2], $0x20, $0x38;
	[tilespmem:$0x8100] =	vst v63  }
0x10f: {  	_ =	swait.ge [sflag:s3], $0x20  }
0x110: {  	[sflag:s3] =	ssyncset.done $0x0  }
0x111: {  	s4 =	rddreg [dreg:$0x3];
	[sflag:s3] =	ssyncadd.s32 $0xFFFFFFE0  }
0x112: {  	[tilespmem:s2], [sflag:$0x2] =	stream.linear.gather [hbm4b:s4+s2], $0x20, $0x38;
	[tilespmem:$0x8100] =	vst v63  }
0x113: {  	_ =	swait.ge [sflag:s3], $0x20  }
0x114: {  	s6 =	sld [smem:$0x7FA]  }
0x115: {  	s7 =	rddreg [dreg:$0x1f]  }
0x116: {  	s8 =	rddreg [dreg:$0x1e]  }
0x117: {  	s9 =	rddreg [dreg:$0x1d]  }
0x118: {  	s12 =	rddreg [dreg:$0x1c]  }
0x119: {  	s13 =	rddreg [dreg:$0x1b]  }
0x11a: {  	s14 =	rddreg [dreg:$0x1a]  }
0x11b: {  	s15 =	rddreg [dreg:$0x19]  }
0x11c: {  	s16 =	rddreg [dreg:$0x18]  }
0x11d: {  	s17 =	rddreg [dreg:$0x17]  }
0x11e: {  	s18 =	rddreg [dreg:$0x16]  }
0x11f: {  	s19 =	rddreg [dreg:$0x15]  }
0x120: {  	s20 =	rddreg [dreg:$0x14]  }
0x121: {  	s21 =	rddreg [dreg:$0x13]  }
0x122: {  	s22 =	rddreg [dreg:$0x12]  }
0x123: {  	s23 =	rddreg [dreg:$0x11]  }
0x124: {  	s24 =	rddreg [dreg:$0x10]  }
0x125: {  	s25 =	rddreg [dreg:$0xf]  }
0x126: {  	[sflag:s3] =	ssyncset.done $0x0;
	s31 =	rddreg [dreg:$0xe]  }
0x127: {  	s0 =	rddreg [dreg:$0xd];
	[sflag:s3] =	ssyncadd.s32 $0xFFFFFFE0  }
0x128: {  	s1 =	rddreg [dreg:$0xc];
	v2 =	vld [tilespmem:$0x0]  }
0x129: {  	s28 =	sld [smem:$0x7F9]  }
0x12a: {  	[smem:$0x7F4] =	sst s7  }
0x12b: {  	[smem:$0x7F3] =	sst s8  }
0x12c: {  	[smem:$0x7F2] =	sst s9  }
0x12d: {  	[smem:$0x7F1] =	sst s12;
	v3 =	vshll.u32 v2, $0x3  }
0x12e: {  	[smem:$0x7F0] =	sst s13;
	(v2sf) =	vpush v3, $0x2  }
0x12f: {  	[smem:$0x7EF] =	sst s14;
	(v2sf) =	vpush v3, $0x1  }
0x130: {  	[smem:$0x7EE] =	sst s15;
	(v2sf) =	vpush v3, $0x0  }
0x131: {  	[smem:$0x7ED] =	sst s16  }
0x132: {  	[smem:$0x7EC] =	sst s17;
	(v2sf) =	vpush v3, $0x6  }
0x133: {  	[smem:$0x7EB] =	sst s18;
	(v2sf) =	vpush v3, $0x3  }
0x134: {  	[smem:$0x7EA] =	sst s19;
	(v2sf) =	vpush v3, $0xA  }
0x135: {  	[smem:$0x7E9] =	sst s20;
	(v2sf) =	vpush v3, $0x4  }
0x136: {  	[smem:$0x7E8] =	sst s21  }
0x137: {  	[smem:$0x7E7] =	sst s22;
	(v2sf) =	vpush v3, $0xB  }
0x138: {  	[smem:$0x7E6] =	sst s23  }
0x139: {  	[smem:$0x7E5] =	sst s24;
	(v2sf) =	vpush v3, $0x5  }
0x13a: {  	[smem:$0x7E4] =	sst s25  }
0x13b: {  	s3 =	rddreg [dreg:$0x8]  }
0x13c: {  	s20 =	rddreg [dreg:$0x6];
	(v2sf) =	vpush v3, $0xC  }
0x13d: {  	[smem:$0x7F5] =	sst s6;
	(v2sf) =	vpush v3, $0x7;
	s4 =	spop (v2sf)  }
0x13e: {  	s6 =	rddreg [dreg:$0x7];
	s12 =	sand.u32 $0x7FFFFC00, s4;
	s13 =	spop (v2sf)  }
0x13f: {  	s4 =	rddreg [dreg:$0xb];
	s13 =	sand.u32 $0x7FFFFC00, s13;
	s14 =	spop (v2sf)  }
0x140: {  	s12 =	sadd.s32 s28, s12;
	s15 =	sand.u32 $0x7FFFFC00, s14;
	s14 =	rddreg [dreg:$0x5]  }
0x141: {  	(v2sf) =	vpush v3, $0x8;
	s17 =	spop (v2sf);
	s12 =	sshrl.u32 s12, $0x3;
	s22 =	sadd.s32 s28, s13  }
0x142: {  	s15 =	sadd.s32 s28, s15;
	s16 =	spop (v2sf);
	s18 =	sadd.s32 s5, s12  }
0x143: {  	(v2sf) =	vpush v3, $0xD;
	s17 =	sand.u32 $0x7FFFFC00, s17;
	s21 =	sshrl.u32 s15, $0x3;
	s26 =	spop (v2sf)  }
0x144: {  	s7 =	sand.u32 $0x7FFFFC00, s16;
	s17 =	sadd.s32 s28, s17;
	s8 =	spop (v2sf)  }
0x145: {  	(v2sf) =	vpush v3, $0xE;
	s13 =	sand.u32 $0x7FFFFC00, s26;
	s12 =	sadd.s32 s28, s7;
	s7 =	sadd.s32 s5, s21  }
0x146: {  	v2 =	vld [tilespmem:$0x10];
	(v2sf) =	vpush v3, $0x9;
	s17 =	sshrl.u32 s17, $0x3;
	s21 =	rddreg [dreg:$0xa];
	s19 =	spop (v2sf)  }
0x147: {  	[tilespmem:s29], [sflag:$0x1] =	stream.linear.gather [hbm4b:s7+s2], $0x400, $0x38;
	[tilespmem:$0x8100] =	vst v63  }
0x148: {  	s15 =	sand.u32 $0x7FFFFC00, s8;
	s12 =	sshrl.u32 s12, $0x3;
	s9 =	spop (v2sf)  }
0x149: {  	s15 =	sadd.s32 s28, s15;
	s16 =	sadd.s32 s5, s12;
	s19 =	sand.u32 $0x7FFFFC00, s19  }
0x14a: {  	s23 =	sand.u32 $0x7FFFFC00, s9;
	s15 =	sshrl.u32 s15, $0x3;
	s9 =	sld [smem:$0x7F7]  }
0x14b: {  	v2 =	vshll.u32 v2, $0x3;
	(v2sf) =	vpush v3, $0xF;
	s24 =	spop (v2sf);
	s23 =	sadd.s32 s28, s23;
	s15 =	sadd.s32 s5, s15  }
0x14c: {  	(v2sf) =	vpush v2, $0x1;
	s24 =	sand.u32 $0x7FFFFC00, s24;
	s26 =	spop (v2sf);
	s23 =	sshrl.u32 s23, $0x3  }
0x14d: {  	s13 =	sadd.s32 s9, s13;
	s25 =	sadd.s32 s9, s19;
	s19 =	sadd.s32 s5, s23  }
0x14e: {  	(v2sf) =	vpush v2, $0x2;
	s24 =	sadd.s32 s9, s24;
	s23 =	sand.u32 $0x7FFFFC00, s26;
	s26 =	sshrl.u32 s22, $0x3  }
0x14f: {  	(v2sf) =	vpush v2, $0x0;
	s22 =	sadd.s32 s5, s17;
	s12 =	sshrl.u32 s13, $0x3;
	s28 =	sadd.s32 s28, s23  }
0x150: {  	s13 =	sshrl.u32 s25, $0x3;
	s28 =	sshrl.u32 s28, $0x3;
	s25 =	spop (v2sf)  }
0x151: {  	s13 =	sadd.s32 s5, s13;
	s28 =	sadd.s32 s5, s28;
	s23 =	sand.u32 $0x7FFFFC00, s25  }
0x152: {  	s8 =	spop (v2sf);
	s25 =	sadd.s32 s5, s26;
	s17 =	sadd.s32 s9, s23  }
0x153: {  	[tilespmem:s14], [sflag:$0x1] =	stream.linear.gather [hbm4b:s25+s2], $0x400, $0x38;
	[tilespmem:$0x8100] =	vst v63  }
0x154: {  	s8 =	sand.u32 $0x7FFFFC00, s8;
	s26 =	spop (v2sf);
	s7 =	sshrl.u32 s17, $0x3  }
0x155: {  	s17 =	sshrl.u32 s24, $0x3;
	s8 =	sadd.s32 s9, s8;
	s23 =	spop (v2sf)  }
0x156: {  	(v2sf) =	vpush v2, $0xE;
	[tilespmem:s20], [sflag:$0x1] =	stream.linear.gather [hbm4b:s18+s2], $0x400, $0x38;
	[tilespmem:$0x8100] =	vst v63  }
0x157: {  	s26 =	sand.u32 $0x7FFFFC00, s26;
	s8 =	sshrl.u32 s8, $0x3;
	s23 =	sand.u32 $0x7FFFFC00, s23  }
0x158: {  	(v2sf) =	vpush v2, $0x3;
	s7 =	sadd.s32 s5, s7;
	s17 =	sadd.s32 s5, s17;
	s14 =	sadd.s32 s9, s23  }
0x159: {  	(v2sf) =	vpush v2, $0x4;
	[tilespmem:s6], [sflag:$0x1] =	stream.linear.gather [hbm4b:s16+s2], $0x400, $0x38;
	[tilespmem:$0x8100] =	vst v63  }
0x15a: {  	s23 =	sadd.s32 s9, s26;
	s26 =	rddreg [dreg:$0x9];
	s29 =	spop (v2sf)  }
0x15b: {  	s24 =	sand.u32 $0x7FFFFC00, s29;
	s25 =	spop (v2sf);
	s29 =	sshrl.u32 s14, $0x3  }
0x15c: {  	[tilespmem:s3], [sflag:$0x1] =	stream.linear.gather [hbm4b:s15+s2], $0x400, $0x38;
	[tilespmem:$0x8100] =	vst v63  }
0x15d: {  	s15 =	sshrl.u32 s23, $0x3;
	s14 =	spop (v2sf);
	s24 =	sadd.s32 s9, s24  }
0x15e: {  	s20 =	sand.u32 $0x7FFFFC00, s25;
	s9 =	sld [smem:$0x7F8];
	s25 =	spop (v2sf)  }
0x15f: {  	(v2sf) =	vpush v2, $0x5;
	[tilespmem:s26], [sflag:$0x1] =	stream.linear.gather [hbm4b:s19+s2], $0x400, $0x38;
	[tilespmem:$0x8100] =	vst v63  }
0x160: {  	s18 =	sshrl.u32 s24, $0x3;
	s14 =	sand.u32 $0x7FFFFC00, s14;
	s26 =	sadd.s32 s5, s12  }
0x161: {  	s19 =	sld [smem:$0x7E4];
	s24 =	sand.u32 $0x7FFFFC00, s25;
	s25 =	sadd.s32 s9, s20  }
0x162: {  	(v2sf) =	vpush v2, $0x6;
	[tilespmem:s21], [sflag:$0x1] =	stream.linear.gather [hbm4b:s22+s2], $0x400, $0x38;
	[tilespmem:$0x8100] =	vst v63  }
0x163: {  	s14 =	sadd.s32 s9, s14;
	s24 =	sadd.s32 s9, s24;
	s21 =	sadd.s32 s5, s8  }
0x164: {  	[tilespmem:s4], [sflag:$0x1] =	stream.linear.gather [hbm4b:s28+s2], $0x400, $0x38;
	[tilespmem:$0x8100] =	vst v63  }
0x165: {  	s20 =	sshrl.u32 s24, $0x3;
	s16 =	sshrl.u32 s25, $0x3;
	s6 =	spop (v2sf)  }
0x166: {  	[tilespmem:s1], [sflag:$0x1] =	stream.linear.gather [hbm4b:s7+s2], $0x400, $0x38;
	[tilespmem:$0x8100] =	vst v63  }
0x167: {  	s14 =	sshrl.u32 s14, $0x3;
	s16 =	sadd.s32 s5, s16;
	s25 =	spop (v2sf)  }
0x168: {  	s6 =	sand.u32 $0x7FFFFC00, s6;
	s24 =	sand.u32 $0x7FFFFC00, s25;
	s25 =	spop (v2sf)  }
0x169: {  	s3 =	sadd.s32 s9, s24;
	s24 =	sadd.s32 s5, s29;
	s23 =	sand.u32 $0x7FFFFC00, s25  }
0x16a: {  	(v2sf) =	vpush v2, $0x7;
	[tilespmem:s0], [sflag:$0x1] =	stream.linear.gather [hbm4b:s24+s2], $0x400, $0x38;
	[tilespmem:$0x8100] =	vst v63  }
0x16b: {  	(v2sf) =	vpush v2, $0x8;
	s24 =	sadd.s32 s5, s15;
	s15 =	sld [smem:$0x7E8];
	s23 =	sadd.s32 s9, s23  }
0x16c: {  	[tilespmem:s31], [sflag:$0x1] =	stream.linear.gather [hbm4b:s26+s2], $0x400, $0x38;
	[tilespmem:$0x8100] =	vst v63  }
0x16d: {  	s6 =	sadd.s32 s30, s6;
	s4 =	sshrl.u32 s23, $0x3;
	s23 =	sld [smem:$0x7E5]  }
0x16e: {  	s3 =	sshrl.u32 s3, $0x3;
	s26 =	sld [smem:$0x7E6];
	s25 =	spop (v2sf)  }
0x16f: {  	(v2sf) =	vpush v2, $0x9;
	[tilespmem:s19], [sflag:$0x1] =	stream.linear.gather [hbm4b:s13+s2], $0x400, $0x38;
	[tilespmem:$0x8100] =	vst v63  }
0x170: {  	s31 =	sadd.s32 s5, s20;
	s28 =	sand.u32 $0x7FFFFC00, s25;
	s19 =	sadd.s32 s5, s14  }
0x171: {  	s14 =	sld [smem:$0x7F2];
	s29 =	spop (v2sf);
	s7 =	sadd.s32 s9, s28  }
0x172: {  	[tilespmem:s23], [sflag:$0x1] =	stream.linear.gather [hbm4b:s17+s2], $0x400, $0x38;
	[tilespmem:$0x8100] =	vst v63  }
0x173: {  	(v2sf) =	vpush v2, $0xB;
	s28 =	sadd.s32 s5, s18;
	s12 =	sand.u32 $0x7FFFFC00, s29;
	s29 =	sld [smem:$0x7E7]  }
0x174: {  	(v2sf) =	vpush v2, $0xA;
	[tilespmem:s26], [sflag:$0x1] =	stream.linear.gather [hbm4b:s21+s2], $0x400, $0x38;
	[tilespmem:$0x8100] =	vst v63  }
0x175: {  	s18 =	sld [smem:$0x7E9];
	s7 =	sshrl.u32 s7, $0x3;
	s12 =	sadd.s32 s9, s12;
	(v2sf) =	vpush v2, $0xC  }
0x176: {  	[tilespmem:s29], [sflag:$0x1] =	stream.linear.gather [hbm4b:s24+s2], $0x400, $0x38;
	[tilespmem:$0x8100] =	vst v63  }
0x177: {  	s23 =	sadd.s32 s5, s3;
	s7 =	sadd.s32 s5, s7;
	s8 =	sshrl.u32 s12, $0x3  }
0x178: {  	[tilespmem:s15], [sflag:$0x1] =	stream.linear.gather [hbm4b:s28+s2], $0x400, $0x38;
	[tilespmem:$0x8100] =	vst v63  }
0x179: {  	s26 =	sld [smem:$0x7EB];
	s22 =	spop (v2sf);
	s28 =	sadd.s32 s5, s4  }
0x17a: {  	s12 =	sand.u32 $0x7FFFFC00, s22;
	s22 =	sld [smem:$0x7EA];
	s25 =	spop (v2sf)  }
0x17b: {  	[tilespmem:s18], [sflag:$0x1] =	stream.linear.gather [hbm4b:s31+s2], $0x400, $0x38;
	[tilespmem:$0x8100] =	vst v63  }
0x17c: {  	s12 =	sadd.s32 s9, s12;
	s31 =	sld [smem:$0x7EC];
	s13 =	sand.u32 $0x7FFFFC00, s25  }
0x17d: {  	[tilespmem:s22], [sflag:$0x1] =	stream.linear.gather [hbm4b:s16+s2], $0x400, $0x38;
	[tilespmem:$0x8100] =	vst v63  }
0x17e: {  	s12 =	sshrl.u32 s12, $0x3;
	s13 =	sadd.s32 s30, s13;
	s17 =	spop (v2sf)  }
0x17f: {  	[tilespmem:s26], [sflag:$0x1] =	stream.linear.gather [hbm4b:s19+s2], $0x400, $0x38;
	[tilespmem:$0x8100] =	vst v63  }
0x180: {  	s16 =	sld [smem:$0x7ED];
	s18 =	sadd.s32 s5, s12;
	s20 =	sand.u32 $0x7FFFFC00, s17  }
0x181: {  	(v2sf) =	vpush v2, $0xD;
	[tilespmem:s31], [sflag:$0x1] =	stream.linear.gather [hbm4b:s23+s2], $0x400, $0x38;
	[tilespmem:$0x8100] =	vst v63  }
0x182: {  	s21 =	spop (v2sf);
	s24 =	sadd.s32 s30, s20;
	s20 =	sld [smem:$0x7EE]  }
0x183: {  	s19 =	sshrl.u32 s13, $0x3;
	s23 =	sld [smem:$0x7EF];
	s25 =	spop (v2sf)  }
0x184: {  	s17 =	sadd.s32 s5, s8;
	s31 =	sld [smem:$0x7F1];
	s29 =	spop (v2sf)  }
0x185: {  	(v2sf) =	vpush v2, $0xF;
	[tilespmem:s16], [sflag:$0x1] =	stream.linear.gather [hbm4b:s28+s2], $0x400, $0x38;
	[tilespmem:$0x8100] =	vst v63  }
0x186: {  	s15 =	sand.u32 $0x7FFFFC00, s21;
	s21 =	sadd.s32 s5, s19;
	s19 =	sld [smem:$0x7FB]  }
0x187: {  	[tilespmem:s20], [sflag:$0x1] =	stream.linear.gather [hbm4b:s7+s2], $0x400, $0x38;
	[tilespmem:$0x8100] =	vst v63  }
0x188: {  	s3 =	sshrl.u32 s24, $0x3;
	s4 =	sand.u32 $0x7FFFFC00, s25;
	s28 =	sld [smem:$0x7F0]  }
0x189: {  	[tilespmem:s23], [sflag:$0x1] =	stream.linear.gather [hbm4b:s17+s2], $0x400, $0x38;
	[tilespmem:$0x8100] =	vst v63  }
0x18a: {  	s24 =	sadd.s32 s5, s3;
	s22 =	sand.u32 $0x7FFFFC00, s29;
	s4 =	sadd.s32 s30, s4  }
0x18b: {  	[tilespmem:s28], [sflag:$0x1] =	stream.linear.gather [hbm4b:s18+s2], $0x400, $0x38;
	[tilespmem:$0x8100] =	vst v63  }
0x18c: {  	s7 =	sadd.s32 s30, s15;
	s26 =	sadd.s32 s30, s22;
	s12 =	sshrl.u32 s4, $0x3  }
0x18d: {  	[tilespmem:s31], [sflag:$0x1] =	stream.linear.gather [hbm4b:s21+s2], $0x400, $0x38;
	[tilespmem:$0x8100] =	vst v63  }
0x18e: {  	s25 =	sshrl.u32 s7, $0x3;
	s7 =	sshrl.u32 s26, $0x3;
	s18 =	sld [smem:$0x7F3]  }
0x18f: {  	[tilespmem:s14], [sflag:$0x1] =	stream.linear.gather [hbm4b:s24+s2], $0x400, $0x38;
	[tilespmem:$0x8100] =	vst v63  }
0x190: {  	s0 =	sadd.s32 s5, s12;
	s21 =	sld [smem:$0x7F4];
	s29 =	spop (v2sf)  }
0x191: {  	[tilespmem:s18], [sflag:$0x1] =	stream.linear.gather [hbm4b:s0+s2], $0x400, $0x38;
	[tilespmem:$0x8100] =	vst v63  }
0x192: {  	s15 =	sadd.s32 s5, s25;
	s24 =	sld [smem:$0x7F5];
	s13 =	sand.u32 $0x7FFFFC00, s29  }
0x193: {  	[tilespmem:s21], [sflag:$0x1] =	stream.linear.gather [hbm4b:s15+s2], $0x400, $0x38;
	[tilespmem:$0x8100] =	vst v63  }
0x194: {  	s17 =	sshrl.u32 s6, $0x3;
	s4 =	sadd.s32 s30, s13;
	s20 =	spop (v2sf)  }
0x195: {  	s22 =	sadd.s32 s5, s7;
	s16 =	sshrl.u32 s4, $0x3;
	s6 =	sand.u32 $0x7FFFFC00, s20  }
0x196: {  	[tilespmem:s24], [sflag:$0x1] =	stream.linear.gather [hbm4b:s22+s2], $0x400, $0x38;
	[tilespmem:$0x8100] =	vst v63  }
0x197: {  	s26 =	sld [smem:$0x7FC];
	s25 =	sadd.s32 s5, s16;
	s6 =	sadd.s32 s30, s6  }
0x198: {  	[tilespmem:s19], [sflag:$0x1] =	stream.linear.gather [hbm4b:s25+s2], $0x400, $0x38;
	[tilespmem:$0x8100] =	vst v63  }
0x199: {  	s23 =	sld [smem:$0x7FD];
	s28 =	sadd.s32 s5, s17;
	s29 =	sshrl.u32 s6, $0x3  }
0x19a: {  	[tilespmem:s26], [sflag:$0x1] =	stream.linear.gather [hbm4b:s28+s2], $0x400, $0x38;
	[tilespmem:$0x8100] =	vst v63  }
0x19b: {  	s31 =	sadd.s32 s5, s29  }
0x19c: {  	[tilespmem:s23], [sflag:$0x1] =	stream.linear.gather [hbm4b:s31+s2], $0x400, $0x38;
	[tilespmem:$0x8100] =	vst v63  }
0x19d: {  	_ =	swait.ge [sflag:s10], $0x400  }
0x19e: {  	[sflag:s10] =	ssyncset.done $0x0  }
0x19f: {  	[sflag:s10] =	ssyncadd.s32 $0xFFFFFC00  }
0x1a0: {  	_ =	swait.ge [sflag:s10], $0x400  }
0x1a1: {  	[sflag:s10] =	ssyncset.done $0x0  }
0x1a2: {  	[sflag:s10] =	ssyncadd.s32 $0xFFFFFC00  }
0x1a3: {  	_ =	swait.ge [sflag:s10], $0x400  }
0x1a4: {  	[sflag:s10] =	ssyncset.done $0x0  }
0x1a5: {  	[sflag:s10] =	ssyncadd.s32 $0xFFFFFC00  }
0x1a6: {  	_ =	swait.ge [sflag:s10], $0x400  }
0x1a7: {  	[sflag:s10] =	ssyncset.done $0x0  }
0x1a8: {  	[sflag:s10] =	ssyncadd.s32 $0xFFFFFC00  }
0x1a9: {  	_ =	swait.ge [sflag:s10], $0x400  }
0x1aa: {  	[sflag:s10] =	ssyncset.done $0x0  }
0x1ab: {  	[sflag:s10] =	ssyncadd.s32 $0xFFFFFC00  }
0x1ac: {  	_ =	swait.ge [sflag:s10], $0x400  }
0x1ad: {  	[sflag:s10] =	ssyncset.done $0x0  }
0x1ae: {  	[sflag:s10] =	ssyncadd.s32 $0xFFFFFC00  }
0x1af: {  	_ =	swait.ge [sflag:s10], $0x400  }
0x1b0: {  	[sflag:s10] =	ssyncset.done $0x0  }
0x1b1: {  	[sflag:s10] =	ssyncadd.s32 $0xFFFFFC00  }
0x1b2: {  	_ =	swait.ge [sflag:s10], $0x400  }
0x1b3: {  	[sflag:s10] =	ssyncset.done $0x0  }
0x1b4: {  	[sflag:s10] =	ssyncadd.s32 $0xFFFFFC00  }
0x1b5: {  	_ =	swait.ge [sflag:s10], $0x400  }
0x1b6: {  	[sflag:s10] =	ssyncset.done $0x0  }
0x1b7: {  	[sflag:s10] =	ssyncadd.s32 $0xFFFFFC00  }
0x1b8: {  	_ =	swait.ge [sflag:s10], $0x400  }
0x1b9: {  	[sflag:s10] =	ssyncset.done $0x0  }
0x1ba: {  	[sflag:s10] =	ssyncadd.s32 $0xFFFFFC00  }
0x1bb: {  	_ =	swait.ge [sflag:s10], $0x400  }
0x1bc: {  	[sflag:s10] =	ssyncset.done $0x0  }
0x1bd: {  	[sflag:s10] =	ssyncadd.s32 $0xFFFFFC00  }
0x1be: {  	_ =	swait.ge [sflag:s10], $0x400  }
0x1bf: {  	[sflag:s10] =	ssyncset.done $0x0  }
0x1c0: {  	[sflag:s10] =	ssyncadd.s32 $0xFFFFFC00  }
0x1c1: {  	_ =	swait.ge [sflag:s10], $0x400  }
0x1c2: {  	[sflag:s10] =	ssyncset.done $0x0  }
0x1c3: {  	[sflag:s10] =	ssyncadd.s32 $0xFFFFFC00  }
0x1c4: {  	_ =	swait.ge [sflag:s10], $0x400  }
0x1c5: {  	[sflag:s10] =	ssyncset.done $0x0  }
0x1c6: {  	[sflag:s10] =	ssyncadd.s32 $0xFFFFFC00  }
0x1c7: {  	_ =	swait.ge [sflag:s10], $0x400  }
0x1c8: {  	[sflag:s10] =	ssyncset.done $0x0  }
0x1c9: {  	[sflag:s10] =	ssyncadd.s32 $0xFFFFFC00  }
0x1ca: {  	_ =	swait.ge [sflag:s10], $0x400  }
0x1cb: {  	[sflag:s10] =	ssyncset.done $0x0  }
0x1cc: {  	[sflag:s10] =	ssyncadd.s32 $0xFFFFFC00  }
0x1cd: {  	_ =	swait.ge [sflag:s10], $0x400  }
0x1ce: {  	[sflag:s10] =	ssyncset.done $0x0  }
0x1cf: {  	[sflag:s10] =	ssyncadd.s32 $0xFFFFFC00  }
0x1d0: {  	_ =	swait.ge [sflag:s10], $0x400  }
0x1d1: {  	[sflag:s10] =	ssyncset.done $0x0  }
0x1d2: {  	[sflag:s10] =	ssyncadd.s32 $0xFFFFFC00  }
0x1d3: {  	_ =	swait.ge [sflag:s10], $0x400  }
0x1d4: {  	[sflag:s10] =	ssyncset.done $0x0  }
0x1d5: {  	[sflag:s10] =	ssyncadd.s32 $0xFFFFFC00  }
0x1d6: {  	_ =	swait.ge [sflag:s10], $0x400  }
0x1d7: {  	[sflag:s10] =	ssyncset.done $0x0  }
0x1d8: {  	[sflag:s10] =	ssyncadd.s32 $0xFFFFFC00  }
0x1d9: {  	_ =	swait.ge [sflag:s10], $0x400  }
0x1da: {  	[sflag:s10] =	ssyncset.done $0x0  }
0x1db: {  	[sflag:s10] =	ssyncadd.s32 $0xFFFFFC00  }
0x1dc: {  	_ =	swait.ge [sflag:s10], $0x400  }
0x1dd: {  	[sflag:s10] =	ssyncset.done $0x0  }
0x1de: {  	[sflag:s10] =	ssyncadd.s32 $0xFFFFFC00  }
0x1df: {  	_ =	swait.ge [sflag:s10], $0x400  }
0x1e0: {  	[sflag:s10] =	ssyncset.done $0x0  }
0x1e1: {  	[sflag:s10] =	ssyncadd.s32 $0xFFFFFC00  }
0x1e2: {  	_ =	swait.ge [sflag:s10], $0x400  }
0x1e3: {  	[sflag:s10] =	ssyncset.done $0x0  }
0x1e4: {  	[sflag:s10] =	ssyncadd.s32 $0xFFFFFC00  }
0x1e5: {  	_ =	swait.ge [sflag:s10], $0x400  }
0x1e6: {  	[sflag:s10] =	ssyncset.done $0x0  }
0x1e7: {  	[sflag:s10] =	ssyncadd.s32 $0xFFFFFC00  }
0x1e8: {  	_ =	swait.ge [sflag:s10], $0x400  }
0x1e9: {  	[sflag:s10] =	ssyncset.done $0x0  }
0x1ea: {  	[sflag:s10] =	ssyncadd.s32 $0xFFFFFC00  }
0x1eb: {  	_ =	swait.ge [sflag:s10], $0x400  }
0x1ec: {  	[sflag:s10] =	ssyncset.done $0x0  }
0x1ed: {  	[sflag:s10] =	ssyncadd.s32 $0xFFFFFC00  }
0x1ee: {  	_ =	swait.ge [sflag:s10], $0x400  }
0x1ef: {  	[sflag:s10] =	ssyncset.done $0x0  }
0x1f0: {  	[sflag:s10] =	ssyncadd.s32 $0xFFFFFC00  }
0x1f1: {  	_ =	swait.ge [sflag:s10], $0x400  }
0x1f2: {  	[sflag:s10] =	ssyncset.done $0x0  }
0x1f3: {  	[sflag:s10] =	ssyncadd.s32 $0xFFFFFC00  }
0x1f4: {  	_ =	swait.ge [sflag:s10], $0x400  }
0x1f5: {  	[sflag:s10] =	ssyncset.done $0x0  }
0x1f6: {  	[sflag:s10] =	ssyncadd.s32 $0xFFFFFC00  }
0x1f7: {  	_ =	swait.ge [sflag:s10], $0x400  }
0x1f8: {  	[sflag:s10] =	ssyncset.done $0x0  }
0x1f9: {  	p0 =	sne.s32 s11, $0x1;
	[sflag:s10] =	ssyncadd.s32 $0xFFFFFC00  }
.Ltmp1:
0x1fa: {  	_ =	swait.ge [sflag:s10], $0x400;
	(pc) =	sbr.rel @p0 .LBB2_1-.Ltmp1, $4  }
0x1fb: {  	[sflag:s10] =	ssyncset.done $0x0  }
0x1fc: {  	[sflag:s10] =	ssyncadd.s32 $0xFFFFFC00  }
0x1fd: {  	v2 =	vld [tilespmem:$0x0]  }
0x1fe: {  	s11 =	sadd.s32 $0xFFFFFFFF, s11;
	v3 =	vld [tilespmem:$0x10]  }
.LBB2_2:
0x1ff: {  	_ =	sdelay $0x2  }
0x200: {  	v2 =	vand.u32 $0x7F, v2  }
0x201: {  	v1 =	vor.u32 v1, v2;
	_ =	sdelay $0x3  }
0x202: {  	s0 =	simm.s32 $0x80  }
0x203: {  	v63 =	vand.u32 $0x7F, v3;
	v1 =	vld.idx.msk [tilespmem:v1+s0+$0x0], $0xffff  }
0x204: {  	v0 =	vor.u32 v0, v63;
	_ =	sdelay $0x3  }
0x205: {  	[tilespmem:$0x8080] =	vst v1  }
0x206: {  	v0 =	vld.idx.msk [tilespmem:v0+s0+$0x0], $0xffff;
	_ =	sdelay $0x2  }
0x207: {  	s29 =	sld [smem:$0x7F6];
	_ =	sdelay $0x1  }
0x208: {  	s1 =	rddreg [dreg:$0x4];
	s30 =	simm.s32 $0x2;
	[tilespmem:$0x8090] =	vst v0  }
0x209: {  	[hbm4b:s1+s2] =	stream.linear.scatter [tilespmem:s29], [sflag:$0x2], $0x20, $0x38;
	[tilespmem:$0x8100] =	vst v63  }
0x20a: {  	_ =	swait.ge [sflag:s30], $0x20  }
0x20b: {  	[sflag:s30] =	ssyncset.done $0x0  }
0x20c: {  	[sflag:s30] =	ssyncadd.s32 $0xFFFFFFE0  }
0x20d: {  	_ =	sfence.sel $0x180000  }
0x20e: {  	[bflag:$0x0] =	sbarrier.arrive $0xFFFF  }
0x20f: {  	_ =	strace $0x90000047  }
0x210: {  	s31 =	stileid.u32;
	[bflag:$0x2] =	sbarrier.arrive $0xFFFF  }
0x211: {  	p0 =	sne.s32 s31, $0x0;
	s0 =	rddreg [dreg:$0x2]  }
0x212: {  	s0 =	sadd.s32 @!p0 $0x100000, s0  }
0x213: {  	[sflag:s0] =	ssyncadd.tile.s32 @!p0 $0x1;
	_ =	shalt  }
.Lfunc_end2:
_tile_overlayer_lowered:
.L_overlay_start_2:
0x214: {  	(tag) =	ssettag $0x2  }
0x215: {  	s0 =	rddreg [dreg:$0x0];
	s2 =	stileid.u32  }
0x216: {  	s1 =	rddreg [dreg:$0x1];
	p0 =	sne.s32 s2, $0x0  }
0x217: {  	s3 =	rddreg [dreg:$0x2];
	[bflag:$0x3] =	sbarrier.arrive $0xFFFF;
	s2 =	simm.s32 @!p0 $0x1C02  }
0x218: {  	[timem:s3], [sflag:s2] =	dma.local @!p0 [hbm:s0], s1  }
0x219: {  	s0 =	simm.s32 @!p0 $0x2  }
0x21a: {  	_ =	swait.ge @!p0 [sflag:s0], s1  }
0x21b: {  	s1 =	ssub.s32 @!p0 $0x0, s1;
	[sflag:s0] =	ssyncset.done @!p0 $0x0  }
0x21c: {  	[sflag:s0] =	ssyncadd.s32 @!p0 s1  }
0x21d: {  	[bflag:$0x3] =	sbarrier.arrive $0xFFFF  }
0x21e: {  	_ =	shalt  }

</sc_bundles>
